<compile_context>
chip_gen: v7x
topology: tpu7x:2x2x1
jax: 0.10.2.dev20260603
libtpu: 0.0.44.dev20260713+nightly
codegen_flags: <defaults>
</compile_context>

<pallas_src>
import functools

import jax
import jax.numpy as jnp
from jax import lax
from jax.experimental import pallas as pl
from jax.experimental.pallas import tpu as pltpu
from jax.experimental.pallas import tpu_sc as plsc

N = 524288
S = 512
SS = S * S
NPL = 6
EROWS = NPL * SS // 2
TROWS = 2 * EROWS
NW = 32
PPW = N // NW
C = 128
NCHUNK = PPW // C
G = C // 16
NR = 2 * NPL * C
PLANE_AB = ((0, 1), (2, 3), (0, 2), (0, 3), (1, 2), (1, 3))


def _full_i(v):
    return jnp.full((16,), v, jnp.int32)


def _body(xyuv_hbm, table_hbm, sc_hbm, out_hbm,
          sc_v, out_v,
          xy0_v, f0_v, idx0_v, gat0_v, sem0,
          xy1_v, f1_v, idx1_v, gat1_v, sem1):
    wid = lax.axis_index("s") * 2 + lax.axis_index("c")
    wbase = wid * PPW
    pltpu.sync_copy(sc_hbm, sc_v)
    iota = lax.iota(jnp.int32, 16)
    scv = sc_v[...]
    minq = [jnp.full((16,), scv[q]) for q in range(4)]
    scale = [jnp.full((16,), scv[4 + q]) for q in range(4)]

    def prep(g, xy_v, f_v, idx_v, gat_v, sem):
        base = wbase + g * C
        pltpu.sync_copy(xyuv_hbm.at[pl.ds(base * 4, C * 4)], xy_v)

        def idx_phase(j, carry):
            pt = jnp.full((16,), j * 16, jnp.int32) + iota
            i0s = []
            for q in range(4):
                cq = plsc.load_gather(xy_v, [pt * 4 + _full_i(q)])
                pos = (cq - minq[q]) * scale[q]
                i0 = pos.astype(jnp.int32)
                i0 = jnp.minimum(jnp.maximum(i0, 0), S - 2)
                f_v[q, pl.ds(j * 16, 16)] = pos - i0.astype(jnp.float32)
                i0s.append(i0)
            for p, (a, b) in enumerate(PLANE_AB):
                t = i0s[a] * S + i0s[b] + _full_i(p * SS)
                row0 = (t >> 1) + (t & 1) * EROWS
                idx_v[pl.ds(2 * p * C + j * 16, 16)] = row0
                idx_v[pl.ds((2 * p + 1) * C + j * 16, 16)] = row0 + S // 2
            return carry

        lax.fori_loop(0, G, idx_phase, 0)
        pltpu.async_copy(table_hbm.at[idx_v], gat_v, sem)

    def finish(g, f_v, idx_v, gat_v, sem):
        pltpu.make_async_copy(table_hbm.at[idx_v], gat_v, sem).wait()

        def blend_phase(j, carry):
            pt = jnp.full((16,), j * 16, jnp.int32) + iota
            fq = [f_v[q, pl.ds(j * 16, 16)] for q in range(4)]
            one = jnp.full((16,), 1.0, jnp.float32)
            out_base = pt * 48
            for p, (a, b) in enumerate(PLANE_AB):
                fy, fx = fq[a], fq[b]
                wy0, wx0 = one - fy, one - fx
                w00 = wy0 * wx0
                w01 = wy0 * fx
                w10 = fy * wx0
                w11 = fy * fx
                row0 = pt + _full_i(2 * p * C)
                row1 = row0 + _full_i(C)
                for c in range(8):
                    v00 = plsc.load_gather(gat_v, [row0, _full_i(c)])
                    v01 = plsc.load_gather(gat_v, [row0, _full_i(c + 8)])
                    v10 = plsc.load_gather(gat_v, [row1, _full_i(c)])
                    v11 = plsc.load_gather(gat_v, [row1, _full_i(c + 8)])
                    acc = w00 * v00 + w01 * v01 + w10 * v10 + w11 * v11
                    plsc.store_scatter(out_v, [out_base + _full_i(p * 8 + c)], acc)
            return carry

        lax.fori_loop(0, G, blend_phase, 0)
        base = wbase + g * C
        pltpu.sync_copy(out_v, out_hbm.at[pl.ds(base * 48, C * 48)])

    prep(0, xy0_v, f0_v, idx0_v, gat0_v, sem0)
    prep(1, xy1_v, f1_v, idx1_v, gat1_v, sem1)

    def two_chunks(h, carry):
        g = 2 * h
        finish(g, f0_v, idx0_v, gat0_v, sem0)

        @pl.when(g + 2 < NCHUNK)
        def _():
            prep(g + 2, xy0_v, f0_v, idx0_v, gat0_v, sem0)

        finish(g + 1, f1_v, idx1_v, gat1_v, sem1)

        @pl.when(g + 3 < NCHUNK)
        def _():
            prep(g + 3, xy1_v, f1_v, idx1_v, gat1_v, sem1)

        return carry

    lax.fori_loop(0, NCHUNK // 2, two_chunks, 0)


def _buf_types():
    return [
        pltpu.VMEM((C * 4,), jnp.float32),
        pltpu.VMEM((4, C), jnp.float32),
        pltpu.VMEM((NR,), jnp.int32),
        pltpu.VMEM((NR, 16), jnp.float32),
        pltpu.SemaphoreType.DMA,
    ]


_sc_call = functools.partial(
    pl.kernel,
    out_type=jax.ShapeDtypeStruct((N * 48,), jnp.float32),
    mesh=plsc.VectorSubcoreMesh(core_axis_name="c", subcore_axis_name="s"),
    compiler_params=pltpu.CompilerParams(
        needs_layout_passes=False, use_tc_tiling_on_sc=False),
    scratch_types=[
        pltpu.VMEM((16,), jnp.float32),
        pltpu.VMEM((C * 48,), jnp.float32),
    ] + _buf_types() + _buf_types(),
)(_body)


def kernel(xyuv, xy_plane, uv_plane, xu_plane, xv_plane, yu_plane, yv_plane,
           xyuv_min, xyuv_max):
    planes = (xy_plane, uv_plane, xu_plane, xv_plane, yu_plane, yv_plane)
    bigflat = jnp.concatenate([p.transpose(1, 2, 0).reshape(-1) for p in planes])
    even = bigflat.reshape(EROWS, 16)
    odd = jnp.concatenate(
        [bigflat[8:], jnp.zeros((8,), jnp.float32)]).reshape(EROWS, 16)
    table = jnp.concatenate([even, odd], axis=0)
    scal = jnp.concatenate([xyuv_min, jnp.float32(S - 1) / (xyuv_max - xyuv_min),
                            jnp.zeros((8,), jnp.float32)])
    return _sc_call(xyuv.reshape(-1), table, scal).reshape(N, 48)

# --- scband reference (transcript-rebuilt; emitter-appended) ---
"""Pipeline reference for scband-plane-grid-52518860095952 (READ-ONLY COPY).

The authoritative reference and input builder live on the scoring server;
editing this copy changes nothing except your own understanding.
"""

import jax, jax.numpy as jnp
import numpy as np

N = 524288
R = 8
S = 512


def setup_inputs(seed: int = 0) -> dict:
    key = jax.random.key(seed)
    ks = jax.random.split(key, 8)
    inp = {
        "xyuv": jax.random.uniform(ks[0], (N, 4), dtype=jnp.float32),
        "xy_plane": jax.random.normal(ks[1], (R, S, S), dtype=jnp.float32) * 0.1,
        "uv_plane": jax.random.normal(ks[2], (R, S, S), dtype=jnp.float32) * 0.1,
        "xu_plane": jax.random.normal(ks[3], (R, S, S), dtype=jnp.float32) * 0.1,
        "xv_plane": jax.random.normal(ks[4], (R, S, S), dtype=jnp.float32) * 0.1,
        "yu_plane": jax.random.normal(ks[5], (R, S, S), dtype=jnp.float32) * 0.1,
        "yv_plane": jax.random.normal(ks[6], (R, S, S), dtype=jnp.float32) * 0.1,
        "xyuv_min": jnp.zeros((4,), dtype=jnp.float32),
        "xyuv_max": jnp.ones((4,), dtype=jnp.float32),
    }
    return inp


def _grid_sample_2d(plane, gx, gy):
    # plane: [R, H, W]; gx in [-1,1] indexes W, gy indexes H (torch grid_sample
    # convention, bilinear, align_corners=True). Returns [N, R].
    Rc, H, W = plane.shape
    ix = (gx + 1.0) * 0.5 * (W - 1)
    iy = (gy + 1.0) * 0.5 * (H - 1)
    ix0 = jnp.clip(jnp.floor(ix), 0, W - 1).astype(jnp.int32)
    iy0 = jnp.clip(jnp.floor(iy), 0, H - 1).astype(jnp.int32)
    ix1 = jnp.clip(ix0 + 1, 0, W - 1)
    iy1 = jnp.clip(iy0 + 1, 0, H - 1)
    fx = ix - ix0.astype(ix.dtype)
    fy = iy - iy0.astype(iy.dtype)
    v00 = plane[:, iy0, ix0]
    v01 = plane[:, iy0, ix1]
    v10 = plane[:, iy1, ix0]
    v11 = plane[:, iy1, ix1]
    out = (v00 * (1 - fy) * (1 - fx) + v01 * (1 - fy) * fx
           + v10 * fy * (1 - fx) + v11 * fy * fx)
    return out.T


def reference(xyuv, xy_plane, uv_plane, xu_plane, xv_plane, yu_plane, yv_plane, xyuv_min, xyuv_max):
    ind = (xyuv - xyuv_min) / (xyuv_max - xyuv_min) * 2.0 - 1.0
    x, y, u, v = ind[:, 0], ind[:, 1], ind[:, 2], ind[:, 3]
    xy_feat = _grid_sample_2d(xy_plane, y, x)
    uv_feat = _grid_sample_2d(uv_plane, v, u)
    xu_feat = _grid_sample_2d(xu_plane, u, x)
    xv_feat = _grid_sample_2d(xv_plane, v, x)
    yu_feat = _grid_sample_2d(yu_plane, u, y)
    yv_feat = _grid_sample_2d(yv_plane, v, y)
    return jnp.concatenate([xy_feat, uv_feat, xu_feat, xv_feat, yu_feat, yv_feat], axis=-1)

if __name__ == "__main__":
    import jax
    _d = setup_inputs()
    print(jax.jit(kernel)(*tuple(_d.values())))

</pallas_src>

<mosaic_0001>
#map = affine_map<(d0, d1) -> (0)>
#map1 = affine_map<(d0, d1) -> (0, 0)>
module attributes {stable_mosaic.version = 14 : i64} {
  func.func @_body(%arg0: i32, %arg1: i32, %arg2: memref<2097152xf32, #tpu.memory_space<hbm>>, %arg3: memref<1572864x16xf32, #tpu.memory_space<hbm>>, %arg4: memref<16xf32, #tpu.memory_space<hbm>>, %arg5: memref<25165824xf32, #tpu.memory_space<hbm>>, %arg6: memref<16xf32, #tpu.memory_space<vmem>>, %arg7: memref<6144xf32, #tpu.memory_space<vmem>>, %arg8: memref<512xf32, #tpu.memory_space<vmem>>, %arg9: memref<4x128xf32, #tpu.memory_space<vmem>>, %arg10: memref<1536xi32, #tpu.memory_space<vmem>>, %arg11: memref<1536x16xf32, #tpu.memory_space<vmem>>, %arg12: memref<!tpu.dma_semaphore, #tpu.memory_space<semaphore_mem>>, %arg13: memref<512xf32, #tpu.memory_space<vmem>>, %arg14: memref<4x128xf32, #tpu.memory_space<vmem>>, %arg15: memref<1536xi32, #tpu.memory_space<vmem>>, %arg16: memref<1536x16xf32, #tpu.memory_space<vmem>>, %arg17: memref<!tpu.dma_semaphore, #tpu.memory_space<semaphore_mem>>) attributes {dimension_semantics = [#tpu.dimension_semantics<core_parallel>, #tpu.dimension_semantics<subcore_parallel>], iteration_bounds = array<i64: 2, 16>, scalar_prefetch = 0 : i64, scratch_operands = 12 : i64, tpu.core_type = #tpu.core_type<sc_vector_subcore>, window_params = [{transform_indices = #map}, {transform_indices = #map1}, {transform_indices = #map}, {transform_indices = #map}]} {
    %mul3A = arith.constant 2 : i32
    %mul3A_0 = arith.muli %arg1, %mul3A : i32
    %add3A = arith.addi %mul3A_0, %arg0 : i32
    %mul3A_1 = arith.constant 16384 : i32
    %mul3A_2 = arith.muli %add3A, %mul3A_1 : i32
    "tpu.region"() ({
      %run_scoped3A = tpu.sem_alloc : memref<!tpu.dma_semaphore, #tpu.memory_space<semaphore_mem>>
      tpu.enqueue_dma source(%arg4 : memref<16xf32, #tpu.memory_space<hbm>>) target(%arg6 : memref<16xf32, #tpu.memory_space<vmem>>) target_semaphore(%run_scoped3A : memref<!tpu.dma_semaphore, #tpu.memory_space<semaphore_mem>>)
      tpu.wait_dma2 semaphore(%run_scoped3A : memref<!tpu.dma_semaphore, #tpu.memory_space<semaphore_mem>>) src(%arg4 : memref<16xf32, #tpu.memory_space<hbm>>) dst(%arg6 : memref<16xf32, #tpu.memory_space<vmem>>)
      tpu.yield
    }) : () -> ()
    %iota3A = tpu.iota {dimensions = array<i32: 0>} : vector<16xi32>
    %get3A = arith.constant 0 : index
    %get3A_3 = tpu.vector_load %arg6[%get3A] {strides = array<i32>} : memref<16xf32, #tpu.memory_space<vmem>>, vector<16xf32>,
    %slice3A = vector.extract_strided_slice %get3A_3 {offsets = [0], sizes = [1], strides = [1]} : vector<16xf32> to vector<1xf32>
    %squeeze3A = vector.extract %slice3A[0] : f32 from vector<1xf32>
    %broadcast_in_dim3A = vector.broadcast %squeeze3A : f32 to vector<16xf32>
    %slice3A_4 = vector.extract_strided_slice %get3A_3 {offsets = [1], sizes = [1], strides = [1]} : vector<16xf32> to vector<1xf32>
    %squeeze3A_5 = vector.extract %slice3A_4[0] : f32 from vector<1xf32>
    %broadcast_in_dim3A_6 = vector.broadcast %squeeze3A_5 : f32 to vector<16xf32>
    %slice3A_7 = vector.extract_strided_slice %get3A_3 {offsets = [2], sizes = [1], strides = [1]} : vector<16xf32> to vector<1xf32>
    %squeeze3A_8 = vector.extract %slice3A_7[0] : f32 from vector<1xf32>
    %broadcast_in_dim3A_9 = vector.broadcast %squeeze3A_8 : f32 to vector<16xf32>
    %slice3A_10 = vector.extract_strided_slice %get3A_3 {offsets = [3], sizes = [1], strides = [1]} : vector<16xf32> to vector<1xf32>
    %squeeze3A_11 = vector.extract %slice3A_10[0] : f32 from vector<1xf32>
    %broadcast_in_dim3A_12 = vector.broadcast %squeeze3A_11 : f32 to vector<16xf32>
    %slice3A_13 = vector.extract_strided_slice %get3A_3 {offsets = [4], sizes = [1], strides = [1]} : vector<16xf32> to vector<1xf32>
    %squeeze3A_14 = vector.extract %slice3A_13[0] : f32 from vector<1xf32>
    %broadcast_in_dim3A_15 = vector.broadcast %squeeze3A_14 : f32 to vector<16xf32>
    %slice3A_16 = vector.extract_strided_slice %get3A_3 {offsets = [5], sizes = [1], strides = [1]} : vector<16xf32> to vector<1xf32>
    %squeeze3A_17 = vector.extract %slice3A_16[0] : f32 from vector<1xf32>
    %broadcast_in_dim3A_18 = vector.broadcast %squeeze3A_17 : f32 to vector<16xf32>
    %slice3A_19 = vector.extract_strided_slice %get3A_3 {offsets = [6], sizes = [1], strides = [1]} : vector<16xf32> to vector<1xf32>
    %squeeze3A_20 = vector.extract %slice3A_19[0] : f32 from vector<1xf32>
    %broadcast_in_dim3A_21 = vector.broadcast %squeeze3A_20 : f32 to vector<16xf32>
    %slice3A_22 = vector.extract_strided_slice %get3A_3 {offsets = [7], sizes = [1], strides = [1]} : vector<16xf32> to vector<1xf32>
    %squeeze3A_23 = vector.extract %slice3A_22[0] : f32 from vector<1xf32>
    %broadcast_in_dim3A_24 = vector.broadcast %squeeze3A_23 : f32 to vector<16xf32>
    %add3A_25 = arith.constant 0 : i32
    %add3A_26 = arith.addi %mul3A_2, %add3A_25 : i32
    %mul3A_27 = arith.constant 4 : i32
    %mul3A_28 = arith.muli %add3A_26, %mul3A_27 : i32
    "tpu.region"() ({
      %run_scoped3A = tpu.sem_alloc : memref<!tpu.dma_semaphore, #tpu.memory_space<semaphore_mem>>
      %dma_start3A_55 = tpu.memref_slice %arg2[%mul3A_28] : memref<2097152xf32, #tpu.memory_space<hbm>> -> memref<512xf32, #tpu.memory_space<hbm>>
      %dma_start3A_56 = tpu.memref_slice %arg2[%mul3A_28] : memref<2097152xf32, #tpu.memory_space<hbm>> -> memref<512xf32, #tpu.memory_space<hbm>>
      tpu.enqueue_dma source(%dma_start3A_56 : memref<512xf32, #tpu.memory_space<hbm>>) target(%arg8 : memref<512xf32, #tpu.memory_space<vmem>>) target_semaphore(%run_scoped3A : memref<!tpu.dma_semaphore, #tpu.memory_space<semaphore_mem>>)
      %dma_wait3A = tpu.memref_slice %arg2[%mul3A_28] : memref<2097152xf32, #tpu.memory_space<hbm>> -> memref<512xf32, #tpu.memory_space<hbm>>
      %dma_wait3A_57 = tpu.memref_slice %arg2[%mul3A_28] : memref<2097152xf32, #tpu.memory_space<hbm>> -> memref<512xf32, #tpu.memory_space<hbm>>
      tpu.wait_dma2 semaphore(%run_scoped3A : memref<!tpu.dma_semaphore, #tpu.memory_space<semaphore_mem>>) src(%dma_wait3A_57 : memref<512xf32, #tpu.memory_space<hbm>>) dst(%arg8 : memref<512xf32, #tpu.memory_space<vmem>>)
      tpu.yield
    }) : () -> ()
    %scan3A = arith.constant 0 : i32
    %scan3A_29 = arith.constant 0 : i32
    %scan3A_30 = arith.constant 8 : i32
    %scan3A_31 = arith.addi %scan3A_29, %scan3A_30 : i32
    %scan3A_32 = arith.constant 1 : i32
    scf.for %scan3A_55 = %scan3A_29 to %scan3A_31 step %scan3A_32  : i32 {
      %mul3A_56 = arith.constant 16 : i32
      %mul3A_57 = arith.muli %scan3A_55, %mul3A_56 : i32
      %broadcast_in_dim3A_58 = vector.broadcast %mul3A_57 : i32 to vector<16xi32>
      %add3A_59 = arith.addi %broadcast_in_dim3A_58, %iota3A : vector<16xi32>
      %mul3A_60 = arith.constant 4 : i32
      %mul3A_61 = vector.broadcast %mul3A_60 : i32 to vector<16xi32>
      %mul3A_62 = arith.muli %add3A_59, %mul3A_61 : vector<16xi32>
      %broadcast_in_dim3A_63 = arith.constant 0 : i32
      %broadcast_in_dim3A_64 = vector.broadcast %broadcast_in_dim3A_63 : i32 to vector<16xi32>
      %add3A_65 = arith.addi %mul3A_62, %broadcast_in_dim3A_64 : vector<16xi32>
      %gather3A = tpu.vector_load_idx %arg8[%add3A_65] : memref<512xf32, #tpu.memory_space<vmem>>[vector<16xi32>], vector<16xf32>,
      %sub3A = arith.subf %gather3A, %broadcast_in_dim3A : vector<16xf32>
      %mul3A_66 = arith.mulf %sub3A, %broadcast_in_dim3A_15 : vector<16xf32>
      %convert_element_type3A = arith.fptosi %mul3A_66 : vector<16xf32> to vector<16xi32>
      %max3A = arith.constant 0 : i32
      %max3A_67 = vector.broadcast %max3A : i32 to vector<16xi32>
      %max3A_68 = arith.maxsi %convert_element_type3A, %max3A_67 : vector<16xi32>
      %min3A = arith.constant 510 : i32
      %min3A_69 = vector.broadcast %min3A : i32 to vector<16xi32>
      %min3A_70 = arith.minsi %max3A_68, %min3A_69 : vector<16xi32>
      %convert_element_type3A_71 = arith.sitofp %min3A_70 : vector<16xi32> to vector<16xf32>
      %sub3A_72 = arith.subf %mul3A_66, %convert_element_type3A_71 : vector<16xf32>
      %mul3A_73 = arith.constant 16 : i32
      %mul3A_74 = arith.muli %scan3A_55, %mul3A_73 : i32
      %swap3A = arith.constant 0 : i32
      %swap3A_75 = arith.index_cast %swap3A : i32 to index
      %swap3A_76 = arith.index_cast %mul3A_74 : i32 to index
      %swap3A_77 = tpu.vector_load %arg9[%swap3A_75, %swap3A_76] {strides = array<i32>} : memref<4x128xf32, #tpu.memory_space<vmem>>, vector<16xf32>,
      tpu.vector_store %arg9[%swap3A_75, %swap3A_76], %sub3A_72 {strides = array<i32>} : memref<4x128xf32, #tpu.memory_space<vmem>>, vector<16xf32>,
      %mul3A_78 = arith.constant 4 : i32
      %mul3A_79 = vector.broadcast %mul3A_78 : i32 to vector<16xi32>
      %mul3A_80 = arith.muli %add3A_59, %mul3A_79 : vector<16xi32>
      %broadcast_in_dim3A_81 = arith.constant 1 : i32
      %broadcast_in_dim3A_82 = vector.broadcast %broadcast_in_dim3A_81 : i32 to vector<16xi32>
      %add3A_83 = arith.addi %mul3A_80, %broadcast_in_dim3A_82 : vector<16xi32>
      %gather3A_84 = tpu.vector_load_idx %arg8[%add3A_83] : memref<512xf32, #tpu.memory_space<vmem>>[vector<16xi32>], vector<16xf32>,
      %sub3A_85 = arith.subf %gather3A_84, %broadcast_in_dim3A_6 : vector<16xf32>
      %mul3A_86 = arith.mulf %sub3A_85, %broadcast_in_dim3A_18 : vector<16xf32>
      %convert_element_type3A_87 = arith.fptosi %mul3A_86 : vector<16xf32> to vector<16xi32>
      %max3A_88 = arith.constant 0 : i32
      %max3A_89 = vector.broadcast %max3A_88 : i32 to vector<16xi32>
      %max3A_90 = arith.maxsi %convert_element_type3A_87, %max3A_89 : vector<16xi32>
      %min3A_91 = arith.constant 510 : i32
      %min3A_92 = vector.broadcast %min3A_91 : i32 to vector<16xi32>
      %min3A_93 = arith.minsi %max3A_90, %min3A_92 : vector<16xi32>
      %convert_element_type3A_94 = arith.sitofp %min3A_93 : vector<16xi32> to vector<16xf32>
      %sub3A_95 = arith.subf %mul3A_86, %convert_element_type3A_94 : vector<16xf32>
      %mul3A_96 = arith.constant 16 : i32
      %mul3A_97 = arith.muli %scan3A_55, %mul3A_96 : i32
      %swap3A_98 = arith.constant 1 : i32
      %swap3A_99 = arith.index_cast %swap3A_98 : i32 to index
      %swap3A_100 = arith.index_cast %mul3A_97 : i32 to index
      %swap3A_101 = tpu.vector_load %arg9[%swap3A_99, %swap3A_100] {strides = array<i32>} : memref<4x128xf32, #tpu.memory_space<vmem>>, vector<16xf32>,
      tpu.vector_store %arg9[%swap3A_99, %swap3A_100], %sub3A_95 {strides = array<i32>} : memref<4x128xf32, #tpu.memory_space<vmem>>, vector<16xf32>,
      %mul3A_102 = arith.constant 4 : i32
      %mul3A_103 = vector.broadcast %mul3A_102 : i32 to vector<16xi32>
      %mul3A_104 = arith.muli %add3A_59, %mul3A_103 : vector<16xi32>
      %broadcast_in_dim3A_105 = arith.constant 2 : i32
      %broadcast_in_dim3A_106 = vector.broadcast %broadcast_in_dim3A_105 : i32 to vector<16xi32>
      %add3A_107 = arith.addi %mul3A_104, %broadcast_in_dim3A_106 : vector<16xi32>
      %gather3A_108 = tpu.vector_load_idx %arg8[%add3A_107] : memref<512xf32, #tpu.memory_space<vmem>>[vector<16xi32>], vector<16xf32>,
      %sub3A_109 = arith.subf %gather3A_108, %broadcast_in_dim3A_9 : vector<16xf32>
      %mul3A_110 = arith.mulf %sub3A_109, %broadcast_in_dim3A_21 : vector<16xf32>
      %convert_element_type3A_111 = arith.fptosi %mul3A_110 : vector<16xf32> to vector<16xi32>
      %max3A_112 = arith.constant 0 : i32
      %max3A_113 = vector.broadcast %max3A_112 : i32 to vector<16xi32>
      %max3A_114 = arith.maxsi %convert_element_type3A_111, %max3A_113 : vector<16xi32>
      %min3A_115 = arith.constant 510 : i32
      %min3A_116 = vector.broadcast %min3A_115 : i32 to vector<16xi32>
      %min3A_117 = arith.minsi %max3A_114, %min3A_116 : vector<16xi32>
      %convert_element_type3A_118 = arith.sitofp %min3A_117 : vector<16xi32> to vector<16xf32>
      %sub3A_119 = arith.subf %mul3A_110, %convert_element_type3A_118 : vector<16xf32>
      %mul3A_120 = arith.constant 16 : i32
      %mul3A_121 = arith.muli %scan3A_55, %mul3A_120 : i32
      %swap3A_122 = arith.constant 2 : i32
      %swap3A_123 = arith.index_cast %swap3A_122 : i32 to index
      %swap3A_124 = arith.index_cast %mul3A_121 : i32 to index
      %swap3A_125 = tpu.vector_load %arg9[%swap3A_123, %swap3A_124] {strides = array<i32>} : memref<4x128xf32, #tpu.memory_space<vmem>>, vector<16xf32>,
      tpu.vector_store %arg9[%swap3A_123, %swap3A_124], %sub3A_119 {strides = array<i32>} : memref<4x128xf32, #tpu.memory_space<vmem>>, vector<16xf32>,
      %mul3A_126 = arith.constant 4 : i32
      %mul3A_127 = vector.broadcast %mul3A_126 : i32 to vector<16xi32>
      %mul3A_128 = arith.muli %add3A_59, %mul3A_127 : vector<16xi32>
      %broadcast_in_dim3A_129 = arith.constant 3 : i32
      %broadcast_in_dim3A_130 = vector.broadcast %broadcast_in_dim3A_129 : i32 to vector<16xi32>
      %add3A_131 = arith.addi %mul3A_128, %broadcast_in_dim3A_130 : vector<16xi32>
      %gather3A_132 = tpu.vector_load_idx %arg8[%add3A_131] : memref<512xf32, #tpu.memory_space<vmem>>[vector<16xi32>], vector<16xf32>,
      %sub3A_133 = arith.subf %gather3A_132, %broadcast_in_dim3A_12 : vector<16xf32>
      %mul3A_134 = arith.mulf %sub3A_133, %broadcast_in_dim3A_24 : vector<16xf32>
      %convert_element_type3A_135 = arith.fptosi %mul3A_134 : vector<16xf32> to vector<16xi32>
      %max3A_136 = arith.constant 0 : i32
      %max3A_137 = vector.broadcast %max3A_136 : i32 to vector<16xi32>
      %max3A_138 = arith.maxsi %convert_element_type3A_135, %max3A_137 : vector<16xi32>
      %min3A_139 = arith.constant 510 : i32
      %min3A_140 = vector.broadcast %min3A_139 : i32 to vector<16xi32>
      %min3A_141 = arith.minsi %max3A_138, %min3A_140 : vector<16xi32>
      %convert_element_type3A_142 = arith.sitofp %min3A_141 : vector<16xi32> to vector<16xf32>
      %sub3A_143 = arith.subf %mul3A_134, %convert_element_type3A_142 : vector<16xf32>
      %mul3A_144 = arith.constant 16 : i32
      %mul3A_145 = arith.muli %scan3A_55, %mul3A_144 : i32
      %swap3A_146 = arith.constant 3 : i32
      %swap3A_147 = arith.index_cast %swap3A_146 : i32 to index
      %swap3A_148 = arith.index_cast %mul3A_145 : i32 to index
      %swap3A_149 = tpu.vector_load %arg9[%swap3A_147, %swap3A_148] {strides = array<i32>} : memref<4x128xf32, #tpu.memory_space<vmem>>, vector<16xf32>,
      tpu.vector_store %arg9[%swap3A_147, %swap3A_148], %sub3A_143 {strides = array<i32>} : memref<4x128xf32, #tpu.memory_space<vmem>>, vector<16xf32>,
      %mul3A_150 = arith.constant 512 : i32
      %mul3A_151 = vector.broadcast %mul3A_150 : i32 to vector<16xi32>
      %mul3A_152 = arith.muli %min3A_70, %mul3A_151 : vector<16xi32>
      %add3A_153 = arith.addi %mul3A_152, %min3A_93 : vector<16xi32>
      %broadcast_in_dim3A_154 = arith.constant 0 : i32
      %broadcast_in_dim3A_155 = vector.broadcast %broadcast_in_dim3A_154 : i32 to vector<16xi32>
      %add3A_156 = arith.addi %add3A_153, %broadcast_in_dim3A_155 : vector<16xi32>
      %shift_right_arithmetic3A = arith.constant 1 : i32
      %shift_right_arithmetic3A_157 = vector.broadcast %shift_right_arithmetic3A : i32 to vector<16xi32>
      %shift_right_arithmetic3A_158 = arith.shrsi %add3A_156, %shift_right_arithmetic3A_157 : vector<16xi32>
      %and3A = arith.constant 1 : i32
      %and3A_159 = vector.broadcast %and3A : i32 to vector<16xi32>
      %and3A_160 = arith.andi %add3A_156, %and3A_159 : vector<16xi32>
      %mul3A_161 = arith.constant 786432 : i32
      %mul3A_162 = vector.broadcast %mul3A_161 : i32 to vector<16xi32>
      %mul3A_163 = arith.muli %and3A_160, %mul3A_162 : vector<16xi32>
      %add3A_164 = arith.addi %shift_right_arithmetic3A_158, %mul3A_163 : vector<16xi32>
      %mul3A_165 = arith.constant 16 : i32
      %mul3A_166 = arith.muli %scan3A_55, %mul3A_165 : i32
      %add3A_167 = arith.constant 0 : i32
      %add3A_168 = arith.addi %add3A_167, %mul3A_166 : i32
      %swap3A_169 = arith.index_cast %add3A_168 : i32 to index
      %swap3A_170 = tpu.vector_load %arg10[%swap3A_169] {strides = array<i32>} : memref<1536xi32, #tpu.memory_space<vmem>>, vector<16xi32>,
      tpu.vector_store %arg10[%swap3A_169], %add3A_164 {strides = array<i32>} : memref<1536xi32, #tpu.memory_space<vmem>>, vector<16xi32>,
      %add3A_171 = arith.constant 256 : i32
      %add3A_172 = vector.broadcast %add3A_171 : i32 to vector<16xi32>
      %add3A_173 = arith.addi %add3A_164, %add3A_172 : vector<16xi32>
      %mul3A_174 = arith.constant 16 : i32
      %mul3A_175 = arith.muli %scan3A_55, %mul3A_174 : i32
      %add3A_176 = arith.constant 128 : i32
      %add3A_177 = arith.addi %add3A_176, %mul3A_175 : i32
      %swap3A_178 = arith.index_cast %add3A_177 : i32 to index
      %swap3A_179 = tpu.vector_load %arg10[%swap3A_178] {strides = array<i32>} : memref<1536xi32, #tpu.memory_space<vmem>>, vector<16xi32>,
      tpu.vector_store %arg10[%swap3A_178], %add3A_173 {strides = array<i32>} : memref<1536xi32, #tpu.memory_space<vmem>>, vector<16xi32>,
      %mul3A_180 = arith.constant 512 : i32
      %mul3A_181 = vector.broadcast %mul3A_180 : i32 to vector<16xi32>
      %mul3A_182 = arith.muli %min3A_117, %mul3A_181 : vector<16xi32>
      %add3A_183 = arith.addi %mul3A_182, %min3A_141 : vector<16xi32>
      %broadcast_in_dim3A_184 = arith.constant 262144 : i32
      %broadcast_in_dim3A_185 = vector.broadcast %broadcast_in_dim3A_184 : i32 to vector<16xi32>
      %add3A_186 = arith.addi %add3A_183, %broadcast_in_dim3A_185 : vector<16xi32>
      %shift_right_arithmetic3A_187 = arith.constant 1 : i32
      %shift_right_arithmetic3A_188 = vector.broadcast %shift_right_arithmetic3A_187 : i32 to vector<16xi32>
      %shift_right_arithmetic3A_189 = arith.shrsi %add3A_186, %shift_right_arithmetic3A_188 : vector<16xi32>
      %and3A_190 = arith.constant 1 : i32
      %and3A_191 = vector.broadcast %and3A_190 : i32 to vector<16xi32>
      %and3A_192 = arith.andi %add3A_186, %and3A_191 : vector<16xi32>
      %mul3A_193 = arith.constant 786432 : i32
      %mul3A_194 = vector.broadcast %mul3A_193 : i32 to vector<16xi32>
      %mul3A_195 = arith.muli %and3A_192, %mul3A_194 : vector<16xi32>
      %add3A_196 = arith.addi %shift_right_arithmetic3A_189, %mul3A_195 : vector<16xi32>
      %mul3A_197 = arith.constant 16 : i32
      %mul3A_198 = arith.muli %scan3A_55, %mul3A_197 : i32
      %add3A_199 = arith.constant 256 : i32
      %add3A_200 = arith.addi %add3A_199, %mul3A_198 : i32
      %swap3A_201 = arith.index_cast %add3A_200 : i32 to index
      %swap3A_202 = tpu.vector_load %arg10[%swap3A_201] {strides = array<i32>} : memref<1536xi32, #tpu.memory_space<vmem>>, vector<16xi32>,
      tpu.vector_store %arg10[%swap3A_201], %add3A_196 {strides = array<i32>} : memref<1536xi32, #tpu.memory_space<vmem>>, vector<16xi32>,
      %add3A_203 = arith.constant 256 : i32
      %add3A_204 = vector.broadcast %add3A_203 : i32 to vector<16xi32>
      %add3A_205 = arith.addi %add3A_196, %add3A_204 : vector<16xi32>
      %mul3A_206 = arith.constant 16 : i32
      %mul3A_207 = arith.muli %scan3A_55, %mul3A_206 : i32
      %add3A_208 = arith.constant 384 : i32
      %add3A_209 = arith.addi %add3A_208, %mul3A_207 : i32
      %swap3A_210 = arith.index_cast %add3A_209 : i32 to index
      %swap3A_211 = tpu.vector_load %arg10[%swap3A_210] {strides = array<i32>} : memref<1536xi32, #tpu.memory_space<vmem>>, vector<16xi32>,
      tpu.vector_store %arg10[%swap3A_210], %add3A_205 {strides = array<i32>} : memref<1536xi32, #tpu.memory_space<vmem>>, vector<16xi32>,
      %mul3A_212 = arith.constant 512 : i32
      %mul3A_213 = vector.broadcast %mul3A_212 : i32 to vector<16xi32>
      %mul3A_214 = arith.muli %min3A_70, %mul3A_213 : vector<16xi32>
      %add3A_215 = arith.addi %mul3A_214, %min3A_117 : vector<16xi32>
      %broadcast_in_dim3A_216 = arith.constant 524288 : i32
      %broadcast_in_dim3A_217 = vector.broadcast %broadcast_in_dim3A_216 : i32 to vector<16xi32>
      %add3A_218 = arith.addi %add3A_215, %broadcast_in_dim3A_217 : vector<16xi32>
      %shift_right_arithmetic3A_219 = arith.constant 1 : i32
      %shift_right_arithmetic3A_220 = vector.broadcast %shift_right_arithmetic3A_219 : i32 to vector<16xi32>
      %shift_right_arithmetic3A_221 = arith.shrsi %add3A_218, %shift_right_arithmetic3A_220 : vector<16xi32>
      %and3A_222 = arith.constant 1 : i32
      %and3A_223 = vector.broadcast %and3A_222 : i32 to vector<16xi32>
      %and3A_224 = arith.andi %add3A_218, %and3A_223 : vector<16xi32>
      %mul3A_225 = arith.constant 786432 : i32
      %mul3A_226 = vector.broadcast %mul3A_225 : i32 to vector<16xi32>
      %mul3A_227 = arith.muli %and3A_224, %mul3A_226 : vector<16xi32>
      %add3A_228 = arith.addi %shift_right_arithmetic3A_221, %mul3A_227 : vector<16xi32>
      %mul3A_229 = arith.constant 16 : i32
      %mul3A_230 = arith.muli %scan3A_55, %mul3A_229 : i32
      %add3A_231 = arith.constant 512 : i32
      %add3A_232 = arith.addi %add3A_231, %mul3A_230 : i32
      %swap3A_233 = arith.index_cast %add3A_232 : i32 to index
      %swap3A_234 = tpu.vector_load %arg10[%swap3A_233] {strides = array<i32>} : memref<1536xi32, #tpu.memory_space<vmem>>, vector<16xi32>,
      tpu.vector_store %arg10[%swap3A_233], %add3A_228 {strides = array<i32>} : memref<1536xi32, #tpu.memory_space<vmem>>, vector<16xi32>,
      %add3A_235 = arith.constant 256 : i32
      %add3A_236 = vector.broadcast %add3A_235 : i32 to vector<16xi32>
      %add3A_237 = arith.addi %add3A_228, %add3A_236 : vector<16xi32>
      %mul3A_238 = arith.constant 16 : i32
      %mul3A_239 = arith.muli %scan3A_55, %mul3A_238 : i32
      %add3A_240 = arith.constant 640 : i32
      %add3A_241 = arith.addi %add3A_240, %mul3A_239 : i32
      %swap3A_242 = arith.index_cast %add3A_241 : i32 to index
      %swap3A_243 = tpu.vector_load %arg10[%swap3A_242] {strides = array<i32>} : memref<1536xi32, #tpu.memory_space<vmem>>, vector<16xi32>,
      tpu.vector_store %arg10[%swap3A_242], %add3A_237 {strides = array<i32>} : memref<1536xi32, #tpu.memory_space<vmem>>, vector<16xi32>,
      %mul3A_244 = arith.constant 512 : i32
      %mul3A_245 = vector.broadcast %mul3A_244 : i32 to vector<16xi32>
      %mul3A_246 = arith.muli %min3A_70, %mul3A_245 : vector<16xi32>
      %add3A_247 = arith.addi %mul3A_246, %min3A_141 : vector<16xi32>
      %broadcast_in_dim3A_248 = arith.constant 786432 : i32
      %broadcast_in_dim3A_249 = vector.broadcast %broadcast_in_dim3A_248 : i32 to vector<16xi32>
      %add3A_250 = arith.addi %add3A_247, %broadcast_in_dim3A_249 : vector<16xi32>
      %shift_right_arithmetic3A_251 = arith.constant 1 : i32
      %shift_right_arithmetic3A_252 = vector.broadcast %shift_right_arithmetic3A_251 : i32 to vector<16xi32>
      %shift_right_arithmetic3A_253 = arith.shrsi %add3A_250, %shift_right_arithmetic3A_252 : vector<16xi32>
      %and3A_254 = arith.constant 1 : i32
      %and3A_255 = vector.broadcast %and3A_254 : i32 to vector<16xi32>
      %and3A_256 = arith.andi %add3A_250, %and3A_255 : vector<16xi32>
      %mul3A_257 = arith.constant 786432 : i32
      %mul3A_258 = vector.broadcast %mul3A_257 : i32 to vector<16xi32>
      %mul3A_259 = arith.muli %and3A_256, %mul3A_258 : vector<16xi32>
      %add3A_260 = arith.addi %shift_right_arithmetic3A_253, %mul3A_259 : vector<16xi32>
      %mul3A_261 = arith.constant 16 : i32
      %mul3A_262 = arith.muli %scan3A_55, %mul3A_261 : i32
      %add3A_263 = arith.constant 768 : i32
      %add3A_264 = arith.addi %add3A_263, %mul3A_262 : i32
      %swap3A_265 = arith.index_cast %add3A_264 : i32 to index
      %swap3A_266 = tpu.vector_load %arg10[%swap3A_265] {strides = array<i32>} : memref<1536xi32, #tpu.memory_space<vmem>>, vector<16xi32>,
      tpu.vector_store %arg10[%swap3A_265], %add3A_260 {strides = array<i32>} : memref<1536xi32, #tpu.memory_space<vmem>>, vector<16xi32>,
      %add3A_267 = arith.constant 256 : i32
      %add3A_268 = vector.broadcast %add3A_267 : i32 to vector<16xi32>
      %add3A_269 = arith.addi %add3A_260, %add3A_268 : vector<16xi32>
      %mul3A_270 = arith.constant 16 : i32
      %mul3A_271 = arith.muli %scan3A_55, %mul3A_270 : i32
      %add3A_272 = arith.constant 896 : i32
      %add3A_273 = arith.addi %add3A_272, %mul3A_271 : i32
      %swap3A_274 = arith.index_cast %add3A_273 : i32 to index
      %swap3A_275 = tpu.vector_load %arg10[%swap3A_274] {strides = array<i32>} : memref<1536xi32, #tpu.memory_space<vmem>>, vector<16xi32>,
      tpu.vector_store %arg10[%swap3A_274], %add3A_269 {strides = array<i32>} : memref<1536xi32, #tpu.memory_space<vmem>>, vector<16xi32>,
      %mul3A_276 = arith.constant 512 : i32
      %mul3A_277 = vector.broadcast %mul3A_276 : i32 to vector<16xi32>
      %mul3A_278 = arith.muli %min3A_93, %mul3A_277 : vector<16xi32>
      %add3A_279 = arith.addi %mul3A_278, %min3A_117 : vector<16xi32>
      %broadcast_in_dim3A_280 = arith.constant 1048576 : i32
      %broadcast_in_dim3A_281 = vector.broadcast %broadcast_in_dim3A_280 : i32 to vector<16xi32>
      %add3A_282 = arith.addi %add3A_279, %broadcast_in_dim3A_281 : vector<16xi32>
      %shift_right_arithmetic3A_283 = arith.constant 1 : i32
      %shift_right_arithmetic3A_284 = vector.broadcast %shift_right_arithmetic3A_283 : i32 to vector<16xi32>
      %shift_right_arithmetic3A_285 = arith.shrsi %add3A_282, %shift_right_arithmetic3A_284 : vector<16xi32>
      %and3A_286 = arith.constant 1 : i32
      %and3A_287 = vector.broadcast %and3A_286 : i32 to vector<16xi32>
      %and3A_288 = arith.andi %add3A_282, %and3A_287 : vector<16xi32>
      %mul3A_289 = arith.constant 786432 : i32
      %mul3A_290 = vector.broadcast %mul3A_289 : i32 to vector<16xi32>
      %mul3A_291 = arith.muli %and3A_288, %mul3A_290 : vector<16xi32>
      %add3A_292 = arith.addi %shift_right_arithmetic3A_285, %mul3A_291 : vector<16xi32>
      %mul3A_293 = arith.constant 16 : i32
      %mul3A_294 = arith.muli %scan3A_55, %mul3A_293 : i32
      %add3A_295 = arith.constant 1024 : i32
      %add3A_296 = arith.addi %add3A_295, %mul3A_294 : i32
      %swap3A_297 = arith.index_cast %add3A_296 : i32 to index
      %swap3A_298 = tpu.vector_load %arg10[%swap3A_297] {strides = array<i32>} : memref<1536xi32, #tpu.memory_space<vmem>>, vector<16xi32>,
      tpu.vector_store %arg10[%swap3A_297], %add3A_292 {strides = array<i32>} : memref<1536xi32, #tpu.memory_space<vmem>>, vector<16xi32>,
      %add3A_299 = arith.constant 256 : i32
      %add3A_300 = vector.broadcast %add3A_299 : i32 to vector<16xi32>
      %add3A_301 = arith.addi %add3A_292, %add3A_300 : vector<16xi32>
      %mul3A_302 = arith.constant 16 : i32
      %mul3A_303 = arith.muli %scan3A_55, %mul3A_302 : i32
      %add3A_304 = arith.constant 1152 : i32
      %add3A_305 = arith.addi %add3A_304, %mul3A_303 : i32
      %swap3A_306 = arith.index_cast %add3A_305 : i32 to index
      %swap3A_307 = tpu.vector_load %arg10[%swap3A_306] {strides = array<i32>} : memref<1536xi32, #tpu.memory_space<vmem>>, vector<16xi32>,
      tpu.vector_store %arg10[%swap3A_306], %add3A_301 {strides = array<i32>} : memref<1536xi32, #tpu.memory_space<vmem>>, vector<16xi32>,
      %mul3A_308 = arith.constant 512 : i32
      %mul3A_309 = vector.broadcast %mul3A_308 : i32 to vector<16xi32>
      %mul3A_310 = arith.muli %min3A_93, %mul3A_309 : vector<16xi32>
      %add3A_311 = arith.addi %mul3A_310, %min3A_141 : vector<16xi32>
      %broadcast_in_dim3A_312 = arith.constant 1310720 : i32
      %broadcast_in_dim3A_313 = vector.broadcast %broadcast_in_dim3A_312 : i32 to vector<16xi32>
      %add3A_314 = arith.addi %add3A_311, %broadcast_in_dim3A_313 : vector<16xi32>
      %shift_right_arithmetic3A_315 = arith.constant 1 : i32
      %shift_right_arithmetic3A_316 = vector.broadcast %shift_right_arithmetic3A_315 : i32 to vector<16xi32>
      %shift_right_arithmetic3A_317 = arith.shrsi %add3A_314, %shift_right_arithmetic3A_316 : vector<16xi32>
      %and3A_318 = arith.constant 1 : i32
      %and3A_319 = vector.broadcast %and3A_318 : i32 to vector<16xi32>
      %and3A_320 = arith.andi %add3A_314, %and3A_319 : vector<16xi32>
      %mul3A_321 = arith.constant 786432 : i32
      %mul3A_322 = vector.broadcast %mul3A_321 : i32 to vector<16xi32>
      %mul3A_323 = arith.muli %and3A_320, %mul3A_322 : vector<16xi32>
      %add3A_324 = arith.addi %shift_right_arithmetic3A_317, %mul3A_323 : vector<16xi32>
      %mul3A_325 = arith.constant 16 : i32
      %mul3A_326 = arith.muli %scan3A_55, %mul3A_325 : i32
      %add3A_327 = arith.constant 1280 : i32
      %add3A_328 = arith.addi %add3A_327, %mul3A_326 : i32
      %swap3A_329 = arith.index_cast %add3A_328 : i32 to index
      %swap3A_330 = tpu.vector_load %arg10[%swap3A_329] {strides = array<i32>} : memref<1536xi32, #tpu.memory_space<vmem>>, vector<16xi32>,
      tpu.vector_store %arg10[%swap3A_329], %add3A_324 {strides = array<i32>} : memref<1536xi32, #tpu.memory_space<vmem>>, vector<16xi32>,
      %add3A_331 = arith.constant 256 : i32
      %add3A_332 = vector.broadcast %add3A_331 : i32 to vector<16xi32>
      %add3A_333 = arith.addi %add3A_324, %add3A_332 : vector<16xi32>
      %mul3A_334 = arith.constant 16 : i32
      %mul3A_335 = arith.muli %scan3A_55, %mul3A_334 : i32
      %add3A_336 = arith.constant 1408 : i32
      %add3A_337 = arith.addi %add3A_336, %mul3A_335 : i32
      %swap3A_338 = arith.index_cast %add3A_337 : i32 to index
      %swap3A_339 = tpu.vector_load %arg10[%swap3A_338] {strides = array<i32>} : memref<1536xi32, #tpu.memory_space<vmem>>, vector<16xi32>,
      tpu.vector_store %arg10[%swap3A_338], %add3A_333 {strides = array<i32>} : memref<1536xi32, #tpu.memory_space<vmem>>, vector<16xi32>,
    }
    %scan3A_33 = arith.constant 8 : i32
    %dma_start3A = arith.constant 0 : i32
    %dma_start3A_34 = arith.constant 0 : i32
    %dma_start3A_35 = tpu.memref_slice %arg3[%dma_start3A, %dma_start3A_34] : memref<1572864x16xf32, #tpu.memory_space<hbm>> -> memref<1572864x16xf32, #tpu.memory_space<hbm>>
    tpu.enqueue_indirect_dma source(%dma_start3A_35 : memref<1572864x16xf32, #tpu.memory_space<hbm>>) target(%arg11 : memref<1536x16xf32, #tpu.memory_space<vmem>>) offsets(%arg10 : memref<1536xi32, #tpu.memory_space<vmem>>) semaphore(%arg12 : memref<!tpu.dma_semaphore, #tpu.memory_space<semaphore_mem>>)
    %add3A_36 = arith.constant 128 : i32
    %add3A_37 = arith.addi %mul3A_2, %add3A_36 : i32
    %mul3A_38 = arith.constant 4 : i32
    %mul3A_39 = arith.muli %add3A_37, %mul3A_38 : i32
    "tpu.region"() ({
      %run_scoped3A = tpu.sem_alloc : memref<!tpu.dma_semaphore, #tpu.memory_space<semaphore_mem>>
      %dma_start3A_55 = tpu.memref_slice %arg2[%mul3A_39] : memref<2097152xf32, #tpu.memory_space<hbm>> -> memref<512xf32, #tpu.memory_space<hbm>>
      %dma_start3A_56 = tpu.memref_slice %arg2[%mul3A_39] : memref<2097152xf32, #tpu.memory_space<hbm>> -> memref<512xf32, #tpu.memory_space<hbm>>
      tpu.enqueue_dma source(%dma_start3A_56 : memref<512xf32, #tpu.memory_space<hbm>>) target(%arg13 : memref<512xf32, #tpu.memory_space<vmem>>) target_semaphore(%run_scoped3A : memref<!tpu.dma_semaphore, #tpu.memory_space<semaphore_mem>>)
      %dma_wait3A = tpu.memref_slice %arg2[%mul3A_39] : memref<2097152xf32, #tpu.memory_space<hbm>> -> memref<512xf32, #tpu.memory_space<hbm>>
      %dma_wait3A_57 = tpu.memref_slice %arg2[%mul3A_39] : memref<2097152xf32, #tpu.memory_space<hbm>> -> memref<512xf32, #tpu.memory_space<hbm>>
      tpu.wait_dma2 semaphore(%run_scoped3A : memref<!tpu.dma_semaphore, #tpu.memory_space<semaphore_mem>>) src(%dma_wait3A_57 : memref<512xf32, #tpu.memory_space<hbm>>) dst(%arg13 : memref<512xf32, #tpu.memory_space<vmem>>)
      tpu.yield
    }) : () -> ()
    %scan3A_40 = arith.constant 0 : i32
    %scan3A_41 = arith.constant 0 : i32
    %scan3A_42 = arith.constant 8 : i32
    %scan3A_43 = arith.addi %scan3A_41, %scan3A_42 : i32
    %scan3A_44 = arith.constant 1 : i32
    scf.for %scan3A_55 = %scan3A_41 to %scan3A_43 step %scan3A_44  : i32 {
      %mul3A_56 = arith.constant 16 : i32
      %mul3A_57 = arith.muli %scan3A_55, %mul3A_56 : i32
      %broadcast_in_dim3A_58 = vector.broadcast %mul3A_57 : i32 to vector<16xi32>
      %add3A_59 = arith.addi %broadcast_in_dim3A_58, %iota3A : vector<16xi32>
      %mul3A_60 = arith.constant 4 : i32
      %mul3A_61 = vector.broadcast %mul3A_60 : i32 to vector<16xi32>
      %mul3A_62 = arith.muli %add3A_59, %mul3A_61 : vector<16xi32>
      %broadcast_in_dim3A_63 = arith.constant 0 : i32
      %broadcast_in_dim3A_64 = vector.broadcast %broadcast_in_dim3A_63 : i32 to vector<16xi32>
      %add3A_65 = arith.addi %mul3A_62, %broadcast_in_dim3A_64 : vector<16xi32>
      %gather3A = tpu.vector_load_idx %arg13[%add3A_65] : memref<512xf32, #tpu.memory_space<vmem>>[vector<16xi32>], vector<16xf32>,
      %sub3A = arith.subf %gather3A, %broadcast_in_dim3A : vector<16xf32>
      %mul3A_66 = arith.mulf %sub3A, %broadcast_in_dim3A_15 : vector<16xf32>
      %convert_element_type3A = arith.fptosi %mul3A_66 : vector<16xf32> to vector<16xi32>
      %max3A = arith.constant 0 : i32
      %max3A_67 = vector.broadcast %max3A : i32 to vector<16xi32>
      %max3A_68 = arith.maxsi %convert_element_type3A, %max3A_67 : vector<16xi32>
      %min3A = arith.constant 510 : i32
      %min3A_69 = vector.broadcast %min3A : i32 to vector<16xi32>
      %min3A_70 = arith.minsi %max3A_68, %min3A_69 : vector<16xi32>
      %convert_element_type3A_71 = arith.sitofp %min3A_70 : vector<16xi32> to vector<16xf32>
      %sub3A_72 = arith.subf %mul3A_66, %convert_element_type3A_71 : vector<16xf32>
      %mul3A_73 = arith.constant 16 : i32
      %mul3A_74 = arith.muli %scan3A_55, %mul3A_73 : i32
      %swap3A = arith.constant 0 : i32
      %swap3A_75 = arith.index_cast %swap3A : i32 to index
      %swap3A_76 = arith.index_cast %mul3A_74 : i32 to index
      %swap3A_77 = tpu.vector_load %arg14[%swap3A_75, %swap3A_76] {strides = array<i32>} : memref<4x128xf32, #tpu.memory_space<vmem>>, vector<16xf32>,
      tpu.vector_store %arg14[%swap3A_75, %swap3A_76], %sub3A_72 {strides = array<i32>} : memref<4x128xf32, #tpu.memory_space<vmem>>, vector<16xf32>,
      %mul3A_78 = arith.constant 4 : i32
      %mul3A_79 = vector.broadcast %mul3A_78 : i32 to vector<16xi32>
      %mul3A_80 = arith.muli %add3A_59, %mul3A_79 : vector<16xi32>
      %broadcast_in_dim3A_81 = arith.constant 1 : i32
      %broadcast_in_dim3A_82 = vector.broadcast %broadcast_in_dim3A_81 : i32 to vector<16xi32>
      %add3A_83 = arith.addi %mul3A_80, %broadcast_in_dim3A_82 : vector<16xi32>
      %gather3A_84 = tpu.vector_load_idx %arg13[%add3A_83] : memref<512xf32, #tpu.memory_space<vmem>>[vector<16xi32>], vector<16xf32>,
      %sub3A_85 = arith.subf %gather3A_84, %broadcast_in_dim3A_6 : vector<16xf32>
      %mul3A_86 = arith.mulf %sub3A_85, %broadcast_in_dim3A_18 : vector<16xf32>
      %convert_element_type3A_87 = arith.fptosi %mul3A_86 : vector<16xf32> to vector<16xi32>
      %max3A_88 = arith.constant 0 : i32
      %max3A_89 = vector.broadcast %max3A_88 : i32 to vector<16xi32>
      %max3A_90 = arith.maxsi %convert_element_type3A_87, %max3A_89 : vector<16xi32>
      %min3A_91 = arith.constant 510 : i32
      %min3A_92 = vector.broadcast %min3A_91 : i32 to vector<16xi32>
      %min3A_93 = arith.minsi %max3A_90, %min3A_92 : vector<16xi32>
      %convert_element_type3A_94 = arith.sitofp %min3A_93 : vector<16xi32> to vector<16xf32>
      %sub3A_95 = arith.subf %mul3A_86, %convert_element_type3A_94 : vector<16xf32>
      %mul3A_96 = arith.constant 16 : i32
      %mul3A_97 = arith.muli %scan3A_55, %mul3A_96 : i32
      %swap3A_98 = arith.constant 1 : i32
      %swap3A_99 = arith.index_cast %swap3A_98 : i32 to index
      %swap3A_100 = arith.index_cast %mul3A_97 : i32 to index
      %swap3A_101 = tpu.vector_load %arg14[%swap3A_99, %swap3A_100] {strides = array<i32>} : memref<4x128xf32, #tpu.memory_space<vmem>>, vector<16xf32>,
      tpu.vector_store %arg14[%swap3A_99, %swap3A_100], %sub3A_95 {strides = array<i32>} : memref<4x128xf32, #tpu.memory_space<vmem>>, vector<16xf32>,
      %mul3A_102 = arith.constant 4 : i32
      %mul3A_103 = vector.broadcast %mul3A_102 : i32 to vector<16xi32>
      %mul3A_104 = arith.muli %add3A_59, %mul3A_103 : vector<16xi32>
      %broadcast_in_dim3A_105 = arith.constant 2 : i32
      %broadcast_in_dim3A_106 = vector.broadcast %broadcast_in_dim3A_105 : i32 to vector<16xi32>
      %add3A_107 = arith.addi %mul3A_104, %broadcast_in_dim3A_106 : vector<16xi32>
      %gather3A_108 = tpu.vector_load_idx %arg13[%add3A_107] : memref<512xf32, #tpu.memory_space<vmem>>[vector<16xi32>], vector<16xf32>,
      %sub3A_109 = arith.subf %gather3A_108, %broadcast_in_dim3A_9 : vector<16xf32>
      %mul3A_110 = arith.mulf %sub3A_109, %broadcast_in_dim3A_21 : vector<16xf32>
      %convert_element_type3A_111 = arith.fptosi %mul3A_110 : vector<16xf32> to vector<16xi32>
      %max3A_112 = arith.constant 0 : i32
      %max3A_113 = vector.broadcast %max3A_112 : i32 to vector<16xi32>
      %max3A_114 = arith.maxsi %convert_element_type3A_111, %max3A_113 : vector<16xi32>
      %min3A_115 = arith.constant 510 : i32
      %min3A_116 = vector.broadcast %min3A_115 : i32 to vector<16xi32>
      %min3A_117 = arith.minsi %max3A_114, %min3A_116 : vector<16xi32>
      %convert_element_type3A_118 = arith.sitofp %min3A_117 : vector<16xi32> to vector<16xf32>
      %sub3A_119 = arith.subf %mul3A_110, %convert_element_type3A_118 : vector<16xf32>
      %mul3A_120 = arith.constant 16 : i32
      %mul3A_121 = arith.muli %scan3A_55, %mul3A_120 : i32
      %swap3A_122 = arith.constant 2 : i32
      %swap3A_123 = arith.index_cast %swap3A_122 : i32 to index
      %swap3A_124 = arith.index_cast %mul3A_121 : i32 to index
      %swap3A_125 = tpu.vector_load %arg14[%swap3A_123, %swap3A_124] {strides = array<i32>} : memref<4x128xf32, #tpu.memory_space<vmem>>, vector<16xf32>,
      tpu.vector_store %arg14[%swap3A_123, %swap3A_124], %sub3A_119 {strides = array<i32>} : memref<4x128xf32, #tpu.memory_space<vmem>>, vector<16xf32>,
      %mul3A_126 = arith.constant 4 : i32
      %mul3A_127 = vector.broadcast %mul3A_126 : i32 to vector<16xi32>
      %mul3A_128 = arith.muli %add3A_59, %mul3A_127 : vector<16xi32>
      %broadcast_in_dim3A_129 = arith.constant 3 : i32
      %broadcast_in_dim3A_130 = vector.broadcast %broadcast_in_dim3A_129 : i32 to vector<16xi32>
      %add3A_131 = arith.addi %mul3A_128, %broadcast_in_dim3A_130 : vector<16xi32>
      %gather3A_132 = tpu.vector_load_idx %arg13[%add3A_131] : memref<512xf32, #tpu.memory_space<vmem>>[vector<16xi32>], vector<16xf32>,
      %sub3A_133 = arith.subf %gather3A_132, %broadcast_in_dim3A_12 : vector<16xf32>
      %mul3A_134 = arith.mulf %sub3A_133, %broadcast_in_dim3A_24 : vector<16xf32>
      %convert_element_type3A_135 = arith.fptosi %mul3A_134 : vector<16xf32> to vector<16xi32>
      %max3A_136 = arith.constant 0 : i32
      %max3A_137 = vector.broadcast %max3A_136 : i32 to vector<16xi32>
      %max3A_138 = arith.maxsi %convert_element_type3A_135, %max3A_137 : vector<16xi32>
      %min3A_139 = arith.constant 510 : i32
      %min3A_140 = vector.broadcast %min3A_139 : i32 to vector<16xi32>
      %min3A_141 = arith.minsi %max3A_138, %min3A_140 : vector<16xi32>
      %convert_element_type3A_142 = arith.sitofp %min3A_141 : vector<16xi32> to vector<16xf32>
      %sub3A_143 = arith.subf %mul3A_134, %convert_element_type3A_142 : vector<16xf32>
      %mul3A_144 = arith.constant 16 : i32
      %mul3A_145 = arith.muli %scan3A_55, %mul3A_144 : i32
      %swap3A_146 = arith.constant 3 : i32
      %swap3A_147 = arith.index_cast %swap3A_146 : i32 to index
      %swap3A_148 = arith.index_cast %mul3A_145 : i32 to index
      %swap3A_149 = tpu.vector_load %arg14[%swap3A_147, %swap3A_148] {strides = array<i32>} : memref<4x128xf32, #tpu.memory_space<vmem>>, vector<16xf32>,
      tpu.vector_store %arg14[%swap3A_147, %swap3A_148], %sub3A_143 {strides = array<i32>} : memref<4x128xf32, #tpu.memory_space<vmem>>, vector<16xf32>,
      %mul3A_150 = arith.constant 512 : i32
      %mul3A_151 = vector.broadcast %mul3A_150 : i32 to vector<16xi32>
      %mul3A_152 = arith.muli %min3A_70, %mul3A_151 : vector<16xi32>
      %add3A_153 = arith.addi %mul3A_152, %min3A_93 : vector<16xi32>
      %broadcast_in_dim3A_154 = arith.constant 0 : i32
      %broadcast_in_dim3A_155 = vector.broadcast %broadcast_in_dim3A_154 : i32 to vector<16xi32>
      %add3A_156 = arith.addi %add3A_153, %broadcast_in_dim3A_155 : vector<16xi32>
      %shift_right_arithmetic3A = arith.constant 1 : i32
      %shift_right_arithmetic3A_157 = vector.broadcast %shift_right_arithmetic3A : i32 to vector<16xi32>
      %shift_right_arithmetic3A_158 = arith.shrsi %add3A_156, %shift_right_arithmetic3A_157 : vector<16xi32>
      %and3A = arith.constant 1 : i32
      %and3A_159 = vector.broadcast %and3A : i32 to vector<16xi32>
      %and3A_160 = arith.andi %add3A_156, %and3A_159 : vector<16xi32>
      %mul3A_161 = arith.constant 786432 : i32
      %mul3A_162 = vector.broadcast %mul3A_161 : i32 to vector<16xi32>
      %mul3A_163 = arith.muli %and3A_160, %mul3A_162 : vector<16xi32>
      %add3A_164 = arith.addi %shift_right_arithmetic3A_158, %mul3A_163 : vector<16xi32>
      %mul3A_165 = arith.constant 16 : i32
      %mul3A_166 = arith.muli %scan3A_55, %mul3A_165 : i32
      %add3A_167 = arith.constant 0 : i32
      %add3A_168 = arith.addi %add3A_167, %mul3A_166 : i32
      %swap3A_169 = arith.index_cast %add3A_168 : i32 to index
      %swap3A_170 = tpu.vector_load %arg15[%swap3A_169] {strides = array<i32>} : memref<1536xi32, #tpu.memory_space<vmem>>, vector<16xi32>,
      tpu.vector_store %arg15[%swap3A_169], %add3A_164 {strides = array<i32>} : memref<1536xi32, #tpu.memory_space<vmem>>, vector<16xi32>,
      %add3A_171 = arith.constant 256 : i32
      %add3A_172 = vector.broadcast %add3A_171 : i32 to vector<16xi32>
      %add3A_173 = arith.addi %add3A_164, %add3A_172 : vector<16xi32>
      %mul3A_174 = arith.constant 16 : i32
      %mul3A_175 = arith.muli %scan3A_55, %mul3A_174 : i32
      %add3A_176 = arith.constant 128 : i32
      %add3A_177 = arith.addi %add3A_176, %mul3A_175 : i32
      %swap3A_178 = arith.index_cast %add3A_177 : i32 to index
      %swap3A_179 = tpu.vector_load %arg15[%swap3A_178] {strides = array<i32>} : memref<1536xi32, #tpu.memory_space<vmem>>, vector<16xi32>,
      tpu.vector_store %arg15[%swap3A_178], %add3A_173 {strides = array<i32>} : memref<1536xi32, #tpu.memory_space<vmem>>, vector<16xi32>,
      %mul3A_180 = arith.constant 512 : i32
      %mul3A_181 = vector.broadcast %mul3A_180 : i32 to vector<16xi32>
      %mul3A_182 = arith.muli %min3A_117, %mul3A_181 : vector<16xi32>
      %add3A_183 = arith.addi %mul3A_182, %min3A_141 : vector<16xi32>
      %broadcast_in_dim3A_184 = arith.constant 262144 : i32
      %broadcast_in_dim3A_185 = vector.broadcast %broadcast_in_dim3A_184 : i32 to vector<16xi32>
      %add3A_186 = arith.addi %add3A_183, %broadcast_in_dim3A_185 : vector<16xi32>
      %shift_right_arithmetic3A_187 = arith.constant 1 : i32
      %shift_right_arithmetic3A_188 = vector.broadcast %shift_right_arithmetic3A_187 : i32 to vector<16xi32>
      %shift_right_arithmetic3A_189 = arith.shrsi %add3A_186, %shift_right_arithmetic3A_188 : vector<16xi32>
      %and3A_190 = arith.constant 1 : i32
      %and3A_191 = vector.broadcast %and3A_190 : i32 to vector<16xi32>
      %and3A_192 = arith.andi %add3A_186, %and3A_191 : vector<16xi32>
      %mul3A_193 = arith.constant 786432 : i32
      %mul3A_194 = vector.broadcast %mul3A_193 : i32 to vector<16xi32>
      %mul3A_195 = arith.muli %and3A_192, %mul3A_194 : vector<16xi32>
      %add3A_196 = arith.addi %shift_right_arithmetic3A_189, %mul3A_195 : vector<16xi32>
      %mul3A_197 = arith.constant 16 : i32
      %mul3A_198 = arith.muli %scan3A_55, %mul3A_197 : i32
      %add3A_199 = arith.constant 256 : i32
      %add3A_200 = arith.addi %add3A_199, %mul3A_198 : i32
      %swap3A_201 = arith.index_cast %add3A_200 : i32 to index
      %swap3A_202 = tpu.vector_load %arg15[%swap3A_201] {strides = array<i32>} : memref<1536xi32, #tpu.memory_space<vmem>>, vector<16xi32>,
      tpu.vector_store %arg15[%swap3A_201], %add3A_196 {strides = array<i32>} : memref<1536xi32, #tpu.memory_space<vmem>>, vector<16xi32>,
      %add3A_203 = arith.constant 256 : i32
      %add3A_204 = vector.broadcast %add3A_203 : i32 to vector<16xi32>
      %add3A_205 = arith.addi %add3A_196, %add3A_204 : vector<16xi32>
      %mul3A_206 = arith.constant 16 : i32
      %mul3A_207 = arith.muli %scan3A_55, %mul3A_206 : i32
      %add3A_208 = arith.constant 384 : i32
      %add3A_209 = arith.addi %add3A_208, %mul3A_207 : i32
      %swap3A_210 = arith.index_cast %add3A_209 : i32 to index
      %swap3A_211 = tpu.vector_load %arg15[%swap3A_210] {strides = array<i32>} : memref<1536xi32, #tpu.memory_space<vmem>>, vector<16xi32>,
      tpu.vector_store %arg15[%swap3A_210], %add3A_205 {strides = array<i32>} : memref<1536xi32, #tpu.memory_space<vmem>>, vector<16xi32>,
      %mul3A_212 = arith.constant 512 : i32
      %mul3A_213 = vector.broadcast %mul3A_212 : i32 to vector<16xi32>
      %mul3A_214 = arith.muli %min3A_70, %mul3A_213 : vector<16xi32>
      %add3A_215 = arith.addi %mul3A_214, %min3A_117 : vector<16xi32>
      %broadcast_in_dim3A_216 = arith.constant 524288 : i32
      %broadcast_in_dim3A_217 = vector.broadcast %broadcast_in_dim3A_216 : i32 to vector<16xi32>
      %add3A_218 = arith.addi %add3A_215, %broadcast_in_dim3A_217 : vector<16xi32>
      %shift_right_arithmetic3A_219 = arith.constant 1 : i32
      %shift_right_arithmetic3A_220 = vector.broadcast %shift_right_arithmetic3A_219 : i32 to vector<16xi32>
      %shift_right_arithmetic3A_221 = arith.shrsi %add3A_218, %shift_right_arithmetic3A_220 : vector<16xi32>
      %and3A_222 = arith.constant 1 : i32
      %and3A_223 = vector.broadcast %and3A_222 : i32 to vector<16xi32>
      %and3A_224 = arith.andi %add3A_218, %and3A_223 : vector<16xi32>
      %mul3A_225 = arith.constant 786432 : i32
      %mul3A_226 = vector.broadcast %mul3A_225 : i32 to vector<16xi32>
      %mul3A_227 = arith.muli %and3A_224, %mul3A_226 : vector<16xi32>
      %add3A_228 = arith.addi %shift_right_arithmetic3A_221, %mul3A_227 : vector<16xi32>
      %mul3A_229 = arith.constant 16 : i32
      %mul3A_230 = arith.muli %scan3A_55, %mul3A_229 : i32
      %add3A_231 = arith.constant 512 : i32
      %add3A_232 = arith.addi %add3A_231, %mul3A_230 : i32
      %swap3A_233 = arith.index_cast %add3A_232 : i32 to index
      %swap3A_234 = tpu.vector_load %arg15[%swap3A_233] {strides = array<i32>} : memref<1536xi32, #tpu.memory_space<vmem>>, vector<16xi32>,
      tpu.vector_store %arg15[%swap3A_233], %add3A_228 {strides = array<i32>} : memref<1536xi32, #tpu.memory_space<vmem>>, vector<16xi32>,
      %add3A_235 = arith.constant 256 : i32
      %add3A_236 = vector.broadcast %add3A_235 : i32 to vector<16xi32>
      %add3A_237 = arith.addi %add3A_228, %add3A_236 : vector<16xi32>
      %mul3A_238 = arith.constant 16 : i32
      %mul3A_239 = arith.muli %scan3A_55, %mul3A_238 : i32
      %add3A_240 = arith.constant 640 : i32
      %add3A_241 = arith.addi %add3A_240, %mul3A_239 : i32
      %swap3A_242 = arith.index_cast %add3A_241 : i32 to index
      %swap3A_243 = tpu.vector_load %arg15[%swap3A_242] {strides = array<i32>} : memref<1536xi32, #tpu.memory_space<vmem>>, vector<16xi32>,
      tpu.vector_store %arg15[%swap3A_242], %add3A_237 {strides = array<i32>} : memref<1536xi32, #tpu.memory_space<vmem>>, vector<16xi32>,
      %mul3A_244 = arith.constant 512 : i32
      %mul3A_245 = vector.broadcast %mul3A_244 : i32 to vector<16xi32>
      %mul3A_246 = arith.muli %min3A_70, %mul3A_245 : vector<16xi32>
      %add3A_247 = arith.addi %mul3A_246, %min3A_141 : vector<16xi32>
      %broadcast_in_dim3A_248 = arith.constant 786432 : i32
      %broadcast_in_dim3A_249 = vector.broadcast %broadcast_in_dim3A_248 : i32 to vector<16xi32>
      %add3A_250 = arith.addi %add3A_247, %broadcast_in_dim3A_249 : vector<16xi32>
      %shift_right_arithmetic3A_251 = arith.constant 1 : i32
      %shift_right_arithmetic3A_252 = vector.broadcast %shift_right_arithmetic3A_251 : i32 to vector<16xi32>
      %shift_right_arithmetic3A_253 = arith.shrsi %add3A_250, %shift_right_arithmetic3A_252 : vector<16xi32>
      %and3A_254 = arith.constant 1 : i32
      %and3A_255 = vector.broadcast %and3A_254 : i32 to vector<16xi32>
      %and3A_256 = arith.andi %add3A_250, %and3A_255 : vector<16xi32>
      %mul3A_257 = arith.constant 786432 : i32
      %mul3A_258 = vector.broadcast %mul3A_257 : i32 to vector<16xi32>
      %mul3A_259 = arith.muli %and3A_256, %mul3A_258 : vector<16xi32>
      %add3A_260 = arith.addi %shift_right_arithmetic3A_253, %mul3A_259 : vector<16xi32>
      %mul3A_261 = arith.constant 16 : i32
      %mul3A_262 = arith.muli %scan3A_55, %mul3A_261 : i32
      %add3A_263 = arith.constant 768 : i32
      %add3A_264 = arith.addi %add3A_263, %mul3A_262 : i32
      %swap3A_265 = arith.index_cast %add3A_264 : i32 to index
      %swap3A_266 = tpu.vector_load %arg15[%swap3A_265] {strides = array<i32>} : memref<1536xi32, #tpu.memory_space<vmem>>, vector<16xi32>,
      tpu.vector_store %arg15[%swap3A_265], %add3A_260 {strides = array<i32>} : memref<1536xi32, #tpu.memory_space<vmem>>, vector<16xi32>,
      %add3A_267 = arith.constant 256 : i32
      %add3A_268 = vector.broadcast %add3A_267 : i32 to vector<16xi32>
      %add3A_269 = arith.addi %add3A_260, %add3A_268 : vector<16xi32>
      %mul3A_270 = arith.constant 16 : i32
      %mul3A_271 = arith.muli %scan3A_55, %mul3A_270 : i32
      %add3A_272 = arith.constant 896 : i32
      %add3A_273 = arith.addi %add3A_272, %mul3A_271 : i32
      %swap3A_274 = arith.index_cast %add3A_273 : i32 to index
      %swap3A_275 = tpu.vector_load %arg15[%swap3A_274] {strides = array<i32>} : memref<1536xi32, #tpu.memory_space<vmem>>, vector<16xi32>,
      tpu.vector_store %arg15[%swap3A_274], %add3A_269 {strides = array<i32>} : memref<1536xi32, #tpu.memory_space<vmem>>, vector<16xi32>,
      %mul3A_276 = arith.constant 512 : i32
      %mul3A_277 = vector.broadcast %mul3A_276 : i32 to vector<16xi32>
      %mul3A_278 = arith.muli %min3A_93, %mul3A_277 : vector<16xi32>
      %add3A_279 = arith.addi %mul3A_278, %min3A_117 : vector<16xi32>
      %broadcast_in_dim3A_280 = arith.constant 1048576 : i32
      %broadcast_in_dim3A_281 = vector.broadcast %broadcast_in_dim3A_280 : i32 to vector<16xi32>
      %add3A_282 = arith.addi %add3A_279, %broadcast_in_dim3A_281 : vector<16xi32>
      %shift_right_arithmetic3A_283 = arith.constant 1 : i32
      %shift_right_arithmetic3A_284 = vector.broadcast %shift_right_arithmetic3A_283 : i32 to vector<16xi32>
      %shift_right_arithmetic3A_285 = arith.shrsi %add3A_282, %shift_right_arithmetic3A_284 : vector<16xi32>
      %and3A_286 = arith.constant 1 : i32
      %and3A_287 = vector.broadcast %and3A_286 : i32 to vector<16xi32>
      %and3A_288 = arith.andi %add3A_282, %and3A_287 : vector<16xi32>
      %mul3A_289 = arith.constant 786432 : i32
      %mul3A_290 = vector.broadcast %mul3A_289 : i32 to vector<16xi32>
      %mul3A_291 = arith.muli %and3A_288, %mul3A_290 : vector<16xi32>
      %add3A_292 = arith.addi %shift_right_arithmetic3A_285, %mul3A_291 : vector<16xi32>
      %mul3A_293 = arith.constant 16 : i32
      %mul3A_294 = arith.muli %scan3A_55, %mul3A_293 : i32
      %add3A_295 = arith.constant 1024 : i32
      %add3A_296 = arith.addi %add3A_295, %mul3A_294 : i32
      %swap3A_297 = arith.index_cast %add3A_296 : i32 to index
      %swap3A_298 = tpu.vector_load %arg15[%swap3A_297] {strides = array<i32>} : memref<1536xi32, #tpu.memory_space<vmem>>, vector<16xi32>,
      tpu.vector_store %arg15[%swap3A_297], %add3A_292 {strides = array<i32>} : memref<1536xi32, #tpu.memory_space<vmem>>, vector<16xi32>,
      %add3A_299 = arith.constant 256 : i32
      %add3A_300 = vector.broadcast %add3A_299 : i32 to vector<16xi32>
      %add3A_301 = arith.addi %add3A_292, %add3A_300 : vector<16xi32>
      %mul3A_302 = arith.constant 16 : i32
      %mul3A_303 = arith.muli %scan3A_55, %mul3A_302 : i32
      %add3A_304 = arith.constant 1152 : i32
      %add3A_305 = arith.addi %add3A_304, %mul3A_303 : i32
      %swap3A_306 = arith.index_cast %add3A_305 : i32 to index
      %swap3A_307 = tpu.vector_load %arg15[%swap3A_306] {strides = array<i32>} : memref<1536xi32, #tpu.memory_space<vmem>>, vector<16xi32>,
      tpu.vector_store %arg15[%swap3A_306], %add3A_301 {strides = array<i32>} : memref<1536xi32, #tpu.memory_space<vmem>>, vector<16xi32>,
      %mul3A_308 = arith.constant 512 : i32
      %mul3A_309 = vector.broadcast %mul3A_308 : i32 to vector<16xi32>
      %mul3A_310 = arith.muli %min3A_93, %mul3A_309 : vector<16xi32>
      %add3A_311 = arith.addi %mul3A_310, %min3A_141 : vector<16xi32>
      %broadcast_in_dim3A_312 = arith.constant 1310720 : i32
      %broadcast_in_dim3A_313 = vector.broadcast %broadcast_in_dim3A_312 : i32 to vector<16xi32>
      %add3A_314 = arith.addi %add3A_311, %broadcast_in_dim3A_313 : vector<16xi32>
      %shift_right_arithmetic3A_315 = arith.constant 1 : i32
      %shift_right_arithmetic3A_316 = vector.broadcast %shift_right_arithmetic3A_315 : i32 to vector<16xi32>
      %shift_right_arithmetic3A_317 = arith.shrsi %add3A_314, %shift_right_arithmetic3A_316 : vector<16xi32>
      %and3A_318 = arith.constant 1 : i32
      %and3A_319 = vector.broadcast %and3A_318 : i32 to vector<16xi32>
      %and3A_320 = arith.andi %add3A_314, %and3A_319 : vector<16xi32>
      %mul3A_321 = arith.constant 786432 : i32
      %mul3A_322 = vector.broadcast %mul3A_321 : i32 to vector<16xi32>
      %mul3A_323 = arith.muli %and3A_320, %mul3A_322 : vector<16xi32>
      %add3A_324 = arith.addi %shift_right_arithmetic3A_317, %mul3A_323 : vector<16xi32>
      %mul3A_325 = arith.constant 16 : i32
      %mul3A_326 = arith.muli %scan3A_55, %mul3A_325 : i32
      %add3A_327 = arith.constant 1280 : i32
      %add3A_328 = arith.addi %add3A_327, %mul3A_326 : i32
      %swap3A_329 = arith.index_cast %add3A_328 : i32 to index
      %swap3A_330 = tpu.vector_load %arg15[%swap3A_329] {strides = array<i32>} : memref<1536xi32, #tpu.memory_space<vmem>>, vector<16xi32>,
      tpu.vector_store %arg15[%swap3A_329], %add3A_324 {strides = array<i32>} : memref<1536xi32, #tpu.memory_space<vmem>>, vector<16xi32>,
      %add3A_331 = arith.constant 256 : i32
      %add3A_332 = vector.broadcast %add3A_331 : i32 to vector<16xi32>
      %add3A_333 = arith.addi %add3A_324, %add3A_332 : vector<16xi32>
      %mul3A_334 = arith.constant 16 : i32
      %mul3A_335 = arith.muli %scan3A_55, %mul3A_334 : i32
      %add3A_336 = arith.constant 1408 : i32
      %add3A_337 = arith.addi %add3A_336, %mul3A_335 : i32
      %swap3A_338 = arith.index_cast %add3A_337 : i32 to index
      %swap3A_339 = tpu.vector_load %arg15[%swap3A_338] {strides = array<i32>} : memref<1536xi32, #tpu.memory_space<vmem>>, vector<16xi32>,
      tpu.vector_store %arg15[%swap3A_338], %add3A_333 {strides = array<i32>} : memref<1536xi32, #tpu.memory_space<vmem>>, vector<16xi32>,
    }
    %scan3A_45 = arith.constant 8 : i32
    %dma_start3A_46 = arith.constant 0 : i32
    %dma_start3A_47 = arith.constant 0 : i32
    %dma_start3A_48 = tpu.memref_slice %arg3[%dma_start3A_46, %dma_start3A_47] : memref<1572864x16xf32, #tpu.memory_space<hbm>> -> memref<1572864x16xf32, #tpu.memory_space<hbm>>
    tpu.enqueue_indirect_dma source(%dma_start3A_48 : memref<1572864x16xf32, #tpu.memory_space<hbm>>) target(%arg16 : memref<1536x16xf32, #tpu.memory_space<vmem>>) offsets(%arg15 : memref<1536xi32, #tpu.memory_space<vmem>>) semaphore(%arg17 : memref<!tpu.dma_semaphore, #tpu.memory_space<semaphore_mem>>)
    %scan3A_49 = arith.constant 0 : i32
    %scan3A_50 = arith.constant 0 : i32
    %scan3A_51 = arith.constant 64 : i32
    %scan3A_52 = arith.addi %scan3A_50, %scan3A_51 : i32
    %scan3A_53 = arith.constant 1 : i32
    scf.for %scan3A_55 = %scan3A_50 to %scan3A_52 step %scan3A_53  : i32 {
      %mul3A_56 = arith.constant 2 : i32
      %mul3A_57 = arith.muli %mul3A_56, %scan3A_55 : i32
      %dma_wait3A = arith.constant 0 : i32
      %dma_wait3A_58 = arith.constant 0 : i32
      %dma_wait3A_59 = tpu.memref_slice %arg3[%dma_wait3A, %dma_wait3A_58] : memref<1572864x16xf32, #tpu.memory_space<hbm>> -> memref<1572864x16xf32, #tpu.memory_space<hbm>>
      tpu.wait_indirect_dma semaphore(%arg12 : memref<!tpu.dma_semaphore, #tpu.memory_space<semaphore_mem>>) src(%dma_wait3A_59 : memref<1572864x16xf32, #tpu.memory_space<hbm>>) dst(%arg11 : memref<1536x16xf32, #tpu.memory_space<vmem>>)
      %scan3A_60 = arith.constant 0 : i32
      %scan3A_61 = arith.constant 0 : i32
      %scan3A_62 = arith.constant 8 : i32
      %scan3A_63 = arith.addi %scan3A_61, %scan3A_62 : i32
      %scan3A_64 = arith.constant 1 : i32
      scf.for %scan3A_98 = %scan3A_61 to %scan3A_63 step %scan3A_64  : i32 {
        %mul3A_99 = arith.constant 16 : i32
        %mul3A_100 = arith.muli %scan3A_98, %mul3A_99 : i32
        %broadcast_in_dim3A_101 = vector.broadcast %mul3A_100 : i32 to vector<16xi32>
        %add3A_102 = arith.addi %broadcast_in_dim3A_101, %iota3A : vector<16xi32>
        %mul3A_103 = arith.constant 16 : i32
        %mul3A_104 = arith.muli %scan3A_98, %mul3A_103 : i32
        %get3A_105 = arith.constant 0 : i32
        %get3A_106 = arith.index_cast %get3A_105 : i32 to index
        %get3A_107 = arith.index_cast %mul3A_104 : i32 to index
        %get3A_108 = tpu.vector_load %arg9[%get3A_106, %get3A_107] {strides = array<i32>} : memref<4x128xf32, #tpu.memory_space<vmem>>, vector<16xf32>,
        %mul3A_109 = arith.constant 16 : i32
        %mul3A_110 = arith.muli %scan3A_98, %mul3A_109 : i32
        %get3A_111 = arith.constant 1 : i32
        %get3A_112 = arith.index_cast %get3A_111 : i32 to index
        %get3A_113 = arith.index_cast %mul3A_110 : i32 to index
        %get3A_114 = tpu.vector_load %arg9[%get3A_112, %get3A_113] {strides = array<i32>} : memref<4x128xf32, #tpu.memory_space<vmem>>, vector<16xf32>,
        %mul3A_115 = arith.constant 16 : i32
        %mul3A_116 = arith.muli %scan3A_98, %mul3A_115 : i32
        %get3A_117 = arith.constant 2 : i32
        %get3A_118 = arith.index_cast %get3A_117 : i32 to index
        %get3A_119 = arith.index_cast %mul3A_116 : i32 to index
        %get3A_120 = tpu.vector_load %arg9[%get3A_118, %get3A_119] {strides = array<i32>} : memref<4x128xf32, #tpu.memory_space<vmem>>, vector<16xf32>,
        %mul3A_121 = arith.constant 16 : i32
        %mul3A_122 = arith.muli %scan3A_98, %mul3A_121 : i32
        %get3A_123 = arith.constant 3 : i32
        %get3A_124 = arith.index_cast %get3A_123 : i32 to index
        %get3A_125 = arith.index_cast %mul3A_122 : i32 to index
        %get3A_126 = tpu.vector_load %arg9[%get3A_124, %get3A_125] {strides = array<i32>} : memref<4x128xf32, #tpu.memory_space<vmem>>, vector<16xf32>,
        %broadcast_in_dim3A_127 = arith.constant 1.000000e+00 : f32
        %broadcast_in_dim3A_128 = vector.broadcast %broadcast_in_dim3A_127 : f32 to vector<16xf32>
        %mul3A_129 = arith.constant 48 : i32
        %mul3A_130 = vector.broadcast %mul3A_129 : i32 to vector<16xi32>
        %mul3A_131 = arith.muli %add3A_102, %mul3A_130 : vector<16xi32>
        %sub3A = arith.subf %broadcast_in_dim3A_128, %get3A_108 : vector<16xf32>
        %sub3A_132 = arith.subf %broadcast_in_dim3A_128, %get3A_114 : vector<16xf32>
        %mul3A_133 = arith.mulf %sub3A, %sub3A_132 : vector<16xf32>
        %mul3A_134 = arith.mulf %sub3A, %get3A_114 : vector<16xf32>
        %mul3A_135 = arith.mulf %get3A_108, %sub3A_132 : vector<16xf32>
        %mul3A_136 = arith.mulf %get3A_108, %get3A_114 : vector<16xf32>
        %broadcast_in_dim3A_137 = arith.constant 0 : i32
        %broadcast_in_dim3A_138 = vector.broadcast %broadcast_in_dim3A_137 : i32 to vector<16xi32>
        %add3A_139 = arith.addi %add3A_102, %broadcast_in_dim3A_138 : vector<16xi32>
        %broadcast_in_dim3A_140 = arith.constant 128 : i32
        %broadcast_in_dim3A_141 = vector.broadcast %broadcast_in_dim3A_140 : i32 to vector<16xi32>
        %add3A_142 = arith.addi %add3A_139, %broadcast_in_dim3A_141 : vector<16xi32>
        %broadcast_in_dim3A_143 = arith.constant 0 : i32
        %broadcast_in_dim3A_144 = vector.broadcast %broadcast_in_dim3A_143 : i32 to vector<16xi32>
        %gather3A = tpu.vector_load_idx %arg11[%add3A_139, %broadcast_in_dim3A_144] : memref<1536x16xf32, #tpu.memory_space<vmem>>[vector<16xi32>, vector<16xi32>], vector<16xf32>,
        %broadcast_in_dim3A_145 = arith.constant 8 : i32
        %broadcast_in_dim3A_146 = vector.broadcast %broadcast_in_dim3A_145 : i32 to vector<16xi32>
        %gather3A_147 = tpu.vector_load_idx %arg11[%add3A_139, %broadcast_in_dim3A_146] : memref<1536x16xf32, #tpu.memory_space<vmem>>[vector<16xi32>, vector<16xi32>], vector<16xf32>,
        %broadcast_in_dim3A_148 = arith.constant 0 : i32
        %broadcast_in_dim3A_149 = vector.broadcast %broadcast_in_dim3A_148 : i32 to vector<16xi32>
        %gather3A_150 = tpu.vector_load_idx %arg11[%add3A_142, %broadcast_in_dim3A_149] : memref<1536x16xf32, #tpu.memory_space<vmem>>[vector<16xi32>, vector<16xi32>], vector<16xf32>,
        %broadcast_in_dim3A_151 = arith.constant 8 : i32
        %broadcast_in_dim3A_152 = vector.broadcast %broadcast_in_dim3A_151 : i32 to vector<16xi32>
        %gather3A_153 = tpu.vector_load_idx %arg11[%add3A_142, %broadcast_in_dim3A_152] : memref<1536x16xf32, #tpu.memory_space<vmem>>[vector<16xi32>, vector<16xi32>], vector<16xf32>,
        %mul3A_154 = arith.mulf %mul3A_133, %gather3A : vector<16xf32>
        %mul3A_155 = arith.mulf %mul3A_134, %gather3A_147 : vector<16xf32>
        %add3A_156 = arith.addf %mul3A_154, %mul3A_155 : vector<16xf32>
        %mul3A_157 = arith.mulf %mul3A_135, %gather3A_150 : vector<16xf32>
        %add3A_158 = arith.addf %add3A_156, %mul3A_157 : vector<16xf32>
        %mul3A_159 = arith.mulf %mul3A_136, %gather3A_153 : vector<16xf32>
        %add3A_160 = arith.addf %add3A_158, %mul3A_159 : vector<16xf32>
        %broadcast_in_dim3A_161 = arith.constant 0 : i32
        %broadcast_in_dim3A_162 = vector.broadcast %broadcast_in_dim3A_161 : i32 to vector<16xi32>
        %add3A_163 = arith.addi %mul3A_131, %broadcast_in_dim3A_162 : vector<16xi32>
        tpu.vector_store_idx %arg7[%add3A_163], %add3A_160 : memref<6144xf32, #tpu.memory_space<vmem>>[vector<16xi32>], vector<16xf32>,
        %broadcast_in_dim3A_164 = arith.constant 1 : i32
        %broadcast_in_dim3A_165 = vector.broadcast %broadcast_in_dim3A_164 : i32 to vector<16xi32>
        %gather3A_166 = tpu.vector_load_idx %arg11[%add3A_139, %broadcast_in_dim3A_165] : memref<1536x16xf32, #tpu.memory_space<vmem>>[vector<16xi32>, vector<16xi32>], vector<16xf32>,
        %broadcast_in_dim3A_167 = arith.constant 9 : i32
        %broadcast_in_dim3A_168 = vector.broadcast %broadcast_in_dim3A_167 : i32 to vector<16xi32>
        %gather3A_169 = tpu.vector_load_idx %arg11[%add3A_139, %broadcast_in_dim3A_168] : memref<1536x16xf32, #tpu.memory_space<vmem>>[vector<16xi32>, vector<16xi32>], vector<16xf32>,
        %broadcast_in_dim3A_170 = arith.constant 1 : i32
        %broadcast_in_dim3A_171 = vector.broadcast %broadcast_in_dim3A_170 : i32 to vector<16xi32>
        %gather3A_172 = tpu.vector_load_idx %arg11[%add3A_142, %broadcast_in_dim3A_171] : memref<1536x16xf32, #tpu.memory_space<vmem>>[vector<16xi32>, vector<16xi32>], vector<16xf32>,
        %broadcast_in_dim3A_173 = arith.constant 9 : i32
        %broadcast_in_dim3A_174 = vector.broadcast %broadcast_in_dim3A_173 : i32 to vector<16xi32>
        %gather3A_175 = tpu.vector_load_idx %arg11[%add3A_142, %broadcast_in_dim3A_174] : memref<1536x16xf32, #tpu.memory_space<vmem>>[vector<16xi32>, vector<16xi32>], vector<16xf32>,
        %mul3A_176 = arith.mulf %mul3A_133, %gather3A_166 : vector<16xf32>
        %mul3A_177 = arith.mulf %mul3A_134, %gather3A_169 : vector<16xf32>
        %add3A_178 = arith.addf %mul3A_176, %mul3A_177 : vector<16xf32>
        %mul3A_179 = arith.mulf %mul3A_135, %gather3A_172 : vector<16xf32>
        %add3A_180 = arith.addf %add3A_178, %mul3A_179 : vector<16xf32>
        %mul3A_181 = arith.mulf %mul3A_136, %gather3A_175 : vector<16xf32>
        %add3A_182 = arith.addf %add3A_180, %mul3A_181 : vector<16xf32>
        %broadcast_in_dim3A_183 = arith.constant 1 : i32
        %broadcast_in_dim3A_184 = vector.broadcast %broadcast_in_dim3A_183 : i32 to vector<16xi32>
        %add3A_185 = arith.addi %mul3A_131, %broadcast_in_dim3A_184 : vector<16xi32>
        tpu.vector_store_idx %arg7[%add3A_185], %add3A_182 : memref<6144xf32, #tpu.memory_space<vmem>>[vector<16xi32>], vector<16xf32>,
        %broadcast_in_dim3A_186 = arith.constant 2 : i32
        %broadcast_in_dim3A_187 = vector.broadcast %broadcast_in_dim3A_186 : i32 to vector<16xi32>
        %gather3A_188 = tpu.vector_load_idx %arg11[%add3A_139, %broadcast_in_dim3A_187] : memref<1536x16xf32, #tpu.memory_space<vmem>>[vector<16xi32>, vector<16xi32>], vector<16xf32>,
        %broadcast_in_dim3A_189 = arith.constant 10 : i32
        %broadcast_in_dim3A_190 = vector.broadcast %broadcast_in_dim3A_189 : i32 to vector<16xi32>
        %gather3A_191 = tpu.vector_load_idx %arg11[%add3A_139, %broadcast_in_dim3A_190] : memref<1536x16xf32, #tpu.memory_space<vmem>>[vector<16xi32>, vector<16xi32>], vector<16xf32>,
        %broadcast_in_dim3A_192 = arith.constant 2 : i32
        %broadcast_in_dim3A_193 = vector.broadcast %broadcast_in_dim3A_192 : i32 to vector<16xi32>
        %gather3A_194 = tpu.vector_load_idx %arg11[%add3A_142, %broadcast_in_dim3A_193] : memref<1536x16xf32, #tpu.memory_space<vmem>>[vector<16xi32>, vector<16xi32>], vector<16xf32>,
        %broadcast_in_dim3A_195 = arith.constant 10 : i32
        %broadcast_in_dim3A_196 = vector.broadcast %broadcast_in_dim3A_195 : i32 to vector<16xi32>
        %gather3A_197 = tpu.vector_load_idx %arg11[%add3A_142, %broadcast_in_dim3A_196] : memref<1536x16xf32, #tpu.memory_space<vmem>>[vector<16xi32>, vector<16xi32>], vector<16xf32>,
        %mul3A_198 = arith.mulf %mul3A_133, %gather3A_188 : vector<16xf32>
        %mul3A_199 = arith.mulf %mul3A_134, %gather3A_191 : vector<16xf32>
        %add3A_200 = arith.addf %mul3A_198, %mul3A_199 : vector<16xf32>
        %mul3A_201 = arith.mulf %mul3A_135, %gather3A_194 : vector<16xf32>
        %add3A_202 = arith.addf %add3A_200, %mul3A_201 : vector<16xf32>
        %mul3A_203 = arith.mulf %mul3A_136, %gather3A_197 : vector<16xf32>
        %add3A_204 = arith.addf %add3A_202, %mul3A_203 : vector<16xf32>
        %broadcast_in_dim3A_205 = arith.constant 2 : i32
        %broadcast_in_dim3A_206 = vector.broadcast %broadcast_in_dim3A_205 : i32 to vector<16xi32>
        %add3A_207 = arith.addi %mul3A_131, %broadcast_in_dim3A_206 : vector<16xi32>
        tpu.vector_store_idx %arg7[%add3A_207], %add3A_204 : memref<6144xf32, #tpu.memory_space<vmem>>[vector<16xi32>], vector<16xf32>,
        %broadcast_in_dim3A_208 = arith.constant 3 : i32
        %broadcast_in_dim3A_209 = vector.broadcast %broadcast_in_dim3A_208 : i32 to vector<16xi32>
        %gather3A_210 = tpu.vector_load_idx %arg11[%add3A_139, %broadcast_in_dim3A_209] : memref<1536x16xf32, #tpu.memory_space<vmem>>[vector<16xi32>, vector<16xi32>], vector<16xf32>,
        %broadcast_in_dim3A_211 = arith.constant 11 : i32
        %broadcast_in_dim3A_212 = vector.broadcast %broadcast_in_dim3A_211 : i32 to vector<16xi32>
        %gather3A_213 = tpu.vector_load_idx %arg11[%add3A_139, %broadcast_in_dim3A_212] : memref<1536x16xf32, #tpu.memory_space<vmem>>[vector<16xi32>, vector<16xi32>], vector<16xf32>,
        %broadcast_in_dim3A_214 = arith.constant 3 : i32
        %broadcast_in_dim3A_215 = vector.broadcast %broadcast_in_dim3A_214 : i32 to vector<16xi32>
        %gather3A_216 = tpu.vector_load_idx %arg11[%add3A_142, %broadcast_in_dim3A_215] : memref<1536x16xf32, #tpu.memory_space<vmem>>[vector<16xi32>, vector<16xi32>], vector<16xf32>,
        %broadcast_in_dim3A_217 = arith.constant 11 : i32
        %broadcast_in_dim3A_218 = vector.broadcast %broadcast_in_dim3A_217 : i32 to vector<16xi32>
        %gather3A_219 = tpu.vector_load_idx %arg11[%add3A_142, %broadcast_in_dim3A_218] : memref<1536x16xf32, #tpu.memory_space<vmem>>[vector<16xi32>, vector<16xi32>], vector<16xf32>,
        %mul3A_220 = arith.mulf %mul3A_133, %gather3A_210 : vector<16xf32>
        %mul3A_221 = arith.mulf %mul3A_134, %gather3A_213 : vector<16xf32>
        %add3A_222 = arith.addf %mul3A_220, %mul3A_221 : vector<16xf32>
        %mul3A_223 = arith.mulf %mul3A_135, %gather3A_216 : vector<16xf32>
        %add3A_224 = arith.addf %add3A_222, %mul3A_223 : vector<16xf32>
        %mul3A_225 = arith.mulf %mul3A_136, %gather3A_219 : vector<16xf32>
        %add3A_226 = arith.addf %add3A_224, %mul3A_225 : vector<16xf32>
        %broadcast_in_dim3A_227 = arith.constant 3 : i32
        %broadcast_in_dim3A_228 = vector.broadcast %broadcast_in_dim3A_227 : i32 to vector<16xi32>
        %add3A_229 = arith.addi %mul3A_131, %broadcast_in_dim3A_228 : vector<16xi32>
        tpu.vector_store_idx %arg7[%add3A_229], %add3A_226 : memref<6144xf32, #tpu.memory_space<vmem>>[vector<16xi32>], vector<16xf32>,
        %broadcast_in_dim3A_230 = arith.constant 4 : i32
        %broadcast_in_dim3A_231 = vector.broadcast %broadcast_in_dim3A_230 : i32 to vector<16xi32>
        %gather3A_232 = tpu.vector_load_idx %arg11[%add3A_139, %broadcast_in_dim3A_231] : memref<1536x16xf32, #tpu.memory_space<vmem>>[vector<16xi32>, vector<16xi32>], vector<16xf32>,
        %broadcast_in_dim3A_233 = arith.constant 12 : i32
        %broadcast_in_dim3A_234 = vector.broadcast %broadcast_in_dim3A_233 : i32 to vector<16xi32>
        %gather3A_235 = tpu.vector_load_idx %arg11[%add3A_139, %broadcast_in_dim3A_234] : memref<1536x16xf32, #tpu.memory_space<vmem>>[vector<16xi32>, vector<16xi32>], vector<16xf32>,
        %broadcast_in_dim3A_236 = arith.constant 4 : i32
        %broadcast_in_dim3A_237 = vector.broadcast %broadcast_in_dim3A_236 : i32 to vector<16xi32>
        %gather3A_238 = tpu.vector_load_idx %arg11[%add3A_142, %broadcast_in_dim3A_237] : memref<1536x16xf32, #tpu.memory_space<vmem>>[vector<16xi32>, vector<16xi32>], vector<16xf32>,
        %broadcast_in_dim3A_239 = arith.constant 12 : i32
        %broadcast_in_dim3A_240 = vector.broadcast %broadcast_in_dim3A_239 : i32 to vector<16xi32>
        %gather3A_241 = tpu.vector_load_idx %arg11[%add3A_142, %broadcast_in_dim3A_240] : memref<1536x16xf32, #tpu.memory_space<vmem>>[vector<16xi32>, vector<16xi32>], vector<16xf32>,
        %mul3A_242 = arith.mulf %mul3A_133, %gather3A_232 : vector<16xf32>
        %mul3A_243 = arith.mulf %mul3A_134, %gather3A_235 : vector<16xf32>
        %add3A_244 = arith.addf %mul3A_242, %mul3A_243 : vector<16xf32>
        %mul3A_245 = arith.mulf %mul3A_135, %gather3A_238 : vector<16xf32>
        %add3A_246 = arith.addf %add3A_244, %mul3A_245 : vector<16xf32>
        %mul3A_247 = arith.mulf %mul3A_136, %gather3A_241 : vector<16xf32>
        %add3A_248 = arith.addf %add3A_246, %mul3A_247 : vector<16xf32>
        %broadcast_in_dim3A_249 = arith.constant 4 : i32
        %broadcast_in_dim3A_250 = vector.broadcast %broadcast_in_dim3A_249 : i32 to vector<16xi32>
        %add3A_251 = arith.addi %mul3A_131, %broadcast_in_dim3A_250 : vector<16xi32>
        tpu.vector_store_idx %arg7[%add3A_251], %add3A_248 : memref<6144xf32, #tpu.memory_space<vmem>>[vector<16xi32>], vector<16xf32>,
        %broadcast_in_dim3A_252 = arith.constant 5 : i32
        %broadcast_in_dim3A_253 = vector.broadcast %broadcast_in_dim3A_252 : i32 to vector<16xi32>
        %gather3A_254 = tpu.vector_load_idx %arg11[%add3A_139, %broadcast_in_dim3A_253] : memref<1536x16xf32, #tpu.memory_space<vmem>>[vector<16xi32>, vector<16xi32>], vector<16xf32>,
        %broadcast_in_dim3A_255 = arith.constant 13 : i32
        %broadcast_in_dim3A_256 = vector.broadcast %broadcast_in_dim3A_255 : i32 to vector<16xi32>
        %gather3A_257 = tpu.vector_load_idx %arg11[%add3A_139, %broadcast_in_dim3A_256] : memref<1536x16xf32, #tpu.memory_space<vmem>>[vector<16xi32>, vector<16xi32>], vector<16xf32>,
        %broadcast_in_dim3A_258 = arith.constant 5 : i32
        %broadcast_in_dim3A_259 = vector.broadcast %broadcast_in_dim3A_258 : i32 to vector<16xi32>
        %gather3A_260 = tpu.vector_load_idx %arg11[%add3A_142, %broadcast_in_dim3A_259] : memref<1536x16xf32, #tpu.memory_space<vmem>>[vector<16xi32>, vector<16xi32>], vector<16xf32>,
        %broadcast_in_dim3A_261 = arith.constant 13 : i32
        %broadcast_in_dim3A_262 = vector.broadcast %broadcast_in_dim3A_261 : i32 to vector<16xi32>
        %gather3A_263 = tpu.vector_load_idx %arg11[%add3A_142, %broadcast_in_dim3A_262] : memref<1536x16xf32, #tpu.memory_space<vmem>>[vector<16xi32>, vector<16xi32>], vector<16xf32>,
        %mul3A_264 = arith.mulf %mul3A_133, %gather3A_254 : vector<16xf32>
        %mul3A_265 = arith.mulf %mul3A_134, %gather3A_257 : vector<16xf32>
        %add3A_266 = arith.addf %mul3A_264, %mul3A_265 : vector<16xf32>
        %mul3A_267 = arith.mulf %mul3A_135, %gather3A_260 : vector<16xf32>
        %add3A_268 = arith.addf %add3A_266, %mul3A_267 : vector<16xf32>
        %mul3A_269 = arith.mulf %mul3A_136, %gather3A_263 : vector<16xf32>
        %add3A_270 = arith.addf %add3A_268, %mul3A_269 : vector<16xf32>
        %broadcast_in_dim3A_271 = arith.constant 5 : i32
        %broadcast_in_dim3A_272 = vector.broadcast %broadcast_in_dim3A_271 : i32 to vector<16xi32>
        %add3A_273 = arith.addi %mul3A_131, %broadcast_in_dim3A_272 : vector<16xi32>
        tpu.vector_store_idx %arg7[%add3A_273], %add3A_270 : memref<6144xf32, #tpu.memory_space<vmem>>[vector<16xi32>], vector<16xf32>,
        %broadcast_in_dim3A_274 = arith.constant 6 : i32
        %broadcast_in_dim3A_275 = vector.broadcast %broadcast_in_dim3A_274 : i32 to vector<16xi32>
        %gather3A_276 = tpu.vector_load_idx %arg11[%add3A_139, %broadcast_in_dim3A_275] : memref<1536x16xf32, #tpu.memory_space<vmem>>[vector<16xi32>, vector<16xi32>], vector<16xf32>,
        %broadcast_in_dim3A_277 = arith.constant 14 : i32
        %broadcast_in_dim3A_278 = vector.broadcast %broadcast_in_dim3A_277 : i32 to vector<16xi32>
        %gather3A_279 = tpu.vector_load_idx %arg11[%add3A_139, %broadcast_in_dim3A_278] : memref<1536x16xf32, #tpu.memory_space<vmem>>[vector<16xi32>, vector<16xi32>], vector<16xf32>,
        %broadcast_in_dim3A_280 = arith.constant 6 : i32
        %broadcast_in_dim3A_281 = vector.broadcast %broadcast_in_dim3A_280 : i32 to vector<16xi32>
        %gather3A_282 = tpu.vector_load_idx %arg11[%add3A_142, %broadcast_in_dim3A_281] : memref<1536x16xf32, #tpu.memory_space<vmem>>[vector<16xi32>, vector<16xi32>], vector<16xf32>,
        %broadcast_in_dim3A_283 = arith.constant 14 : i32
        %broadcast_in_dim3A_284 = vector.broadcast %broadcast_in_dim3A_283 : i32 to vector<16xi32>
        %gather3A_285 = tpu.vector_load_idx %arg11[%add3A_142, %broadcast_in_dim3A_284] : memref<1536x16xf32, #tpu.memory_space<vmem>>[vector<16xi32>, vector<16xi32>], vector<16xf32>,
        %mul3A_286 = arith.mulf %mul3A_133, %gather3A_276 : vector<16xf32>
        %mul3A_287 = arith.mulf %mul3A_134, %gather3A_279 : vector<16xf32>
        %add3A_288 = arith.addf %mul3A_286, %mul3A_287 : vector<16xf32>
        %mul3A_289 = arith.mulf %mul3A_135, %gather3A_282 : vector<16xf32>
        %add3A_290 = arith.addf %add3A_288, %mul3A_289 : vector<16xf32>
        %mul3A_291 = arith.mulf %mul3A_136, %gather3A_285 : vector<16xf32>
        %add3A_292 = arith.addf %add3A_290, %mul3A_291 : vector<16xf32>
        %broadcast_in_dim3A_293 = arith.constant 6 : i32
        %broadcast_in_dim3A_294 = vector.broadcast %broadcast_in_dim3A_293 : i32 to vector<16xi32>
        %add3A_295 = arith.addi %mul3A_131, %broadcast_in_dim3A_294 : vector<16xi32>
        tpu.vector_store_idx %arg7[%add3A_295], %add3A_292 : memref<6144xf32, #tpu.memory_space<vmem>>[vector<16xi32>], vector<16xf32>,
        %broadcast_in_dim3A_296 = arith.constant 7 : i32
        %broadcast_in_dim3A_297 = vector.broadcast %broadcast_in_dim3A_296 : i32 to vector<16xi32>
        %gather3A_298 = tpu.vector_load_idx %arg11[%add3A_139, %broadcast_in_dim3A_297] : memref<1536x16xf32, #tpu.memory_space<vmem>>[vector<16xi32>, vector<16xi32>], vector<16xf32>,
        %broadcast_in_dim3A_299 = arith.constant 15 : i32
        %broadcast_in_dim3A_300 = vector.broadcast %broadcast_in_dim3A_299 : i32 to vector<16xi32>
        %gather3A_301 = tpu.vector_load_idx %arg11[%add3A_139, %broadcast_in_dim3A_300] : memref<1536x16xf32, #tpu.memory_space<vmem>>[vector<16xi32>, vector<16xi32>], vector<16xf32>,
        %broadcast_in_dim3A_302 = arith.constant 7 : i32
        %broadcast_in_dim3A_303 = vector.broadcast %broadcast_in_dim3A_302 : i32 to vector<16xi32>
        %gather3A_304 = tpu.vector_load_idx %arg11[%add3A_142, %broadcast_in_dim3A_303] : memref<1536x16xf32, #tpu.memory_space<vmem>>[vector<16xi32>, vector<16xi32>], vector<16xf32>,
        %broadcast_in_dim3A_305 = arith.constant 15 : i32
        %broadcast_in_dim3A_306 = vector.broadcast %broadcast_in_dim3A_305 : i32 to vector<16xi32>
        %gather3A_307 = tpu.vector_load_idx %arg11[%add3A_142, %broadcast_in_dim3A_306] : memref<1536x16xf32, #tpu.memory_space<vmem>>[vector<16xi32>, vector<16xi32>], vector<16xf32>,
        %mul3A_308 = arith.mulf %mul3A_133, %gather3A_298 : vector<16xf32>
        %mul3A_309 = arith.mulf %mul3A_134, %gather3A_301 : vector<16xf32>
        %add3A_310 = arith.addf %mul3A_308, %mul3A_309 : vector<16xf32>
        %mul3A_311 = arith.mulf %mul3A_135, %gather3A_304 : vector<16xf32>
        %add3A_312 = arith.addf %add3A_310, %mul3A_311 : vector<16xf32>
        %mul3A_313 = arith.mulf %mul3A_136, %gather3A_307 : vector<16xf32>
        %add3A_314 = arith.addf %add3A_312, %mul3A_313 : vector<16xf32>
        %broadcast_in_dim3A_315 = arith.constant 7 : i32
        %broadcast_in_dim3A_316 = vector.broadcast %broadcast_in_dim3A_315 : i32 to vector<16xi32>
        %add3A_317 = arith.addi %mul3A_131, %broadcast_in_dim3A_316 : vector<16xi32>
        tpu.vector_store_idx %arg7[%add3A_317], %add3A_314 : memref<6144xf32, #tpu.memory_space<vmem>>[vector<16xi32>], vector<16xf32>,
        %sub3A_318 = arith.subf %broadcast_in_dim3A_128, %get3A_120 : vector<16xf32>
        %sub3A_319 = arith.subf %broadcast_in_dim3A_128, %get3A_126 : vector<16xf32>
        %mul3A_320 = arith.mulf %sub3A_318, %sub3A_319 : vector<16xf32>
        %mul3A_321 = arith.mulf %sub3A_318, %get3A_126 : vector<16xf32>
        %mul3A_322 = arith.mulf %get3A_120, %sub3A_319 : vector<16xf32>
        %mul3A_323 = arith.mulf %get3A_120, %get3A_126 : vector<16xf32>
        %broadcast_in_dim3A_324 = arith.constant 256 : i32
        %broadcast_in_dim3A_325 = vector.broadcast %broadcast_in_dim3A_324 : i32 to vector<16xi32>
        %add3A_326 = arith.addi %add3A_102, %broadcast_in_dim3A_325 : vector<16xi32>
        %broadcast_in_dim3A_327 = arith.constant 128 : i32
        %broadcast_in_dim3A_328 = vector.broadcast %broadcast_in_dim3A_327 : i32 to vector<16xi32>
        %add3A_329 = arith.addi %add3A_326, %broadcast_in_dim3A_328 : vector<16xi32>
        %broadcast_in_dim3A_330 = arith.constant 0 : i32
        %broadcast_in_dim3A_331 = vector.broadcast %broadcast_in_dim3A_330 : i32 to vector<16xi32>
        %gather3A_332 = tpu.vector_load_idx %arg11[%add3A_326, %broadcast_in_dim3A_331] : memref<1536x16xf32, #tpu.memory_space<vmem>>[vector<16xi32>, vector<16xi32>], vector<16xf32>,
        %broadcast_in_dim3A_333 = arith.constant 8 : i32
        %broadcast_in_dim3A_334 = vector.broadcast %broadcast_in_dim3A_333 : i32 to vector<16xi32>
        %gather3A_335 = tpu.vector_load_idx %arg11[%add3A_326, %broadcast_in_dim3A_334] : memref<1536x16xf32, #tpu.memory_space<vmem>>[vector<16xi32>, vector<16xi32>], vector<16xf32>,
        %broadcast_in_dim3A_336 = arith.constant 0 : i32
        %broadcast_in_dim3A_337 = vector.broadcast %broadcast_in_dim3A_336 : i32 to vector<16xi32>
        %gather3A_338 = tpu.vector_load_idx %arg11[%add3A_329, %broadcast_in_dim3A_337] : memref<1536x16xf32, #tpu.memory_space<vmem>>[vector<16xi32>, vector<16xi32>], vector<16xf32>,
        %broadcast_in_dim3A_339 = arith.constant 8 : i32
        %broadcast_in_dim3A_340 = vector.broadcast %broadcast_in_dim3A_339 : i32 to vector<16xi32>
        %gather3A_341 = tpu.vector_load_idx %arg11[%add3A_329, %broadcast_in_dim3A_340] : memref<1536x16xf32, #tpu.memory_space<vmem>>[vector<16xi32>, vector<16xi32>], vector<16xf32>,
        %mul3A_342 = arith.mulf %mul3A_320, %gather3A_332 : vector<16xf32>
        %mul3A_343 = arith.mulf %mul3A_321, %gather3A_335 : vector<16xf32>
        %add3A_344 = arith.addf %mul3A_342, %mul3A_343 : vector<16xf32>
        %mul3A_345 = arith.mulf %mul3A_322, %gather3A_338 : vector<16xf32>
        %add3A_346 = arith.addf %add3A_344, %mul3A_345 : vector<16xf32>
        %mul3A_347 = arith.mulf %mul3A_323, %gather3A_341 : vector<16xf32>
        %add3A_348 = arith.addf %add3A_346, %mul3A_347 : vector<16xf32>
        %broadcast_in_dim3A_349 = arith.constant 8 : i32
        %broadcast_in_dim3A_350 = vector.broadcast %broadcast_in_dim3A_349 : i32 to vector<16xi32>
        %add3A_351 = arith.addi %mul3A_131, %broadcast_in_dim3A_350 : vector<16xi32>
        tpu.vector_store_idx %arg7[%add3A_351], %add3A_348 : memref<6144xf32, #tpu.memory_space<vmem>>[vector<16xi32>], vector<16xf32>,
        %broadcast_in_dim3A_352 = arith.constant 1 : i32
        %broadcast_in_dim3A_353 = vector.broadcast %broadcast_in_dim3A_352 : i32 to vector<16xi32>
        %gather3A_354 = tpu.vector_load_idx %arg11[%add3A_326, %broadcast_in_dim3A_353] : memref<1536x16xf32, #tpu.memory_space<vmem>>[vector<16xi32>, vector<16xi32>], vector<16xf32>,
        %broadcast_in_dim3A_355 = arith.constant 9 : i32
        %broadcast_in_dim3A_356 = vector.broadcast %broadcast_in_dim3A_355 : i32 to vector<16xi32>
        %gather3A_357 = tpu.vector_load_idx %arg11[%add3A_326, %broadcast_in_dim3A_356] : memref<1536x16xf32, #tpu.memory_space<vmem>>[vector<16xi32>, vector<16xi32>], vector<16xf32>,
        %broadcast_in_dim3A_358 = arith.constant 1 : i32
        %broadcast_in_dim3A_359 = vector.broadcast %broadcast_in_dim3A_358 : i32 to vector<16xi32>
        %gather3A_360 = tpu.vector_load_idx %arg11[%add3A_329, %broadcast_in_dim3A_359] : memref<1536x16xf32, #tpu.memory_space<vmem>>[vector<16xi32>, vector<16xi32>], vector<16xf32>,
        %broadcast_in_dim3A_361 = arith.constant 9 : i32
        %broadcast_in_dim3A_362 = vector.broadcast %broadcast_in_dim3A_361 : i32 to vector<16xi32>
        %gather3A_363 = tpu.vector_load_idx %arg11[%add3A_329, %broadcast_in_dim3A_362] : memref<1536x16xf32, #tpu.memory_space<vmem>>[vector<16xi32>, vector<16xi32>], vector<16xf32>,
        %mul3A_364 = arith.mulf %mul3A_320, %gather3A_354 : vector<16xf32>
        %mul3A_365 = arith.mulf %mul3A_321, %gather3A_357 : vector<16xf32>
        %add3A_366 = arith.addf %mul3A_364, %mul3A_365 : vector<16xf32>
        %mul3A_367 = arith.mulf %mul3A_322, %gather3A_360 : vector<16xf32>
        %add3A_368 = arith.addf %add3A_366, %mul3A_367 : vector<16xf32>
        %mul3A_369 = arith.mulf %mul3A_323, %gather3A_363 : vector<16xf32>
        %add3A_370 = arith.addf %add3A_368, %mul3A_369 : vector<16xf32>
        %broadcast_in_dim3A_371 = arith.constant 9 : i32
        %broadcast_in_dim3A_372 = vector.broadcast %broadcast_in_dim3A_371 : i32 to vector<16xi32>
        %add3A_373 = arith.addi %mul3A_131, %broadcast_in_dim3A_372 : vector<16xi32>
        tpu.vector_store_idx %arg7[%add3A_373], %add3A_370 : memref<6144xf32, #tpu.memory_space<vmem>>[vector<16xi32>], vector<16xf32>,
        %broadcast_in_dim3A_374 = arith.constant 2 : i32
        %broadcast_in_dim3A_375 = vector.broadcast %broadcast_in_dim3A_374 : i32 to vector<16xi32>
        %gather3A_376 = tpu.vector_load_idx %arg11[%add3A_326, %broadcast_in_dim3A_375] : memref<1536x16xf32, #tpu.memory_space<vmem>>[vector<16xi32>, vector<16xi32>], vector<16xf32>,
        %broadcast_in_dim3A_377 = arith.constant 10 : i32
        %broadcast_in_dim3A_378 = vector.broadcast %broadcast_in_dim3A_377 : i32 to vector<16xi32>
        %gather3A_379 = tpu.vector_load_idx %arg11[%add3A_326, %broadcast_in_dim3A_378] : memref<1536x16xf32, #tpu.memory_space<vmem>>[vector<16xi32>, vector<16xi32>], vector<16xf32>,
        %broadcast_in_dim3A_380 = arith.constant 2 : i32
        %broadcast_in_dim3A_381 = vector.broadcast %broadcast_in_dim3A_380 : i32 to vector<16xi32>
        %gather3A_382 = tpu.vector_load_idx %arg11[%add3A_329, %broadcast_in_dim3A_381] : memref<1536x16xf32, #tpu.memory_space<vmem>>[vector<16xi32>, vector<16xi32>], vector<16xf32>,
        %broadcast_in_dim3A_383 = arith.constant 10 : i32
        %broadcast_in_dim3A_384 = vector.broadcast %broadcast_in_dim3A_383 : i32 to vector<16xi32>
        %gather3A_385 = tpu.vector_load_idx %arg11[%add3A_329, %broadcast_in_dim3A_384] : memref<1536x16xf32, #tpu.memory_space<vmem>>[vector<16xi32>, vector<16xi32>], vector<16xf32>,
        %mul3A_386 = arith.mulf %mul3A_320, %gather3A_376 : vector<16xf32>
        %mul3A_387 = arith.mulf %mul3A_321, %gather3A_379 : vector<16xf32>
        %add3A_388 = arith.addf %mul3A_386, %mul3A_387 : vector<16xf32>
        %mul3A_389 = arith.mulf %mul3A_322, %gather3A_382 : vector<16xf32>
        %add3A_390 = arith.addf %add3A_388, %mul3A_389 : vector<16xf32>
        %mul3A_391 = arith.mulf %mul3A_323, %gather3A_385 : vector<16xf32>
        %add3A_392 = arith.addf %add3A_390, %mul3A_391 : vector<16xf32>
        %broadcast_in_dim3A_393 = arith.constant 10 : i32
        %broadcast_in_dim3A_394 = vector.broadcast %broadcast_in_dim3A_393 : i32 to vector<16xi32>
        %add3A_395 = arith.addi %mul3A_131, %broadcast_in_dim3A_394 : vector<16xi32>
        tpu.vector_store_idx %arg7[%add3A_395], %add3A_392 : memref<6144xf32, #tpu.memory_space<vmem>>[vector<16xi32>], vector<16xf32>,
        %broadcast_in_dim3A_396 = arith.constant 3 : i32
        %broadcast_in_dim3A_397 = vector.broadcast %broadcast_in_dim3A_396 : i32 to vector<16xi32>
        %gather3A_398 = tpu.vector_load_idx %arg11[%add3A_326, %broadcast_in_dim3A_397] : memref<1536x16xf32, #tpu.memory_space<vmem>>[vector<16xi32>, vector<16xi32>], vector<16xf32>,
        %broadcast_in_dim3A_399 = arith.constant 11 : i32
        %broadcast_in_dim3A_400 = vector.broadcast %broadcast_in_dim3A_399 : i32 to vector<16xi32>
        %gather3A_401 = tpu.vector_load_idx %arg11[%add3A_326, %broadcast_in_dim3A_400] : memref<1536x16xf32, #tpu.memory_space<vmem>>[vector<16xi32>, vector<16xi32>], vector<16xf32>,
        %broadcast_in_dim3A_402 = arith.constant 3 : i32
        %broadcast_in_dim3A_403 = vector.broadcast %broadcast_in_dim3A_402 : i32 to vector<16xi32>
        %gather3A_404 = tpu.vector_load_idx %arg11[%add3A_329, %broadcast_in_dim3A_403] : memref<1536x16xf32, #tpu.memory_space<vmem>>[vector<16xi32>, vector<16xi32>], vector<16xf32>,
        %broadcast_in_dim3A_405 = arith.constant 11 : i32
        %broadcast_in_dim3A_406 = vector.broadcast %broadcast_in_dim3A_405 : i32 to vector<16xi32>
        %gather3A_407 = tpu.vector_load_idx %arg11[%add3A_329, %broadcast_in_dim3A_406] : memref<1536x16xf32, #tpu.memory_space<vmem>>[vector<16xi32>, vector<16xi32>], vector<16xf32>,
        %mul3A_408 = arith.mulf %mul3A_320, %gather3A_398 : vector<16xf32>
        %mul3A_409 = arith.mulf %mul3A_321, %gather3A_401 : vector<16xf32>
        %add3A_410 = arith.addf %mul3A_408, %mul3A_409 : vector<16xf32>
        %mul3A_411 = arith.mulf %mul3A_322, %gather3A_404 : vector<16xf32>
        %add3A_412 = arith.addf %add3A_410, %mul3A_411 : vector<16xf32>
        %mul3A_413 = arith.mulf %mul3A_323, %gather3A_407 : vector<16xf32>
        %add3A_414 = arith.addf %add3A_412, %mul3A_413 : vector<16xf32>
        %broadcast_in_dim3A_415 = arith.constant 11 : i32
        %broadcast_in_dim3A_416 = vector.broadcast %broadcast_in_dim3A_415 : i32 to vector<16xi32>
        %add3A_417 = arith.addi %mul3A_131, %broadcast_in_dim3A_416 : vector<16xi32>
        tpu.vector_store_idx %arg7[%add3A_417], %add3A_414 : memref<6144xf32, #tpu.memory_space<vmem>>[vector<16xi32>], vector<16xf32>,
        %broadcast_in_dim3A_418 = arith.constant 4 : i32
        %broadcast_in_dim3A_419 = vector.broadcast %broadcast_in_dim3A_418 : i32 to vector<16xi32>
        %gather3A_420 = tpu.vector_load_idx %arg11[%add3A_326, %broadcast_in_dim3A_419] : memref<1536x16xf32, #tpu.memory_space<vmem>>[vector<16xi32>, vector<16xi32>], vector<16xf32>,
        %broadcast_in_dim3A_421 = arith.constant 12 : i32
        %broadcast_in_dim3A_422 = vector.broadcast %broadcast_in_dim3A_421 : i32 to vector<16xi32>
        %gather3A_423 = tpu.vector_load_idx %arg11[%add3A_326, %broadcast_in_dim3A_422] : memref<1536x16xf32, #tpu.memory_space<vmem>>[vector<16xi32>, vector<16xi32>], vector<16xf32>,
        %broadcast_in_dim3A_424 = arith.constant 4 : i32
        %broadcast_in_dim3A_425 = vector.broadcast %broadcast_in_dim3A_424 : i32 to vector<16xi32>
        %gather3A_426 = tpu.vector_load_idx %arg11[%add3A_329, %broadcast_in_dim3A_425] : memref<1536x16xf32, #tpu.memory_space<vmem>>[vector<16xi32>, vector<16xi32>], vector<16xf32>,
        %broadcast_in_dim3A_427 = arith.constant 12 : i32
        %broadcast_in_dim3A_428 = vector.broadcast %broadcast_in_dim3A_427 : i32 to vector<16xi32>
        %gather3A_429 = tpu.vector_load_idx %arg11[%add3A_329, %broadcast_in_dim3A_428] : memref<1536x16xf32, #tpu.memory_space<vmem>>[vector<16xi32>, vector<16xi32>], vector<16xf32>,
        %mul3A_430 = arith.mulf %mul3A_320, %gather3A_420 : vector<16xf32>
        %mul3A_431 = arith.mulf %mul3A_321, %gather3A_423 : vector<16xf32>
        %add3A_432 = arith.addf %mul3A_430, %mul3A_431 : vector<16xf32>
        %mul3A_433 = arith.mulf %mul3A_322, %gather3A_426 : vector<16xf32>
        %add3A_434 = arith.addf %add3A_432, %mul3A_433 : vector<16xf32>
        %mul3A_435 = arith.mulf %mul3A_323, %gather3A_429 : vector<16xf32>
        %add3A_436 = arith.addf %add3A_434, %mul3A_435 : vector<16xf32>
        %broadcast_in_dim3A_437 = arith.constant 12 : i32
        %broadcast_in_dim3A_438 = vector.broadcast %broadcast_in_dim3A_437 : i32 to vector<16xi32>
        %add3A_439 = arith.addi %mul3A_131, %broadcast_in_dim3A_438 : vector<16xi32>
        tpu.vector_store_idx %arg7[%add3A_439], %add3A_436 : memref<6144xf32, #tpu.memory_space<vmem>>[vector<16xi32>], vector<16xf32>,
        %broadcast_in_dim3A_440 = arith.constant 5 : i32
        %broadcast_in_dim3A_441 = vector.broadcast %broadcast_in_dim3A_440 : i32 to vector<16xi32>
        %gather3A_442 = tpu.vector_load_idx %arg11[%add3A_326, %broadcast_in_dim3A_441] : memref<1536x16xf32, #tpu.memory_space<vmem>>[vector<16xi32>, vector<16xi32>], vector<16xf32>,
        %broadcast_in_dim3A_443 = arith.constant 13 : i32
        %broadcast_in_dim3A_444 = vector.broadcast %broadcast_in_dim3A_443 : i32 to vector<16xi32>
        %gather3A_445 = tpu.vector_load_idx %arg11[%add3A_326, %broadcast_in_dim3A_444] : memref<1536x16xf32, #tpu.memory_space<vmem>>[vector<16xi32>, vector<16xi32>], vector<16xf32>,
        %broadcast_in_dim3A_446 = arith.constant 5 : i32
        %broadcast_in_dim3A_447 = vector.broadcast %broadcast_in_dim3A_446 : i32 to vector<16xi32>
        %gather3A_448 = tpu.vector_load_idx %arg11[%add3A_329, %broadcast_in_dim3A_447] : memref<1536x16xf32, #tpu.memory_space<vmem>>[vector<16xi32>, vector<16xi32>], vector<16xf32>,
        %broadcast_in_dim3A_449 = arith.constant 13 : i32
        %broadcast_in_dim3A_450 = vector.broadcast %broadcast_in_dim3A_449 : i32 to vector<16xi32>
        %gather3A_451 = tpu.vector_load_idx %arg11[%add3A_329, %broadcast_in_dim3A_450] : memref<1536x16xf32, #tpu.memory_space<vmem>>[vector<16xi32>, vector<16xi32>], vector<16xf32>,
        %mul3A_452 = arith.mulf %mul3A_320, %gather3A_442 : vector<16xf32>
        %mul3A_453 = arith.mulf %mul3A_321, %gather3A_445 : vector<16xf32>
        %add3A_454 = arith.addf %mul3A_452, %mul3A_453 : vector<16xf32>
        %mul3A_455 = arith.mulf %mul3A_322, %gather3A_448 : vector<16xf32>
        %add3A_456 = arith.addf %add3A_454, %mul3A_455 : vector<16xf32>
        %mul3A_457 = arith.mulf %mul3A_323, %gather3A_451 : vector<16xf32>
        %add3A_458 = arith.addf %add3A_456, %mul3A_457 : vector<16xf32>
        %broadcast_in_dim3A_459 = arith.constant 13 : i32
        %broadcast_in_dim3A_460 = vector.broadcast %broadcast_in_dim3A_459 : i32 to vector<16xi32>
        %add3A_461 = arith.addi %mul3A_131, %broadcast_in_dim3A_460 : vector<16xi32>
        tpu.vector_store_idx %arg7[%add3A_461], %add3A_458 : memref<6144xf32, #tpu.memory_space<vmem>>[vector<16xi32>], vector<16xf32>,
        %broadcast_in_dim3A_462 = arith.constant 6 : i32
        %broadcast_in_dim3A_463 = vector.broadcast %broadcast_in_dim3A_462 : i32 to vector<16xi32>
        %gather3A_464 = tpu.vector_load_idx %arg11[%add3A_326, %broadcast_in_dim3A_463] : memref<1536x16xf32, #tpu.memory_space<vmem>>[vector<16xi32>, vector<16xi32>], vector<16xf32>,
        %broadcast_in_dim3A_465 = arith.constant 14 : i32
        %broadcast_in_dim3A_466 = vector.broadcast %broadcast_in_dim3A_465 : i32 to vector<16xi32>
        %gather3A_467 = tpu.vector_load_idx %arg11[%add3A_326, %broadcast_in_dim3A_466] : memref<1536x16xf32, #tpu.memory_space<vmem>>[vector<16xi32>, vector<16xi32>], vector<16xf32>,
        %broadcast_in_dim3A_468 = arith.constant 6 : i32
        %broadcast_in_dim3A_469 = vector.broadcast %broadcast_in_dim3A_468 : i32 to vector<16xi32>
        %gather3A_470 = tpu.vector_load_idx %arg11[%add3A_329, %broadcast_in_dim3A_469] : memref<1536x16xf32, #tpu.memory_space<vmem>>[vector<16xi32>, vector<16xi32>], vector<16xf32>,
        %broadcast_in_dim3A_471 = arith.constant 14 : i32
        %broadcast_in_dim3A_472 = vector.broadcast %broadcast_in_dim3A_471 : i32 to vector<16xi32>
        %gather3A_473 = tpu.vector_load_idx %arg11[%add3A_329, %broadcast_in_dim3A_472] : memref<1536x16xf32, #tpu.memory_space<vmem>>[vector<16xi32>, vector<16xi32>], vector<16xf32>,
        %mul3A_474 = arith.mulf %mul3A_320, %gather3A_464 : vector<16xf32>
        %mul3A_475 = arith.mulf %mul3A_321, %gather3A_467 : vector<16xf32>
        %add3A_476 = arith.addf %mul3A_474, %mul3A_475 : vector<16xf32>
        %mul3A_477 = arith.mulf %mul3A_322, %gather3A_470 : vector<16xf32>
        %add3A_478 = arith.addf %add3A_476, %mul3A_477 : vector<16xf32>
        %mul3A_479 = arith.mulf %mul3A_323, %gather3A_473 : vector<16xf32>
        %add3A_480 = arith.addf %add3A_478, %mul3A_479 : vector<16xf32>
        %broadcast_in_dim3A_481 = arith.constant 14 : i32
        %broadcast_in_dim3A_482 = vector.broadcast %broadcast_in_dim3A_481 : i32 to vector<16xi32>
        %add3A_483 = arith.addi %mul3A_131, %broadcast_in_dim3A_482 : vector<16xi32>
        tpu.vector_store_idx %arg7[%add3A_483], %add3A_480 : memref<6144xf32, #tpu.memory_space<vmem>>[vector<16xi32>], vector<16xf32>,
        %broadcast_in_dim3A_484 = arith.constant 7 : i32
        %broadcast_in_dim3A_485 = vector.broadcast %broadcast_in_dim3A_484 : i32 to vector<16xi32>
        %gather3A_486 = tpu.vector_load_idx %arg11[%add3A_326, %broadcast_in_dim3A_485] : memref<1536x16xf32, #tpu.memory_space<vmem>>[vector<16xi32>, vector<16xi32>], vector<16xf32>,
        %broadcast_in_dim3A_487 = arith.constant 15 : i32
        %broadcast_in_dim3A_488 = vector.broadcast %broadcast_in_dim3A_487 : i32 to vector<16xi32>
        %gather3A_489 = tpu.vector_load_idx %arg11[%add3A_326, %broadcast_in_dim3A_488] : memref<1536x16xf32, #tpu.memory_space<vmem>>[vector<16xi32>, vector<16xi32>], vector<16xf32>,
        %broadcast_in_dim3A_490 = arith.constant 7 : i32
        %broadcast_in_dim3A_491 = vector.broadcast %broadcast_in_dim3A_490 : i32 to vector<16xi32>
        %gather3A_492 = tpu.vector_load_idx %arg11[%add3A_329, %broadcast_in_dim3A_491] : memref<1536x16xf32, #tpu.memory_space<vmem>>[vector<16xi32>, vector<16xi32>], vector<16xf32>,
        %broadcast_in_dim3A_493 = arith.constant 15 : i32
        %broadcast_in_dim3A_494 = vector.broadcast %broadcast_in_dim3A_493 : i32 to vector<16xi32>
        %gather3A_495 = tpu.vector_load_idx %arg11[%add3A_329, %broadcast_in_dim3A_494] : memref<1536x16xf32, #tpu.memory_space<vmem>>[vector<16xi32>, vector<16xi32>], vector<16xf32>,
        %mul3A_496 = arith.mulf %mul3A_320, %gather3A_486 : vector<16xf32>
        %mul3A_497 = arith.mulf %mul3A_321, %gather3A_489 : vector<16xf32>
        %add3A_498 = arith.addf %mul3A_496, %mul3A_497 : vector<16xf32>
        %mul3A_499 = arith.mulf %mul3A_322, %gather3A_492 : vector<16xf32>
        %add3A_500 = arith.addf %add3A_498, %mul3A_499 : vector<16xf32>
        %mul3A_501 = arith.mulf %mul3A_323, %gather3A_495 : vector<16xf32>
        %add3A_502 = arith.addf %add3A_500, %mul3A_501 : vector<16xf32>
        %broadcast_in_dim3A_503 = arith.constant 15 : i32
        %broadcast_in_dim3A_504 = vector.broadcast %broadcast_in_dim3A_503 : i32 to vector<16xi32>
        %add3A_505 = arith.addi %mul3A_131, %broadcast_in_dim3A_504 : vector<16xi32>
        tpu.vector_store_idx %arg7[%add3A_505], %add3A_502 : memref<6144xf32, #tpu.memory_space<vmem>>[vector<16xi32>], vector<16xf32>,
        %sub3A_506 = arith.subf %broadcast_in_dim3A_128, %get3A_108 : vector<16xf32>
        %sub3A_507 = arith.subf %broadcast_in_dim3A_128, %get3A_120 : vector<16xf32>
        %mul3A_508 = arith.mulf %sub3A_506, %sub3A_507 : vector<16xf32>
        %mul3A_509 = arith.mulf %sub3A_506, %get3A_120 : vector<16xf32>
        %mul3A_510 = arith.mulf %get3A_108, %sub3A_507 : vector<16xf32>
        %mul3A_511 = arith.mulf %get3A_108, %get3A_120 : vector<16xf32>
        %broadcast_in_dim3A_512 = arith.constant 512 : i32
        %broadcast_in_dim3A_513 = vector.broadcast %broadcast_in_dim3A_512 : i32 to vector<16xi32>
        %add3A_514 = arith.addi %add3A_102, %broadcast_in_dim3A_513 : vector<16xi32>
        %broadcast_in_dim3A_515 = arith.constant 128 : i32
        %broadcast_in_dim3A_516 = vector.broadcast %broadcast_in_dim3A_515 : i32 to vector<16xi32>
        %add3A_517 = arith.addi %add3A_514, %broadcast_in_dim3A_516 : vector<16xi32>
        %broadcast_in_dim3A_518 = arith.constant 0 : i32
        %broadcast_in_dim3A_519 = vector.broadcast %broadcast_in_dim3A_518 : i32 to vector<16xi32>
        %gather3A_520 = tpu.vector_load_idx %arg11[%add3A_514, %broadcast_in_dim3A_519] : memref<1536x16xf32, #tpu.memory_space<vmem>>[vector<16xi32>, vector<16xi32>], vector<16xf32>,
        %broadcast_in_dim3A_521 = arith.constant 8 : i32
        %broadcast_in_dim3A_522 = vector.broadcast %broadcast_in_dim3A_521 : i32 to vector<16xi32>
        %gather3A_523 = tpu.vector_load_idx %arg11[%add3A_514, %broadcast_in_dim3A_522] : memref<1536x16xf32, #tpu.memory_space<vmem>>[vector<16xi32>, vector<16xi32>], vector<16xf32>,
        %broadcast_in_dim3A_524 = arith.constant 0 : i32
        %broadcast_in_dim3A_525 = vector.broadcast %broadcast_in_dim3A_524 : i32 to vector<16xi32>
        %gather3A_526 = tpu.vector_load_idx %arg11[%add3A_517, %broadcast_in_dim3A_525] : memref<1536x16xf32, #tpu.memory_space<vmem>>[vector<16xi32>, vector<16xi32>], vector<16xf32>,
        %broadcast_in_dim3A_527 = arith.constant 8 : i32
        %broadcast_in_dim3A_528 = vector.broadcast %broadcast_in_dim3A_527 : i32 to vector<16xi32>
        %gather3A_529 = tpu.vector_load_idx %arg11[%add3A_517, %broadcast_in_dim3A_528] : memref<1536x16xf32, #tpu.memory_space<vmem>>[vector<16xi32>, vector<16xi32>], vector<16xf32>,
        %mul3A_530 = arith.mulf %mul3A_508, %gather3A_520 : vector<16xf32>
        %mul3A_531 = arith.mulf %mul3A_509, %gather3A_523 : vector<16xf32>
        %add3A_532 = arith.addf %mul3A_530, %mul3A_531 : vector<16xf32>
        %mul3A_533 = arith.mulf %mul3A_510, %gather3A_526 : vector<16xf32>
        %add3A_534 = arith.addf %add3A_532, %mul3A_533 : vector<16xf32>
        %mul3A_535 = arith.mulf %mul3A_511, %gather3A_529 : vector<16xf32>
        %add3A_536 = arith.addf %add3A_534, %mul3A_535 : vector<16xf32>
        %broadcast_in_dim3A_537 = arith.constant 16 : i32
        %broadcast_in_dim3A_538 = vector.broadcast %broadcast_in_dim3A_537 : i32 to vector<16xi32>
        %add3A_539 = arith.addi %mul3A_131, %broadcast_in_dim3A_538 : vector<16xi32>
        tpu.vector_store_idx %arg7[%add3A_539], %add3A_536 : memref<6144xf32, #tpu.memory_space<vmem>>[vector<16xi32>], vector<16xf32>,
        %broadcast_in_dim3A_540 = arith.constant 1 : i32
        %broadcast_in_dim3A_541 = vector.broadcast %broadcast_in_dim3A_540 : i32 to vector<16xi32>
        %gather3A_542 = tpu.vector_load_idx %arg11[%add3A_514, %broadcast_in_dim3A_541] : memref<1536x16xf32, #tpu.memory_space<vmem>>[vector<16xi32>, vector<16xi32>], vector<16xf32>,
        %broadcast_in_dim3A_543 = arith.constant 9 : i32
        %broadcast_in_dim3A_544 = vector.broadcast %broadcast_in_dim3A_543 : i32 to vector<16xi32>
        %gather3A_545 = tpu.vector_load_idx %arg11[%add3A_514, %broadcast_in_dim3A_544] : memref<1536x16xf32, #tpu.memory_space<vmem>>[vector<16xi32>, vector<16xi32>], vector<16xf32>,
        %broadcast_in_dim3A_546 = arith.constant 1 : i32
        %broadcast_in_dim3A_547 = vector.broadcast %broadcast_in_dim3A_546 : i32 to vector<16xi32>
        %gather3A_548 = tpu.vector_load_idx %arg11[%add3A_517, %broadcast_in_dim3A_547] : memref<1536x16xf32, #tpu.memory_space<vmem>>[vector<16xi32>, vector<16xi32>], vector<16xf32>,
        %broadcast_in_dim3A_549 = arith.constant 9 : i32
        %broadcast_in_dim3A_550 = vector.broadcast %broadcast_in_dim3A_549 : i32 to vector<16xi32>
        %gather3A_551 = tpu.vector_load_idx %arg11[%add3A_517, %broadcast_in_dim3A_550] : memref<1536x16xf32, #tpu.memory_space<vmem>>[vector<16xi32>, vector<16xi32>], vector<16xf32>,
        %mul3A_552 = arith.mulf %mul3A_508, %gather3A_542 : vector<16xf32>
        %mul3A_553 = arith.mulf %mul3A_509, %gather3A_545 : vector<16xf32>
        %add3A_554 = arith.addf %mul3A_552, %mul3A_553 : vector<16xf32>
        %mul3A_555 = arith.mulf %mul3A_510, %gather3A_548 : vector<16xf32>
        %add3A_556 = arith.addf %add3A_554, %mul3A_555 : vector<16xf32>
        %mul3A_557 = arith.mulf %mul3A_511, %gather3A_551 : vector<16xf32>
        %add3A_558 = arith.addf %add3A_556, %mul3A_557 : vector<16xf32>
        %broadcast_in_dim3A_559 = arith.constant 17 : i32
        %broadcast_in_dim3A_560 = vector.broadcast %broadcast_in_dim3A_559 : i32 to vector<16xi32>
        %add3A_561 = arith.addi %mul3A_131, %broadcast_in_dim3A_560 : vector<16xi32>
        tpu.vector_store_idx %arg7[%add3A_561], %add3A_558 : memref<6144xf32, #tpu.memory_space<vmem>>[vector<16xi32>], vector<16xf32>,
        %broadcast_in_dim3A_562 = arith.constant 2 : i32
        %broadcast_in_dim3A_563 = vector.broadcast %broadcast_in_dim3A_562 : i32 to vector<16xi32>
        %gather3A_564 = tpu.vector_load_idx %arg11[%add3A_514, %broadcast_in_dim3A_563] : memref<1536x16xf32, #tpu.memory_space<vmem>>[vector<16xi32>, vector<16xi32>], vector<16xf32>,
        %broadcast_in_dim3A_565 = arith.constant 10 : i32
        %broadcast_in_dim3A_566 = vector.broadcast %broadcast_in_dim3A_565 : i32 to vector<16xi32>
        %gather3A_567 = tpu.vector_load_idx %arg11[%add3A_514, %broadcast_in_dim3A_566] : memref<1536x16xf32, #tpu.memory_space<vmem>>[vector<16xi32>, vector<16xi32>], vector<16xf32>,
        %broadcast_in_dim3A_568 = arith.constant 2 : i32
        %broadcast_in_dim3A_569 = vector.broadcast %broadcast_in_dim3A_568 : i32 to vector<16xi32>
        %gather3A_570 = tpu.vector_load_idx %arg11[%add3A_517, %broadcast_in_dim3A_569] : memref<1536x16xf32, #tpu.memory_space<vmem>>[vector<16xi32>, vector<16xi32>], vector<16xf32>,
        %broadcast_in_dim3A_571 = arith.constant 10 : i32
        %broadcast_in_dim3A_572 = vector.broadcast %broadcast_in_dim3A_571 : i32 to vector<16xi32>
        %gather3A_573 = tpu.vector_load_idx %arg11[%add3A_517, %broadcast_in_dim3A_572] : memref<1536x16xf32, #tpu.memory_space<vmem>>[vector<16xi32>, vector<16xi32>], vector<16xf32>,
        %mul3A_574 = arith.mulf %mul3A_508, %gather3A_564 : vector<16xf32>
        %mul3A_575 = arith.mulf %mul3A_509, %gather3A_567 : vector<16xf32>
        %add3A_576 = arith.addf %mul3A_574, %mul3A_575 : vector<16xf32>
        %mul3A_577 = arith.mulf %mul3A_510, %gather3A_570 : vector<16xf32>
        %add3A_578 = arith.addf %add3A_576, %mul3A_577 : vector<16xf32>
        %mul3A_579 = arith.mulf %mul3A_511, %gather3A_573 : vector<16xf32>
        %add3A_580 = arith.addf %add3A_578, %mul3A_579 : vector<16xf32>
        %broadcast_in_dim3A_581 = arith.constant 18 : i32
        %broadcast_in_dim3A_582 = vector.broadcast %broadcast_in_dim3A_581 : i32 to vector<16xi32>
        %add3A_583 = arith.addi %mul3A_131, %broadcast_in_dim3A_582 : vector<16xi32>
        tpu.vector_store_idx %arg7[%add3A_583], %add3A_580 : memref<6144xf32, #tpu.memory_space<vmem>>[vector<16xi32>], vector<16xf32>,
        %broadcast_in_dim3A_584 = arith.constant 3 : i32
        %broadcast_in_dim3A_585 = vector.broadcast %broadcast_in_dim3A_584 : i32 to vector<16xi32>
        %gather3A_586 = tpu.vector_load_idx %arg11[%add3A_514, %broadcast_in_dim3A_585] : memref<1536x16xf32, #tpu.memory_space<vmem>>[vector<16xi32>, vector<16xi32>], vector<16xf32>,
        %broadcast_in_dim3A_587 = arith.constant 11 : i32
        %broadcast_in_dim3A_588 = vector.broadcast %broadcast_in_dim3A_587 : i32 to vector<16xi32>
        %gather3A_589 = tpu.vector_load_idx %arg11[%add3A_514, %broadcast_in_dim3A_588] : memref<1536x16xf32, #tpu.memory_space<vmem>>[vector<16xi32>, vector<16xi32>], vector<16xf32>,
        %broadcast_in_dim3A_590 = arith.constant 3 : i32
        %broadcast_in_dim3A_591 = vector.broadcast %broadcast_in_dim3A_590 : i32 to vector<16xi32>
        %gather3A_592 = tpu.vector_load_idx %arg11[%add3A_517, %broadcast_in_dim3A_591] : memref<1536x16xf32, #tpu.memory_space<vmem>>[vector<16xi32>, vector<16xi32>], vector<16xf32>,
        %broadcast_in_dim3A_593 = arith.constant 11 : i32
        %broadcast_in_dim3A_594 = vector.broadcast %broadcast_in_dim3A_593 : i32 to vector<16xi32>
        %gather3A_595 = tpu.vector_load_idx %arg11[%add3A_517, %broadcast_in_dim3A_594] : memref<1536x16xf32, #tpu.memory_space<vmem>>[vector<16xi32>, vector<16xi32>], vector<16xf32>,
        %mul3A_596 = arith.mulf %mul3A_508, %gather3A_586 : vector<16xf32>
        %mul3A_597 = arith.mulf %mul3A_509, %gather3A_589 : vector<16xf32>
        %add3A_598 = arith.addf %mul3A_596, %mul3A_597 : vector<16xf32>
        %mul3A_599 = arith.mulf %mul3A_510, %gather3A_592 : vector<16xf32>
        %add3A_600 = arith.addf %add3A_598, %mul3A_599 : vector<16xf32>
        %mul3A_601 = arith.mulf %mul3A_511, %gather3A_595 : vector<16xf32>
        %add3A_602 = arith.addf %add3A_600, %mul3A_601 : vector<16xf32>
        %broadcast_in_dim3A_603 = arith.constant 19 : i32
        %broadcast_in_dim3A_604 = vector.broadcast %broadcast_in_dim3A_603 : i32 to vector<16xi32>
        %add3A_605 = arith.addi %mul3A_131, %broadcast_in_dim3A_604 : vector<16xi32>
        tpu.vector_store_idx %arg7[%add3A_605], %add3A_602 : memref<6144xf32, #tpu.memory_space<vmem>>[vector<16xi32>], vector<16xf32>,
        %broadcast_in_dim3A_606 = arith.constant 4 : i32
        %broadcast_in_dim3A_607 = vector.broadcast %broadcast_in_dim3A_606 : i32 to vector<16xi32>
        %gather3A_608 = tpu.vector_load_idx %arg11[%add3A_514, %broadcast_in_dim3A_607] : memref<1536x16xf32, #tpu.memory_space<vmem>>[vector<16xi32>, vector<16xi32>], vector<16xf32>,
        %broadcast_in_dim3A_609 = arith.constant 12 : i32
        %broadcast_in_dim3A_610 = vector.broadcast %broadcast_in_dim3A_609 : i32 to vector<16xi32>
        %gather3A_611 = tpu.vector_load_idx %arg11[%add3A_514, %broadcast_in_dim3A_610] : memref<1536x16xf32, #tpu.memory_space<vmem>>[vector<16xi32>, vector<16xi32>], vector<16xf32>,
        %broadcast_in_dim3A_612 = arith.constant 4 : i32
        %broadcast_in_dim3A_613 = vector.broadcast %broadcast_in_dim3A_612 : i32 to vector<16xi32>
        %gather3A_614 = tpu.vector_load_idx %arg11[%add3A_517, %broadcast_in_dim3A_613] : memref<1536x16xf32, #tpu.memory_space<vmem>>[vector<16xi32>, vector<16xi32>], vector<16xf32>,
        %broadcast_in_dim3A_615 = arith.constant 12 : i32
        %broadcast_in_dim3A_616 = vector.broadcast %broadcast_in_dim3A_615 : i32 to vector<16xi32>
        %gather3A_617 = tpu.vector_load_idx %arg11[%add3A_517, %broadcast_in_dim3A_616] : memref<1536x16xf32, #tpu.memory_space<vmem>>[vector<16xi32>, vector<16xi32>], vector<16xf32>,
        %mul3A_618 = arith.mulf %mul3A_508, %gather3A_608 : vector<16xf32>
        %mul3A_619 = arith.mulf %mul3A_509, %gather3A_611 : vector<16xf32>
        %add3A_620 = arith.addf %mul3A_618, %mul3A_619 : vector<16xf32>
        %mul3A_621 = arith.mulf %mul3A_510, %gather3A_614 : vector<16xf32>
        %add3A_622 = arith.addf %add3A_620, %mul3A_621 : vector<16xf32>
        %mul3A_623 = arith.mulf %mul3A_511, %gather3A_617 : vector<16xf32>
        %add3A_624 = arith.addf %add3A_622, %mul3A_623 : vector<16xf32>
        %broadcast_in_dim3A_625 = arith.constant 20 : i32
        %broadcast_in_dim3A_626 = vector.broadcast %broadcast_in_dim3A_625 : i32 to vector<16xi32>
        %add3A_627 = arith.addi %mul3A_131, %broadcast_in_dim3A_626 : vector<16xi32>
        tpu.vector_store_idx %arg7[%add3A_627], %add3A_624 : memref<6144xf32, #tpu.memory_space<vmem>>[vector<16xi32>], vector<16xf32>,
        %broadcast_in_dim3A_628 = arith.constant 5 : i32
        %broadcast_in_dim3A_629 = vector.broadcast %broadcast_in_dim3A_628 : i32 to vector<16xi32>
        %gather3A_630 = tpu.vector_load_idx %arg11[%add3A_514, %broadcast_in_dim3A_629] : memref<1536x16xf32, #tpu.memory_space<vmem>>[vector<16xi32>, vector<16xi32>], vector<16xf32>,
        %broadcast_in_dim3A_631 = arith.constant 13 : i32
        %broadcast_in_dim3A_632 = vector.broadcast %broadcast_in_dim3A_631 : i32 to vector<16xi32>
        %gather3A_633 = tpu.vector_load_idx %arg11[%add3A_514, %broadcast_in_dim3A_632] : memref<1536x16xf32, #tpu.memory_space<vmem>>[vector<16xi32>, vector<16xi32>], vector<16xf32>,
        %broadcast_in_dim3A_634 = arith.constant 5 : i32
        %broadcast_in_dim3A_635 = vector.broadcast %broadcast_in_dim3A_634 : i32 to vector<16xi32>
        %gather3A_636 = tpu.vector_load_idx %arg11[%add3A_517, %broadcast_in_dim3A_635] : memref<1536x16xf32, #tpu.memory_space<vmem>>[vector<16xi32>, vector<16xi32>], vector<16xf32>,
        %broadcast_in_dim3A_637 = arith.constant 13 : i32
        %broadcast_in_dim3A_638 = vector.broadcast %broadcast_in_dim3A_637 : i32 to vector<16xi32>
        %gather3A_639 = tpu.vector_load_idx %arg11[%add3A_517, %broadcast_in_dim3A_638] : memref<1536x16xf32, #tpu.memory_space<vmem>>[vector<16xi32>, vector<16xi32>], vector<16xf32>,
        %mul3A_640 = arith.mulf %mul3A_508, %gather3A_630 : vector<16xf32>
        %mul3A_641 = arith.mulf %mul3A_509, %gather3A_633 : vector<16xf32>
        %add3A_642 = arith.addf %mul3A_640, %mul3A_641 : vector<16xf32>
        %mul3A_643 = arith.mulf %mul3A_510, %gather3A_636 : vector<16xf32>
        %add3A_644 = arith.addf %add3A_642, %mul3A_643 : vector<16xf32>
        %mul3A_645 = arith.mulf %mul3A_511, %gather3A_639 : vector<16xf32>
        %add3A_646 = arith.addf %add3A_644, %mul3A_645 : vector<16xf32>
        %broadcast_in_dim3A_647 = arith.constant 21 : i32
        %broadcast_in_dim3A_648 = vector.broadcast %broadcast_in_dim3A_647 : i32 to vector<16xi32>
        %add3A_649 = arith.addi %mul3A_131, %broadcast_in_dim3A_648 : vector<16xi32>
        tpu.vector_store_idx %arg7[%add3A_649], %add3A_646 : memref<6144xf32, #tpu.memory_space<vmem>>[vector<16xi32>], vector<16xf32>,
        %broadcast_in_dim3A_650 = arith.constant 6 : i32
        %broadcast_in_dim3A_651 = vector.broadcast %broadcast_in_dim3A_650 : i32 to vector<16xi32>
        %gather3A_652 = tpu.vector_load_idx %arg11[%add3A_514, %broadcast_in_dim3A_651] : memref<1536x16xf32, #tpu.memory_space<vmem>>[vector<16xi32>, vector<16xi32>], vector<16xf32>,
        %broadcast_in_dim3A_653 = arith.constant 14 : i32
        %broadcast_in_dim3A_654 = vector.broadcast %broadcast_in_dim3A_653 : i32 to vector<16xi32>
        %gather3A_655 = tpu.vector_load_idx %arg11[%add3A_514, %broadcast_in_dim3A_654] : memref<1536x16xf32, #tpu.memory_space<vmem>>[vector<16xi32>, vector<16xi32>], vector<16xf32>,
        %broadcast_in_dim3A_656 = arith.constant 6 : i32
        %broadcast_in_dim3A_657 = vector.broadcast %broadcast_in_dim3A_656 : i32 to vector<16xi32>
        %gather3A_658 = tpu.vector_load_idx %arg11[%add3A_517, %broadcast_in_dim3A_657] : memref<1536x16xf32, #tpu.memory_space<vmem>>[vector<16xi32>, vector<16xi32>], vector<16xf32>,
        %broadcast_in_dim3A_659 = arith.constant 14 : i32
        %broadcast_in_dim3A_660 = vector.broadcast %broadcast_in_dim3A_659 : i32 to vector<16xi32>
        %gather3A_661 = tpu.vector_load_idx %arg11[%add3A_517, %broadcast_in_dim3A_660] : memref<1536x16xf32, #tpu.memory_space<vmem>>[vector<16xi32>, vector<16xi32>], vector<16xf32>,
        %mul3A_662 = arith.mulf %mul3A_508, %gather3A_652 : vector<16xf32>
        %mul3A_663 = arith.mulf %mul3A_509, %gather3A_655 : vector<16xf32>
        %add3A_664 = arith.addf %mul3A_662, %mul3A_663 : vector<16xf32>
        %mul3A_665 = arith.mulf %mul3A_510, %gather3A_658 : vector<16xf32>
        %add3A_666 = arith.addf %add3A_664, %mul3A_665 : vector<16xf32>
        %mul3A_667 = arith.mulf %mul3A_511, %gather3A_661 : vector<16xf32>
        %add3A_668 = arith.addf %add3A_666, %mul3A_667 : vector<16xf32>
        %broadcast_in_dim3A_669 = arith.constant 22 : i32
        %broadcast_in_dim3A_670 = vector.broadcast %broadcast_in_dim3A_669 : i32 to vector<16xi32>
        %add3A_671 = arith.addi %mul3A_131, %broadcast_in_dim3A_670 : vector<16xi32>
        tpu.vector_store_idx %arg7[%add3A_671], %add3A_668 : memref<6144xf32, #tpu.memory_space<vmem>>[vector<16xi32>], vector<16xf32>,
        %broadcast_in_dim3A_672 = arith.constant 7 : i32
        %broadcast_in_dim3A_673 = vector.broadcast %broadcast_in_dim3A_672 : i32 to vector<16xi32>
        %gather3A_674 = tpu.vector_load_idx %arg11[%add3A_514, %broadcast_in_dim3A_673] : memref<1536x16xf32, #tpu.memory_space<vmem>>[vector<16xi32>, vector<16xi32>], vector<16xf32>,
        %broadcast_in_dim3A_675 = arith.constant 15 : i32
        %broadcast_in_dim3A_676 = vector.broadcast %broadcast_in_dim3A_675 : i32 to vector<16xi32>
        %gather3A_677 = tpu.vector_load_idx %arg11[%add3A_514, %broadcast_in_dim3A_676] : memref<1536x16xf32, #tpu.memory_space<vmem>>[vector<16xi32>, vector<16xi32>], vector<16xf32>,
        %broadcast_in_dim3A_678 = arith.constant 7 : i32
        %broadcast_in_dim3A_679 = vector.broadcast %broadcast_in_dim3A_678 : i32 to vector<16xi32>
        %gather3A_680 = tpu.vector_load_idx %arg11[%add3A_517, %broadcast_in_dim3A_679] : memref<1536x16xf32, #tpu.memory_space<vmem>>[vector<16xi32>, vector<16xi32>], vector<16xf32>,
        %broadcast_in_dim3A_681 = arith.constant 15 : i32
        %broadcast_in_dim3A_682 = vector.broadcast %broadcast_in_dim3A_681 : i32 to vector<16xi32>
        %gather3A_683 = tpu.vector_load_idx %arg11[%add3A_517, %broadcast_in_dim3A_682] : memref<1536x16xf32, #tpu.memory_space<vmem>>[vector<16xi32>, vector<16xi32>], vector<16xf32>,
        %mul3A_684 = arith.mulf %mul3A_508, %gather3A_674 : vector<16xf32>
        %mul3A_685 = arith.mulf %mul3A_509, %gather3A_677 : vector<16xf32>
        %add3A_686 = arith.addf %mul3A_684, %mul3A_685 : vector<16xf32>
        %mul3A_687 = arith.mulf %mul3A_510, %gather3A_680 : vector<16xf32>
        %add3A_688 = arith.addf %add3A_686, %mul3A_687 : vector<16xf32>
        %mul3A_689 = arith.mulf %mul3A_511, %gather3A_683 : vector<16xf32>
        %add3A_690 = arith.addf %add3A_688, %mul3A_689 : vector<16xf32>
        %broadcast_in_dim3A_691 = arith.constant 23 : i32
        %broadcast_in_dim3A_692 = vector.broadcast %broadcast_in_dim3A_691 : i32 to vector<16xi32>
        %add3A_693 = arith.addi %mul3A_131, %broadcast_in_dim3A_692 : vector<16xi32>
        tpu.vector_store_idx %arg7[%add3A_693], %add3A_690 : memref<6144xf32, #tpu.memory_space<vmem>>[vector<16xi32>], vector<16xf32>,
        %sub3A_694 = arith.subf %broadcast_in_dim3A_128, %get3A_108 : vector<16xf32>
        %sub3A_695 = arith.subf %broadcast_in_dim3A_128, %get3A_126 : vector<16xf32>
        %mul3A_696 = arith.mulf %sub3A_694, %sub3A_695 : vector<16xf32>
        %mul3A_697 = arith.mulf %sub3A_694, %get3A_126 : vector<16xf32>
        %mul3A_698 = arith.mulf %get3A_108, %sub3A_695 : vector<16xf32>
        %mul3A_699 = arith.mulf %get3A_108, %get3A_126 : vector<16xf32>
        %broadcast_in_dim3A_700 = arith.constant 768 : i32
        %broadcast_in_dim3A_701 = vector.broadcast %broadcast_in_dim3A_700 : i32 to vector<16xi32>
        %add3A_702 = arith.addi %add3A_102, %broadcast_in_dim3A_701 : vector<16xi32>
        %broadcast_in_dim3A_703 = arith.constant 128 : i32
        %broadcast_in_dim3A_704 = vector.broadcast %broadcast_in_dim3A_703 : i32 to vector<16xi32>
        %add3A_705 = arith.addi %add3A_702, %broadcast_in_dim3A_704 : vector<16xi32>
        %broadcast_in_dim3A_706 = arith.constant 0 : i32
        %broadcast_in_dim3A_707 = vector.broadcast %broadcast_in_dim3A_706 : i32 to vector<16xi32>
        %gather3A_708 = tpu.vector_load_idx %arg11[%add3A_702, %broadcast_in_dim3A_707] : memref<1536x16xf32, #tpu.memory_space<vmem>>[vector<16xi32>, vector<16xi32>], vector<16xf32>,
        %broadcast_in_dim3A_709 = arith.constant 8 : i32
        %broadcast_in_dim3A_710 = vector.broadcast %broadcast_in_dim3A_709 : i32 to vector<16xi32>
        %gather3A_711 = tpu.vector_load_idx %arg11[%add3A_702, %broadcast_in_dim3A_710] : memref<1536x16xf32, #tpu.memory_space<vmem>>[vector<16xi32>, vector<16xi32>], vector<16xf32>,
        %broadcast_in_dim3A_712 = arith.constant 0 : i32
        %broadcast_in_dim3A_713 = vector.broadcast %broadcast_in_dim3A_712 : i32 to vector<16xi32>
        %gather3A_714 = tpu.vector_load_idx %arg11[%add3A_705, %broadcast_in_dim3A_713] : memref<1536x16xf32, #tpu.memory_space<vmem>>[vector<16xi32>, vector<16xi32>], vector<16xf32>,
        %broadcast_in_dim3A_715 = arith.constant 8 : i32
        %broadcast_in_dim3A_716 = vector.broadcast %broadcast_in_dim3A_715 : i32 to vector<16xi32>
        %gather3A_717 = tpu.vector_load_idx %arg11[%add3A_705, %broadcast_in_dim3A_716] : memref<1536x16xf32, #tpu.memory_space<vmem>>[vector<16xi32>, vector<16xi32>], vector<16xf32>,
        %mul3A_718 = arith.mulf %mul3A_696, %gather3A_708 : vector<16xf32>
        %mul3A_719 = arith.mulf %mul3A_697, %gather3A_711 : vector<16xf32>
        %add3A_720 = arith.addf %mul3A_718, %mul3A_719 : vector<16xf32>
        %mul3A_721 = arith.mulf %mul3A_698, %gather3A_714 : vector<16xf32>
        %add3A_722 = arith.addf %add3A_720, %mul3A_721 : vector<16xf32>
        %mul3A_723 = arith.mulf %mul3A_699, %gather3A_717 : vector<16xf32>
        %add3A_724 = arith.addf %add3A_722, %mul3A_723 : vector<16xf32>
        %broadcast_in_dim3A_725 = arith.constant 24 : i32
        %broadcast_in_dim3A_726 = vector.broadcast %broadcast_in_dim3A_725 : i32 to vector<16xi32>
        %add3A_727 = arith.addi %mul3A_131, %broadcast_in_dim3A_726 : vector<16xi32>
        tpu.vector_store_idx %arg7[%add3A_727], %add3A_724 : memref<6144xf32, #tpu.memory_space<vmem>>[vector<16xi32>], vector<16xf32>,
        %broadcast_in_dim3A_728 = arith.constant 1 : i32
        %broadcast_in_dim3A_729 = vector.broadcast %broadcast_in_dim3A_728 : i32 to vector<16xi32>
        %gather3A_730 = tpu.vector_load_idx %arg11[%add3A_702, %broadcast_in_dim3A_729] : memref<1536x16xf32, #tpu.memory_space<vmem>>[vector<16xi32>, vector<16xi32>], vector<16xf32>,
        %broadcast_in_dim3A_731 = arith.constant 9 : i32
        %broadcast_in_dim3A_732 = vector.broadcast %broadcast_in_dim3A_731 : i32 to vector<16xi32>
        %gather3A_733 = tpu.vector_load_idx %arg11[%add3A_702, %broadcast_in_dim3A_732] : memref<1536x16xf32, #tpu.memory_space<vmem>>[vector<16xi32>, vector<16xi32>], vector<16xf32>,
        %broadcast_in_dim3A_734 = arith.constant 1 : i32
        %broadcast_in_dim3A_735 = vector.broadcast %broadcast_in_dim3A_734 : i32 to vector<16xi32>
        %gather3A_736 = tpu.vector_load_idx %arg11[%add3A_705, %broadcast_in_dim3A_735] : memref<1536x16xf32, #tpu.memory_space<vmem>>[vector<16xi32>, vector<16xi32>], vector<16xf32>,
        %broadcast_in_dim3A_737 = arith.constant 9 : i32
        %broadcast_in_dim3A_738 = vector.broadcast %broadcast_in_dim3A_737 : i32 to vector<16xi32>
        %gather3A_739 = tpu.vector_load_idx %arg11[%add3A_705, %broadcast_in_dim3A_738] : memref<1536x16xf32, #tpu.memory_space<vmem>>[vector<16xi32>, vector<16xi32>], vector<16xf32>,
        %mul3A_740 = arith.mulf %mul3A_696, %gather3A_730 : vector<16xf32>
        %mul3A_741 = arith.mulf %mul3A_697, %gather3A_733 : vector<16xf32>
        %add3A_742 = arith.addf %mul3A_740, %mul3A_741 : vector<16xf32>
        %mul3A_743 = arith.mulf %mul3A_698, %gather3A_736 : vector<16xf32>
        %add3A_744 = arith.addf %add3A_742, %mul3A_743 : vector<16xf32>
        %mul3A_745 = arith.mulf %mul3A_699, %gather3A_739 : vector<16xf32>
        %add3A_746 = arith.addf %add3A_744, %mul3A_745 : vector<16xf32>
        %broadcast_in_dim3A_747 = arith.constant 25 : i32
        %broadcast_in_dim3A_748 = vector.broadcast %broadcast_in_dim3A_747 : i32 to vector<16xi32>
        %add3A_749 = arith.addi %mul3A_131, %broadcast_in_dim3A_748 : vector<16xi32>
        tpu.vector_store_idx %arg7[%add3A_749], %add3A_746 : memref<6144xf32, #tpu.memory_space<vmem>>[vector<16xi32>], vector<16xf32>,
        %broadcast_in_dim3A_750 = arith.constant 2 : i32
        %broadcast_in_dim3A_751 = vector.broadcast %broadcast_in_dim3A_750 : i32 to vector<16xi32>
        %gather3A_752 = tpu.vector_load_idx %arg11[%add3A_702, %broadcast_in_dim3A_751] : memref<1536x16xf32, #tpu.memory_space<vmem>>[vector<16xi32>, vector<16xi32>], vector<16xf32>,
        %broadcast_in_dim3A_753 = arith.constant 10 : i32
        %broadcast_in_dim3A_754 = vector.broadcast %broadcast_in_dim3A_753 : i32 to vector<16xi32>
        %gather3A_755 = tpu.vector_load_idx %arg11[%add3A_702, %broadcast_in_dim3A_754] : memref<1536x16xf32, #tpu.memory_space<vmem>>[vector<16xi32>, vector<16xi32>], vector<16xf32>,
        %broadcast_in_dim3A_756 = arith.constant 2 : i32
        %broadcast_in_dim3A_757 = vector.broadcast %broadcast_in_dim3A_756 : i32 to vector<16xi32>
        %gather3A_758 = tpu.vector_load_idx %arg11[%add3A_705, %broadcast_in_dim3A_757] : memref<1536x16xf32, #tpu.memory_space<vmem>>[vector<16xi32>, vector<16xi32>], vector<16xf32>,
        %broadcast_in_dim3A_759 = arith.constant 10 : i32
        %broadcast_in_dim3A_760 = vector.broadcast %broadcast_in_dim3A_759 : i32 to vector<16xi32>
        %gather3A_761 = tpu.vector_load_idx %arg11[%add3A_705, %broadcast_in_dim3A_760] : memref<1536x16xf32, #tpu.memory_space<vmem>>[vector<16xi32>, vector<16xi32>], vector<16xf32>,
        %mul3A_762 = arith.mulf %mul3A_696, %gather3A_752 : vector<16xf32>
        %mul3A_763 = arith.mulf %mul3A_697, %gather3A_755 : vector<16xf32>
        %add3A_764 = arith.addf %mul3A_762, %mul3A_763 : vector<16xf32>
        %mul3A_765 = arith.mulf %mul3A_698, %gather3A_758 : vector<16xf32>
        %add3A_766 = arith.addf %add3A_764, %mul3A_765 : vector<16xf32>
        %mul3A_767 = arith.mulf %mul3A_699, %gather3A_761 : vector<16xf32>
        %add3A_768 = arith.addf %add3A_766, %mul3A_767 : vector<16xf32>
        %broadcast_in_dim3A_769 = arith.constant 26 : i32
        %broadcast_in_dim3A_770 = vector.broadcast %broadcast_in_dim3A_769 : i32 to vector<16xi32>
        %add3A_771 = arith.addi %mul3A_131, %broadcast_in_dim3A_770 : vector<16xi32>
        tpu.vector_store_idx %arg7[%add3A_771], %add3A_768 : memref<6144xf32, #tpu.memory_space<vmem>>[vector<16xi32>], vector<16xf32>,
        %broadcast_in_dim3A_772 = arith.constant 3 : i32
        %broadcast_in_dim3A_773 = vector.broadcast %broadcast_in_dim3A_772 : i32 to vector<16xi32>
        %gather3A_774 = tpu.vector_load_idx %arg11[%add3A_702, %broadcast_in_dim3A_773] : memref<1536x16xf32, #tpu.memory_space<vmem>>[vector<16xi32>, vector<16xi32>], vector<16xf32>,
        %broadcast_in_dim3A_775 = arith.constant 11 : i32
        %broadcast_in_dim3A_776 = vector.broadcast %broadcast_in_dim3A_775 : i32 to vector<16xi32>
        %gather3A_777 = tpu.vector_load_idx %arg11[%add3A_702, %broadcast_in_dim3A_776] : memref<1536x16xf32, #tpu.memory_space<vmem>>[vector<16xi32>, vector<16xi32>], vector<16xf32>,
        %broadcast_in_dim3A_778 = arith.constant 3 : i32
        %broadcast_in_dim3A_779 = vector.broadcast %broadcast_in_dim3A_778 : i32 to vector<16xi32>
        %gather3A_780 = tpu.vector_load_idx %arg11[%add3A_705, %broadcast_in_dim3A_779] : memref<1536x16xf32, #tpu.memory_space<vmem>>[vector<16xi32>, vector<16xi32>], vector<16xf32>,
        %broadcast_in_dim3A_781 = arith.constant 11 : i32
        %broadcast_in_dim3A_782 = vector.broadcast %broadcast_in_dim3A_781 : i32 to vector<16xi32>
        %gather3A_783 = tpu.vector_load_idx %arg11[%add3A_705, %broadcast_in_dim3A_782] : memref<1536x16xf32, #tpu.memory_space<vmem>>[vector<16xi32>, vector<16xi32>], vector<16xf32>,
        %mul3A_784 = arith.mulf %mul3A_696, %gather3A_774 : vector<16xf32>
        %mul3A_785 = arith.mulf %mul3A_697, %gather3A_777 : vector<16xf32>
        %add3A_786 = arith.addf %mul3A_784, %mul3A_785 : vector<16xf32>
        %mul3A_787 = arith.mulf %mul3A_698, %gather3A_780 : vector<16xf32>
        %add3A_788 = arith.addf %add3A_786, %mul3A_787 : vector<16xf32>
        %mul3A_789 = arith.mulf %mul3A_699, %gather3A_783 : vector<16xf32>
        %add3A_790 = arith.addf %add3A_788, %mul3A_789 : vector<16xf32>
        %broadcast_in_dim3A_791 = arith.constant 27 : i32
        %broadcast_in_dim3A_792 = vector.broadcast %broadcast_in_dim3A_791 : i32 to vector<16xi32>
        %add3A_793 = arith.addi %mul3A_131, %broadcast_in_dim3A_792 : vector<16xi32>
        tpu.vector_store_idx %arg7[%add3A_793], %add3A_790 : memref<6144xf32, #tpu.memory_space<vmem>>[vector<16xi32>], vector<16xf32>,
        %broadcast_in_dim3A_794 = arith.constant 4 : i32
        %broadcast_in_dim3A_795 = vector.broadcast %broadcast_in_dim3A_794 : i32 to vector<16xi32>
        %gather3A_796 = tpu.vector_load_idx %arg11[%add3A_702, %broadcast_in_dim3A_795] : memref<1536x16xf32, #tpu.memory_space<vmem>>[vector<16xi32>, vector<16xi32>], vector<16xf32>,
        %broadcast_in_dim3A_797 = arith.constant 12 : i32
        %broadcast_in_dim3A_798 = vector.broadcast %broadcast_in_dim3A_797 : i32 to vector<16xi32>
        %gather3A_799 = tpu.vector_load_idx %arg11[%add3A_702, %broadcast_in_dim3A_798] : memref<1536x16xf32, #tpu.memory_space<vmem>>[vector<16xi32>, vector<16xi32>], vector<16xf32>,
        %broadcast_in_dim3A_800 = arith.constant 4 : i32
        %broadcast_in_dim3A_801 = vector.broadcast %broadcast_in_dim3A_800 : i32 to vector<16xi32>
        %gather3A_802 = tpu.vector_load_idx %arg11[%add3A_705, %broadcast_in_dim3A_801] : memref<1536x16xf32, #tpu.memory_space<vmem>>[vector<16xi32>, vector<16xi32>], vector<16xf32>,
        %broadcast_in_dim3A_803 = arith.constant 12 : i32
        %broadcast_in_dim3A_804 = vector.broadcast %broadcast_in_dim3A_803 : i32 to vector<16xi32>
        %gather3A_805 = tpu.vector_load_idx %arg11[%add3A_705, %broadcast_in_dim3A_804] : memref<1536x16xf32, #tpu.memory_space<vmem>>[vector<16xi32>, vector<16xi32>], vector<16xf32>,
        %mul3A_806 = arith.mulf %mul3A_696, %gather3A_796 : vector<16xf32>
        %mul3A_807 = arith.mulf %mul3A_697, %gather3A_799 : vector<16xf32>
        %add3A_808 = arith.addf %mul3A_806, %mul3A_807 : vector<16xf32>
        %mul3A_809 = arith.mulf %mul3A_698, %gather3A_802 : vector<16xf32>
        %add3A_810 = arith.addf %add3A_808, %mul3A_809 : vector<16xf32>
        %mul3A_811 = arith.mulf %mul3A_699, %gather3A_805 : vector<16xf32>
        %add3A_812 = arith.addf %add3A_810, %mul3A_811 : vector<16xf32>
        %broadcast_in_dim3A_813 = arith.constant 28 : i32
        %broadcast_in_dim3A_814 = vector.broadcast %broadcast_in_dim3A_813 : i32 to vector<16xi32>
        %add3A_815 = arith.addi %mul3A_131, %broadcast_in_dim3A_814 : vector<16xi32>
        tpu.vector_store_idx %arg7[%add3A_815], %add3A_812 : memref<6144xf32, #tpu.memory_space<vmem>>[vector<16xi32>], vector<16xf32>,
        %broadcast_in_dim3A_816 = arith.constant 5 : i32
        %broadcast_in_dim3A_817 = vector.broadcast %broadcast_in_dim3A_816 : i32 to vector<16xi32>
        %gather3A_818 = tpu.vector_load_idx %arg11[%add3A_702, %broadcast_in_dim3A_817] : memref<1536x16xf32, #tpu.memory_space<vmem>>[vector<16xi32>, vector<16xi32>], vector<16xf32>,
        %broadcast_in_dim3A_819 = arith.constant 13 : i32
        %broadcast_in_dim3A_820 = vector.broadcast %broadcast_in_dim3A_819 : i32 to vector<16xi32>
        %gather3A_821 = tpu.vector_load_idx %arg11[%add3A_702, %broadcast_in_dim3A_820] : memref<1536x16xf32, #tpu.memory_space<vmem>>[vector<16xi32>, vector<16xi32>], vector<16xf32>,
        %broadcast_in_dim3A_822 = arith.constant 5 : i32
        %broadcast_in_dim3A_823 = vector.broadcast %broadcast_in_dim3A_822 : i32 to vector<16xi32>
        %gather3A_824 = tpu.vector_load_idx %arg11[%add3A_705, %broadcast_in_dim3A_823] : memref<1536x16xf32, #tpu.memory_space<vmem>>[vector<16xi32>, vector<16xi32>], vector<16xf32>,
        %broadcast_in_dim3A_825 = arith.constant 13 : i32
        %broadcast_in_dim3A_826 = vector.broadcast %broadcast_in_dim3A_825 : i32 to vector<16xi32>
        %gather3A_827 = tpu.vector_load_idx %arg11[%add3A_705, %broadcast_in_dim3A_826] : memref<1536x16xf32, #tpu.memory_space<vmem>>[vector<16xi32>, vector<16xi32>], vector<16xf32>,
        %mul3A_828 = arith.mulf %mul3A_696, %gather3A_818 : vector<16xf32>
        %mul3A_829 = arith.mulf %mul3A_697, %gather3A_821 : vector<16xf32>
        %add3A_830 = arith.addf %mul3A_828, %mul3A_829 : vector<16xf32>
        %mul3A_831 = arith.mulf %mul3A_698, %gather3A_824 : vector<16xf32>
        %add3A_832 = arith.addf %add3A_830, %mul3A_831 : vector<16xf32>
        %mul3A_833 = arith.mulf %mul3A_699, %gather3A_827 : vector<16xf32>
        %add3A_834 = arith.addf %add3A_832, %mul3A_833 : vector<16xf32>
        %broadcast_in_dim3A_835 = arith.constant 29 : i32
        %broadcast_in_dim3A_836 = vector.broadcast %broadcast_in_dim3A_835 : i32 to vector<16xi32>
        %add3A_837 = arith.addi %mul3A_131, %broadcast_in_dim3A_836 : vector<16xi32>
        tpu.vector_store_idx %arg7[%add3A_837], %add3A_834 : memref<6144xf32, #tpu.memory_space<vmem>>[vector<16xi32>], vector<16xf32>,
        %broadcast_in_dim3A_838 = arith.constant 6 : i32
        %broadcast_in_dim3A_839 = vector.broadcast %broadcast_in_dim3A_838 : i32 to vector<16xi32>
        %gather3A_840 = tpu.vector_load_idx %arg11[%add3A_702, %broadcast_in_dim3A_839] : memref<1536x16xf32, #tpu.memory_space<vmem>>[vector<16xi32>, vector<16xi32>], vector<16xf32>,
        %broadcast_in_dim3A_841 = arith.constant 14 : i32
        %broadcast_in_dim3A_842 = vector.broadcast %broadcast_in_dim3A_841 : i32 to vector<16xi32>
        %gather3A_843 = tpu.vector_load_idx %arg11[%add3A_702, %broadcast_in_dim3A_842] : memref<1536x16xf32, #tpu.memory_space<vmem>>[vector<16xi32>, vector<16xi32>], vector<16xf32>,
        %broadcast_in_dim3A_844 = arith.constant 6 : i32
        %broadcast_in_dim3A_845 = vector.broadcast %broadcast_in_dim3A_844 : i32 to vector<16xi32>
        %gather3A_846 = tpu.vector_load_idx %arg11[%add3A_705, %broadcast_in_dim3A_845] : memref<1536x16xf32, #tpu.memory_space<vmem>>[vector<16xi32>, vector<16xi32>], vector<16xf32>,
        %broadcast_in_dim3A_847 = arith.constant 14 : i32
        %broadcast_in_dim3A_848 = vector.broadcast %broadcast_in_dim3A_847 : i32 to vector<16xi32>
        %gather3A_849 = tpu.vector_load_idx %arg11[%add3A_705, %broadcast_in_dim3A_848] : memref<1536x16xf32, #tpu.memory_space<vmem>>[vector<16xi32>, vector<16xi32>], vector<16xf32>,
        %mul3A_850 = arith.mulf %mul3A_696, %gather3A_840 : vector<16xf32>
        %mul3A_851 = arith.mulf %mul3A_697, %gather3A_843 : vector<16xf32>
        %add3A_852 = arith.addf %mul3A_850, %mul3A_851 : vector<16xf32>
        %mul3A_853 = arith.mulf %mul3A_698, %gather3A_846 : vector<16xf32>
        %add3A_854 = arith.addf %add3A_852, %mul3A_853 : vector<16xf32>
        %mul3A_855 = arith.mulf %mul3A_699, %gather3A_849 : vector<16xf32>
        %add3A_856 = arith.addf %add3A_854, %mul3A_855 : vector<16xf32>
        %broadcast_in_dim3A_857 = arith.constant 30 : i32
        %broadcast_in_dim3A_858 = vector.broadcast %broadcast_in_dim3A_857 : i32 to vector<16xi32>
        %add3A_859 = arith.addi %mul3A_131, %broadcast_in_dim3A_858 : vector<16xi32>
        tpu.vector_store_idx %arg7[%add3A_859], %add3A_856 : memref<6144xf32, #tpu.memory_space<vmem>>[vector<16xi32>], vector<16xf32>,
        %broadcast_in_dim3A_860 = arith.constant 7 : i32
        %broadcast_in_dim3A_861 = vector.broadcast %broadcast_in_dim3A_860 : i32 to vector<16xi32>
        %gather3A_862 = tpu.vector_load_idx %arg11[%add3A_702, %broadcast_in_dim3A_861] : memref<1536x16xf32, #tpu.memory_space<vmem>>[vector<16xi32>, vector<16xi32>], vector<16xf32>,
        %broadcast_in_dim3A_863 = arith.constant 15 : i32
        %broadcast_in_dim3A_864 = vector.broadcast %broadcast_in_dim3A_863 : i32 to vector<16xi32>
        %gather3A_865 = tpu.vector_load_idx %arg11[%add3A_702, %broadcast_in_dim3A_864] : memref<1536x16xf32, #tpu.memory_space<vmem>>[vector<16xi32>, vector<16xi32>], vector<16xf32>,
        %broadcast_in_dim3A_866 = arith.constant 7 : i32
        %broadcast_in_dim3A_867 = vector.broadcast %broadcast_in_dim3A_866 : i32 to vector<16xi32>
        %gather3A_868 = tpu.vector_load_idx %arg11[%add3A_705, %broadcast_in_dim3A_867] : memref<1536x16xf32, #tpu.memory_space<vmem>>[vector<16xi32>, vector<16xi32>], vector<16xf32>,
        %broadcast_in_dim3A_869 = arith.constant 15 : i32
        %broadcast_in_dim3A_870 = vector.broadcast %broadcast_in_dim3A_869 : i32 to vector<16xi32>
        %gather3A_871 = tpu.vector_load_idx %arg11[%add3A_705, %broadcast_in_dim3A_870] : memref<1536x16xf32, #tpu.memory_space<vmem>>[vector<16xi32>, vector<16xi32>], vector<16xf32>,
        %mul3A_872 = arith.mulf %mul3A_696, %gather3A_862 : vector<16xf32>
        %mul3A_873 = arith.mulf %mul3A_697, %gather3A_865 : vector<16xf32>
        %add3A_874 = arith.addf %mul3A_872, %mul3A_873 : vector<16xf32>
        %mul3A_875 = arith.mulf %mul3A_698, %gather3A_868 : vector<16xf32>
        %add3A_876 = arith.addf %add3A_874, %mul3A_875 : vector<16xf32>
        %mul3A_877 = arith.mulf %mul3A_699, %gather3A_871 : vector<16xf32>
        %add3A_878 = arith.addf %add3A_876, %mul3A_877 : vector<16xf32>
        %broadcast_in_dim3A_879 = arith.constant 31 : i32
        %broadcast_in_dim3A_880 = vector.broadcast %broadcast_in_dim3A_879 : i32 to vector<16xi32>
        %add3A_881 = arith.addi %mul3A_131, %broadcast_in_dim3A_880 : vector<16xi32>
        tpu.vector_store_idx %arg7[%add3A_881], %add3A_878 : memref<6144xf32, #tpu.memory_space<vmem>>[vector<16xi32>], vector<16xf32>,
        %sub3A_882 = arith.subf %broadcast_in_dim3A_128, %get3A_114 : vector<16xf32>
        %sub3A_883 = arith.subf %broadcast_in_dim3A_128, %get3A_120 : vector<16xf32>
        %mul3A_884 = arith.mulf %sub3A_882, %sub3A_883 : vector<16xf32>
        %mul3A_885 = arith.mulf %sub3A_882, %get3A_120 : vector<16xf32>
        %mul3A_886 = arith.mulf %get3A_114, %sub3A_883 : vector<16xf32>
        %mul3A_887 = arith.mulf %get3A_114, %get3A_120 : vector<16xf32>
        %broadcast_in_dim3A_888 = arith.constant 1024 : i32
        %broadcast_in_dim3A_889 = vector.broadcast %broadcast_in_dim3A_888 : i32 to vector<16xi32>
        %add3A_890 = arith.addi %add3A_102, %broadcast_in_dim3A_889 : vector<16xi32>
        %broadcast_in_dim3A_891 = arith.constant 128 : i32
        %broadcast_in_dim3A_892 = vector.broadcast %broadcast_in_dim3A_891 : i32 to vector<16xi32>
        %add3A_893 = arith.addi %add3A_890, %broadcast_in_dim3A_892 : vector<16xi32>
        %broadcast_in_dim3A_894 = arith.constant 0 : i32
        %broadcast_in_dim3A_895 = vector.broadcast %broadcast_in_dim3A_894 : i32 to vector<16xi32>
        %gather3A_896 = tpu.vector_load_idx %arg11[%add3A_890, %broadcast_in_dim3A_895] : memref<1536x16xf32, #tpu.memory_space<vmem>>[vector<16xi32>, vector<16xi32>], vector<16xf32>,
        %broadcast_in_dim3A_897 = arith.constant 8 : i32
        %broadcast_in_dim3A_898 = vector.broadcast %broadcast_in_dim3A_897 : i32 to vector<16xi32>
        %gather3A_899 = tpu.vector_load_idx %arg11[%add3A_890, %broadcast_in_dim3A_898] : memref<1536x16xf32, #tpu.memory_space<vmem>>[vector<16xi32>, vector<16xi32>], vector<16xf32>,
        %broadcast_in_dim3A_900 = arith.constant 0 : i32
        %broadcast_in_dim3A_901 = vector.broadcast %broadcast_in_dim3A_900 : i32 to vector<16xi32>
        %gather3A_902 = tpu.vector_load_idx %arg11[%add3A_893, %broadcast_in_dim3A_901] : memref<1536x16xf32, #tpu.memory_space<vmem>>[vector<16xi32>, vector<16xi32>], vector<16xf32>,
        %broadcast_in_dim3A_903 = arith.constant 8 : i32
        %broadcast_in_dim3A_904 = vector.broadcast %broadcast_in_dim3A_903 : i32 to vector<16xi32>
        %gather3A_905 = tpu.vector_load_idx %arg11[%add3A_893, %broadcast_in_dim3A_904] : memref<1536x16xf32, #tpu.memory_space<vmem>>[vector<16xi32>, vector<16xi32>], vector<16xf32>,
        %mul3A_906 = arith.mulf %mul3A_884, %gather3A_896 : vector<16xf32>
        %mul3A_907 = arith.mulf %mul3A_885, %gather3A_899 : vector<16xf32>
        %add3A_908 = arith.addf %mul3A_906, %mul3A_907 : vector<16xf32>
        %mul3A_909 = arith.mulf %mul3A_886, %gather3A_902 : vector<16xf32>
        %add3A_910 = arith.addf %add3A_908, %mul3A_909 : vector<16xf32>
        %mul3A_911 = arith.mulf %mul3A_887, %gather3A_905 : vector<16xf32>
        %add3A_912 = arith.addf %add3A_910, %mul3A_911 : vector<16xf32>
        %broadcast_in_dim3A_913 = arith.constant 32 : i32
        %broadcast_in_dim3A_914 = vector.broadcast %broadcast_in_dim3A_913 : i32 to vector<16xi32>
        %add3A_915 = arith.addi %mul3A_131, %broadcast_in_dim3A_914 : vector<16xi32>
        tpu.vector_store_idx %arg7[%add3A_915], %add3A_912 : memref<6144xf32, #tpu.memory_space<vmem>>[vector<16xi32>], vector<16xf32>,
        %broadcast_in_dim3A_916 = arith.constant 1 : i32
        %broadcast_in_dim3A_917 = vector.broadcast %broadcast_in_dim3A_916 : i32 to vector<16xi32>
        %gather3A_918 = tpu.vector_load_idx %arg11[%add3A_890, %broadcast_in_dim3A_917] : memref<1536x16xf32, #tpu.memory_space<vmem>>[vector<16xi32>, vector<16xi32>], vector<16xf32>,
        %broadcast_in_dim3A_919 = arith.constant 9 : i32
        %broadcast_in_dim3A_920 = vector.broadcast %broadcast_in_dim3A_919 : i32 to vector<16xi32>
        %gather3A_921 = tpu.vector_load_idx %arg11[%add3A_890, %broadcast_in_dim3A_920] : memref<1536x16xf32, #tpu.memory_space<vmem>>[vector<16xi32>, vector<16xi32>], vector<16xf32>,
        %broadcast_in_dim3A_922 = arith.constant 1 : i32
        %broadcast_in_dim3A_923 = vector.broadcast %broadcast_in_dim3A_922 : i32 to vector<16xi32>
        %gather3A_924 = tpu.vector_load_idx %arg11[%add3A_893, %broadcast_in_dim3A_923] : memref<1536x16xf32, #tpu.memory_space<vmem>>[vector<16xi32>, vector<16xi32>], vector<16xf32>,
        %broadcast_in_dim3A_925 = arith.constant 9 : i32
        %broadcast_in_dim3A_926 = vector.broadcast %broadcast_in_dim3A_925 : i32 to vector<16xi32>
        %gather3A_927 = tpu.vector_load_idx %arg11[%add3A_893, %broadcast_in_dim3A_926] : memref<1536x16xf32, #tpu.memory_space<vmem>>[vector<16xi32>, vector<16xi32>], vector<16xf32>,
        %mul3A_928 = arith.mulf %mul3A_884, %gather3A_918 : vector<16xf32>
        %mul3A_929 = arith.mulf %mul3A_885, %gather3A_921 : vector<16xf32>
        %add3A_930 = arith.addf %mul3A_928, %mul3A_929 : vector<16xf32>
        %mul3A_931 = arith.mulf %mul3A_886, %gather3A_924 : vector<16xf32>
        %add3A_932 = arith.addf %add3A_930, %mul3A_931 : vector<16xf32>
        %mul3A_933 = arith.mulf %mul3A_887, %gather3A_927 : vector<16xf32>
        %add3A_934 = arith.addf %add3A_932, %mul3A_933 : vector<16xf32>
        %broadcast_in_dim3A_935 = arith.constant 33 : i32
        %broadcast_in_dim3A_936 = vector.broadcast %broadcast_in_dim3A_935 : i32 to vector<16xi32>
        %add3A_937 = arith.addi %mul3A_131, %broadcast_in_dim3A_936 : vector<16xi32>
        tpu.vector_store_idx %arg7[%add3A_937], %add3A_934 : memref<6144xf32, #tpu.memory_space<vmem>>[vector<16xi32>], vector<16xf32>,
        %broadcast_in_dim3A_938 = arith.constant 2 : i32
        %broadcast_in_dim3A_939 = vector.broadcast %broadcast_in_dim3A_938 : i32 to vector<16xi32>
        %gather3A_940 = tpu.vector_load_idx %arg11[%add3A_890, %broadcast_in_dim3A_939] : memref<1536x16xf32, #tpu.memory_space<vmem>>[vector<16xi32>, vector<16xi32>], vector<16xf32>,
        %broadcast_in_dim3A_941 = arith.constant 10 : i32
        %broadcast_in_dim3A_942 = vector.broadcast %broadcast_in_dim3A_941 : i32 to vector<16xi32>
        %gather3A_943 = tpu.vector_load_idx %arg11[%add3A_890, %broadcast_in_dim3A_942] : memref<1536x16xf32, #tpu.memory_space<vmem>>[vector<16xi32>, vector<16xi32>], vector<16xf32>,
        %broadcast_in_dim3A_944 = arith.constant 2 : i32
        %broadcast_in_dim3A_945 = vector.broadcast %broadcast_in_dim3A_944 : i32 to vector<16xi32>
        %gather3A_946 = tpu.vector_load_idx %arg11[%add3A_893, %broadcast_in_dim3A_945] : memref<1536x16xf32, #tpu.memory_space<vmem>>[vector<16xi32>, vector<16xi32>], vector<16xf32>,
        %broadcast_in_dim3A_947 = arith.constant 10 : i32
        %broadcast_in_dim3A_948 = vector.broadcast %broadcast_in_dim3A_947 : i32 to vector<16xi32>
        %gather3A_949 = tpu.vector_load_idx %arg11[%add3A_893, %broadcast_in_dim3A_948] : memref<1536x16xf32, #tpu.memory_space<vmem>>[vector<16xi32>, vector<16xi32>], vector<16xf32>,
        %mul3A_950 = arith.mulf %mul3A_884, %gather3A_940 : vector<16xf32>
        %mul3A_951 = arith.mulf %mul3A_885, %gather3A_943 : vector<16xf32>
        %add3A_952 = arith.addf %mul3A_950, %mul3A_951 : vector<16xf32>
        %mul3A_953 = arith.mulf %mul3A_886, %gather3A_946 : vector<16xf32>
        %add3A_954 = arith.addf %add3A_952, %mul3A_953 : vector<16xf32>
        %mul3A_955 = arith.mulf %mul3A_887, %gather3A_949 : vector<16xf32>
        %add3A_956 = arith.addf %add3A_954, %mul3A_955 : vector<16xf32>
        %broadcast_in_dim3A_957 = arith.constant 34 : i32
        %broadcast_in_dim3A_958 = vector.broadcast %broadcast_in_dim3A_957 : i32 to vector<16xi32>
        %add3A_959 = arith.addi %mul3A_131, %broadcast_in_dim3A_958 : vector<16xi32>
        tpu.vector_store_idx %arg7[%add3A_959], %add3A_956 : memref<6144xf32, #tpu.memory_space<vmem>>[vector<16xi32>], vector<16xf32>,
        %broadcast_in_dim3A_960 = arith.constant 3 : i32
        %broadcast_in_dim3A_961 = vector.broadcast %broadcast_in_dim3A_960 : i32 to vector<16xi32>
        %gather3A_962 = tpu.vector_load_idx %arg11[%add3A_890, %broadcast_in_dim3A_961] : memref<1536x16xf32, #tpu.memory_space<vmem>>[vector<16xi32>, vector<16xi32>], vector<16xf32>,
        %broadcast_in_dim3A_963 = arith.constant 11 : i32
        %broadcast_in_dim3A_964 = vector.broadcast %broadcast_in_dim3A_963 : i32 to vector<16xi32>
        %gather3A_965 = tpu.vector_load_idx %arg11[%add3A_890, %broadcast_in_dim3A_964] : memref<1536x16xf32, #tpu.memory_space<vmem>>[vector<16xi32>, vector<16xi32>], vector<16xf32>,
        %broadcast_in_dim3A_966 = arith.constant 3 : i32
        %broadcast_in_dim3A_967 = vector.broadcast %broadcast_in_dim3A_966 : i32 to vector<16xi32>
        %gather3A_968 = tpu.vector_load_idx %arg11[%add3A_893, %broadcast_in_dim3A_967] : memref<1536x16xf32, #tpu.memory_space<vmem>>[vector<16xi32>, vector<16xi32>], vector<16xf32>,
        %broadcast_in_dim3A_969 = arith.constant 11 : i32
        %broadcast_in_dim3A_970 = vector.broadcast %broadcast_in_dim3A_969 : i32 to vector<16xi32>
        %gather3A_971 = tpu.vector_load_idx %arg11[%add3A_893, %broadcast_in_dim3A_970] : memref<1536x16xf32, #tpu.memory_space<vmem>>[vector<16xi32>, vector<16xi32>], vector<16xf32>,
        %mul3A_972 = arith.mulf %mul3A_884, %gather3A_962 : vector<16xf32>
        %mul3A_973 = arith.mulf %mul3A_885, %gather3A_965 : vector<16xf32>
        %add3A_974 = arith.addf %mul3A_972, %mul3A_973 : vector<16xf32>
        %mul3A_975 = arith.mulf %mul3A_886, %gather3A_968 : vector<16xf32>
        %add3A_976 = arith.addf %add3A_974, %mul3A_975 : vector<16xf32>
        %mul3A_977 = arith.mulf %mul3A_887, %gather3A_971 : vector<16xf32>
        %add3A_978 = arith.addf %add3A_976, %mul3A_977 : vector<16xf32>
        %broadcast_in_dim3A_979 = arith.constant 35 : i32
        %broadcast_in_dim3A_980 = vector.broadcast %broadcast_in_dim3A_979 : i32 to vector<16xi32>
        %add3A_981 = arith.addi %mul3A_131, %broadcast_in_dim3A_980 : vector<16xi32>
        tpu.vector_store_idx %arg7[%add3A_981], %add3A_978 : memref<6144xf32, #tpu.memory_space<vmem>>[vector<16xi32>], vector<16xf32>,
        %broadcast_in_dim3A_982 = arith.constant 4 : i32
        %broadcast_in_dim3A_983 = vector.broadcast %broadcast_in_dim3A_982 : i32 to vector<16xi32>
        %gather3A_984 = tpu.vector_load_idx %arg11[%add3A_890, %broadcast_in_dim3A_983] : memref<1536x16xf32, #tpu.memory_space<vmem>>[vector<16xi32>, vector<16xi32>], vector<16xf32>,
        %broadcast_in_dim3A_985 = arith.constant 12 : i32
        %broadcast_in_dim3A_986 = vector.broadcast %broadcast_in_dim3A_985 : i32 to vector<16xi32>
        %gather3A_987 = tpu.vector_load_idx %arg11[%add3A_890, %broadcast_in_dim3A_986] : memref<1536x16xf32, #tpu.memory_space<vmem>>[vector<16xi32>, vector<16xi32>], vector<16xf32>,
        %broadcast_in_dim3A_988 = arith.constant 4 : i32
        %broadcast_in_dim3A_989 = vector.broadcast %broadcast_in_dim3A_988 : i32 to vector<16xi32>
        %gather3A_990 = tpu.vector_load_idx %arg11[%add3A_893, %broadcast_in_dim3A_989] : memref<1536x16xf32, #tpu.memory_space<vmem>>[vector<16xi32>, vector<16xi32>], vector<16xf32>,
        %broadcast_in_dim3A_991 = arith.constant 12 : i32
        %broadcast_in_dim3A_992 = vector.broadcast %broadcast_in_dim3A_991 : i32 to vector<16xi32>
        %gather3A_993 = tpu.vector_load_idx %arg11[%add3A_893, %broadcast_in_dim3A_992] : memref<1536x16xf32, #tpu.memory_space<vmem>>[vector<16xi32>, vector<16xi32>], vector<16xf32>,
        %mul3A_994 = arith.mulf %mul3A_884, %gather3A_984 : vector<16xf32>
        %mul3A_995 = arith.mulf %mul3A_885, %gather3A_987 : vector<16xf32>
        %add3A_996 = arith.addf %mul3A_994, %mul3A_995 : vector<16xf32>
        %mul3A_997 = arith.mulf %mul3A_886, %gather3A_990 : vector<16xf32>
        %add3A_998 = arith.addf %add3A_996, %mul3A_997 : vector<16xf32>
        %mul3A_999 = arith.mulf %mul3A_887, %gather3A_993 : vector<16xf32>
        %add3A_1000 = arith.addf %add3A_998, %mul3A_999 : vector<16xf32>
        %broadcast_in_dim3A_1001 = arith.constant 36 : i32
        %broadcast_in_dim3A_1002 = vector.broadcast %broadcast_in_dim3A_1001 : i32 to vector<16xi32>
        %add3A_1003 = arith.addi %mul3A_131, %broadcast_in_dim3A_1002 : vector<16xi32>
        tpu.vector_store_idx %arg7[%add3A_1003], %add3A_1000 : memref<6144xf32, #tpu.memory_space<vmem>>[vector<16xi32>], vector<16xf32>,
        %broadcast_in_dim3A_1004 = arith.constant 5 : i32
        %broadcast_in_dim3A_1005 = vector.broadcast %broadcast_in_dim3A_1004 : i32 to vector<16xi32>
        %gather3A_1006 = tpu.vector_load_idx %arg11[%add3A_890, %broadcast_in_dim3A_1005] : memref<1536x16xf32, #tpu.memory_space<vmem>>[vector<16xi32>, vector<16xi32>], vector<16xf32>,
        %broadcast_in_dim3A_1007 = arith.constant 13 : i32
        %broadcast_in_dim3A_1008 = vector.broadcast %broadcast_in_dim3A_1007 : i32 to vector<16xi32>
        %gather3A_1009 = tpu.vector_load_idx %arg11[%add3A_890, %broadcast_in_dim3A_1008] : memref<1536x16xf32, #tpu.memory_space<vmem>>[vector<16xi32>, vector<16xi32>], vector<16xf32>,
        %broadcast_in_dim3A_1010 = arith.constant 5 : i32
        %broadcast_in_dim3A_1011 = vector.broadcast %broadcast_in_dim3A_1010 : i32 to vector<16xi32>
        %gather3A_1012 = tpu.vector_load_idx %arg11[%add3A_893, %broadcast_in_dim3A_1011] : memref<1536x16xf32, #tpu.memory_space<vmem>>[vector<16xi32>, vector<16xi32>], vector<16xf32>,
        %broadcast_in_dim3A_1013 = arith.constant 13 : i32
        %broadcast_in_dim3A_1014 = vector.broadcast %broadcast_in_dim3A_1013 : i32 to vector<16xi32>
        %gather3A_1015 = tpu.vector_load_idx %arg11[%add3A_893, %broadcast_in_dim3A_1014] : memref<1536x16xf32, #tpu.memory_space<vmem>>[vector<16xi32>, vector<16xi32>], vector<16xf32>,
        %mul3A_1016 = arith.mulf %mul3A_884, %gather3A_1006 : vector<16xf32>
        %mul3A_1017 = arith.mulf %mul3A_885, %gather3A_1009 : vector<16xf32>
        %add3A_1018 = arith.addf %mul3A_1016, %mul3A_1017 : vector<16xf32>
        %mul3A_1019 = arith.mulf %mul3A_886, %gather3A_1012 : vector<16xf32>
        %add3A_1020 = arith.addf %add3A_1018, %mul3A_1019 : vector<16xf32>
        %mul3A_1021 = arith.mulf %mul3A_887, %gather3A_1015 : vector<16xf32>
        %add3A_1022 = arith.addf %add3A_1020, %mul3A_1021 : vector<16xf32>
        %broadcast_in_dim3A_1023 = arith.constant 37 : i32
        %broadcast_in_dim3A_1024 = vector.broadcast %broadcast_in_dim3A_1023 : i32 to vector<16xi32>
        %add3A_1025 = arith.addi %mul3A_131, %broadcast_in_dim3A_1024 : vector<16xi32>
        tpu.vector_store_idx %arg7[%add3A_1025], %add3A_1022 : memref<6144xf32, #tpu.memory_space<vmem>>[vector<16xi32>], vector<16xf32>,
        %broadcast_in_dim3A_1026 = arith.constant 6 : i32
        %broadcast_in_dim3A_1027 = vector.broadcast %broadcast_in_dim3A_1026 : i32 to vector<16xi32>
        %gather3A_1028 = tpu.vector_load_idx %arg11[%add3A_890, %broadcast_in_dim3A_1027] : memref<1536x16xf32, #tpu.memory_space<vmem>>[vector<16xi32>, vector<16xi32>], vector<16xf32>,
        %broadcast_in_dim3A_1029 = arith.constant 14 : i32
        %broadcast_in_dim3A_1030 = vector.broadcast %broadcast_in_dim3A_1029 : i32 to vector<16xi32>
        %gather3A_1031 = tpu.vector_load_idx %arg11[%add3A_890, %broadcast_in_dim3A_1030] : memref<1536x16xf32, #tpu.memory_space<vmem>>[vector<16xi32>, vector<16xi32>], vector<16xf32>,
        %broadcast_in_dim3A_1032 = arith.constant 6 : i32
        %broadcast_in_dim3A_1033 = vector.broadcast %broadcast_in_dim3A_1032 : i32 to vector<16xi32>
        %gather3A_1034 = tpu.vector_load_idx %arg11[%add3A_893, %broadcast_in_dim3A_1033] : memref<1536x16xf32, #tpu.memory_space<vmem>>[vector<16xi32>, vector<16xi32>], vector<16xf32>,
        %broadcast_in_dim3A_1035 = arith.constant 14 : i32
        %broadcast_in_dim3A_1036 = vector.broadcast %broadcast_in_dim3A_1035 : i32 to vector<16xi32>
        %gather3A_1037 = tpu.vector_load_idx %arg11[%add3A_893, %broadcast_in_dim3A_1036] : memref<1536x16xf32, #tpu.memory_space<vmem>>[vector<16xi32>, vector<16xi32>], vector<16xf32>,
        %mul3A_1038 = arith.mulf %mul3A_884, %gather3A_1028 : vector<16xf32>
        %mul3A_1039 = arith.mulf %mul3A_885, %gather3A_1031 : vector<16xf32>
        %add3A_1040 = arith.addf %mul3A_1038, %mul3A_1039 : vector<16xf32>
        %mul3A_1041 = arith.mulf %mul3A_886, %gather3A_1034 : vector<16xf32>
        %add3A_1042 = arith.addf %add3A_1040, %mul3A_1041 : vector<16xf32>
        %mul3A_1043 = arith.mulf %mul3A_887, %gather3A_1037 : vector<16xf32>
        %add3A_1044 = arith.addf %add3A_1042, %mul3A_1043 : vector<16xf32>
        %broadcast_in_dim3A_1045 = arith.constant 38 : i32
        %broadcast_in_dim3A_1046 = vector.broadcast %broadcast_in_dim3A_1045 : i32 to vector<16xi32>
        %add3A_1047 = arith.addi %mul3A_131, %broadcast_in_dim3A_1046 : vector<16xi32>
        tpu.vector_store_idx %arg7[%add3A_1047], %add3A_1044 : memref<6144xf32, #tpu.memory_space<vmem>>[vector<16xi32>], vector<16xf32>,
        %broadcast_in_dim3A_1048 = arith.constant 7 : i32
        %broadcast_in_dim3A_1049 = vector.broadcast %broadcast_in_dim3A_1048 : i32 to vector<16xi32>
        %gather3A_1050 = tpu.vector_load_idx %arg11[%add3A_890, %broadcast_in_dim3A_1049] : memref<1536x16xf32, #tpu.memory_space<vmem>>[vector<16xi32>, vector<16xi32>], vector<16xf32>,
        %broadcast_in_dim3A_1051 = arith.constant 15 : i32
        %broadcast_in_dim3A_1052 = vector.broadcast %broadcast_in_dim3A_1051 : i32 to vector<16xi32>
        %gather3A_1053 = tpu.vector_load_idx %arg11[%add3A_890, %broadcast_in_dim3A_1052] : memref<1536x16xf32, #tpu.memory_space<vmem>>[vector<16xi32>, vector<16xi32>], vector<16xf32>,
        %broadcast_in_dim3A_1054 = arith.constant 7 : i32
        %broadcast_in_dim3A_1055 = vector.broadcast %broadcast_in_dim3A_1054 : i32 to vector<16xi32>
        %gather3A_1056 = tpu.vector_load_idx %arg11[%add3A_893, %broadcast_in_dim3A_1055] : memref<1536x16xf32, #tpu.memory_space<vmem>>[vector<16xi32>, vector<16xi32>], vector<16xf32>,
        %broadcast_in_dim3A_1057 = arith.constant 15 : i32
        %broadcast_in_dim3A_1058 = vector.broadcast %broadcast_in_dim3A_1057 : i32 to vector<16xi32>
        %gather3A_1059 = tpu.vector_load_idx %arg11[%add3A_893, %broadcast_in_dim3A_1058] : memref<1536x16xf32, #tpu.memory_space<vmem>>[vector<16xi32>, vector<16xi32>], vector<16xf32>,
        %mul3A_1060 = arith.mulf %mul3A_884, %gather3A_1050 : vector<16xf32>
        %mul3A_1061 = arith.mulf %mul3A_885, %gather3A_1053 : vector<16xf32>
        %add3A_1062 = arith.addf %mul3A_1060, %mul3A_1061 : vector<16xf32>
        %mul3A_1063 = arith.mulf %mul3A_886, %gather3A_1056 : vector<16xf32>
        %add3A_1064 = arith.addf %add3A_1062, %mul3A_1063 : vector<16xf32>
        %mul3A_1065 = arith.mulf %mul3A_887, %gather3A_1059 : vector<16xf32>
        %add3A_1066 = arith.addf %add3A_1064, %mul3A_1065 : vector<16xf32>
        %broadcast_in_dim3A_1067 = arith.constant 39 : i32
        %broadcast_in_dim3A_1068 = vector.broadcast %broadcast_in_dim3A_1067 : i32 to vector<16xi32>
        %add3A_1069 = arith.addi %mul3A_131, %broadcast_in_dim3A_1068 : vector<16xi32>
        tpu.vector_store_idx %arg7[%add3A_1069], %add3A_1066 : memref<6144xf32, #tpu.memory_space<vmem>>[vector<16xi32>], vector<16xf32>,
        %sub3A_1070 = arith.subf %broadcast_in_dim3A_128, %get3A_114 : vector<16xf32>
        %sub3A_1071 = arith.subf %broadcast_in_dim3A_128, %get3A_126 : vector<16xf32>
        %mul3A_1072 = arith.mulf %sub3A_1070, %sub3A_1071 : vector<16xf32>
        %mul3A_1073 = arith.mulf %sub3A_1070, %get3A_126 : vector<16xf32>
        %mul3A_1074 = arith.mulf %get3A_114, %sub3A_1071 : vector<16xf32>
        %mul3A_1075 = arith.mulf %get3A_114, %get3A_126 : vector<16xf32>
        %broadcast_in_dim3A_1076 = arith.constant 1280 : i32
        %broadcast_in_dim3A_1077 = vector.broadcast %broadcast_in_dim3A_1076 : i32 to vector<16xi32>
        %add3A_1078 = arith.addi %add3A_102, %broadcast_in_dim3A_1077 : vector<16xi32>
        %broadcast_in_dim3A_1079 = arith.constant 128 : i32
        %broadcast_in_dim3A_1080 = vector.broadcast %broadcast_in_dim3A_1079 : i32 to vector<16xi32>
        %add3A_1081 = arith.addi %add3A_1078, %broadcast_in_dim3A_1080 : vector<16xi32>
        %broadcast_in_dim3A_1082 = arith.constant 0 : i32
        %broadcast_in_dim3A_1083 = vector.broadcast %broadcast_in_dim3A_1082 : i32 to vector<16xi32>
        %gather3A_1084 = tpu.vector_load_idx %arg11[%add3A_1078, %broadcast_in_dim3A_1083] : memref<1536x16xf32, #tpu.memory_space<vmem>>[vector<16xi32>, vector<16xi32>], vector<16xf32>,
        %broadcast_in_dim3A_1085 = arith.constant 8 : i32
        %broadcast_in_dim3A_1086 = vector.broadcast %broadcast_in_dim3A_1085 : i32 to vector<16xi32>
        %gather3A_1087 = tpu.vector_load_idx %arg11[%add3A_1078, %broadcast_in_dim3A_1086] : memref<1536x16xf32, #tpu.memory_space<vmem>>[vector<16xi32>, vector<16xi32>], vector<16xf32>,
        %broadcast_in_dim3A_1088 = arith.constant 0 : i32
        %broadcast_in_dim3A_1089 = vector.broadcast %broadcast_in_dim3A_1088 : i32 to vector<16xi32>
        %gather3A_1090 = tpu.vector_load_idx %arg11[%add3A_1081, %broadcast_in_dim3A_1089] : memref<1536x16xf32, #tpu.memory_space<vmem>>[vector<16xi32>, vector<16xi32>], vector<16xf32>,
        %broadcast_in_dim3A_1091 = arith.constant 8 : i32
        %broadcast_in_dim3A_1092 = vector.broadcast %broadcast_in_dim3A_1091 : i32 to vector<16xi32>
        %gather3A_1093 = tpu.vector_load_idx %arg11[%add3A_1081, %broadcast_in_dim3A_1092] : memref<1536x16xf32, #tpu.memory_space<vmem>>[vector<16xi32>, vector<16xi32>], vector<16xf32>,
        %mul3A_1094 = arith.mulf %mul3A_1072, %gather3A_1084 : vector<16xf32>
        %mul3A_1095 = arith.mulf %mul3A_1073, %gather3A_1087 : vector<16xf32>
        %add3A_1096 = arith.addf %mul3A_1094, %mul3A_1095 : vector<16xf32>
        %mul3A_1097 = arith.mulf %mul3A_1074, %gather3A_1090 : vector<16xf32>
        %add3A_1098 = arith.addf %add3A_1096, %mul3A_1097 : vector<16xf32>
        %mul3A_1099 = arith.mulf %mul3A_1075, %gather3A_1093 : vector<16xf32>
        %add3A_1100 = arith.addf %add3A_1098, %mul3A_1099 : vector<16xf32>
        %broadcast_in_dim3A_1101 = arith.constant 40 : i32
        %broadcast_in_dim3A_1102 = vector.broadcast %broadcast_in_dim3A_1101 : i32 to vector<16xi32>
        %add3A_1103 = arith.addi %mul3A_131, %broadcast_in_dim3A_1102 : vector<16xi32>
        tpu.vector_store_idx %arg7[%add3A_1103], %add3A_1100 : memref<6144xf32, #tpu.memory_space<vmem>>[vector<16xi32>], vector<16xf32>,
        %broadcast_in_dim3A_1104 = arith.constant 1 : i32
        %broadcast_in_dim3A_1105 = vector.broadcast %broadcast_in_dim3A_1104 : i32 to vector<16xi32>
        %gather3A_1106 = tpu.vector_load_idx %arg11[%add3A_1078, %broadcast_in_dim3A_1105] : memref<1536x16xf32, #tpu.memory_space<vmem>>[vector<16xi32>, vector<16xi32>], vector<16xf32>,
        %broadcast_in_dim3A_1107 = arith.constant 9 : i32
        %broadcast_in_dim3A_1108 = vector.broadcast %broadcast_in_dim3A_1107 : i32 to vector<16xi32>
        %gather3A_1109 = tpu.vector_load_idx %arg11[%add3A_1078, %broadcast_in_dim3A_1108] : memref<1536x16xf32, #tpu.memory_space<vmem>>[vector<16xi32>, vector<16xi32>], vector<16xf32>,
        %broadcast_in_dim3A_1110 = arith.constant 1 : i32
        %broadcast_in_dim3A_1111 = vector.broadcast %broadcast_in_dim3A_1110 : i32 to vector<16xi32>
        %gather3A_1112 = tpu.vector_load_idx %arg11[%add3A_1081, %broadcast_in_dim3A_1111] : memref<1536x16xf32, #tpu.memory_space<vmem>>[vector<16xi32>, vector<16xi32>], vector<16xf32>,
        %broadcast_in_dim3A_1113 = arith.constant 9 : i32
        %broadcast_in_dim3A_1114 = vector.broadcast %broadcast_in_dim3A_1113 : i32 to vector<16xi32>
        %gather3A_1115 = tpu.vector_load_idx %arg11[%add3A_1081, %broadcast_in_dim3A_1114] : memref<1536x16xf32, #tpu.memory_space<vmem>>[vector<16xi32>, vector<16xi32>], vector<16xf32>,
        %mul3A_1116 = arith.mulf %mul3A_1072, %gather3A_1106 : vector<16xf32>
        %mul3A_1117 = arith.mulf %mul3A_1073, %gather3A_1109 : vector<16xf32>
        %add3A_1118 = arith.addf %mul3A_1116, %mul3A_1117 : vector<16xf32>
        %mul3A_1119 = arith.mulf %mul3A_1074, %gather3A_1112 : vector<16xf32>
        %add3A_1120 = arith.addf %add3A_1118, %mul3A_1119 : vector<16xf32>
        %mul3A_1121 = arith.mulf %mul3A_1075, %gather3A_1115 : vector<16xf32>
        %add3A_1122 = arith.addf %add3A_1120, %mul3A_1121 : vector<16xf32>
        %broadcast_in_dim3A_1123 = arith.constant 41 : i32
        %broadcast_in_dim3A_1124 = vector.broadcast %broadcast_in_dim3A_1123 : i32 to vector<16xi32>
        %add3A_1125 = arith.addi %mul3A_131, %broadcast_in_dim3A_1124 : vector<16xi32>
        tpu.vector_store_idx %arg7[%add3A_1125], %add3A_1122 : memref<6144xf32, #tpu.memory_space<vmem>>[vector<16xi32>], vector<16xf32>,
        %broadcast_in_dim3A_1126 = arith.constant 2 : i32
        %broadcast_in_dim3A_1127 = vector.broadcast %broadcast_in_dim3A_1126 : i32 to vector<16xi32>
        %gather3A_1128 = tpu.vector_load_idx %arg11[%add3A_1078, %broadcast_in_dim3A_1127] : memref<1536x16xf32, #tpu.memory_space<vmem>>[vector<16xi32>, vector<16xi32>], vector<16xf32>,
        %broadcast_in_dim3A_1129 = arith.constant 10 : i32
        %broadcast_in_dim3A_1130 = vector.broadcast %broadcast_in_dim3A_1129 : i32 to vector<16xi32>
        %gather3A_1131 = tpu.vector_load_idx %arg11[%add3A_1078, %broadcast_in_dim3A_1130] : memref<1536x16xf32, #tpu.memory_space<vmem>>[vector<16xi32>, vector<16xi32>], vector<16xf32>,
        %broadcast_in_dim3A_1132 = arith.constant 2 : i32
        %broadcast_in_dim3A_1133 = vector.broadcast %broadcast_in_dim3A_1132 : i32 to vector<16xi32>
        %gather3A_1134 = tpu.vector_load_idx %arg11[%add3A_1081, %broadcast_in_dim3A_1133] : memref<1536x16xf32, #tpu.memory_space<vmem>>[vector<16xi32>, vector<16xi32>], vector<16xf32>,
        %broadcast_in_dim3A_1135 = arith.constant 10 : i32
        %broadcast_in_dim3A_1136 = vector.broadcast %broadcast_in_dim3A_1135 : i32 to vector<16xi32>
        %gather3A_1137 = tpu.vector_load_idx %arg11[%add3A_1081, %broadcast_in_dim3A_1136] : memref<1536x16xf32, #tpu.memory_space<vmem>>[vector<16xi32>, vector<16xi32>], vector<16xf32>,
        %mul3A_1138 = arith.mulf %mul3A_1072, %gather3A_1128 : vector<16xf32>
        %mul3A_1139 = arith.mulf %mul3A_1073, %gather3A_1131 : vector<16xf32>
        %add3A_1140 = arith.addf %mul3A_1138, %mul3A_1139 : vector<16xf32>
        %mul3A_1141 = arith.mulf %mul3A_1074, %gather3A_1134 : vector<16xf32>
        %add3A_1142 = arith.addf %add3A_1140, %mul3A_1141 : vector<16xf32>
        %mul3A_1143 = arith.mulf %mul3A_1075, %gather3A_1137 : vector<16xf32>
        %add3A_1144 = arith.addf %add3A_1142, %mul3A_1143 : vector<16xf32>
        %broadcast_in_dim3A_1145 = arith.constant 42 : i32
        %broadcast_in_dim3A_1146 = vector.broadcast %broadcast_in_dim3A_1145 : i32 to vector<16xi32>
        %add3A_1147 = arith.addi %mul3A_131, %broadcast_in_dim3A_1146 : vector<16xi32>
        tpu.vector_store_idx %arg7[%add3A_1147], %add3A_1144 : memref<6144xf32, #tpu.memory_space<vmem>>[vector<16xi32>], vector<16xf32>,
        %broadcast_in_dim3A_1148 = arith.constant 3 : i32
        %broadcast_in_dim3A_1149 = vector.broadcast %broadcast_in_dim3A_1148 : i32 to vector<16xi32>
        %gather3A_1150 = tpu.vector_load_idx %arg11[%add3A_1078, %broadcast_in_dim3A_1149] : memref<1536x16xf32, #tpu.memory_space<vmem>>[vector<16xi32>, vector<16xi32>], vector<16xf32>,
        %broadcast_in_dim3A_1151 = arith.constant 11 : i32
        %broadcast_in_dim3A_1152 = vector.broadcast %broadcast_in_dim3A_1151 : i32 to vector<16xi32>
        %gather3A_1153 = tpu.vector_load_idx %arg11[%add3A_1078, %broadcast_in_dim3A_1152] : memref<1536x16xf32, #tpu.memory_space<vmem>>[vector<16xi32>, vector<16xi32>], vector<16xf32>,
        %broadcast_in_dim3A_1154 = arith.constant 3 : i32
        %broadcast_in_dim3A_1155 = vector.broadcast %broadcast_in_dim3A_1154 : i32 to vector<16xi32>
        %gather3A_1156 = tpu.vector_load_idx %arg11[%add3A_1081, %broadcast_in_dim3A_1155] : memref<1536x16xf32, #tpu.memory_space<vmem>>[vector<16xi32>, vector<16xi32>], vector<16xf32>,
        %broadcast_in_dim3A_1157 = arith.constant 11 : i32
        %broadcast_in_dim3A_1158 = vector.broadcast %broadcast_in_dim3A_1157 : i32 to vector<16xi32>
        %gather3A_1159 = tpu.vector_load_idx %arg11[%add3A_1081, %broadcast_in_dim3A_1158] : memref<1536x16xf32, #tpu.memory_space<vmem>>[vector<16xi32>, vector<16xi32>], vector<16xf32>,
        %mul3A_1160 = arith.mulf %mul3A_1072, %gather3A_1150 : vector<16xf32>
        %mul3A_1161 = arith.mulf %mul3A_1073, %gather3A_1153 : vector<16xf32>
        %add3A_1162 = arith.addf %mul3A_1160, %mul3A_1161 : vector<16xf32>
        %mul3A_1163 = arith.mulf %mul3A_1074, %gather3A_1156 : vector<16xf32>
        %add3A_1164 = arith.addf %add3A_1162, %mul3A_1163 : vector<16xf32>
        %mul3A_1165 = arith.mulf %mul3A_1075, %gather3A_1159 : vector<16xf32>
        %add3A_1166 = arith.addf %add3A_1164, %mul3A_1165 : vector<16xf32>
        %broadcast_in_dim3A_1167 = arith.constant 43 : i32
        %broadcast_in_dim3A_1168 = vector.broadcast %broadcast_in_dim3A_1167 : i32 to vector<16xi32>
        %add3A_1169 = arith.addi %mul3A_131, %broadcast_in_dim3A_1168 : vector<16xi32>
        tpu.vector_store_idx %arg7[%add3A_1169], %add3A_1166 : memref<6144xf32, #tpu.memory_space<vmem>>[vector<16xi32>], vector<16xf32>,
        %broadcast_in_dim3A_1170 = arith.constant 4 : i32
        %broadcast_in_dim3A_1171 = vector.broadcast %broadcast_in_dim3A_1170 : i32 to vector<16xi32>
        %gather3A_1172 = tpu.vector_load_idx %arg11[%add3A_1078, %broadcast_in_dim3A_1171] : memref<1536x16xf32, #tpu.memory_space<vmem>>[vector<16xi32>, vector<16xi32>], vector<16xf32>,
        %broadcast_in_dim3A_1173 = arith.constant 12 : i32
        %broadcast_in_dim3A_1174 = vector.broadcast %broadcast_in_dim3A_1173 : i32 to vector<16xi32>
        %gather3A_1175 = tpu.vector_load_idx %arg11[%add3A_1078, %broadcast_in_dim3A_1174] : memref<1536x16xf32, #tpu.memory_space<vmem>>[vector<16xi32>, vector<16xi32>], vector<16xf32>,
        %broadcast_in_dim3A_1176 = arith.constant 4 : i32
        %broadcast_in_dim3A_1177 = vector.broadcast %broadcast_in_dim3A_1176 : i32 to vector<16xi32>
        %gather3A_1178 = tpu.vector_load_idx %arg11[%add3A_1081, %broadcast_in_dim3A_1177] : memref<1536x16xf32, #tpu.memory_space<vmem>>[vector<16xi32>, vector<16xi32>], vector<16xf32>,
        %broadcast_in_dim3A_1179 = arith.constant 12 : i32
        %broadcast_in_dim3A_1180 = vector.broadcast %broadcast_in_dim3A_1179 : i32 to vector<16xi32>
        %gather3A_1181 = tpu.vector_load_idx %arg11[%add3A_1081, %broadcast_in_dim3A_1180] : memref<1536x16xf32, #tpu.memory_space<vmem>>[vector<16xi32>, vector<16xi32>], vector<16xf32>,
        %mul3A_1182 = arith.mulf %mul3A_1072, %gather3A_1172 : vector<16xf32>
        %mul3A_1183 = arith.mulf %mul3A_1073, %gather3A_1175 : vector<16xf32>
        %add3A_1184 = arith.addf %mul3A_1182, %mul3A_1183 : vector<16xf32>
        %mul3A_1185 = arith.mulf %mul3A_1074, %gather3A_1178 : vector<16xf32>
        %add3A_1186 = arith.addf %add3A_1184, %mul3A_1185 : vector<16xf32>
        %mul3A_1187 = arith.mulf %mul3A_1075, %gather3A_1181 : vector<16xf32>
        %add3A_1188 = arith.addf %add3A_1186, %mul3A_1187 : vector<16xf32>
        %broadcast_in_dim3A_1189 = arith.constant 44 : i32
        %broadcast_in_dim3A_1190 = vector.broadcast %broadcast_in_dim3A_1189 : i32 to vector<16xi32>
        %add3A_1191 = arith.addi %mul3A_131, %broadcast_in_dim3A_1190 : vector<16xi32>
        tpu.vector_store_idx %arg7[%add3A_1191], %add3A_1188 : memref<6144xf32, #tpu.memory_space<vmem>>[vector<16xi32>], vector<16xf32>,
        %broadcast_in_dim3A_1192 = arith.constant 5 : i32
        %broadcast_in_dim3A_1193 = vector.broadcast %broadcast_in_dim3A_1192 : i32 to vector<16xi32>
        %gather3A_1194 = tpu.vector_load_idx %arg11[%add3A_1078, %broadcast_in_dim3A_1193] : memref<1536x16xf32, #tpu.memory_space<vmem>>[vector<16xi32>, vector<16xi32>], vector<16xf32>,
        %broadcast_in_dim3A_1195 = arith.constant 13 : i32
        %broadcast_in_dim3A_1196 = vector.broadcast %broadcast_in_dim3A_1195 : i32 to vector<16xi32>
        %gather3A_1197 = tpu.vector_load_idx %arg11[%add3A_1078, %broadcast_in_dim3A_1196] : memref<1536x16xf32, #tpu.memory_space<vmem>>[vector<16xi32>, vector<16xi32>], vector<16xf32>,
        %broadcast_in_dim3A_1198 = arith.constant 5 : i32
        %broadcast_in_dim3A_1199 = vector.broadcast %broadcast_in_dim3A_1198 : i32 to vector<16xi32>
        %gather3A_1200 = tpu.vector_load_idx %arg11[%add3A_1081, %broadcast_in_dim3A_1199] : memref<1536x16xf32, #tpu.memory_space<vmem>>[vector<16xi32>, vector<16xi32>], vector<16xf32>,
        %broadcast_in_dim3A_1201 = arith.constant 13 : i32
        %broadcast_in_dim3A_1202 = vector.broadcast %broadcast_in_dim3A_1201 : i32 to vector<16xi32>
        %gather3A_1203 = tpu.vector_load_idx %arg11[%add3A_1081, %broadcast_in_dim3A_1202] : memref<1536x16xf32, #tpu.memory_space<vmem>>[vector<16xi32>, vector<16xi32>], vector<16xf32>,
        %mul3A_1204 = arith.mulf %mul3A_1072, %gather3A_1194 : vector<16xf32>
        %mul3A_1205 = arith.mulf %mul3A_1073, %gather3A_1197 : vector<16xf32>
        %add3A_1206 = arith.addf %mul3A_1204, %mul3A_1205 : vector<16xf32>
        %mul3A_1207 = arith.mulf %mul3A_1074, %gather3A_1200 : vector<16xf32>
        %add3A_1208 = arith.addf %add3A_1206, %mul3A_1207 : vector<16xf32>
        %mul3A_1209 = arith.mulf %mul3A_1075, %gather3A_1203 : vector<16xf32>
        %add3A_1210 = arith.addf %add3A_1208, %mul3A_1209 : vector<16xf32>
        %broadcast_in_dim3A_1211 = arith.constant 45 : i32
        %broadcast_in_dim3A_1212 = vector.broadcast %broadcast_in_dim3A_1211 : i32 to vector<16xi32>
        %add3A_1213 = arith.addi %mul3A_131, %broadcast_in_dim3A_1212 : vector<16xi32>
        tpu.vector_store_idx %arg7[%add3A_1213], %add3A_1210 : memref<6144xf32, #tpu.memory_space<vmem>>[vector<16xi32>], vector<16xf32>,
        %broadcast_in_dim3A_1214 = arith.constant 6 : i32
        %broadcast_in_dim3A_1215 = vector.broadcast %broadcast_in_dim3A_1214 : i32 to vector<16xi32>
        %gather3A_1216 = tpu.vector_load_idx %arg11[%add3A_1078, %broadcast_in_dim3A_1215] : memref<1536x16xf32, #tpu.memory_space<vmem>>[vector<16xi32>, vector<16xi32>], vector<16xf32>,
        %broadcast_in_dim3A_1217 = arith.constant 14 : i32
        %broadcast_in_dim3A_1218 = vector.broadcast %broadcast_in_dim3A_1217 : i32 to vector<16xi32>
        %gather3A_1219 = tpu.vector_load_idx %arg11[%add3A_1078, %broadcast_in_dim3A_1218] : memref<1536x16xf32, #tpu.memory_space<vmem>>[vector<16xi32>, vector<16xi32>], vector<16xf32>,
        %broadcast_in_dim3A_1220 = arith.constant 6 : i32
        %broadcast_in_dim3A_1221 = vector.broadcast %broadcast_in_dim3A_1220 : i32 to vector<16xi32>
        %gather3A_1222 = tpu.vector_load_idx %arg11[%add3A_1081, %broadcast_in_dim3A_1221] : memref<1536x16xf32, #tpu.memory_space<vmem>>[vector<16xi32>, vector<16xi32>], vector<16xf32>,
        %broadcast_in_dim3A_1223 = arith.constant 14 : i32
        %broadcast_in_dim3A_1224 = vector.broadcast %broadcast_in_dim3A_1223 : i32 to vector<16xi32>
        %gather3A_1225 = tpu.vector_load_idx %arg11[%add3A_1081, %broadcast_in_dim3A_1224] : memref<1536x16xf32, #tpu.memory_space<vmem>>[vector<16xi32>, vector<16xi32>], vector<16xf32>,
        %mul3A_1226 = arith.mulf %mul3A_1072, %gather3A_1216 : vector<16xf32>
        %mul3A_1227 = arith.mulf %mul3A_1073, %gather3A_1219 : vector<16xf32>
        %add3A_1228 = arith.addf %mul3A_1226, %mul3A_1227 : vector<16xf32>
        %mul3A_1229 = arith.mulf %mul3A_1074, %gather3A_1222 : vector<16xf32>
        %add3A_1230 = arith.addf %add3A_1228, %mul3A_1229 : vector<16xf32>
        %mul3A_1231 = arith.mulf %mul3A_1075, %gather3A_1225 : vector<16xf32>
        %add3A_1232 = arith.addf %add3A_1230, %mul3A_1231 : vector<16xf32>
        %broadcast_in_dim3A_1233 = arith.constant 46 : i32
        %broadcast_in_dim3A_1234 = vector.broadcast %broadcast_in_dim3A_1233 : i32 to vector<16xi32>
        %add3A_1235 = arith.addi %mul3A_131, %broadcast_in_dim3A_1234 : vector<16xi32>
        tpu.vector_store_idx %arg7[%add3A_1235], %add3A_1232 : memref<6144xf32, #tpu.memory_space<vmem>>[vector<16xi32>], vector<16xf32>,
        %broadcast_in_dim3A_1236 = arith.constant 7 : i32
        %broadcast_in_dim3A_1237 = vector.broadcast %broadcast_in_dim3A_1236 : i32 to vector<16xi32>
        %gather3A_1238 = tpu.vector_load_idx %arg11[%add3A_1078, %broadcast_in_dim3A_1237] : memref<1536x16xf32, #tpu.memory_space<vmem>>[vector<16xi32>, vector<16xi32>], vector<16xf32>,
        %broadcast_in_dim3A_1239 = arith.constant 15 : i32
        %broadcast_in_dim3A_1240 = vector.broadcast %broadcast_in_dim3A_1239 : i32 to vector<16xi32>
        %gather3A_1241 = tpu.vector_load_idx %arg11[%add3A_1078, %broadcast_in_dim3A_1240] : memref<1536x16xf32, #tpu.memory_space<vmem>>[vector<16xi32>, vector<16xi32>], vector<16xf32>,
        %broadcast_in_dim3A_1242 = arith.constant 7 : i32
        %broadcast_in_dim3A_1243 = vector.broadcast %broadcast_in_dim3A_1242 : i32 to vector<16xi32>
        %gather3A_1244 = tpu.vector_load_idx %arg11[%add3A_1081, %broadcast_in_dim3A_1243] : memref<1536x16xf32, #tpu.memory_space<vmem>>[vector<16xi32>, vector<16xi32>], vector<16xf32>,
        %broadcast_in_dim3A_1245 = arith.constant 15 : i32
        %broadcast_in_dim3A_1246 = vector.broadcast %broadcast_in_dim3A_1245 : i32 to vector<16xi32>
        %gather3A_1247 = tpu.vector_load_idx %arg11[%add3A_1081, %broadcast_in_dim3A_1246] : memref<1536x16xf32, #tpu.memory_space<vmem>>[vector<16xi32>, vector<16xi32>], vector<16xf32>,
        %mul3A_1248 = arith.mulf %mul3A_1072, %gather3A_1238 : vector<16xf32>
        %mul3A_1249 = arith.mulf %mul3A_1073, %gather3A_1241 : vector<16xf32>
        %add3A_1250 = arith.addf %mul3A_1248, %mul3A_1249 : vector<16xf32>
        %mul3A_1251 = arith.mulf %mul3A_1074, %gather3A_1244 : vector<16xf32>
        %add3A_1252 = arith.addf %add3A_1250, %mul3A_1251 : vector<16xf32>
        %mul3A_1253 = arith.mulf %mul3A_1075, %gather3A_1247 : vector<16xf32>
        %add3A_1254 = arith.addf %add3A_1252, %mul3A_1253 : vector<16xf32>
        %broadcast_in_dim3A_1255 = arith.constant 47 : i32
        %broadcast_in_dim3A_1256 = vector.broadcast %broadcast_in_dim3A_1255 : i32 to vector<16xi32>
        %add3A_1257 = arith.addi %mul3A_131, %broadcast_in_dim3A_1256 : vector<16xi32>
        tpu.vector_store_idx %arg7[%add3A_1257], %add3A_1254 : memref<6144xf32, #tpu.memory_space<vmem>>[vector<16xi32>], vector<16xf32>,
      }
      %scan3A_65 = arith.constant 8 : i32
      %mul3A_66 = arith.constant 128 : i32
      %mul3A_67 = arith.muli %mul3A_57, %mul3A_66 : i32
      %add3A_68 = arith.addi %mul3A_2, %mul3A_67 : i32
      %mul3A_69 = arith.constant 48 : i32
      %mul3A_70 = arith.muli %add3A_68, %mul3A_69 : i32
      "tpu.region"() ({
        %run_scoped3A = tpu.sem_alloc : memref<!tpu.dma_semaphore, #tpu.memory_space<semaphore_mem>>
        %dma_start3A_98 = tpu.memref_slice %arg5[%mul3A_70] : memref<25165824xf32, #tpu.memory_space<hbm>> -> memref<6144xf32, #tpu.memory_space<hbm>>
        %dma_start3A_99 = tpu.memref_slice %arg5[%mul3A_70] : memref<25165824xf32, #tpu.memory_space<hbm>> -> memref<6144xf32, #tpu.memory_space<hbm>>
        tpu.enqueue_dma source(%arg7 : memref<6144xf32, #tpu.memory_space<vmem>>) target(%dma_start3A_99 : memref<6144xf32, #tpu.memory_space<hbm>>) target_semaphore(%run_scoped3A : memref<!tpu.dma_semaphore, #tpu.memory_space<semaphore_mem>>)
        %dma_wait3A_100 = tpu.memref_slice %arg5[%mul3A_70] : memref<25165824xf32, #tpu.memory_space<hbm>> -> memref<6144xf32, #tpu.memory_space<hbm>>
        %dma_wait3A_101 = tpu.memref_slice %arg5[%mul3A_70] : memref<25165824xf32, #tpu.memory_space<hbm>> -> memref<6144xf32, #tpu.memory_space<hbm>>
        tpu.wait_dma2 semaphore(%run_scoped3A : memref<!tpu.dma_semaphore, #tpu.memory_space<semaphore_mem>>) src(%arg7 : memref<6144xf32, #tpu.memory_space<vmem>>) dst(%dma_wait3A_101 : memref<6144xf32, #tpu.memory_space<hbm>>)
        tpu.yield
      }) : () -> ()
      %add3A_71 = arith.constant 2 : i32
      %add3A_72 = arith.addi %mul3A_57, %add3A_71 : i32
      %lt3A = arith.constant 128 : i32
      %lt3A_73 = arith.cmpi slt, %add3A_72, %lt3A : i32
      %convert_element_type3A = arith.extui %lt3A_73 : i1 to i32
      %cond3A = arith.constant 0 : i32
      %cond3A_74 = arith.cmpi ne, %convert_element_type3A, %cond3A : i32
      scf.if %cond3A_74 {
        %add3A_98 = arith.constant 2 : i32
        %add3A_99 = arith.addi %mul3A_57, %add3A_98 : i32
        %mul3A_100 = arith.constant 128 : i32
        %mul3A_101 = arith.muli %add3A_99, %mul3A_100 : i32
        %add3A_102 = arith.addi %mul3A_2, %mul3A_101 : i32
        %mul3A_103 = arith.constant 4 : i32
        %mul3A_104 = arith.muli %add3A_102, %mul3A_103 : i32
        "tpu.region"() ({
          %run_scoped3A = tpu.sem_alloc : memref<!tpu.dma_semaphore, #tpu.memory_space<semaphore_mem>>
          %dma_start3A_114 = tpu.memref_slice %arg2[%mul3A_104] : memref<2097152xf32, #tpu.memory_space<hbm>> -> memref<512xf32, #tpu.memory_space<hbm>>
          %dma_start3A_115 = tpu.memref_slice %arg2[%mul3A_104] : memref<2097152xf32, #tpu.memory_space<hbm>> -> memref<512xf32, #tpu.memory_space<hbm>>
          tpu.enqueue_dma source(%dma_start3A_115 : memref<512xf32, #tpu.memory_space<hbm>>) target(%arg8 : memref<512xf32, #tpu.memory_space<vmem>>) target_semaphore(%run_scoped3A : memref<!tpu.dma_semaphore, #tpu.memory_space<semaphore_mem>>)
          %dma_wait3A_116 = tpu.memref_slice %arg2[%mul3A_104] : memref<2097152xf32, #tpu.memory_space<hbm>> -> memref<512xf32, #tpu.memory_space<hbm>>
          %dma_wait3A_117 = tpu.memref_slice %arg2[%mul3A_104] : memref<2097152xf32, #tpu.memory_space<hbm>> -> memref<512xf32, #tpu.memory_space<hbm>>
          tpu.wait_dma2 semaphore(%run_scoped3A : memref<!tpu.dma_semaphore, #tpu.memory_space<semaphore_mem>>) src(%dma_wait3A_117 : memref<512xf32, #tpu.memory_space<hbm>>) dst(%arg8 : memref<512xf32, #tpu.memory_space<vmem>>)
          tpu.yield
        }) : () -> ()
        %scan3A_105 = arith.constant 0 : i32
        %scan3A_106 = arith.constant 0 : i32
        %scan3A_107 = arith.constant 8 : i32
        %scan3A_108 = arith.addi %scan3A_106, %scan3A_107 : i32
        %scan3A_109 = arith.constant 1 : i32
        scf.for %scan3A_114 = %scan3A_106 to %scan3A_108 step %scan3A_109  : i32 {
          %mul3A_115 = arith.constant 16 : i32
          %mul3A_116 = arith.muli %scan3A_114, %mul3A_115 : i32
          %broadcast_in_dim3A_117 = vector.broadcast %mul3A_116 : i32 to vector<16xi32>
          %add3A_118 = arith.addi %broadcast_in_dim3A_117, %iota3A : vector<16xi32>
          %mul3A_119 = arith.constant 4 : i32
          %mul3A_120 = vector.broadcast %mul3A_119 : i32 to vector<16xi32>
          %mul3A_121 = arith.muli %add3A_118, %mul3A_120 : vector<16xi32>
          %broadcast_in_dim3A_122 = arith.constant 0 : i32
          %broadcast_in_dim3A_123 = vector.broadcast %broadcast_in_dim3A_122 : i32 to vector<16xi32>
          %add3A_124 = arith.addi %mul3A_121, %broadcast_in_dim3A_123 : vector<16xi32>
          %gather3A = tpu.vector_load_idx %arg8[%add3A_124] : memref<512xf32, #tpu.memory_space<vmem>>[vector<16xi32>], vector<16xf32>,
          %sub3A = arith.subf %gather3A, %broadcast_in_dim3A : vector<16xf32>
          %mul3A_125 = arith.mulf %sub3A, %broadcast_in_dim3A_15 : vector<16xf32>
          %convert_element_type3A_126 = arith.fptosi %mul3A_125 : vector<16xf32> to vector<16xi32>
          %max3A = arith.constant 0 : i32
          %max3A_127 = vector.broadcast %max3A : i32 to vector<16xi32>
          %max3A_128 = arith.maxsi %convert_element_type3A_126, %max3A_127 : vector<16xi32>
          %min3A = arith.constant 510 : i32
          %min3A_129 = vector.broadcast %min3A : i32 to vector<16xi32>
          %min3A_130 = arith.minsi %max3A_128, %min3A_129 : vector<16xi32>
          %convert_element_type3A_131 = arith.sitofp %min3A_130 : vector<16xi32> to vector<16xf32>
          %sub3A_132 = arith.subf %mul3A_125, %convert_element_type3A_131 : vector<16xf32>
          %mul3A_133 = arith.constant 16 : i32
          %mul3A_134 = arith.muli %scan3A_114, %mul3A_133 : i32
          %swap3A = arith.constant 0 : i32
          %swap3A_135 = arith.index_cast %swap3A : i32 to index
          %swap3A_136 = arith.index_cast %mul3A_134 : i32 to index
          %swap3A_137 = tpu.vector_load %arg9[%swap3A_135, %swap3A_136] {strides = array<i32>} : memref<4x128xf32, #tpu.memory_space<vmem>>, vector<16xf32>,
          tpu.vector_store %arg9[%swap3A_135, %swap3A_136], %sub3A_132 {strides = array<i32>} : memref<4x128xf32, #tpu.memory_space<vmem>>, vector<16xf32>,
          %mul3A_138 = arith.constant 4 : i32
          %mul3A_139 = vector.broadcast %mul3A_138 : i32 to vector<16xi32>
          %mul3A_140 = arith.muli %add3A_118, %mul3A_139 : vector<16xi32>
          %broadcast_in_dim3A_141 = arith.constant 1 : i32
          %broadcast_in_dim3A_142 = vector.broadcast %broadcast_in_dim3A_141 : i32 to vector<16xi32>
          %add3A_143 = arith.addi %mul3A_140, %broadcast_in_dim3A_142 : vector<16xi32>
          %gather3A_144 = tpu.vector_load_idx %arg8[%add3A_143] : memref<512xf32, #tpu.memory_space<vmem>>[vector<16xi32>], vector<16xf32>,
          %sub3A_145 = arith.subf %gather3A_144, %broadcast_in_dim3A_6 : vector<16xf32>
          %mul3A_146 = arith.mulf %sub3A_145, %broadcast_in_dim3A_18 : vector<16xf32>
          %convert_element_type3A_147 = arith.fptosi %mul3A_146 : vector<16xf32> to vector<16xi32>
          %max3A_148 = arith.constant 0 : i32
          %max3A_149 = vector.broadcast %max3A_148 : i32 to vector<16xi32>
          %max3A_150 = arith.maxsi %convert_element_type3A_147, %max3A_149 : vector<16xi32>
          %min3A_151 = arith.constant 510 : i32
          %min3A_152 = vector.broadcast %min3A_151 : i32 to vector<16xi32>
          %min3A_153 = arith.minsi %max3A_150, %min3A_152 : vector<16xi32>
          %convert_element_type3A_154 = arith.sitofp %min3A_153 : vector<16xi32> to vector<16xf32>
          %sub3A_155 = arith.subf %mul3A_146, %convert_element_type3A_154 : vector<16xf32>
          %mul3A_156 = arith.constant 16 : i32
          %mul3A_157 = arith.muli %scan3A_114, %mul3A_156 : i32
          %swap3A_158 = arith.constant 1 : i32
          %swap3A_159 = arith.index_cast %swap3A_158 : i32 to index
          %swap3A_160 = arith.index_cast %mul3A_157 : i32 to index
          %swap3A_161 = tpu.vector_load %arg9[%swap3A_159, %swap3A_160] {strides = array<i32>} : memref<4x128xf32, #tpu.memory_space<vmem>>, vector<16xf32>,
          tpu.vector_store %arg9[%swap3A_159, %swap3A_160], %sub3A_155 {strides = array<i32>} : memref<4x128xf32, #tpu.memory_space<vmem>>, vector<16xf32>,
          %mul3A_162 = arith.constant 4 : i32
          %mul3A_163 = vector.broadcast %mul3A_162 : i32 to vector<16xi32>
          %mul3A_164 = arith.muli %add3A_118, %mul3A_163 : vector<16xi32>
          %broadcast_in_dim3A_165 = arith.constant 2 : i32
          %broadcast_in_dim3A_166 = vector.broadcast %broadcast_in_dim3A_165 : i32 to vector<16xi32>
          %add3A_167 = arith.addi %mul3A_164, %broadcast_in_dim3A_166 : vector<16xi32>
          %gather3A_168 = tpu.vector_load_idx %arg8[%add3A_167] : memref<512xf32, #tpu.memory_space<vmem>>[vector<16xi32>], vector<16xf32>,
          %sub3A_169 = arith.subf %gather3A_168, %broadcast_in_dim3A_9 : vector<16xf32>
          %mul3A_170 = arith.mulf %sub3A_169, %broadcast_in_dim3A_21 : vector<16xf32>
          %convert_element_type3A_171 = arith.fptosi %mul3A_170 : vector<16xf32> to vector<16xi32>
          %max3A_172 = arith.constant 0 : i32
          %max3A_173 = vector.broadcast %max3A_172 : i32 to vector<16xi32>
          %max3A_174 = arith.maxsi %convert_element_type3A_171, %max3A_173 : vector<16xi32>
          %min3A_175 = arith.constant 510 : i32
          %min3A_176 = vector.broadcast %min3A_175 : i32 to vector<16xi32>
          %min3A_177 = arith.minsi %max3A_174, %min3A_176 : vector<16xi32>
          %convert_element_type3A_178 = arith.sitofp %min3A_177 : vector<16xi32> to vector<16xf32>
          %sub3A_179 = arith.subf %mul3A_170, %convert_element_type3A_178 : vector<16xf32>
          %mul3A_180 = arith.constant 16 : i32
          %mul3A_181 = arith.muli %scan3A_114, %mul3A_180 : i32
          %swap3A_182 = arith.constant 2 : i32
          %swap3A_183 = arith.index_cast %swap3A_182 : i32 to index
          %swap3A_184 = arith.index_cast %mul3A_181 : i32 to index
          %swap3A_185 = tpu.vector_load %arg9[%swap3A_183, %swap3A_184] {strides = array<i32>} : memref<4x128xf32, #tpu.memory_space<vmem>>, vector<16xf32>,
          tpu.vector_store %arg9[%swap3A_183, %swap3A_184], %sub3A_179 {strides = array<i32>} : memref<4x128xf32, #tpu.memory_space<vmem>>, vector<16xf32>,
          %mul3A_186 = arith.constant 4 : i32
          %mul3A_187 = vector.broadcast %mul3A_186 : i32 to vector<16xi32>
          %mul3A_188 = arith.muli %add3A_118, %mul3A_187 : vector<16xi32>
          %broadcast_in_dim3A_189 = arith.constant 3 : i32
          %broadcast_in_dim3A_190 = vector.broadcast %broadcast_in_dim3A_189 : i32 to vector<16xi32>
          %add3A_191 = arith.addi %mul3A_188, %broadcast_in_dim3A_190 : vector<16xi32>
          %gather3A_192 = tpu.vector_load_idx %arg8[%add3A_191] : memref<512xf32, #tpu.memory_space<vmem>>[vector<16xi32>], vector<16xf32>,
          %sub3A_193 = arith.subf %gather3A_192, %broadcast_in_dim3A_12 : vector<16xf32>
          %mul3A_194 = arith.mulf %sub3A_193, %broadcast_in_dim3A_24 : vector<16xf32>
          %convert_element_type3A_195 = arith.fptosi %mul3A_194 : vector<16xf32> to vector<16xi32>
          %max3A_196 = arith.constant 0 : i32
          %max3A_197 = vector.broadcast %max3A_196 : i32 to vector<16xi32>
          %max3A_198 = arith.maxsi %convert_element_type3A_195, %max3A_197 : vector<16xi32>
          %min3A_199 = arith.constant 510 : i32
          %min3A_200 = vector.broadcast %min3A_199 : i32 to vector<16xi32>
          %min3A_201 = arith.minsi %max3A_198, %min3A_200 : vector<16xi32>
          %convert_element_type3A_202 = arith.sitofp %min3A_201 : vector<16xi32> to vector<16xf32>
          %sub3A_203 = arith.subf %mul3A_194, %convert_element_type3A_202 : vector<16xf32>
          %mul3A_204 = arith.constant 16 : i32
          %mul3A_205 = arith.muli %scan3A_114, %mul3A_204 : i32
          %swap3A_206 = arith.constant 3 : i32
          %swap3A_207 = arith.index_cast %swap3A_206 : i32 to index
          %swap3A_208 = arith.index_cast %mul3A_205 : i32 to index
          %swap3A_209 = tpu.vector_load %arg9[%swap3A_207, %swap3A_208] {strides = array<i32>} : memref<4x128xf32, #tpu.memory_space<vmem>>, vector<16xf32>,
          tpu.vector_store %arg9[%swap3A_207, %swap3A_208], %sub3A_203 {strides = array<i32>} : memref<4x128xf32, #tpu.memory_space<vmem>>, vector<16xf32>,
          %mul3A_210 = arith.constant 512 : i32
          %mul3A_211 = vector.broadcast %mul3A_210 : i32 to vector<16xi32>
          %mul3A_212 = arith.muli %min3A_130, %mul3A_211 : vector<16xi32>
          %add3A_213 = arith.addi %mul3A_212, %min3A_153 : vector<16xi32>
          %broadcast_in_dim3A_214 = arith.constant 0 : i32
          %broadcast_in_dim3A_215 = vector.broadcast %broadcast_in_dim3A_214 : i32 to vector<16xi32>
          %add3A_216 = arith.addi %add3A_213, %broadcast_in_dim3A_215 : vector<16xi32>
          %shift_right_arithmetic3A = arith.constant 1 : i32
          %shift_right_arithmetic3A_217 = vector.broadcast %shift_right_arithmetic3A : i32 to vector<16xi32>
          %shift_right_arithmetic3A_218 = arith.shrsi %add3A_216, %shift_right_arithmetic3A_217 : vector<16xi32>
          %and3A = arith.constant 1 : i32
          %and3A_219 = vector.broadcast %and3A : i32 to vector<16xi32>
          %and3A_220 = arith.andi %add3A_216, %and3A_219 : vector<16xi32>
          %mul3A_221 = arith.constant 786432 : i32
          %mul3A_222 = vector.broadcast %mul3A_221 : i32 to vector<16xi32>
          %mul3A_223 = arith.muli %and3A_220, %mul3A_222 : vector<16xi32>
          %add3A_224 = arith.addi %shift_right_arithmetic3A_218, %mul3A_223 : vector<16xi32>
          %mul3A_225 = arith.constant 16 : i32
          %mul3A_226 = arith.muli %scan3A_114, %mul3A_225 : i32
          %add3A_227 = arith.constant 0 : i32
          %add3A_228 = arith.addi %add3A_227, %mul3A_226 : i32
          %swap3A_229 = arith.index_cast %add3A_228 : i32 to index
          %swap3A_230 = tpu.vector_load %arg10[%swap3A_229] {strides = array<i32>} : memref<1536xi32, #tpu.memory_space<vmem>>, vector<16xi32>,
          tpu.vector_store %arg10[%swap3A_229], %add3A_224 {strides = array<i32>} : memref<1536xi32, #tpu.memory_space<vmem>>, vector<16xi32>,
          %add3A_231 = arith.constant 256 : i32
          %add3A_232 = vector.broadcast %add3A_231 : i32 to vector<16xi32>
          %add3A_233 = arith.addi %add3A_224, %add3A_232 : vector<16xi32>
          %mul3A_234 = arith.constant 16 : i32
          %mul3A_235 = arith.muli %scan3A_114, %mul3A_234 : i32
          %add3A_236 = arith.constant 128 : i32
          %add3A_237 = arith.addi %add3A_236, %mul3A_235 : i32
          %swap3A_238 = arith.index_cast %add3A_237 : i32 to index
          %swap3A_239 = tpu.vector_load %arg10[%swap3A_238] {strides = array<i32>} : memref<1536xi32, #tpu.memory_space<vmem>>, vector<16xi32>,
          tpu.vector_store %arg10[%swap3A_238], %add3A_233 {strides = array<i32>} : memref<1536xi32, #tpu.memory_space<vmem>>, vector<16xi32>,
          %mul3A_240 = arith.constant 512 : i32
          %mul3A_241 = vector.broadcast %mul3A_240 : i32 to vector<16xi32>
          %mul3A_242 = arith.muli %min3A_177, %mul3A_241 : vector<16xi32>
          %add3A_243 = arith.addi %mul3A_242, %min3A_201 : vector<16xi32>
          %broadcast_in_dim3A_244 = arith.constant 262144 : i32
          %broadcast_in_dim3A_245 = vector.broadcast %broadcast_in_dim3A_244 : i32 to vector<16xi32>
          %add3A_246 = arith.addi %add3A_243, %broadcast_in_dim3A_245 : vector<16xi32>
          %shift_right_arithmetic3A_247 = arith.constant 1 : i32
          %shift_right_arithmetic3A_248 = vector.broadcast %shift_right_arithmetic3A_247 : i32 to vector<16xi32>
          %shift_right_arithmetic3A_249 = arith.shrsi %add3A_246, %shift_right_arithmetic3A_248 : vector<16xi32>
          %and3A_250 = arith.constant 1 : i32
          %and3A_251 = vector.broadcast %and3A_250 : i32 to vector<16xi32>
          %and3A_252 = arith.andi %add3A_246, %and3A_251 : vector<16xi32>
          %mul3A_253 = arith.constant 786432 : i32
          %mul3A_254 = vector.broadcast %mul3A_253 : i32 to vector<16xi32>
          %mul3A_255 = arith.muli %and3A_252, %mul3A_254 : vector<16xi32>
          %add3A_256 = arith.addi %shift_right_arithmetic3A_249, %mul3A_255 : vector<16xi32>
          %mul3A_257 = arith.constant 16 : i32
          %mul3A_258 = arith.muli %scan3A_114, %mul3A_257 : i32
          %add3A_259 = arith.constant 256 : i32
          %add3A_260 = arith.addi %add3A_259, %mul3A_258 : i32
          %swap3A_261 = arith.index_cast %add3A_260 : i32 to index
          %swap3A_262 = tpu.vector_load %arg10[%swap3A_261] {strides = array<i32>} : memref<1536xi32, #tpu.memory_space<vmem>>, vector<16xi32>,
          tpu.vector_store %arg10[%swap3A_261], %add3A_256 {strides = array<i32>} : memref<1536xi32, #tpu.memory_space<vmem>>, vector<16xi32>,
          %add3A_263 = arith.constant 256 : i32
          %add3A_264 = vector.broadcast %add3A_263 : i32 to vector<16xi32>
          %add3A_265 = arith.addi %add3A_256, %add3A_264 : vector<16xi32>
          %mul3A_266 = arith.constant 16 : i32
          %mul3A_267 = arith.muli %scan3A_114, %mul3A_266 : i32
          %add3A_268 = arith.constant 384 : i32
          %add3A_269 = arith.addi %add3A_268, %mul3A_267 : i32
          %swap3A_270 = arith.index_cast %add3A_269 : i32 to index
          %swap3A_271 = tpu.vector_load %arg10[%swap3A_270] {strides = array<i32>} : memref<1536xi32, #tpu.memory_space<vmem>>, vector<16xi32>,
          tpu.vector_store %arg10[%swap3A_270], %add3A_265 {strides = array<i32>} : memref<1536xi32, #tpu.memory_space<vmem>>, vector<16xi32>,
          %mul3A_272 = arith.constant 512 : i32
          %mul3A_273 = vector.broadcast %mul3A_272 : i32 to vector<16xi32>
          %mul3A_274 = arith.muli %min3A_130, %mul3A_273 : vector<16xi32>
          %add3A_275 = arith.addi %mul3A_274, %min3A_177 : vector<16xi32>
          %broadcast_in_dim3A_276 = arith.constant 524288 : i32
          %broadcast_in_dim3A_277 = vector.broadcast %broadcast_in_dim3A_276 : i32 to vector<16xi32>
          %add3A_278 = arith.addi %add3A_275, %broadcast_in_dim3A_277 : vector<16xi32>
          %shift_right_arithmetic3A_279 = arith.constant 1 : i32
          %shift_right_arithmetic3A_280 = vector.broadcast %shift_right_arithmetic3A_279 : i32 to vector<16xi32>
          %shift_right_arithmetic3A_281 = arith.shrsi %add3A_278, %shift_right_arithmetic3A_280 : vector<16xi32>
          %and3A_282 = arith.constant 1 : i32
          %and3A_283 = vector.broadcast %and3A_282 : i32 to vector<16xi32>
          %and3A_284 = arith.andi %add3A_278, %and3A_283 : vector<16xi32>
          %mul3A_285 = arith.constant 786432 : i32
          %mul3A_286 = vector.broadcast %mul3A_285 : i32 to vector<16xi32>
          %mul3A_287 = arith.muli %and3A_284, %mul3A_286 : vector<16xi32>
          %add3A_288 = arith.addi %shift_right_arithmetic3A_281, %mul3A_287 : vector<16xi32>
          %mul3A_289 = arith.constant 16 : i32
          %mul3A_290 = arith.muli %scan3A_114, %mul3A_289 : i32
          %add3A_291 = arith.constant 512 : i32
          %add3A_292 = arith.addi %add3A_291, %mul3A_290 : i32
          %swap3A_293 = arith.index_cast %add3A_292 : i32 to index
          %swap3A_294 = tpu.vector_load %arg10[%swap3A_293] {strides = array<i32>} : memref<1536xi32, #tpu.memory_space<vmem>>, vector<16xi32>,
          tpu.vector_store %arg10[%swap3A_293], %add3A_288 {strides = array<i32>} : memref<1536xi32, #tpu.memory_space<vmem>>, vector<16xi32>,
          %add3A_295 = arith.constant 256 : i32
          %add3A_296 = vector.broadcast %add3A_295 : i32 to vector<16xi32>
          %add3A_297 = arith.addi %add3A_288, %add3A_296 : vector<16xi32>
          %mul3A_298 = arith.constant 16 : i32
          %mul3A_299 = arith.muli %scan3A_114, %mul3A_298 : i32
          %add3A_300 = arith.constant 640 : i32
          %add3A_301 = arith.addi %add3A_300, %mul3A_299 : i32
          %swap3A_302 = arith.index_cast %add3A_301 : i32 to index
          %swap3A_303 = tpu.vector_load %arg10[%swap3A_302] {strides = array<i32>} : memref<1536xi32, #tpu.memory_space<vmem>>, vector<16xi32>,
          tpu.vector_store %arg10[%swap3A_302], %add3A_297 {strides = array<i32>} : memref<1536xi32, #tpu.memory_space<vmem>>, vector<16xi32>,
          %mul3A_304 = arith.constant 512 : i32
          %mul3A_305 = vector.broadcast %mul3A_304 : i32 to vector<16xi32>
          %mul3A_306 = arith.muli %min3A_130, %mul3A_305 : vector<16xi32>
          %add3A_307 = arith.addi %mul3A_306, %min3A_201 : vector<16xi32>
          %broadcast_in_dim3A_308 = arith.constant 786432 : i32
          %broadcast_in_dim3A_309 = vector.broadcast %broadcast_in_dim3A_308 : i32 to vector<16xi32>
          %add3A_310 = arith.addi %add3A_307, %broadcast_in_dim3A_309 : vector<16xi32>
          %shift_right_arithmetic3A_311 = arith.constant 1 : i32
          %shift_right_arithmetic3A_312 = vector.broadcast %shift_right_arithmetic3A_311 : i32 to vector<16xi32>
          %shift_right_arithmetic3A_313 = arith.shrsi %add3A_310, %shift_right_arithmetic3A_312 : vector<16xi32>
          %and3A_314 = arith.constant 1 : i32
          %and3A_315 = vector.broadcast %and3A_314 : i32 to vector<16xi32>
          %and3A_316 = arith.andi %add3A_310, %and3A_315 : vector<16xi32>
          %mul3A_317 = arith.constant 786432 : i32
          %mul3A_318 = vector.broadcast %mul3A_317 : i32 to vector<16xi32>
          %mul3A_319 = arith.muli %and3A_316, %mul3A_318 : vector<16xi32>
          %add3A_320 = arith.addi %shift_right_arithmetic3A_313, %mul3A_319 : vector<16xi32>
          %mul3A_321 = arith.constant 16 : i32
          %mul3A_322 = arith.muli %scan3A_114, %mul3A_321 : i32
          %add3A_323 = arith.constant 768 : i32
          %add3A_324 = arith.addi %add3A_323, %mul3A_322 : i32
          %swap3A_325 = arith.index_cast %add3A_324 : i32 to index
          %swap3A_326 = tpu.vector_load %arg10[%swap3A_325] {strides = array<i32>} : memref<1536xi32, #tpu.memory_space<vmem>>, vector<16xi32>,
          tpu.vector_store %arg10[%swap3A_325], %add3A_320 {strides = array<i32>} : memref<1536xi32, #tpu.memory_space<vmem>>, vector<16xi32>,
          %add3A_327 = arith.constant 256 : i32
          %add3A_328 = vector.broadcast %add3A_327 : i32 to vector<16xi32>
          %add3A_329 = arith.addi %add3A_320, %add3A_328 : vector<16xi32>
          %mul3A_330 = arith.constant 16 : i32
          %mul3A_331 = arith.muli %scan3A_114, %mul3A_330 : i32
          %add3A_332 = arith.constant 896 : i32
          %add3A_333 = arith.addi %add3A_332, %mul3A_331 : i32
          %swap3A_334 = arith.index_cast %add3A_333 : i32 to index
          %swap3A_335 = tpu.vector_load %arg10[%swap3A_334] {strides = array<i32>} : memref<1536xi32, #tpu.memory_space<vmem>>, vector<16xi32>,
          tpu.vector_store %arg10[%swap3A_334], %add3A_329 {strides = array<i32>} : memref<1536xi32, #tpu.memory_space<vmem>>, vector<16xi32>,
          %mul3A_336 = arith.constant 512 : i32
          %mul3A_337 = vector.broadcast %mul3A_336 : i32 to vector<16xi32>
          %mul3A_338 = arith.muli %min3A_153, %mul3A_337 : vector<16xi32>
          %add3A_339 = arith.addi %mul3A_338, %min3A_177 : vector<16xi32>
          %broadcast_in_dim3A_340 = arith.constant 1048576 : i32
          %broadcast_in_dim3A_341 = vector.broadcast %broadcast_in_dim3A_340 : i32 to vector<16xi32>
          %add3A_342 = arith.addi %add3A_339, %broadcast_in_dim3A_341 : vector<16xi32>
          %shift_right_arithmetic3A_343 = arith.constant 1 : i32
          %shift_right_arithmetic3A_344 = vector.broadcast %shift_right_arithmetic3A_343 : i32 to vector<16xi32>
          %shift_right_arithmetic3A_345 = arith.shrsi %add3A_342, %shift_right_arithmetic3A_344 : vector<16xi32>
          %and3A_346 = arith.constant 1 : i32
          %and3A_347 = vector.broadcast %and3A_346 : i32 to vector<16xi32>
          %and3A_348 = arith.andi %add3A_342, %and3A_347 : vector<16xi32>
          %mul3A_349 = arith.constant 786432 : i32
          %mul3A_350 = vector.broadcast %mul3A_349 : i32 to vector<16xi32>
          %mul3A_351 = arith.muli %and3A_348, %mul3A_350 : vector<16xi32>
          %add3A_352 = arith.addi %shift_right_arithmetic3A_345, %mul3A_351 : vector<16xi32>
          %mul3A_353 = arith.constant 16 : i32
          %mul3A_354 = arith.muli %scan3A_114, %mul3A_353 : i32
          %add3A_355 = arith.constant 1024 : i32
          %add3A_356 = arith.addi %add3A_355, %mul3A_354 : i32
          %swap3A_357 = arith.index_cast %add3A_356 : i32 to index
          %swap3A_358 = tpu.vector_load %arg10[%swap3A_357] {strides = array<i32>} : memref<1536xi32, #tpu.memory_space<vmem>>, vector<16xi32>,
          tpu.vector_store %arg10[%swap3A_357], %add3A_352 {strides = array<i32>} : memref<1536xi32, #tpu.memory_space<vmem>>, vector<16xi32>,
          %add3A_359 = arith.constant 256 : i32
          %add3A_360 = vector.broadcast %add3A_359 : i32 to vector<16xi32>
          %add3A_361 = arith.addi %add3A_352, %add3A_360 : vector<16xi32>
          %mul3A_362 = arith.constant 16 : i32
          %mul3A_363 = arith.muli %scan3A_114, %mul3A_362 : i32
          %add3A_364 = arith.constant 1152 : i32
          %add3A_365 = arith.addi %add3A_364, %mul3A_363 : i32
          %swap3A_366 = arith.index_cast %add3A_365 : i32 to index
          %swap3A_367 = tpu.vector_load %arg10[%swap3A_366] {strides = array<i32>} : memref<1536xi32, #tpu.memory_space<vmem>>, vector<16xi32>,
          tpu.vector_store %arg10[%swap3A_366], %add3A_361 {strides = array<i32>} : memref<1536xi32, #tpu.memory_space<vmem>>, vector<16xi32>,
          %mul3A_368 = arith.constant 512 : i32
          %mul3A_369 = vector.broadcast %mul3A_368 : i32 to vector<16xi32>
          %mul3A_370 = arith.muli %min3A_153, %mul3A_369 : vector<16xi32>
          %add3A_371 = arith.addi %mul3A_370, %min3A_201 : vector<16xi32>
          %broadcast_in_dim3A_372 = arith.constant 1310720 : i32
          %broadcast_in_dim3A_373 = vector.broadcast %broadcast_in_dim3A_372 : i32 to vector<16xi32>
          %add3A_374 = arith.addi %add3A_371, %broadcast_in_dim3A_373 : vector<16xi32>
          %shift_right_arithmetic3A_375 = arith.constant 1 : i32
          %shift_right_arithmetic3A_376 = vector.broadcast %shift_right_arithmetic3A_375 : i32 to vector<16xi32>
          %shift_right_arithmetic3A_377 = arith.shrsi %add3A_374, %shift_right_arithmetic3A_376 : vector<16xi32>
          %and3A_378 = arith.constant 1 : i32
          %and3A_379 = vector.broadcast %and3A_378 : i32 to vector<16xi32>
          %and3A_380 = arith.andi %add3A_374, %and3A_379 : vector<16xi32>
          %mul3A_381 = arith.constant 786432 : i32
          %mul3A_382 = vector.broadcast %mul3A_381 : i32 to vector<16xi32>
          %mul3A_383 = arith.muli %and3A_380, %mul3A_382 : vector<16xi32>
          %add3A_384 = arith.addi %shift_right_arithmetic3A_377, %mul3A_383 : vector<16xi32>
          %mul3A_385 = arith.constant 16 : i32
          %mul3A_386 = arith.muli %scan3A_114, %mul3A_385 : i32
          %add3A_387 = arith.constant 1280 : i32
          %add3A_388 = arith.addi %add3A_387, %mul3A_386 : i32
          %swap3A_389 = arith.index_cast %add3A_388 : i32 to index
          %swap3A_390 = tpu.vector_load %arg10[%swap3A_389] {strides = array<i32>} : memref<1536xi32, #tpu.memory_space<vmem>>, vector<16xi32>,
          tpu.vector_store %arg10[%swap3A_389], %add3A_384 {strides = array<i32>} : memref<1536xi32, #tpu.memory_space<vmem>>, vector<16xi32>,
          %add3A_391 = arith.constant 256 : i32
          %add3A_392 = vector.broadcast %add3A_391 : i32 to vector<16xi32>
          %add3A_393 = arith.addi %add3A_384, %add3A_392 : vector<16xi32>
          %mul3A_394 = arith.constant 16 : i32
          %mul3A_395 = arith.muli %scan3A_114, %mul3A_394 : i32
          %add3A_396 = arith.constant 1408 : i32
          %add3A_397 = arith.addi %add3A_396, %mul3A_395 : i32
          %swap3A_398 = arith.index_cast %add3A_397 : i32 to index
          %swap3A_399 = tpu.vector_load %arg10[%swap3A_398] {strides = array<i32>} : memref<1536xi32, #tpu.memory_space<vmem>>, vector<16xi32>,
          tpu.vector_store %arg10[%swap3A_398], %add3A_393 {strides = array<i32>} : memref<1536xi32, #tpu.memory_space<vmem>>, vector<16xi32>,
        }
        %scan3A_110 = arith.constant 8 : i32
        %dma_start3A_111 = arith.constant 0 : i32
        %dma_start3A_112 = arith.constant 0 : i32
        %dma_start3A_113 = tpu.memref_slice %arg3[%dma_start3A_111, %dma_start3A_112] : memref<1572864x16xf32, #tpu.memory_space<hbm>> -> memref<1572864x16xf32, #tpu.memory_space<hbm>>
        tpu.enqueue_indirect_dma source(%dma_start3A_113 : memref<1572864x16xf32, #tpu.memory_space<hbm>>) target(%arg11 : memref<1536x16xf32, #tpu.memory_space<vmem>>) offsets(%arg10 : memref<1536xi32, #tpu.memory_space<vmem>>) semaphore(%arg12 : memref<!tpu.dma_semaphore, #tpu.memory_space<semaphore_mem>>)
      } else {
      }
      %add3A_75 = arith.constant 1 : i32
      %add3A_76 = arith.addi %mul3A_57, %add3A_75 : i32
      %dma_wait3A_77 = arith.constant 0 : i32
      %dma_wait3A_78 = arith.constant 0 : i32
      %dma_wait3A_79 = tpu.memref_slice %arg3[%dma_wait3A_77, %dma_wait3A_78] : memref<1572864x16xf32, #tpu.memory_space<hbm>> -> memref<1572864x16xf32, #tpu.memory_space<hbm>>
      tpu.wait_indirect_dma semaphore(%arg17 : memref<!tpu.dma_semaphore, #tpu.memory_space<semaphore_mem>>) src(%dma_wait3A_79 : memref<1572864x16xf32, #tpu.memory_space<hbm>>) dst(%arg16 : memref<1536x16xf32, #tpu.memory_space<vmem>>)
      %scan3A_80 = arith.constant 0 : i32
      %scan3A_81 = arith.constant 0 : i32
      %scan3A_82 = arith.constant 8 : i32
      %scan3A_83 = arith.addi %scan3A_81, %scan3A_82 : i32
      %scan3A_84 = arith.constant 1 : i32
      scf.for %scan3A_98 = %scan3A_81 to %scan3A_83 step %scan3A_84  : i32 {
        %mul3A_99 = arith.constant 16 : i32
        %mul3A_100 = arith.muli %scan3A_98, %mul3A_99 : i32
        %broadcast_in_dim3A_101 = vector.broadcast %mul3A_100 : i32 to vector<16xi32>
        %add3A_102 = arith.addi %broadcast_in_dim3A_101, %iota3A : vector<16xi32>
        %mul3A_103 = arith.constant 16 : i32
        %mul3A_104 = arith.muli %scan3A_98, %mul3A_103 : i32
        %get3A_105 = arith.constant 0 : i32
        %get3A_106 = arith.index_cast %get3A_105 : i32 to index
        %get3A_107 = arith.index_cast %mul3A_104 : i32 to index
        %get3A_108 = tpu.vector_load %arg14[%get3A_106, %get3A_107] {strides = array<i32>} : memref<4x128xf32, #tpu.memory_space<vmem>>, vector<16xf32>,
        %mul3A_109 = arith.constant 16 : i32
        %mul3A_110 = arith.muli %scan3A_98, %mul3A_109 : i32
        %get3A_111 = arith.constant 1 : i32
        %get3A_112 = arith.index_cast %get3A_111 : i32 to index
        %get3A_113 = arith.index_cast %mul3A_110 : i32 to index
        %get3A_114 = tpu.vector_load %arg14[%get3A_112, %get3A_113] {strides = array<i32>} : memref<4x128xf32, #tpu.memory_space<vmem>>, vector<16xf32>,
        %mul3A_115 = arith.constant 16 : i32
        %mul3A_116 = arith.muli %scan3A_98, %mul3A_115 : i32
        %get3A_117 = arith.constant 2 : i32
        %get3A_118 = arith.index_cast %get3A_117 : i32 to index
        %get3A_119 = arith.index_cast %mul3A_116 : i32 to index
        %get3A_120 = tpu.vector_load %arg14[%get3A_118, %get3A_119] {strides = array<i32>} : memref<4x128xf32, #tpu.memory_space<vmem>>, vector<16xf32>,
        %mul3A_121 = arith.constant 16 : i32
        %mul3A_122 = arith.muli %scan3A_98, %mul3A_121 : i32
        %get3A_123 = arith.constant 3 : i32
        %get3A_124 = arith.index_cast %get3A_123 : i32 to index
        %get3A_125 = arith.index_cast %mul3A_122 : i32 to index
        %get3A_126 = tpu.vector_load %arg14[%get3A_124, %get3A_125] {strides = array<i32>} : memref<4x128xf32, #tpu.memory_space<vmem>>, vector<16xf32>,
        %broadcast_in_dim3A_127 = arith.constant 1.000000e+00 : f32
        %broadcast_in_dim3A_128 = vector.broadcast %broadcast_in_dim3A_127 : f32 to vector<16xf32>
        %mul3A_129 = arith.constant 48 : i32
        %mul3A_130 = vector.broadcast %mul3A_129 : i32 to vector<16xi32>
        %mul3A_131 = arith.muli %add3A_102, %mul3A_130 : vector<16xi32>
        %sub3A = arith.subf %broadcast_in_dim3A_128, %get3A_108 : vector<16xf32>
        %sub3A_132 = arith.subf %broadcast_in_dim3A_128, %get3A_114 : vector<16xf32>
        %mul3A_133 = arith.mulf %sub3A, %sub3A_132 : vector<16xf32>
        %mul3A_134 = arith.mulf %sub3A, %get3A_114 : vector<16xf32>
        %mul3A_135 = arith.mulf %get3A_108, %sub3A_132 : vector<16xf32>
        %mul3A_136 = arith.mulf %get3A_108, %get3A_114 : vector<16xf32>
        %broadcast_in_dim3A_137 = arith.constant 0 : i32
        %broadcast_in_dim3A_138 = vector.broadcast %broadcast_in_dim3A_137 : i32 to vector<16xi32>
        %add3A_139 = arith.addi %add3A_102, %broadcast_in_dim3A_138 : vector<16xi32>
        %broadcast_in_dim3A_140 = arith.constant 128 : i32
        %broadcast_in_dim3A_141 = vector.broadcast %broadcast_in_dim3A_140 : i32 to vector<16xi32>
        %add3A_142 = arith.addi %add3A_139, %broadcast_in_dim3A_141 : vector<16xi32>
        %broadcast_in_dim3A_143 = arith.constant 0 : i32
        %broadcast_in_dim3A_144 = vector.broadcast %broadcast_in_dim3A_143 : i32 to vector<16xi32>
        %gather3A = tpu.vector_load_idx %arg16[%add3A_139, %broadcast_in_dim3A_144] : memref<1536x16xf32, #tpu.memory_space<vmem>>[vector<16xi32>, vector<16xi32>], vector<16xf32>,
        %broadcast_in_dim3A_145 = arith.constant 8 : i32
        %broadcast_in_dim3A_146 = vector.broadcast %broadcast_in_dim3A_145 : i32 to vector<16xi32>
        %gather3A_147 = tpu.vector_load_idx %arg16[%add3A_139, %broadcast_in_dim3A_146] : memref<1536x16xf32, #tpu.memory_space<vmem>>[vector<16xi32>, vector<16xi32>], vector<16xf32>,
        %broadcast_in_dim3A_148 = arith.constant 0 : i32
        %broadcast_in_dim3A_149 = vector.broadcast %broadcast_in_dim3A_148 : i32 to vector<16xi32>
        %gather3A_150 = tpu.vector_load_idx %arg16[%add3A_142, %broadcast_in_dim3A_149] : memref<1536x16xf32, #tpu.memory_space<vmem>>[vector<16xi32>, vector<16xi32>], vector<16xf32>,
        %broadcast_in_dim3A_151 = arith.constant 8 : i32
        %broadcast_in_dim3A_152 = vector.broadcast %broadcast_in_dim3A_151 : i32 to vector<16xi32>
        %gather3A_153 = tpu.vector_load_idx %arg16[%add3A_142, %broadcast_in_dim3A_152] : memref<1536x16xf32, #tpu.memory_space<vmem>>[vector<16xi32>, vector<16xi32>], vector<16xf32>,
        %mul3A_154 = arith.mulf %mul3A_133, %gather3A : vector<16xf32>
        %mul3A_155 = arith.mulf %mul3A_134, %gather3A_147 : vector<16xf32>
        %add3A_156 = arith.addf %mul3A_154, %mul3A_155 : vector<16xf32>
        %mul3A_157 = arith.mulf %mul3A_135, %gather3A_150 : vector<16xf32>
        %add3A_158 = arith.addf %add3A_156, %mul3A_157 : vector<16xf32>
        %mul3A_159 = arith.mulf %mul3A_136, %gather3A_153 : vector<16xf32>
        %add3A_160 = arith.addf %add3A_158, %mul3A_159 : vector<16xf32>
        %broadcast_in_dim3A_161 = arith.constant 0 : i32
        %broadcast_in_dim3A_162 = vector.broadcast %broadcast_in_dim3A_161 : i32 to vector<16xi32>
        %add3A_163 = arith.addi %mul3A_131, %broadcast_in_dim3A_162 : vector<16xi32>
        tpu.vector_store_idx %arg7[%add3A_163], %add3A_160 : memref<6144xf32, #tpu.memory_space<vmem>>[vector<16xi32>], vector<16xf32>,
        %broadcast_in_dim3A_164 = arith.constant 1 : i32
        %broadcast_in_dim3A_165 = vector.broadcast %broadcast_in_dim3A_164 : i32 to vector<16xi32>
        %gather3A_166 = tpu.vector_load_idx %arg16[%add3A_139, %broadcast_in_dim3A_165] : memref<1536x16xf32, #tpu.memory_space<vmem>>[vector<16xi32>, vector<16xi32>], vector<16xf32>,
        %broadcast_in_dim3A_167 = arith.constant 9 : i32
        %broadcast_in_dim3A_168 = vector.broadcast %broadcast_in_dim3A_167 : i32 to vector<16xi32>
        %gather3A_169 = tpu.vector_load_idx %arg16[%add3A_139, %broadcast_in_dim3A_168] : memref<1536x16xf32, #tpu.memory_space<vmem>>[vector<16xi32>, vector<16xi32>], vector<16xf32>,
        %broadcast_in_dim3A_170 = arith.constant 1 : i32
        %broadcast_in_dim3A_171 = vector.broadcast %broadcast_in_dim3A_170 : i32 to vector<16xi32>
        %gather3A_172 = tpu.vector_load_idx %arg16[%add3A_142, %broadcast_in_dim3A_171] : memref<1536x16xf32, #tpu.memory_space<vmem>>[vector<16xi32>, vector<16xi32>], vector<16xf32>,
        %broadcast_in_dim3A_173 = arith.constant 9 : i32
        %broadcast_in_dim3A_174 = vector.broadcast %broadcast_in_dim3A_173 : i32 to vector<16xi32>
        %gather3A_175 = tpu.vector_load_idx %arg16[%add3A_142, %broadcast_in_dim3A_174] : memref<1536x16xf32, #tpu.memory_space<vmem>>[vector<16xi32>, vector<16xi32>], vector<16xf32>,
        %mul3A_176 = arith.mulf %mul3A_133, %gather3A_166 : vector<16xf32>
        %mul3A_177 = arith.mulf %mul3A_134, %gather3A_169 : vector<16xf32>
        %add3A_178 = arith.addf %mul3A_176, %mul3A_177 : vector<16xf32>
        %mul3A_179 = arith.mulf %mul3A_135, %gather3A_172 : vector<16xf32>
        %add3A_180 = arith.addf %add3A_178, %mul3A_179 : vector<16xf32>
        %mul3A_181 = arith.mulf %mul3A_136, %gather3A_175 : vector<16xf32>
        %add3A_182 = arith.addf %add3A_180, %mul3A_181 : vector<16xf32>
        %broadcast_in_dim3A_183 = arith.constant 1 : i32
        %broadcast_in_dim3A_184 = vector.broadcast %broadcast_in_dim3A_183 : i32 to vector<16xi32>
        %add3A_185 = arith.addi %mul3A_131, %broadcast_in_dim3A_184 : vector<16xi32>
        tpu.vector_store_idx %arg7[%add3A_185], %add3A_182 : memref<6144xf32, #tpu.memory_space<vmem>>[vector<16xi32>], vector<16xf32>,
        %broadcast_in_dim3A_186 = arith.constant 2 : i32
        %broadcast_in_dim3A_187 = vector.broadcast %broadcast_in_dim3A_186 : i32 to vector<16xi32>
        %gather3A_188 = tpu.vector_load_idx %arg16[%add3A_139, %broadcast_in_dim3A_187] : memref<1536x16xf32, #tpu.memory_space<vmem>>[vector<16xi32>, vector<16xi32>], vector<16xf32>,
        %broadcast_in_dim3A_189 = arith.constant 10 : i32
        %broadcast_in_dim3A_190 = vector.broadcast %broadcast_in_dim3A_189 : i32 to vector<16xi32>
        %gather3A_191 = tpu.vector_load_idx %arg16[%add3A_139, %broadcast_in_dim3A_190] : memref<1536x16xf32, #tpu.memory_space<vmem>>[vector<16xi32>, vector<16xi32>], vector<16xf32>,
        %broadcast_in_dim3A_192 = arith.constant 2 : i32
        %broadcast_in_dim3A_193 = vector.broadcast %broadcast_in_dim3A_192 : i32 to vector<16xi32>
        %gather3A_194 = tpu.vector_load_idx %arg16[%add3A_142, %broadcast_in_dim3A_193] : memref<1536x16xf32, #tpu.memory_space<vmem>>[vector<16xi32>, vector<16xi32>], vector<16xf32>,
        %broadcast_in_dim3A_195 = arith.constant 10 : i32
        %broadcast_in_dim3A_196 = vector.broadcast %broadcast_in_dim3A_195 : i32 to vector<16xi32>
        %gather3A_197 = tpu.vector_load_idx %arg16[%add3A_142, %broadcast_in_dim3A_196] : memref<1536x16xf32, #tpu.memory_space<vmem>>[vector<16xi32>, vector<16xi32>], vector<16xf32>,
        %mul3A_198 = arith.mulf %mul3A_133, %gather3A_188 : vector<16xf32>
        %mul3A_199 = arith.mulf %mul3A_134, %gather3A_191 : vector<16xf32>
        %add3A_200 = arith.addf %mul3A_198, %mul3A_199 : vector<16xf32>
        %mul3A_201 = arith.mulf %mul3A_135, %gather3A_194 : vector<16xf32>
        %add3A_202 = arith.addf %add3A_200, %mul3A_201 : vector<16xf32>
        %mul3A_203 = arith.mulf %mul3A_136, %gather3A_197 : vector<16xf32>
        %add3A_204 = arith.addf %add3A_202, %mul3A_203 : vector<16xf32>
        %broadcast_in_dim3A_205 = arith.constant 2 : i32
        %broadcast_in_dim3A_206 = vector.broadcast %broadcast_in_dim3A_205 : i32 to vector<16xi32>
        %add3A_207 = arith.addi %mul3A_131, %broadcast_in_dim3A_206 : vector<16xi32>
        tpu.vector_store_idx %arg7[%add3A_207], %add3A_204 : memref<6144xf32, #tpu.memory_space<vmem>>[vector<16xi32>], vector<16xf32>,
        %broadcast_in_dim3A_208 = arith.constant 3 : i32
        %broadcast_in_dim3A_209 = vector.broadcast %broadcast_in_dim3A_208 : i32 to vector<16xi32>
        %gather3A_210 = tpu.vector_load_idx %arg16[%add3A_139, %broadcast_in_dim3A_209] : memref<1536x16xf32, #tpu.memory_space<vmem>>[vector<16xi32>, vector<16xi32>], vector<16xf32>,
        %broadcast_in_dim3A_211 = arith.constant 11 : i32
        %broadcast_in_dim3A_212 = vector.broadcast %broadcast_in_dim3A_211 : i32 to vector<16xi32>
        %gather3A_213 = tpu.vector_load_idx %arg16[%add3A_139, %broadcast_in_dim3A_212] : memref<1536x16xf32, #tpu.memory_space<vmem>>[vector<16xi32>, vector<16xi32>], vector<16xf32>,
        %broadcast_in_dim3A_214 = arith.constant 3 : i32
        %broadcast_in_dim3A_215 = vector.broadcast %broadcast_in_dim3A_214 : i32 to vector<16xi32>
        %gather3A_216 = tpu.vector_load_idx %arg16[%add3A_142, %broadcast_in_dim3A_215] : memref<1536x16xf32, #tpu.memory_space<vmem>>[vector<16xi32>, vector<16xi32>], vector<16xf32>,
        %broadcast_in_dim3A_217 = arith.constant 11 : i32
        %broadcast_in_dim3A_218 = vector.broadcast %broadcast_in_dim3A_217 : i32 to vector<16xi32>
        %gather3A_219 = tpu.vector_load_idx %arg16[%add3A_142, %broadcast_in_dim3A_218] : memref<1536x16xf32, #tpu.memory_space<vmem>>[vector<16xi32>, vector<16xi32>], vector<16xf32>,
        %mul3A_220 = arith.mulf %mul3A_133, %gather3A_210 : vector<16xf32>
        %mul3A_221 = arith.mulf %mul3A_134, %gather3A_213 : vector<16xf32>
        %add3A_222 = arith.addf %mul3A_220, %mul3A_221 : vector<16xf32>
        %mul3A_223 = arith.mulf %mul3A_135, %gather3A_216 : vector<16xf32>
        %add3A_224 = arith.addf %add3A_222, %mul3A_223 : vector<16xf32>
        %mul3A_225 = arith.mulf %mul3A_136, %gather3A_219 : vector<16xf32>
        %add3A_226 = arith.addf %add3A_224, %mul3A_225 : vector<16xf32>
        %broadcast_in_dim3A_227 = arith.constant 3 : i32
        %broadcast_in_dim3A_228 = vector.broadcast %broadcast_in_dim3A_227 : i32 to vector<16xi32>
        %add3A_229 = arith.addi %mul3A_131, %broadcast_in_dim3A_228 : vector<16xi32>
        tpu.vector_store_idx %arg7[%add3A_229], %add3A_226 : memref<6144xf32, #tpu.memory_space<vmem>>[vector<16xi32>], vector<16xf32>,
        %broadcast_in_dim3A_230 = arith.constant 4 : i32
        %broadcast_in_dim3A_231 = vector.broadcast %broadcast_in_dim3A_230 : i32 to vector<16xi32>
        %gather3A_232 = tpu.vector_load_idx %arg16[%add3A_139, %broadcast_in_dim3A_231] : memref<1536x16xf32, #tpu.memory_space<vmem>>[vector<16xi32>, vector<16xi32>], vector<16xf32>,
        %broadcast_in_dim3A_233 = arith.constant 12 : i32
        %broadcast_in_dim3A_234 = vector.broadcast %broadcast_in_dim3A_233 : i32 to vector<16xi32>
        %gather3A_235 = tpu.vector_load_idx %arg16[%add3A_139, %broadcast_in_dim3A_234] : memref<1536x16xf32, #tpu.memory_space<vmem>>[vector<16xi32>, vector<16xi32>], vector<16xf32>,
        %broadcast_in_dim3A_236 = arith.constant 4 : i32
        %broadcast_in_dim3A_237 = vector.broadcast %broadcast_in_dim3A_236 : i32 to vector<16xi32>
        %gather3A_238 = tpu.vector_load_idx %arg16[%add3A_142, %broadcast_in_dim3A_237] : memref<1536x16xf32, #tpu.memory_space<vmem>>[vector<16xi32>, vector<16xi32>], vector<16xf32>,
        %broadcast_in_dim3A_239 = arith.constant 12 : i32
        %broadcast_in_dim3A_240 = vector.broadcast %broadcast_in_dim3A_239 : i32 to vector<16xi32>
        %gather3A_241 = tpu.vector_load_idx %arg16[%add3A_142, %broadcast_in_dim3A_240] : memref<1536x16xf32, #tpu.memory_space<vmem>>[vector<16xi32>, vector<16xi32>], vector<16xf32>,
        %mul3A_242 = arith.mulf %mul3A_133, %gather3A_232 : vector<16xf32>
        %mul3A_243 = arith.mulf %mul3A_134, %gather3A_235 : vector<16xf32>
        %add3A_244 = arith.addf %mul3A_242, %mul3A_243 : vector<16xf32>
        %mul3A_245 = arith.mulf %mul3A_135, %gather3A_238 : vector<16xf32>
        %add3A_246 = arith.addf %add3A_244, %mul3A_245 : vector<16xf32>
        %mul3A_247 = arith.mulf %mul3A_136, %gather3A_241 : vector<16xf32>
        %add3A_248 = arith.addf %add3A_246, %mul3A_247 : vector<16xf32>
        %broadcast_in_dim3A_249 = arith.constant 4 : i32
        %broadcast_in_dim3A_250 = vector.broadcast %broadcast_in_dim3A_249 : i32 to vector<16xi32>
        %add3A_251 = arith.addi %mul3A_131, %broadcast_in_dim3A_250 : vector<16xi32>
        tpu.vector_store_idx %arg7[%add3A_251], %add3A_248 : memref<6144xf32, #tpu.memory_space<vmem>>[vector<16xi32>], vector<16xf32>,
        %broadcast_in_dim3A_252 = arith.constant 5 : i32
        %broadcast_in_dim3A_253 = vector.broadcast %broadcast_in_dim3A_252 : i32 to vector<16xi32>
        %gather3A_254 = tpu.vector_load_idx %arg16[%add3A_139, %broadcast_in_dim3A_253] : memref<1536x16xf32, #tpu.memory_space<vmem>>[vector<16xi32>, vector<16xi32>], vector<16xf32>,
        %broadcast_in_dim3A_255 = arith.constant 13 : i32
        %broadcast_in_dim3A_256 = vector.broadcast %broadcast_in_dim3A_255 : i32 to vector<16xi32>
        %gather3A_257 = tpu.vector_load_idx %arg16[%add3A_139, %broadcast_in_dim3A_256] : memref<1536x16xf32, #tpu.memory_space<vmem>>[vector<16xi32>, vector<16xi32>], vector<16xf32>,
        %broadcast_in_dim3A_258 = arith.constant 5 : i32
        %broadcast_in_dim3A_259 = vector.broadcast %broadcast_in_dim3A_258 : i32 to vector<16xi32>
        %gather3A_260 = tpu.vector_load_idx %arg16[%add3A_142, %broadcast_in_dim3A_259] : memref<1536x16xf32, #tpu.memory_space<vmem>>[vector<16xi32>, vector<16xi32>], vector<16xf32>,
        %broadcast_in_dim3A_261 = arith.constant 13 : i32
        %broadcast_in_dim3A_262 = vector.broadcast %broadcast_in_dim3A_261 : i32 to vector<16xi32>
        %gather3A_263 = tpu.vector_load_idx %arg16[%add3A_142, %broadcast_in_dim3A_262] : memref<1536x16xf32, #tpu.memory_space<vmem>>[vector<16xi32>, vector<16xi32>], vector<16xf32>,
        %mul3A_264 = arith.mulf %mul3A_133, %gather3A_254 : vector<16xf32>
        %mul3A_265 = arith.mulf %mul3A_134, %gather3A_257 : vector<16xf32>
        %add3A_266 = arith.addf %mul3A_264, %mul3A_265 : vector<16xf32>
        %mul3A_267 = arith.mulf %mul3A_135, %gather3A_260 : vector<16xf32>
        %add3A_268 = arith.addf %add3A_266, %mul3A_267 : vector<16xf32>
        %mul3A_269 = arith.mulf %mul3A_136, %gather3A_263 : vector<16xf32>
        %add3A_270 = arith.addf %add3A_268, %mul3A_269 : vector<16xf32>
        %broadcast_in_dim3A_271 = arith.constant 5 : i32
        %broadcast_in_dim3A_272 = vector.broadcast %broadcast_in_dim3A_271 : i32 to vector<16xi32>
        %add3A_273 = arith.addi %mul3A_131, %broadcast_in_dim3A_272 : vector<16xi32>
        tpu.vector_store_idx %arg7[%add3A_273], %add3A_270 : memref<6144xf32, #tpu.memory_space<vmem>>[vector<16xi32>], vector<16xf32>,
        %broadcast_in_dim3A_274 = arith.constant 6 : i32
        %broadcast_in_dim3A_275 = vector.broadcast %broadcast_in_dim3A_274 : i32 to vector<16xi32>
        %gather3A_276 = tpu.vector_load_idx %arg16[%add3A_139, %broadcast_in_dim3A_275] : memref<1536x16xf32, #tpu.memory_space<vmem>>[vector<16xi32>, vector<16xi32>], vector<16xf32>,
        %broadcast_in_dim3A_277 = arith.constant 14 : i32
        %broadcast_in_dim3A_278 = vector.broadcast %broadcast_in_dim3A_277 : i32 to vector<16xi32>
        %gather3A_279 = tpu.vector_load_idx %arg16[%add3A_139, %broadcast_in_dim3A_278] : memref<1536x16xf32, #tpu.memory_space<vmem>>[vector<16xi32>, vector<16xi32>], vector<16xf32>,
        %broadcast_in_dim3A_280 = arith.constant 6 : i32
        %broadcast_in_dim3A_281 = vector.broadcast %broadcast_in_dim3A_280 : i32 to vector<16xi32>
        %gather3A_282 = tpu.vector_load_idx %arg16[%add3A_142, %broadcast_in_dim3A_281] : memref<1536x16xf32, #tpu.memory_space<vmem>>[vector<16xi32>, vector<16xi32>], vector<16xf32>,
        %broadcast_in_dim3A_283 = arith.constant 14 : i32
        %broadcast_in_dim3A_284 = vector.broadcast %broadcast_in_dim3A_283 : i32 to vector<16xi32>
        %gather3A_285 = tpu.vector_load_idx %arg16[%add3A_142, %broadcast_in_dim3A_284] : memref<1536x16xf32, #tpu.memory_space<vmem>>[vector<16xi32>, vector<16xi32>], vector<16xf32>,
        %mul3A_286 = arith.mulf %mul3A_133, %gather3A_276 : vector<16xf32>
        %mul3A_287 = arith.mulf %mul3A_134, %gather3A_279 : vector<16xf32>
        %add3A_288 = arith.addf %mul3A_286, %mul3A_287 : vector<16xf32>
        %mul3A_289 = arith.mulf %mul3A_135, %gather3A_282 : vector<16xf32>
        %add3A_290 = arith.addf %add3A_288, %mul3A_289 : vector<16xf32>
        %mul3A_291 = arith.mulf %mul3A_136, %gather3A_285 : vector<16xf32>
        %add3A_292 = arith.addf %add3A_290, %mul3A_291 : vector<16xf32>
        %broadcast_in_dim3A_293 = arith.constant 6 : i32
        %broadcast_in_dim3A_294 = vector.broadcast %broadcast_in_dim3A_293 : i32 to vector<16xi32>
        %add3A_295 = arith.addi %mul3A_131, %broadcast_in_dim3A_294 : vector<16xi32>
        tpu.vector_store_idx %arg7[%add3A_295], %add3A_292 : memref<6144xf32, #tpu.memory_space<vmem>>[vector<16xi32>], vector<16xf32>,
        %broadcast_in_dim3A_296 = arith.constant 7 : i32
        %broadcast_in_dim3A_297 = vector.broadcast %broadcast_in_dim3A_296 : i32 to vector<16xi32>
        %gather3A_298 = tpu.vector_load_idx %arg16[%add3A_139, %broadcast_in_dim3A_297] : memref<1536x16xf32, #tpu.memory_space<vmem>>[vector<16xi32>, vector<16xi32>], vector<16xf32>,
        %broadcast_in_dim3A_299 = arith.constant 15 : i32
        %broadcast_in_dim3A_300 = vector.broadcast %broadcast_in_dim3A_299 : i32 to vector<16xi32>
        %gather3A_301 = tpu.vector_load_idx %arg16[%add3A_139, %broadcast_in_dim3A_300] : memref<1536x16xf32, #tpu.memory_space<vmem>>[vector<16xi32>, vector<16xi32>], vector<16xf32>,
        %broadcast_in_dim3A_302 = arith.constant 7 : i32
        %broadcast_in_dim3A_303 = vector.broadcast %broadcast_in_dim3A_302 : i32 to vector<16xi32>
        %gather3A_304 = tpu.vector_load_idx %arg16[%add3A_142, %broadcast_in_dim3A_303] : memref<1536x16xf32, #tpu.memory_space<vmem>>[vector<16xi32>, vector<16xi32>], vector<16xf32>,
        %broadcast_in_dim3A_305 = arith.constant 15 : i32
        %broadcast_in_dim3A_306 = vector.broadcast %broadcast_in_dim3A_305 : i32 to vector<16xi32>
        %gather3A_307 = tpu.vector_load_idx %arg16[%add3A_142, %broadcast_in_dim3A_306] : memref<1536x16xf32, #tpu.memory_space<vmem>>[vector<16xi32>, vector<16xi32>], vector<16xf32>,
        %mul3A_308 = arith.mulf %mul3A_133, %gather3A_298 : vector<16xf32>
        %mul3A_309 = arith.mulf %mul3A_134, %gather3A_301 : vector<16xf32>
        %add3A_310 = arith.addf %mul3A_308, %mul3A_309 : vector<16xf32>
        %mul3A_311 = arith.mulf %mul3A_135, %gather3A_304 : vector<16xf32>
        %add3A_312 = arith.addf %add3A_310, %mul3A_311 : vector<16xf32>
        %mul3A_313 = arith.mulf %mul3A_136, %gather3A_307 : vector<16xf32>
        %add3A_314 = arith.addf %add3A_312, %mul3A_313 : vector<16xf32>
        %broadcast_in_dim3A_315 = arith.constant 7 : i32
        %broadcast_in_dim3A_316 = vector.broadcast %broadcast_in_dim3A_315 : i32 to vector<16xi32>
        %add3A_317 = arith.addi %mul3A_131, %broadcast_in_dim3A_316 : vector<16xi32>
        tpu.vector_store_idx %arg7[%add3A_317], %add3A_314 : memref<6144xf32, #tpu.memory_space<vmem>>[vector<16xi32>], vector<16xf32>,
        %sub3A_318 = arith.subf %broadcast_in_dim3A_128, %get3A_120 : vector<16xf32>
        %sub3A_319 = arith.subf %broadcast_in_dim3A_128, %get3A_126 : vector<16xf32>
        %mul3A_320 = arith.mulf %sub3A_318, %sub3A_319 : vector<16xf32>
        %mul3A_321 = arith.mulf %sub3A_318, %get3A_126 : vector<16xf32>
        %mul3A_322 = arith.mulf %get3A_120, %sub3A_319 : vector<16xf32>
        %mul3A_323 = arith.mulf %get3A_120, %get3A_126 : vector<16xf32>
        %broadcast_in_dim3A_324 = arith.constant 256 : i32
        %broadcast_in_dim3A_325 = vector.broadcast %broadcast_in_dim3A_324 : i32 to vector<16xi32>
        %add3A_326 = arith.addi %add3A_102, %broadcast_in_dim3A_325 : vector<16xi32>
        %broadcast_in_dim3A_327 = arith.constant 128 : i32
        %broadcast_in_dim3A_328 = vector.broadcast %broadcast_in_dim3A_327 : i32 to vector<16xi32>
        %add3A_329 = arith.addi %add3A_326, %broadcast_in_dim3A_328 : vector<16xi32>
        %broadcast_in_dim3A_330 = arith.constant 0 : i32
        %broadcast_in_dim3A_331 = vector.broadcast %broadcast_in_dim3A_330 : i32 to vector<16xi32>
        %gather3A_332 = tpu.vector_load_idx %arg16[%add3A_326, %broadcast_in_dim3A_331] : memref<1536x16xf32, #tpu.memory_space<vmem>>[vector<16xi32>, vector<16xi32>], vector<16xf32>,
        %broadcast_in_dim3A_333 = arith.constant 8 : i32
        %broadcast_in_dim3A_334 = vector.broadcast %broadcast_in_dim3A_333 : i32 to vector<16xi32>
        %gather3A_335 = tpu.vector_load_idx %arg16[%add3A_326, %broadcast_in_dim3A_334] : memref<1536x16xf32, #tpu.memory_space<vmem>>[vector<16xi32>, vector<16xi32>], vector<16xf32>,
        %broadcast_in_dim3A_336 = arith.constant 0 : i32
        %broadcast_in_dim3A_337 = vector.broadcast %broadcast_in_dim3A_336 : i32 to vector<16xi32>
        %gather3A_338 = tpu.vector_load_idx %arg16[%add3A_329, %broadcast_in_dim3A_337] : memref<1536x16xf32, #tpu.memory_space<vmem>>[vector<16xi32>, vector<16xi32>], vector<16xf32>,
        %broadcast_in_dim3A_339 = arith.constant 8 : i32
        %broadcast_in_dim3A_340 = vector.broadcast %broadcast_in_dim3A_339 : i32 to vector<16xi32>
        %gather3A_341 = tpu.vector_load_idx %arg16[%add3A_329, %broadcast_in_dim3A_340] : memref<1536x16xf32, #tpu.memory_space<vmem>>[vector<16xi32>, vector<16xi32>], vector<16xf32>,
        %mul3A_342 = arith.mulf %mul3A_320, %gather3A_332 : vector<16xf32>
        %mul3A_343 = arith.mulf %mul3A_321, %gather3A_335 : vector<16xf32>
        %add3A_344 = arith.addf %mul3A_342, %mul3A_343 : vector<16xf32>
        %mul3A_345 = arith.mulf %mul3A_322, %gather3A_338 : vector<16xf32>
        %add3A_346 = arith.addf %add3A_344, %mul3A_345 : vector<16xf32>
        %mul3A_347 = arith.mulf %mul3A_323, %gather3A_341 : vector<16xf32>
        %add3A_348 = arith.addf %add3A_346, %mul3A_347 : vector<16xf32>
        %broadcast_in_dim3A_349 = arith.constant 8 : i32
        %broadcast_in_dim3A_350 = vector.broadcast %broadcast_in_dim3A_349 : i32 to vector<16xi32>
        %add3A_351 = arith.addi %mul3A_131, %broadcast_in_dim3A_350 : vector<16xi32>
        tpu.vector_store_idx %arg7[%add3A_351], %add3A_348 : memref<6144xf32, #tpu.memory_space<vmem>>[vector<16xi32>], vector<16xf32>,
        %broadcast_in_dim3A_352 = arith.constant 1 : i32
        %broadcast_in_dim3A_353 = vector.broadcast %broadcast_in_dim3A_352 : i32 to vector<16xi32>
        %gather3A_354 = tpu.vector_load_idx %arg16[%add3A_326, %broadcast_in_dim3A_353] : memref<1536x16xf32, #tpu.memory_space<vmem>>[vector<16xi32>, vector<16xi32>], vector<16xf32>,
        %broadcast_in_dim3A_355 = arith.constant 9 : i32
        %broadcast_in_dim3A_356 = vector.broadcast %broadcast_in_dim3A_355 : i32 to vector<16xi32>
        %gather3A_357 = tpu.vector_load_idx %arg16[%add3A_326, %broadcast_in_dim3A_356] : memref<1536x16xf32, #tpu.memory_space<vmem>>[vector<16xi32>, vector<16xi32>], vector<16xf32>,
        %broadcast_in_dim3A_358 = arith.constant 1 : i32
        %broadcast_in_dim3A_359 = vector.broadcast %broadcast_in_dim3A_358 : i32 to vector<16xi32>
        %gather3A_360 = tpu.vector_load_idx %arg16[%add3A_329, %broadcast_in_dim3A_359] : memref<1536x16xf32, #tpu.memory_space<vmem>>[vector<16xi32>, vector<16xi32>], vector<16xf32>,
        %broadcast_in_dim3A_361 = arith.constant 9 : i32
        %broadcast_in_dim3A_362 = vector.broadcast %broadcast_in_dim3A_361 : i32 to vector<16xi32>
        %gather3A_363 = tpu.vector_load_idx %arg16[%add3A_329, %broadcast_in_dim3A_362] : memref<1536x16xf32, #tpu.memory_space<vmem>>[vector<16xi32>, vector<16xi32>], vector<16xf32>,
        %mul3A_364 = arith.mulf %mul3A_320, %gather3A_354 : vector<16xf32>
        %mul3A_365 = arith.mulf %mul3A_321, %gather3A_357 : vector<16xf32>
        %add3A_366 = arith.addf %mul3A_364, %mul3A_365 : vector<16xf32>
        %mul3A_367 = arith.mulf %mul3A_322, %gather3A_360 : vector<16xf32>
        %add3A_368 = arith.addf %add3A_366, %mul3A_367 : vector<16xf32>
        %mul3A_369 = arith.mulf %mul3A_323, %gather3A_363 : vector<16xf32>
        %add3A_370 = arith.addf %add3A_368, %mul3A_369 : vector<16xf32>
        %broadcast_in_dim3A_371 = arith.constant 9 : i32
        %broadcast_in_dim3A_372 = vector.broadcast %broadcast_in_dim3A_371 : i32 to vector<16xi32>
        %add3A_373 = arith.addi %mul3A_131, %broadcast_in_dim3A_372 : vector<16xi32>
        tpu.vector_store_idx %arg7[%add3A_373], %add3A_370 : memref<6144xf32, #tpu.memory_space<vmem>>[vector<16xi32>], vector<16xf32>,
        %broadcast_in_dim3A_374 = arith.constant 2 : i32
        %broadcast_in_dim3A_375 = vector.broadcast %broadcast_in_dim3A_374 : i32 to vector<16xi32>
        %gather3A_376 = tpu.vector_load_idx %arg16[%add3A_326, %broadcast_in_dim3A_375] : memref<1536x16xf32, #tpu.memory_space<vmem>>[vector<16xi32>, vector<16xi32>], vector<16xf32>,
        %broadcast_in_dim3A_377 = arith.constant 10 : i32
        %broadcast_in_dim3A_378 = vector.broadcast %broadcast_in_dim3A_377 : i32 to vector<16xi32>
        %gather3A_379 = tpu.vector_load_idx %arg16[%add3A_326, %broadcast_in_dim3A_378] : memref<1536x16xf32, #tpu.memory_space<vmem>>[vector<16xi32>, vector<16xi32>], vector<16xf32>,
        %broadcast_in_dim3A_380 = arith.constant 2 : i32
        %broadcast_in_dim3A_381 = vector.broadcast %broadcast_in_dim3A_380 : i32 to vector<16xi32>
        %gather3A_382 = tpu.vector_load_idx %arg16[%add3A_329, %broadcast_in_dim3A_381] : memref<1536x16xf32, #tpu.memory_space<vmem>>[vector<16xi32>, vector<16xi32>], vector<16xf32>,
        %broadcast_in_dim3A_383 = arith.constant 10 : i32
        %broadcast_in_dim3A_384 = vector.broadcast %broadcast_in_dim3A_383 : i32 to vector<16xi32>
        %gather3A_385 = tpu.vector_load_idx %arg16[%add3A_329, %broadcast_in_dim3A_384] : memref<1536x16xf32, #tpu.memory_space<vmem>>[vector<16xi32>, vector<16xi32>], vector<16xf32>,
        %mul3A_386 = arith.mulf %mul3A_320, %gather3A_376 : vector<16xf32>
        %mul3A_387 = arith.mulf %mul3A_321, %gather3A_379 : vector<16xf32>
        %add3A_388 = arith.addf %mul3A_386, %mul3A_387 : vector<16xf32>
        %mul3A_389 = arith.mulf %mul3A_322, %gather3A_382 : vector<16xf32>
        %add3A_390 = arith.addf %add3A_388, %mul3A_389 : vector<16xf32>
        %mul3A_391 = arith.mulf %mul3A_323, %gather3A_385 : vector<16xf32>
        %add3A_392 = arith.addf %add3A_390, %mul3A_391 : vector<16xf32>
        %broadcast_in_dim3A_393 = arith.constant 10 : i32
        %broadcast_in_dim3A_394 = vector.broadcast %broadcast_in_dim3A_393 : i32 to vector<16xi32>
        %add3A_395 = arith.addi %mul3A_131, %broadcast_in_dim3A_394 : vector<16xi32>
        tpu.vector_store_idx %arg7[%add3A_395], %add3A_392 : memref<6144xf32, #tpu.memory_space<vmem>>[vector<16xi32>], vector<16xf32>,
        %broadcast_in_dim3A_396 = arith.constant 3 : i32
        %broadcast_in_dim3A_397 = vector.broadcast %broadcast_in_dim3A_396 : i32 to vector<16xi32>
        %gather3A_398 = tpu.vector_load_idx %arg16[%add3A_326, %broadcast_in_dim3A_397] : memref<1536x16xf32, #tpu.memory_space<vmem>>[vector<16xi32>, vector<16xi32>], vector<16xf32>,
        %broadcast_in_dim3A_399 = arith.constant 11 : i32
        %broadcast_in_dim3A_400 = vector.broadcast %broadcast_in_dim3A_399 : i32 to vector<16xi32>
        %gather3A_401 = tpu.vector_load_idx %arg16[%add3A_326, %broadcast_in_dim3A_400] : memref<1536x16xf32, #tpu.memory_space<vmem>>[vector<16xi32>, vector<16xi32>], vector<16xf32>,
        %broadcast_in_dim3A_402 = arith.constant 3 : i32
        %broadcast_in_dim3A_403 = vector.broadcast %broadcast_in_dim3A_402 : i32 to vector<16xi32>
        %gather3A_404 = tpu.vector_load_idx %arg16[%add3A_329, %broadcast_in_dim3A_403] : memref<1536x16xf32, #tpu.memory_space<vmem>>[vector<16xi32>, vector<16xi32>], vector<16xf32>,
        %broadcast_in_dim3A_405 = arith.constant 11 : i32
        %broadcast_in_dim3A_406 = vector.broadcast %broadcast_in_dim3A_405 : i32 to vector<16xi32>
        %gather3A_407 = tpu.vector_load_idx %arg16[%add3A_329, %broadcast_in_dim3A_406] : memref<1536x16xf32, #tpu.memory_space<vmem>>[vector<16xi32>, vector<16xi32>], vector<16xf32>,
        %mul3A_408 = arith.mulf %mul3A_320, %gather3A_398 : vector<16xf32>
        %mul3A_409 = arith.mulf %mul3A_321, %gather3A_401 : vector<16xf32>
        %add3A_410 = arith.addf %mul3A_408, %mul3A_409 : vector<16xf32>
        %mul3A_411 = arith.mulf %mul3A_322, %gather3A_404 : vector<16xf32>
        %add3A_412 = arith.addf %add3A_410, %mul3A_411 : vector<16xf32>
        %mul3A_413 = arith.mulf %mul3A_323, %gather3A_407 : vector<16xf32>
        %add3A_414 = arith.addf %add3A_412, %mul3A_413 : vector<16xf32>
        %broadcast_in_dim3A_415 = arith.constant 11 : i32
        %broadcast_in_dim3A_416 = vector.broadcast %broadcast_in_dim3A_415 : i32 to vector<16xi32>
        %add3A_417 = arith.addi %mul3A_131, %broadcast_in_dim3A_416 : vector<16xi32>
        tpu.vector_store_idx %arg7[%add3A_417], %add3A_414 : memref<6144xf32, #tpu.memory_space<vmem>>[vector<16xi32>], vector<16xf32>,
        %broadcast_in_dim3A_418 = arith.constant 4 : i32
        %broadcast_in_dim3A_419 = vector.broadcast %broadcast_in_dim3A_418 : i32 to vector<16xi32>
        %gather3A_420 = tpu.vector_load_idx %arg16[%add3A_326, %broadcast_in_dim3A_419] : memref<1536x16xf32, #tpu.memory_space<vmem>>[vector<16xi32>, vector<16xi32>], vector<16xf32>,
        %broadcast_in_dim3A_421 = arith.constant 12 : i32
        %broadcast_in_dim3A_422 = vector.broadcast %broadcast_in_dim3A_421 : i32 to vector<16xi32>
        %gather3A_423 = tpu.vector_load_idx %arg16[%add3A_326, %broadcast_in_dim3A_422] : memref<1536x16xf32, #tpu.memory_space<vmem>>[vector<16xi32>, vector<16xi32>], vector<16xf32>,
        %broadcast_in_dim3A_424 = arith.constant 4 : i32
        %broadcast_in_dim3A_425 = vector.broadcast %broadcast_in_dim3A_424 : i32 to vector<16xi32>
        %gather3A_426 = tpu.vector_load_idx %arg16[%add3A_329, %broadcast_in_dim3A_425] : memref<1536x16xf32, #tpu.memory_space<vmem>>[vector<16xi32>, vector<16xi32>], vector<16xf32>,
        %broadcast_in_dim3A_427 = arith.constant 12 : i32
        %broadcast_in_dim3A_428 = vector.broadcast %broadcast_in_dim3A_427 : i32 to vector<16xi32>
        %gather3A_429 = tpu.vector_load_idx %arg16[%add3A_329, %broadcast_in_dim3A_428] : memref<1536x16xf32, #tpu.memory_space<vmem>>[vector<16xi32>, vector<16xi32>], vector<16xf32>,
        %mul3A_430 = arith.mulf %mul3A_320, %gather3A_420 : vector<16xf32>
        %mul3A_431 = arith.mulf %mul3A_321, %gather3A_423 : vector<16xf32>
        %add3A_432 = arith.addf %mul3A_430, %mul3A_431 : vector<16xf32>
        %mul3A_433 = arith.mulf %mul3A_322, %gather3A_426 : vector<16xf32>
        %add3A_434 = arith.addf %add3A_432, %mul3A_433 : vector<16xf32>
        %mul3A_435 = arith.mulf %mul3A_323, %gather3A_429 : vector<16xf32>
        %add3A_436 = arith.addf %add3A_434, %mul3A_435 : vector<16xf32>
        %broadcast_in_dim3A_437 = arith.constant 12 : i32
        %broadcast_in_dim3A_438 = vector.broadcast %broadcast_in_dim3A_437 : i32 to vector<16xi32>
        %add3A_439 = arith.addi %mul3A_131, %broadcast_in_dim3A_438 : vector<16xi32>
        tpu.vector_store_idx %arg7[%add3A_439], %add3A_436 : memref<6144xf32, #tpu.memory_space<vmem>>[vector<16xi32>], vector<16xf32>,
        %broadcast_in_dim3A_440 = arith.constant 5 : i32
        %broadcast_in_dim3A_441 = vector.broadcast %broadcast_in_dim3A_440 : i32 to vector<16xi32>
        %gather3A_442 = tpu.vector_load_idx %arg16[%add3A_326, %broadcast_in_dim3A_441] : memref<1536x16xf32, #tpu.memory_space<vmem>>[vector<16xi32>, vector<16xi32>], vector<16xf32>,
        %broadcast_in_dim3A_443 = arith.constant 13 : i32
        %broadcast_in_dim3A_444 = vector.broadcast %broadcast_in_dim3A_443 : i32 to vector<16xi32>
        %gather3A_445 = tpu.vector_load_idx %arg16[%add3A_326, %broadcast_in_dim3A_444] : memref<1536x16xf32, #tpu.memory_space<vmem>>[vector<16xi32>, vector<16xi32>], vector<16xf32>,
        %broadcast_in_dim3A_446 = arith.constant 5 : i32
        %broadcast_in_dim3A_447 = vector.broadcast %broadcast_in_dim3A_446 : i32 to vector<16xi32>
        %gather3A_448 = tpu.vector_load_idx %arg16[%add3A_329, %broadcast_in_dim3A_447] : memref<1536x16xf32, #tpu.memory_space<vmem>>[vector<16xi32>, vector<16xi32>], vector<16xf32>,
        %broadcast_in_dim3A_449 = arith.constant 13 : i32
        %broadcast_in_dim3A_450 = vector.broadcast %broadcast_in_dim3A_449 : i32 to vector<16xi32>
        %gather3A_451 = tpu.vector_load_idx %arg16[%add3A_329, %broadcast_in_dim3A_450] : memref<1536x16xf32, #tpu.memory_space<vmem>>[vector<16xi32>, vector<16xi32>], vector<16xf32>,
        %mul3A_452 = arith.mulf %mul3A_320, %gather3A_442 : vector<16xf32>
        %mul3A_453 = arith.mulf %mul3A_321, %gather3A_445 : vector<16xf32>
        %add3A_454 = arith.addf %mul3A_452, %mul3A_453 : vector<16xf32>
        %mul3A_455 = arith.mulf %mul3A_322, %gather3A_448 : vector<16xf32>
        %add3A_456 = arith.addf %add3A_454, %mul3A_455 : vector<16xf32>
        %mul3A_457 = arith.mulf %mul3A_323, %gather3A_451 : vector<16xf32>
        %add3A_458 = arith.addf %add3A_456, %mul3A_457 : vector<16xf32>
        %broadcast_in_dim3A_459 = arith.constant 13 : i32
        %broadcast_in_dim3A_460 = vector.broadcast %broadcast_in_dim3A_459 : i32 to vector<16xi32>
        %add3A_461 = arith.addi %mul3A_131, %broadcast_in_dim3A_460 : vector<16xi32>
        tpu.vector_store_idx %arg7[%add3A_461], %add3A_458 : memref<6144xf32, #tpu.memory_space<vmem>>[vector<16xi32>], vector<16xf32>,
        %broadcast_in_dim3A_462 = arith.constant 6 : i32
        %broadcast_in_dim3A_463 = vector.broadcast %broadcast_in_dim3A_462 : i32 to vector<16xi32>
        %gather3A_464 = tpu.vector_load_idx %arg16[%add3A_326, %broadcast_in_dim3A_463] : memref<1536x16xf32, #tpu.memory_space<vmem>>[vector<16xi32>, vector<16xi32>], vector<16xf32>,
        %broadcast_in_dim3A_465 = arith.constant 14 : i32
        %broadcast_in_dim3A_466 = vector.broadcast %broadcast_in_dim3A_465 : i32 to vector<16xi32>
        %gather3A_467 = tpu.vector_load_idx %arg16[%add3A_326, %broadcast_in_dim3A_466] : memref<1536x16xf32, #tpu.memory_space<vmem>>[vector<16xi32>, vector<16xi32>], vector<16xf32>,
        %broadcast_in_dim3A_468 = arith.constant 6 : i32
        %broadcast_in_dim3A_469 = vector.broadcast %broadcast_in_dim3A_468 : i32 to vector<16xi32>
        %gather3A_470 = tpu.vector_load_idx %arg16[%add3A_329, %broadcast_in_dim3A_469] : memref<1536x16xf32, #tpu.memory_space<vmem>>[vector<16xi32>, vector<16xi32>], vector<16xf32>,
        %broadcast_in_dim3A_471 = arith.constant 14 : i32
        %broadcast_in_dim3A_472 = vector.broadcast %broadcast_in_dim3A_471 : i32 to vector<16xi32>
        %gather3A_473 = tpu.vector_load_idx %arg16[%add3A_329, %broadcast_in_dim3A_472] : memref<1536x16xf32, #tpu.memory_space<vmem>>[vector<16xi32>, vector<16xi32>], vector<16xf32>,
        %mul3A_474 = arith.mulf %mul3A_320, %gather3A_464 : vector<16xf32>
        %mul3A_475 = arith.mulf %mul3A_321, %gather3A_467 : vector<16xf32>
        %add3A_476 = arith.addf %mul3A_474, %mul3A_475 : vector<16xf32>
        %mul3A_477 = arith.mulf %mul3A_322, %gather3A_470 : vector<16xf32>
        %add3A_478 = arith.addf %add3A_476, %mul3A_477 : vector<16xf32>
        %mul3A_479 = arith.mulf %mul3A_323, %gather3A_473 : vector<16xf32>
        %add3A_480 = arith.addf %add3A_478, %mul3A_479 : vector<16xf32>
        %broadcast_in_dim3A_481 = arith.constant 14 : i32
        %broadcast_in_dim3A_482 = vector.broadcast %broadcast_in_dim3A_481 : i32 to vector<16xi32>
        %add3A_483 = arith.addi %mul3A_131, %broadcast_in_dim3A_482 : vector<16xi32>
        tpu.vector_store_idx %arg7[%add3A_483], %add3A_480 : memref<6144xf32, #tpu.memory_space<vmem>>[vector<16xi32>], vector<16xf32>,
        %broadcast_in_dim3A_484 = arith.constant 7 : i32
        %broadcast_in_dim3A_485 = vector.broadcast %broadcast_in_dim3A_484 : i32 to vector<16xi32>
        %gather3A_486 = tpu.vector_load_idx %arg16[%add3A_326, %broadcast_in_dim3A_485] : memref<1536x16xf32, #tpu.memory_space<vmem>>[vector<16xi32>, vector<16xi32>], vector<16xf32>,
        %broadcast_in_dim3A_487 = arith.constant 15 : i32
        %broadcast_in_dim3A_488 = vector.broadcast %broadcast_in_dim3A_487 : i32 to vector<16xi32>
        %gather3A_489 = tpu.vector_load_idx %arg16[%add3A_326, %broadcast_in_dim3A_488] : memref<1536x16xf32, #tpu.memory_space<vmem>>[vector<16xi32>, vector<16xi32>], vector<16xf32>,
        %broadcast_in_dim3A_490 = arith.constant 7 : i32
        %broadcast_in_dim3A_491 = vector.broadcast %broadcast_in_dim3A_490 : i32 to vector<16xi32>
        %gather3A_492 = tpu.vector_load_idx %arg16[%add3A_329, %broadcast_in_dim3A_491] : memref<1536x16xf32, #tpu.memory_space<vmem>>[vector<16xi32>, vector<16xi32>], vector<16xf32>,
        %broadcast_in_dim3A_493 = arith.constant 15 : i32
        %broadcast_in_dim3A_494 = vector.broadcast %broadcast_in_dim3A_493 : i32 to vector<16xi32>
        %gather3A_495 = tpu.vector_load_idx %arg16[%add3A_329, %broadcast_in_dim3A_494] : memref<1536x16xf32, #tpu.memory_space<vmem>>[vector<16xi32>, vector<16xi32>], vector<16xf32>,
        %mul3A_496 = arith.mulf %mul3A_320, %gather3A_486 : vector<16xf32>
        %mul3A_497 = arith.mulf %mul3A_321, %gather3A_489 : vector<16xf32>
        %add3A_498 = arith.addf %mul3A_496, %mul3A_497 : vector<16xf32>
        %mul3A_499 = arith.mulf %mul3A_322, %gather3A_492 : vector<16xf32>
        %add3A_500 = arith.addf %add3A_498, %mul3A_499 : vector<16xf32>
        %mul3A_501 = arith.mulf %mul3A_323, %gather3A_495 : vector<16xf32>
        %add3A_502 = arith.addf %add3A_500, %mul3A_501 : vector<16xf32>
        %broadcast_in_dim3A_503 = arith.constant 15 : i32
        %broadcast_in_dim3A_504 = vector.broadcast %broadcast_in_dim3A_503 : i32 to vector<16xi32>
        %add3A_505 = arith.addi %mul3A_131, %broadcast_in_dim3A_504 : vector<16xi32>
        tpu.vector_store_idx %arg7[%add3A_505], %add3A_502 : memref<6144xf32, #tpu.memory_space<vmem>>[vector<16xi32>], vector<16xf32>,
        %sub3A_506 = arith.subf %broadcast_in_dim3A_128, %get3A_108 : vector<16xf32>
        %sub3A_507 = arith.subf %broadcast_in_dim3A_128, %get3A_120 : vector<16xf32>
        %mul3A_508 = arith.mulf %sub3A_506, %sub3A_507 : vector<16xf32>
        %mul3A_509 = arith.mulf %sub3A_506, %get3A_120 : vector<16xf32>
        %mul3A_510 = arith.mulf %get3A_108, %sub3A_507 : vector<16xf32>
        %mul3A_511 = arith.mulf %get3A_108, %get3A_120 : vector<16xf32>
        %broadcast_in_dim3A_512 = arith.constant 512 : i32
        %broadcast_in_dim3A_513 = vector.broadcast %broadcast_in_dim3A_512 : i32 to vector<16xi32>
        %add3A_514 = arith.addi %add3A_102, %broadcast_in_dim3A_513 : vector<16xi32>
        %broadcast_in_dim3A_515 = arith.constant 128 : i32
        %broadcast_in_dim3A_516 = vector.broadcast %broadcast_in_dim3A_515 : i32 to vector<16xi32>
        %add3A_517 = arith.addi %add3A_514, %broadcast_in_dim3A_516 : vector<16xi32>
        %broadcast_in_dim3A_518 = arith.constant 0 : i32
        %broadcast_in_dim3A_519 = vector.broadcast %broadcast_in_dim3A_518 : i32 to vector<16xi32>
        %gather3A_520 = tpu.vector_load_idx %arg16[%add3A_514, %broadcast_in_dim3A_519] : memref<1536x16xf32, #tpu.memory_space<vmem>>[vector<16xi32>, vector<16xi32>], vector<16xf32>,
        %broadcast_in_dim3A_521 = arith.constant 8 : i32
        %broadcast_in_dim3A_522 = vector.broadcast %broadcast_in_dim3A_521 : i32 to vector<16xi32>
        %gather3A_523 = tpu.vector_load_idx %arg16[%add3A_514, %broadcast_in_dim3A_522] : memref<1536x16xf32, #tpu.memory_space<vmem>>[vector<16xi32>, vector<16xi32>], vector<16xf32>,
        %broadcast_in_dim3A_524 = arith.constant 0 : i32
        %broadcast_in_dim3A_525 = vector.broadcast %broadcast_in_dim3A_524 : i32 to vector<16xi32>
        %gather3A_526 = tpu.vector_load_idx %arg16[%add3A_517, %broadcast_in_dim3A_525] : memref<1536x16xf32, #tpu.memory_space<vmem>>[vector<16xi32>, vector<16xi32>], vector<16xf32>,
        %broadcast_in_dim3A_527 = arith.constant 8 : i32
        %broadcast_in_dim3A_528 = vector.broadcast %broadcast_in_dim3A_527 : i32 to vector<16xi32>
        %gather3A_529 = tpu.vector_load_idx %arg16[%add3A_517, %broadcast_in_dim3A_528] : memref<1536x16xf32, #tpu.memory_space<vmem>>[vector<16xi32>, vector<16xi32>], vector<16xf32>,
        %mul3A_530 = arith.mulf %mul3A_508, %gather3A_520 : vector<16xf32>
        %mul3A_531 = arith.mulf %mul3A_509, %gather3A_523 : vector<16xf32>
        %add3A_532 = arith.addf %mul3A_530, %mul3A_531 : vector<16xf32>
        %mul3A_533 = arith.mulf %mul3A_510, %gather3A_526 : vector<16xf32>
        %add3A_534 = arith.addf %add3A_532, %mul3A_533 : vector<16xf32>
        %mul3A_535 = arith.mulf %mul3A_511, %gather3A_529 : vector<16xf32>
        %add3A_536 = arith.addf %add3A_534, %mul3A_535 : vector<16xf32>
        %broadcast_in_dim3A_537 = arith.constant 16 : i32
        %broadcast_in_dim3A_538 = vector.broadcast %broadcast_in_dim3A_537 : i32 to vector<16xi32>
        %add3A_539 = arith.addi %mul3A_131, %broadcast_in_dim3A_538 : vector<16xi32>
        tpu.vector_store_idx %arg7[%add3A_539], %add3A_536 : memref<6144xf32, #tpu.memory_space<vmem>>[vector<16xi32>], vector<16xf32>,
        %broadcast_in_dim3A_540 = arith.constant 1 : i32
        %broadcast_in_dim3A_541 = vector.broadcast %broadcast_in_dim3A_540 : i32 to vector<16xi32>
        %gather3A_542 = tpu.vector_load_idx %arg16[%add3A_514, %broadcast_in_dim3A_541] : memref<1536x16xf32, #tpu.memory_space<vmem>>[vector<16xi32>, vector<16xi32>], vector<16xf32>,
        %broadcast_in_dim3A_543 = arith.constant 9 : i32
        %broadcast_in_dim3A_544 = vector.broadcast %broadcast_in_dim3A_543 : i32 to vector<16xi32>
        %gather3A_545 = tpu.vector_load_idx %arg16[%add3A_514, %broadcast_in_dim3A_544] : memref<1536x16xf32, #tpu.memory_space<vmem>>[vector<16xi32>, vector<16xi32>], vector<16xf32>,
        %broadcast_in_dim3A_546 = arith.constant 1 : i32
        %broadcast_in_dim3A_547 = vector.broadcast %broadcast_in_dim3A_546 : i32 to vector<16xi32>
        %gather3A_548 = tpu.vector_load_idx %arg16[%add3A_517, %broadcast_in_dim3A_547] : memref<1536x16xf32, #tpu.memory_space<vmem>>[vector<16xi32>, vector<16xi32>], vector<16xf32>,
        %broadcast_in_dim3A_549 = arith.constant 9 : i32
        %broadcast_in_dim3A_550 = vector.broadcast %broadcast_in_dim3A_549 : i32 to vector<16xi32>
        %gather3A_551 = tpu.vector_load_idx %arg16[%add3A_517, %broadcast_in_dim3A_550] : memref<1536x16xf32, #tpu.memory_space<vmem>>[vector<16xi32>, vector<16xi32>], vector<16xf32>,
        %mul3A_552 = arith.mulf %mul3A_508, %gather3A_542 : vector<16xf32>
        %mul3A_553 = arith.mulf %mul3A_509, %gather3A_545 : vector<16xf32>
        %add3A_554 = arith.addf %mul3A_552, %mul3A_553 : vector<16xf32>
        %mul3A_555 = arith.mulf %mul3A_510, %gather3A_548 : vector<16xf32>
        %add3A_556 = arith.addf %add3A_554, %mul3A_555 : vector<16xf32>
        %mul3A_557 = arith.mulf %mul3A_511, %gather3A_551 : vector<16xf32>
        %add3A_558 = arith.addf %add3A_556, %mul3A_557 : vector<16xf32>
        %broadcast_in_dim3A_559 = arith.constant 17 : i32
        %broadcast_in_dim3A_560 = vector.broadcast %broadcast_in_dim3A_559 : i32 to vector<16xi32>
        %add3A_561 = arith.addi %mul3A_131, %broadcast_in_dim3A_560 : vector<16xi32>
        tpu.vector_store_idx %arg7[%add3A_561], %add3A_558 : memref<6144xf32, #tpu.memory_space<vmem>>[vector<16xi32>], vector<16xf32>,
        %broadcast_in_dim3A_562 = arith.constant 2 : i32
        %broadcast_in_dim3A_563 = vector.broadcast %broadcast_in_dim3A_562 : i32 to vector<16xi32>
        %gather3A_564 = tpu.vector_load_idx %arg16[%add3A_514, %broadcast_in_dim3A_563] : memref<1536x16xf32, #tpu.memory_space<vmem>>[vector<16xi32>, vector<16xi32>], vector<16xf32>,
        %broadcast_in_dim3A_565 = arith.constant 10 : i32
        %broadcast_in_dim3A_566 = vector.broadcast %broadcast_in_dim3A_565 : i32 to vector<16xi32>
        %gather3A_567 = tpu.vector_load_idx %arg16[%add3A_514, %broadcast_in_dim3A_566] : memref<1536x16xf32, #tpu.memory_space<vmem>>[vector<16xi32>, vector<16xi32>], vector<16xf32>,
        %broadcast_in_dim3A_568 = arith.constant 2 : i32
        %broadcast_in_dim3A_569 = vector.broadcast %broadcast_in_dim3A_568 : i32 to vector<16xi32>
        %gather3A_570 = tpu.vector_load_idx %arg16[%add3A_517, %broadcast_in_dim3A_569] : memref<1536x16xf32, #tpu.memory_space<vmem>>[vector<16xi32>, vector<16xi32>], vector<16xf32>,
        %broadcast_in_dim3A_571 = arith.constant 10 : i32
        %broadcast_in_dim3A_572 = vector.broadcast %broadcast_in_dim3A_571 : i32 to vector<16xi32>
        %gather3A_573 = tpu.vector_load_idx %arg16[%add3A_517, %broadcast_in_dim3A_572] : memref<1536x16xf32, #tpu.memory_space<vmem>>[vector<16xi32>, vector<16xi32>], vector<16xf32>,
        %mul3A_574 = arith.mulf %mul3A_508, %gather3A_564 : vector<16xf32>
        %mul3A_575 = arith.mulf %mul3A_509, %gather3A_567 : vector<16xf32>
        %add3A_576 = arith.addf %mul3A_574, %mul3A_575 : vector<16xf32>
        %mul3A_577 = arith.mulf %mul3A_510, %gather3A_570 : vector<16xf32>
        %add3A_578 = arith.addf %add3A_576, %mul3A_577 : vector<16xf32>
        %mul3A_579 = arith.mulf %mul3A_511, %gather3A_573 : vector<16xf32>
        %add3A_580 = arith.addf %add3A_578, %mul3A_579 : vector<16xf32>
        %broadcast_in_dim3A_581 = arith.constant 18 : i32
        %broadcast_in_dim3A_582 = vector.broadcast %broadcast_in_dim3A_581 : i32 to vector<16xi32>
        %add3A_583 = arith.addi %mul3A_131, %broadcast_in_dim3A_582 : vector<16xi32>
        tpu.vector_store_idx %arg7[%add3A_583], %add3A_580 : memref<6144xf32, #tpu.memory_space<vmem>>[vector<16xi32>], vector<16xf32>,
        %broadcast_in_dim3A_584 = arith.constant 3 : i32
        %broadcast_in_dim3A_585 = vector.broadcast %broadcast_in_dim3A_584 : i32 to vector<16xi32>
        %gather3A_586 = tpu.vector_load_idx %arg16[%add3A_514, %broadcast_in_dim3A_585] : memref<1536x16xf32, #tpu.memory_space<vmem>>[vector<16xi32>, vector<16xi32>], vector<16xf32>,
        %broadcast_in_dim3A_587 = arith.constant 11 : i32
        %broadcast_in_dim3A_588 = vector.broadcast %broadcast_in_dim3A_587 : i32 to vector<16xi32>
        %gather3A_589 = tpu.vector_load_idx %arg16[%add3A_514, %broadcast_in_dim3A_588] : memref<1536x16xf32, #tpu.memory_space<vmem>>[vector<16xi32>, vector<16xi32>], vector<16xf32>,
        %broadcast_in_dim3A_590 = arith.constant 3 : i32
        %broadcast_in_dim3A_591 = vector.broadcast %broadcast_in_dim3A_590 : i32 to vector<16xi32>
        %gather3A_592 = tpu.vector_load_idx %arg16[%add3A_517, %broadcast_in_dim3A_591] : memref<1536x16xf32, #tpu.memory_space<vmem>>[vector<16xi32>, vector<16xi32>], vector<16xf32>,
        %broadcast_in_dim3A_593 = arith.constant 11 : i32
        %broadcast_in_dim3A_594 = vector.broadcast %broadcast_in_dim3A_593 : i32 to vector<16xi32>
        %gather3A_595 = tpu.vector_load_idx %arg16[%add3A_517, %broadcast_in_dim3A_594] : memref<1536x16xf32, #tpu.memory_space<vmem>>[vector<16xi32>, vector<16xi32>], vector<16xf32>,
        %mul3A_596 = arith.mulf %mul3A_508, %gather3A_586 : vector<16xf32>
        %mul3A_597 = arith.mulf %mul3A_509, %gather3A_589 : vector<16xf32>
        %add3A_598 = arith.addf %mul3A_596, %mul3A_597 : vector<16xf32>
        %mul3A_599 = arith.mulf %mul3A_510, %gather3A_592 : vector<16xf32>
        %add3A_600 = arith.addf %add3A_598, %mul3A_599 : vector<16xf32>
        %mul3A_601 = arith.mulf %mul3A_511, %gather3A_595 : vector<16xf32>
        %add3A_602 = arith.addf %add3A_600, %mul3A_601 : vector<16xf32>
        %broadcast_in_dim3A_603 = arith.constant 19 : i32
        %broadcast_in_dim3A_604 = vector.broadcast %broadcast_in_dim3A_603 : i32 to vector<16xi32>
        %add3A_605 = arith.addi %mul3A_131, %broadcast_in_dim3A_604 : vector<16xi32>
        tpu.vector_store_idx %arg7[%add3A_605], %add3A_602 : memref<6144xf32, #tpu.memory_space<vmem>>[vector<16xi32>], vector<16xf32>,
        %broadcast_in_dim3A_606 = arith.constant 4 : i32
        %broadcast_in_dim3A_607 = vector.broadcast %broadcast_in_dim3A_606 : i32 to vector<16xi32>
        %gather3A_608 = tpu.vector_load_idx %arg16[%add3A_514, %broadcast_in_dim3A_607] : memref<1536x16xf32, #tpu.memory_space<vmem>>[vector<16xi32>, vector<16xi32>], vector<16xf32>,
        %broadcast_in_dim3A_609 = arith.constant 12 : i32
        %broadcast_in_dim3A_610 = vector.broadcast %broadcast_in_dim3A_609 : i32 to vector<16xi32>
        %gather3A_611 = tpu.vector_load_idx %arg16[%add3A_514, %broadcast_in_dim3A_610] : memref<1536x16xf32, #tpu.memory_space<vmem>>[vector<16xi32>, vector<16xi32>], vector<16xf32>,
        %broadcast_in_dim3A_612 = arith.constant 4 : i32
        %broadcast_in_dim3A_613 = vector.broadcast %broadcast_in_dim3A_612 : i32 to vector<16xi32>
        %gather3A_614 = tpu.vector_load_idx %arg16[%add3A_517, %broadcast_in_dim3A_613] : memref<1536x16xf32, #tpu.memory_space<vmem>>[vector<16xi32>, vector<16xi32>], vector<16xf32>,
        %broadcast_in_dim3A_615 = arith.constant 12 : i32
        %broadcast_in_dim3A_616 = vector.broadcast %broadcast_in_dim3A_615 : i32 to vector<16xi32>
        %gather3A_617 = tpu.vector_load_idx %arg16[%add3A_517, %broadcast_in_dim3A_616] : memref<1536x16xf32, #tpu.memory_space<vmem>>[vector<16xi32>, vector<16xi32>], vector<16xf32>,
        %mul3A_618 = arith.mulf %mul3A_508, %gather3A_608 : vector<16xf32>
        %mul3A_619 = arith.mulf %mul3A_509, %gather3A_611 : vector<16xf32>
        %add3A_620 = arith.addf %mul3A_618, %mul3A_619 : vector<16xf32>
        %mul3A_621 = arith.mulf %mul3A_510, %gather3A_614 : vector<16xf32>
        %add3A_622 = arith.addf %add3A_620, %mul3A_621 : vector<16xf32>
        %mul3A_623 = arith.mulf %mul3A_511, %gather3A_617 : vector<16xf32>
        %add3A_624 = arith.addf %add3A_622, %mul3A_623 : vector<16xf32>
        %broadcast_in_dim3A_625 = arith.constant 20 : i32
        %broadcast_in_dim3A_626 = vector.broadcast %broadcast_in_dim3A_625 : i32 to vector<16xi32>
        %add3A_627 = arith.addi %mul3A_131, %broadcast_in_dim3A_626 : vector<16xi32>
        tpu.vector_store_idx %arg7[%add3A_627], %add3A_624 : memref<6144xf32, #tpu.memory_space<vmem>>[vector<16xi32>], vector<16xf32>,
        %broadcast_in_dim3A_628 = arith.constant 5 : i32
        %broadcast_in_dim3A_629 = vector.broadcast %broadcast_in_dim3A_628 : i32 to vector<16xi32>
        %gather3A_630 = tpu.vector_load_idx %arg16[%add3A_514, %broadcast_in_dim3A_629] : memref<1536x16xf32, #tpu.memory_space<vmem>>[vector<16xi32>, vector<16xi32>], vector<16xf32>,
        %broadcast_in_dim3A_631 = arith.constant 13 : i32
        %broadcast_in_dim3A_632 = vector.broadcast %broadcast_in_dim3A_631 : i32 to vector<16xi32>
        %gather3A_633 = tpu.vector_load_idx %arg16[%add3A_514, %broadcast_in_dim3A_632] : memref<1536x16xf32, #tpu.memory_space<vmem>>[vector<16xi32>, vector<16xi32>], vector<16xf32>,
        %broadcast_in_dim3A_634 = arith.constant 5 : i32
        %broadcast_in_dim3A_635 = vector.broadcast %broadcast_in_dim3A_634 : i32 to vector<16xi32>
        %gather3A_636 = tpu.vector_load_idx %arg16[%add3A_517, %broadcast_in_dim3A_635] : memref<1536x16xf32, #tpu.memory_space<vmem>>[vector<16xi32>, vector<16xi32>], vector<16xf32>,
        %broadcast_in_dim3A_637 = arith.constant 13 : i32
        %broadcast_in_dim3A_638 = vector.broadcast %broadcast_in_dim3A_637 : i32 to vector<16xi32>
        %gather3A_639 = tpu.vector_load_idx %arg16[%add3A_517, %broadcast_in_dim3A_638] : memref<1536x16xf32, #tpu.memory_space<vmem>>[vector<16xi32>, vector<16xi32>], vector<16xf32>,
        %mul3A_640 = arith.mulf %mul3A_508, %gather3A_630 : vector<16xf32>
        %mul3A_641 = arith.mulf %mul3A_509, %gather3A_633 : vector<16xf32>
        %add3A_642 = arith.addf %mul3A_640, %mul3A_641 : vector<16xf32>
        %mul3A_643 = arith.mulf %mul3A_510, %gather3A_636 : vector<16xf32>
        %add3A_644 = arith.addf %add3A_642, %mul3A_643 : vector<16xf32>
        %mul3A_645 = arith.mulf %mul3A_511, %gather3A_639 : vector<16xf32>
        %add3A_646 = arith.addf %add3A_644, %mul3A_645 : vector<16xf32>
        %broadcast_in_dim3A_647 = arith.constant 21 : i32
        %broadcast_in_dim3A_648 = vector.broadcast %broadcast_in_dim3A_647 : i32 to vector<16xi32>
        %add3A_649 = arith.addi %mul3A_131, %broadcast_in_dim3A_648 : vector<16xi32>
        tpu.vector_store_idx %arg7[%add3A_649], %add3A_646 : memref<6144xf32, #tpu.memory_space<vmem>>[vector<16xi32>], vector<16xf32>,
        %broadcast_in_dim3A_650 = arith.constant 6 : i32
        %broadcast_in_dim3A_651 = vector.broadcast %broadcast_in_dim3A_650 : i32 to vector<16xi32>
        %gather3A_652 = tpu.vector_load_idx %arg16[%add3A_514, %broadcast_in_dim3A_651] : memref<1536x16xf32, #tpu.memory_space<vmem>>[vector<16xi32>, vector<16xi32>], vector<16xf32>,
        %broadcast_in_dim3A_653 = arith.constant 14 : i32
        %broadcast_in_dim3A_654 = vector.broadcast %broadcast_in_dim3A_653 : i32 to vector<16xi32>
        %gather3A_655 = tpu.vector_load_idx %arg16[%add3A_514, %broadcast_in_dim3A_654] : memref<1536x16xf32, #tpu.memory_space<vmem>>[vector<16xi32>, vector<16xi32>], vector<16xf32>,
        %broadcast_in_dim3A_656 = arith.constant 6 : i32
        %broadcast_in_dim3A_657 = vector.broadcast %broadcast_in_dim3A_656 : i32 to vector<16xi32>
        %gather3A_658 = tpu.vector_load_idx %arg16[%add3A_517, %broadcast_in_dim3A_657] : memref<1536x16xf32, #tpu.memory_space<vmem>>[vector<16xi32>, vector<16xi32>], vector<16xf32>,
        %broadcast_in_dim3A_659 = arith.constant 14 : i32
        %broadcast_in_dim3A_660 = vector.broadcast %broadcast_in_dim3A_659 : i32 to vector<16xi32>
        %gather3A_661 = tpu.vector_load_idx %arg16[%add3A_517, %broadcast_in_dim3A_660] : memref<1536x16xf32, #tpu.memory_space<vmem>>[vector<16xi32>, vector<16xi32>], vector<16xf32>,
        %mul3A_662 = arith.mulf %mul3A_508, %gather3A_652 : vector<16xf32>
        %mul3A_663 = arith.mulf %mul3A_509, %gather3A_655 : vector<16xf32>
        %add3A_664 = arith.addf %mul3A_662, %mul3A_663 : vector<16xf32>
        %mul3A_665 = arith.mulf %mul3A_510, %gather3A_658 : vector<16xf32>
        %add3A_666 = arith.addf %add3A_664, %mul3A_665 : vector<16xf32>
        %mul3A_667 = arith.mulf %mul3A_511, %gather3A_661 : vector<16xf32>
        %add3A_668 = arith.addf %add3A_666, %mul3A_667 : vector<16xf32>
        %broadcast_in_dim3A_669 = arith.constant 22 : i32
        %broadcast_in_dim3A_670 = vector.broadcast %broadcast_in_dim3A_669 : i32 to vector<16xi32>
        %add3A_671 = arith.addi %mul3A_131, %broadcast_in_dim3A_670 : vector<16xi32>
        tpu.vector_store_idx %arg7[%add3A_671], %add3A_668 : memref<6144xf32, #tpu.memory_space<vmem>>[vector<16xi32>], vector<16xf32>,
        %broadcast_in_dim3A_672 = arith.constant 7 : i32
        %broadcast_in_dim3A_673 = vector.broadcast %broadcast_in_dim3A_672 : i32 to vector<16xi32>
        %gather3A_674 = tpu.vector_load_idx %arg16[%add3A_514, %broadcast_in_dim3A_673] : memref<1536x16xf32, #tpu.memory_space<vmem>>[vector<16xi32>, vector<16xi32>], vector<16xf32>,
        %broadcast_in_dim3A_675 = arith.constant 15 : i32
        %broadcast_in_dim3A_676 = vector.broadcast %broadcast_in_dim3A_675 : i32 to vector<16xi32>
        %gather3A_677 = tpu.vector_load_idx %arg16[%add3A_514, %broadcast_in_dim3A_676] : memref<1536x16xf32, #tpu.memory_space<vmem>>[vector<16xi32>, vector<16xi32>], vector<16xf32>,
        %broadcast_in_dim3A_678 = arith.constant 7 : i32
        %broadcast_in_dim3A_679 = vector.broadcast %broadcast_in_dim3A_678 : i32 to vector<16xi32>
        %gather3A_680 = tpu.vector_load_idx %arg16[%add3A_517, %broadcast_in_dim3A_679] : memref<1536x16xf32, #tpu.memory_space<vmem>>[vector<16xi32>, vector<16xi32>], vector<16xf32>,
        %broadcast_in_dim3A_681 = arith.constant 15 : i32
        %broadcast_in_dim3A_682 = vector.broadcast %broadcast_in_dim3A_681 : i32 to vector<16xi32>
        %gather3A_683 = tpu.vector_load_idx %arg16[%add3A_517, %broadcast_in_dim3A_682] : memref<1536x16xf32, #tpu.memory_space<vmem>>[vector<16xi32>, vector<16xi32>], vector<16xf32>,
        %mul3A_684 = arith.mulf %mul3A_508, %gather3A_674 : vector<16xf32>
        %mul3A_685 = arith.mulf %mul3A_509, %gather3A_677 : vector<16xf32>
        %add3A_686 = arith.addf %mul3A_684, %mul3A_685 : vector<16xf32>
        %mul3A_687 = arith.mulf %mul3A_510, %gather3A_680 : vector<16xf32>
        %add3A_688 = arith.addf %add3A_686, %mul3A_687 : vector<16xf32>
        %mul3A_689 = arith.mulf %mul3A_511, %gather3A_683 : vector<16xf32>
        %add3A_690 = arith.addf %add3A_688, %mul3A_689 : vector<16xf32>
        %broadcast_in_dim3A_691 = arith.constant 23 : i32
        %broadcast_in_dim3A_692 = vector.broadcast %broadcast_in_dim3A_691 : i32 to vector<16xi32>
        %add3A_693 = arith.addi %mul3A_131, %broadcast_in_dim3A_692 : vector<16xi32>
        tpu.vector_store_idx %arg7[%add3A_693], %add3A_690 : memref<6144xf32, #tpu.memory_space<vmem>>[vector<16xi32>], vector<16xf32>,
        %sub3A_694 = arith.subf %broadcast_in_dim3A_128, %get3A_108 : vector<16xf32>
        %sub3A_695 = arith.subf %broadcast_in_dim3A_128, %get3A_126 : vector<16xf32>
        %mul3A_696 = arith.mulf %sub3A_694, %sub3A_695 : vector<16xf32>
        %mul3A_697 = arith.mulf %sub3A_694, %get3A_126 : vector<16xf32>
        %mul3A_698 = arith.mulf %get3A_108, %sub3A_695 : vector<16xf32>
        %mul3A_699 = arith.mulf %get3A_108, %get3A_126 : vector<16xf32>
        %broadcast_in_dim3A_700 = arith.constant 768 : i32
        %broadcast_in_dim3A_701 = vector.broadcast %broadcast_in_dim3A_700 : i32 to vector<16xi32>
        %add3A_702 = arith.addi %add3A_102, %broadcast_in_dim3A_701 : vector<16xi32>
        %broadcast_in_dim3A_703 = arith.constant 128 : i32
        %broadcast_in_dim3A_704 = vector.broadcast %broadcast_in_dim3A_703 : i32 to vector<16xi32>
        %add3A_705 = arith.addi %add3A_702, %broadcast_in_dim3A_704 : vector<16xi32>
        %broadcast_in_dim3A_706 = arith.constant 0 : i32
        %broadcast_in_dim3A_707 = vector.broadcast %broadcast_in_dim3A_706 : i32 to vector<16xi32>
        %gather3A_708 = tpu.vector_load_idx %arg16[%add3A_702, %broadcast_in_dim3A_707] : memref<1536x16xf32, #tpu.memory_space<vmem>>[vector<16xi32>, vector<16xi32>], vector<16xf32>,
        %broadcast_in_dim3A_709 = arith.constant 8 : i32
        %broadcast_in_dim3A_710 = vector.broadcast %broadcast_in_dim3A_709 : i32 to vector<16xi32>
        %gather3A_711 = tpu.vector_load_idx %arg16[%add3A_702, %broadcast_in_dim3A_710] : memref<1536x16xf32, #tpu.memory_space<vmem>>[vector<16xi32>, vector<16xi32>], vector<16xf32>,
        %broadcast_in_dim3A_712 = arith.constant 0 : i32
        %broadcast_in_dim3A_713 = vector.broadcast %broadcast_in_dim3A_712 : i32 to vector<16xi32>
        %gather3A_714 = tpu.vector_load_idx %arg16[%add3A_705, %broadcast_in_dim3A_713] : memref<1536x16xf32, #tpu.memory_space<vmem>>[vector<16xi32>, vector<16xi32>], vector<16xf32>,
        %broadcast_in_dim3A_715 = arith.constant 8 : i32
        %broadcast_in_dim3A_716 = vector.broadcast %broadcast_in_dim3A_715 : i32 to vector<16xi32>
        %gather3A_717 = tpu.vector_load_idx %arg16[%add3A_705, %broadcast_in_dim3A_716] : memref<1536x16xf32, #tpu.memory_space<vmem>>[vector<16xi32>, vector<16xi32>], vector<16xf32>,
        %mul3A_718 = arith.mulf %mul3A_696, %gather3A_708 : vector<16xf32>
        %mul3A_719 = arith.mulf %mul3A_697, %gather3A_711 : vector<16xf32>
        %add3A_720 = arith.addf %mul3A_718, %mul3A_719 : vector<16xf32>
        %mul3A_721 = arith.mulf %mul3A_698, %gather3A_714 : vector<16xf32>
        %add3A_722 = arith.addf %add3A_720, %mul3A_721 : vector<16xf32>
        %mul3A_723 = arith.mulf %mul3A_699, %gather3A_717 : vector<16xf32>
        %add3A_724 = arith.addf %add3A_722, %mul3A_723 : vector<16xf32>
        %broadcast_in_dim3A_725 = arith.constant 24 : i32
        %broadcast_in_dim3A_726 = vector.broadcast %broadcast_in_dim3A_725 : i32 to vector<16xi32>
        %add3A_727 = arith.addi %mul3A_131, %broadcast_in_dim3A_726 : vector<16xi32>
        tpu.vector_store_idx %arg7[%add3A_727], %add3A_724 : memref<6144xf32, #tpu.memory_space<vmem>>[vector<16xi32>], vector<16xf32>,
        %broadcast_in_dim3A_728 = arith.constant 1 : i32
        %broadcast_in_dim3A_729 = vector.broadcast %broadcast_in_dim3A_728 : i32 to vector<16xi32>
        %gather3A_730 = tpu.vector_load_idx %arg16[%add3A_702, %broadcast_in_dim3A_729] : memref<1536x16xf32, #tpu.memory_space<vmem>>[vector<16xi32>, vector<16xi32>], vector<16xf32>,
        %broadcast_in_dim3A_731 = arith.constant 9 : i32
        %broadcast_in_dim3A_732 = vector.broadcast %broadcast_in_dim3A_731 : i32 to vector<16xi32>
        %gather3A_733 = tpu.vector_load_idx %arg16[%add3A_702, %broadcast_in_dim3A_732] : memref<1536x16xf32, #tpu.memory_space<vmem>>[vector<16xi32>, vector<16xi32>], vector<16xf32>,
        %broadcast_in_dim3A_734 = arith.constant 1 : i32
        %broadcast_in_dim3A_735 = vector.broadcast %broadcast_in_dim3A_734 : i32 to vector<16xi32>
        %gather3A_736 = tpu.vector_load_idx %arg16[%add3A_705, %broadcast_in_dim3A_735] : memref<1536x16xf32, #tpu.memory_space<vmem>>[vector<16xi32>, vector<16xi32>], vector<16xf32>,
        %broadcast_in_dim3A_737 = arith.constant 9 : i32
        %broadcast_in_dim3A_738 = vector.broadcast %broadcast_in_dim3A_737 : i32 to vector<16xi32>
        %gather3A_739 = tpu.vector_load_idx %arg16[%add3A_705, %broadcast_in_dim3A_738] : memref<1536x16xf32, #tpu.memory_space<vmem>>[vector<16xi32>, vector<16xi32>], vector<16xf32>,
        %mul3A_740 = arith.mulf %mul3A_696, %gather3A_730 : vector<16xf32>
        %mul3A_741 = arith.mulf %mul3A_697, %gather3A_733 : vector<16xf32>
        %add3A_742 = arith.addf %mul3A_740, %mul3A_741 : vector<16xf32>
        %mul3A_743 = arith.mulf %mul3A_698, %gather3A_736 : vector<16xf32>
        %add3A_744 = arith.addf %add3A_742, %mul3A_743 : vector<16xf32>
        %mul3A_745 = arith.mulf %mul3A_699, %gather3A_739 : vector<16xf32>
        %add3A_746 = arith.addf %add3A_744, %mul3A_745 : vector<16xf32>
        %broadcast_in_dim3A_747 = arith.constant 25 : i32
        %broadcast_in_dim3A_748 = vector.broadcast %broadcast_in_dim3A_747 : i32 to vector<16xi32>
        %add3A_749 = arith.addi %mul3A_131, %broadcast_in_dim3A_748 : vector<16xi32>
        tpu.vector_store_idx %arg7[%add3A_749], %add3A_746 : memref<6144xf32, #tpu.memory_space<vmem>>[vector<16xi32>], vector<16xf32>,
        %broadcast_in_dim3A_750 = arith.constant 2 : i32
        %broadcast_in_dim3A_751 = vector.broadcast %broadcast_in_dim3A_750 : i32 to vector<16xi32>
        %gather3A_752 = tpu.vector_load_idx %arg16[%add3A_702, %broadcast_in_dim3A_751] : memref<1536x16xf32, #tpu.memory_space<vmem>>[vector<16xi32>, vector<16xi32>], vector<16xf32>,
        %broadcast_in_dim3A_753 = arith.constant 10 : i32
        %broadcast_in_dim3A_754 = vector.broadcast %broadcast_in_dim3A_753 : i32 to vector<16xi32>
        %gather3A_755 = tpu.vector_load_idx %arg16[%add3A_702, %broadcast_in_dim3A_754] : memref<1536x16xf32, #tpu.memory_space<vmem>>[vector<16xi32>, vector<16xi32>], vector<16xf32>,
        %broadcast_in_dim3A_756 = arith.constant 2 : i32
        %broadcast_in_dim3A_757 = vector.broadcast %broadcast_in_dim3A_756 : i32 to vector<16xi32>
        %gather3A_758 = tpu.vector_load_idx %arg16[%add3A_705, %broadcast_in_dim3A_757] : memref<1536x16xf32, #tpu.memory_space<vmem>>[vector<16xi32>, vector<16xi32>], vector<16xf32>,
        %broadcast_in_dim3A_759 = arith.constant 10 : i32
        %broadcast_in_dim3A_760 = vector.broadcast %broadcast_in_dim3A_759 : i32 to vector<16xi32>
        %gather3A_761 = tpu.vector_load_idx %arg16[%add3A_705, %broadcast_in_dim3A_760] : memref<1536x16xf32, #tpu.memory_space<vmem>>[vector<16xi32>, vector<16xi32>], vector<16xf32>,
        %mul3A_762 = arith.mulf %mul3A_696, %gather3A_752 : vector<16xf32>
        %mul3A_763 = arith.mulf %mul3A_697, %gather3A_755 : vector<16xf32>
        %add3A_764 = arith.addf %mul3A_762, %mul3A_763 : vector<16xf32>
        %mul3A_765 = arith.mulf %mul3A_698, %gather3A_758 : vector<16xf32>
        %add3A_766 = arith.addf %add3A_764, %mul3A_765 : vector<16xf32>
        %mul3A_767 = arith.mulf %mul3A_699, %gather3A_761 : vector<16xf32>
        %add3A_768 = arith.addf %add3A_766, %mul3A_767 : vector<16xf32>
        %broadcast_in_dim3A_769 = arith.constant 26 : i32
        %broadcast_in_dim3A_770 = vector.broadcast %broadcast_in_dim3A_769 : i32 to vector<16xi32>
        %add3A_771 = arith.addi %mul3A_131, %broadcast_in_dim3A_770 : vector<16xi32>
        tpu.vector_store_idx %arg7[%add3A_771], %add3A_768 : memref<6144xf32, #tpu.memory_space<vmem>>[vector<16xi32>], vector<16xf32>,
        %broadcast_in_dim3A_772 = arith.constant 3 : i32
        %broadcast_in_dim3A_773 = vector.broadcast %broadcast_in_dim3A_772 : i32 to vector<16xi32>
        %gather3A_774 = tpu.vector_load_idx %arg16[%add3A_702, %broadcast_in_dim3A_773] : memref<1536x16xf32, #tpu.memory_space<vmem>>[vector<16xi32>, vector<16xi32>], vector<16xf32>,
        %broadcast_in_dim3A_775 = arith.constant 11 : i32
        %broadcast_in_dim3A_776 = vector.broadcast %broadcast_in_dim3A_775 : i32 to vector<16xi32>
        %gather3A_777 = tpu.vector_load_idx %arg16[%add3A_702, %broadcast_in_dim3A_776] : memref<1536x16xf32, #tpu.memory_space<vmem>>[vector<16xi32>, vector<16xi32>], vector<16xf32>,
        %broadcast_in_dim3A_778 = arith.constant 3 : i32
        %broadcast_in_dim3A_779 = vector.broadcast %broadcast_in_dim3A_778 : i32 to vector<16xi32>
        %gather3A_780 = tpu.vector_load_idx %arg16[%add3A_705, %broadcast_in_dim3A_779] : memref<1536x16xf32, #tpu.memory_space<vmem>>[vector<16xi32>, vector<16xi32>], vector<16xf32>,
        %broadcast_in_dim3A_781 = arith.constant 11 : i32
        %broadcast_in_dim3A_782 = vector.broadcast %broadcast_in_dim3A_781 : i32 to vector<16xi32>
        %gather3A_783 = tpu.vector_load_idx %arg16[%add3A_705, %broadcast_in_dim3A_782] : memref<1536x16xf32, #tpu.memory_space<vmem>>[vector<16xi32>, vector<16xi32>], vector<16xf32>,
        %mul3A_784 = arith.mulf %mul3A_696, %gather3A_774 : vector<16xf32>
        %mul3A_785 = arith.mulf %mul3A_697, %gather3A_777 : vector<16xf32>
        %add3A_786 = arith.addf %mul3A_784, %mul3A_785 : vector<16xf32>
        %mul3A_787 = arith.mulf %mul3A_698, %gather3A_780 : vector<16xf32>
        %add3A_788 = arith.addf %add3A_786, %mul3A_787 : vector<16xf32>
        %mul3A_789 = arith.mulf %mul3A_699, %gather3A_783 : vector<16xf32>
        %add3A_790 = arith.addf %add3A_788, %mul3A_789 : vector<16xf32>
        %broadcast_in_dim3A_791 = arith.constant 27 : i32
        %broadcast_in_dim3A_792 = vector.broadcast %broadcast_in_dim3A_791 : i32 to vector<16xi32>
        %add3A_793 = arith.addi %mul3A_131, %broadcast_in_dim3A_792 : vector<16xi32>
        tpu.vector_store_idx %arg7[%add3A_793], %add3A_790 : memref<6144xf32, #tpu.memory_space<vmem>>[vector<16xi32>], vector<16xf32>,
        %broadcast_in_dim3A_794 = arith.constant 4 : i32
        %broadcast_in_dim3A_795 = vector.broadcast %broadcast_in_dim3A_794 : i32 to vector<16xi32>
        %gather3A_796 = tpu.vector_load_idx %arg16[%add3A_702, %broadcast_in_dim3A_795] : memref<1536x16xf32, #tpu.memory_space<vmem>>[vector<16xi32>, vector<16xi32>], vector<16xf32>,
        %broadcast_in_dim3A_797 = arith.constant 12 : i32
        %broadcast_in_dim3A_798 = vector.broadcast %broadcast_in_dim3A_797 : i32 to vector<16xi32>
        %gather3A_799 = tpu.vector_load_idx %arg16[%add3A_702, %broadcast_in_dim3A_798] : memref<1536x16xf32, #tpu.memory_space<vmem>>[vector<16xi32>, vector<16xi32>], vector<16xf32>,
        %broadcast_in_dim3A_800 = arith.constant 4 : i32
        %broadcast_in_dim3A_801 = vector.broadcast %broadcast_in_dim3A_800 : i32 to vector<16xi32>
        %gather3A_802 = tpu.vector_load_idx %arg16[%add3A_705, %broadcast_in_dim3A_801] : memref<1536x16xf32, #tpu.memory_space<vmem>>[vector<16xi32>, vector<16xi32>], vector<16xf32>,
        %broadcast_in_dim3A_803 = arith.constant 12 : i32
        %broadcast_in_dim3A_804 = vector.broadcast %broadcast_in_dim3A_803 : i32 to vector<16xi32>
        %gather3A_805 = tpu.vector_load_idx %arg16[%add3A_705, %broadcast_in_dim3A_804] : memref<1536x16xf32, #tpu.memory_space<vmem>>[vector<16xi32>, vector<16xi32>], vector<16xf32>,
        %mul3A_806 = arith.mulf %mul3A_696, %gather3A_796 : vector<16xf32>
        %mul3A_807 = arith.mulf %mul3A_697, %gather3A_799 : vector<16xf32>
        %add3A_808 = arith.addf %mul3A_806, %mul3A_807 : vector<16xf32>
        %mul3A_809 = arith.mulf %mul3A_698, %gather3A_802 : vector<16xf32>
        %add3A_810 = arith.addf %add3A_808, %mul3A_809 : vector<16xf32>
        %mul3A_811 = arith.mulf %mul3A_699, %gather3A_805 : vector<16xf32>
        %add3A_812 = arith.addf %add3A_810, %mul3A_811 : vector<16xf32>
        %broadcast_in_dim3A_813 = arith.constant 28 : i32
        %broadcast_in_dim3A_814 = vector.broadcast %broadcast_in_dim3A_813 : i32 to vector<16xi32>
        %add3A_815 = arith.addi %mul3A_131, %broadcast_in_dim3A_814 : vector<16xi32>
        tpu.vector_store_idx %arg7[%add3A_815], %add3A_812 : memref<6144xf32, #tpu.memory_space<vmem>>[vector<16xi32>], vector<16xf32>,
        %broadcast_in_dim3A_816 = arith.constant 5 : i32
        %broadcast_in_dim3A_817 = vector.broadcast %broadcast_in_dim3A_816 : i32 to vector<16xi32>
        %gather3A_818 = tpu.vector_load_idx %arg16[%add3A_702, %broadcast_in_dim3A_817] : memref<1536x16xf32, #tpu.memory_space<vmem>>[vector<16xi32>, vector<16xi32>], vector<16xf32>,
        %broadcast_in_dim3A_819 = arith.constant 13 : i32
        %broadcast_in_dim3A_820 = vector.broadcast %broadcast_in_dim3A_819 : i32 to vector<16xi32>
        %gather3A_821 = tpu.vector_load_idx %arg16[%add3A_702, %broadcast_in_dim3A_820] : memref<1536x16xf32, #tpu.memory_space<vmem>>[vector<16xi32>, vector<16xi32>], vector<16xf32>,
        %broadcast_in_dim3A_822 = arith.constant 5 : i32
        %broadcast_in_dim3A_823 = vector.broadcast %broadcast_in_dim3A_822 : i32 to vector<16xi32>
        %gather3A_824 = tpu.vector_load_idx %arg16[%add3A_705, %broadcast_in_dim3A_823] : memref<1536x16xf32, #tpu.memory_space<vmem>>[vector<16xi32>, vector<16xi32>], vector<16xf32>,
        %broadcast_in_dim3A_825 = arith.constant 13 : i32
        %broadcast_in_dim3A_826 = vector.broadcast %broadcast_in_dim3A_825 : i32 to vector<16xi32>
        %gather3A_827 = tpu.vector_load_idx %arg16[%add3A_705, %broadcast_in_dim3A_826] : memref<1536x16xf32, #tpu.memory_space<vmem>>[vector<16xi32>, vector<16xi32>], vector<16xf32>,
        %mul3A_828 = arith.mulf %mul3A_696, %gather3A_818 : vector<16xf32>
        %mul3A_829 = arith.mulf %mul3A_697, %gather3A_821 : vector<16xf32>
        %add3A_830 = arith.addf %mul3A_828, %mul3A_829 : vector<16xf32>
        %mul3A_831 = arith.mulf %mul3A_698, %gather3A_824 : vector<16xf32>
        %add3A_832 = arith.addf %add3A_830, %mul3A_831 : vector<16xf32>
        %mul3A_833 = arith.mulf %mul3A_699, %gather3A_827 : vector<16xf32>
        %add3A_834 = arith.addf %add3A_832, %mul3A_833 : vector<16xf32>
        %broadcast_in_dim3A_835 = arith.constant 29 : i32
        %broadcast_in_dim3A_836 = vector.broadcast %broadcast_in_dim3A_835 : i32 to vector<16xi32>
        %add3A_837 = arith.addi %mul3A_131, %broadcast_in_dim3A_836 : vector<16xi32>
        tpu.vector_store_idx %arg7[%add3A_837], %add3A_834 : memref<6144xf32, #tpu.memory_space<vmem>>[vector<16xi32>], vector<16xf32>,
        %broadcast_in_dim3A_838 = arith.constant 6 : i32
        %broadcast_in_dim3A_839 = vector.broadcast %broadcast_in_dim3A_838 : i32 to vector<16xi32>
        %gather3A_840 = tpu.vector_load_idx %arg16[%add3A_702, %broadcast_in_dim3A_839] : memref<1536x16xf32, #tpu.memory_space<vmem>>[vector<16xi32>, vector<16xi32>], vector<16xf32>,
        %broadcast_in_dim3A_841 = arith.constant 14 : i32
        %broadcast_in_dim3A_842 = vector.broadcast %broadcast_in_dim3A_841 : i32 to vector<16xi32>
        %gather3A_843 = tpu.vector_load_idx %arg16[%add3A_702, %broadcast_in_dim3A_842] : memref<1536x16xf32, #tpu.memory_space<vmem>>[vector<16xi32>, vector<16xi32>], vector<16xf32>,
        %broadcast_in_dim3A_844 = arith.constant 6 : i32
        %broadcast_in_dim3A_845 = vector.broadcast %broadcast_in_dim3A_844 : i32 to vector<16xi32>
        %gather3A_846 = tpu.vector_load_idx %arg16[%add3A_705, %broadcast_in_dim3A_845] : memref<1536x16xf32, #tpu.memory_space<vmem>>[vector<16xi32>, vector<16xi32>], vector<16xf32>,
        %broadcast_in_dim3A_847 = arith.constant 14 : i32
        %broadcast_in_dim3A_848 = vector.broadcast %broadcast_in_dim3A_847 : i32 to vector<16xi32>
        %gather3A_849 = tpu.vector_load_idx %arg16[%add3A_705, %broadcast_in_dim3A_848] : memref<1536x16xf32, #tpu.memory_space<vmem>>[vector<16xi32>, vector<16xi32>], vector<16xf32>,
        %mul3A_850 = arith.mulf %mul3A_696, %gather3A_840 : vector<16xf32>
        %mul3A_851 = arith.mulf %mul3A_697, %gather3A_843 : vector<16xf32>
        %add3A_852 = arith.addf %mul3A_850, %mul3A_851 : vector<16xf32>
        %mul3A_853 = arith.mulf %mul3A_698, %gather3A_846 : vector<16xf32>
        %add3A_854 = arith.addf %add3A_852, %mul3A_853 : vector<16xf32>
        %mul3A_855 = arith.mulf %mul3A_699, %gather3A_849 : vector<16xf32>
        %add3A_856 = arith.addf %add3A_854, %mul3A_855 : vector<16xf32>
        %broadcast_in_dim3A_857 = arith.constant 30 : i32
        %broadcast_in_dim3A_858 = vector.broadcast %broadcast_in_dim3A_857 : i32 to vector<16xi32>
        %add3A_859 = arith.addi %mul3A_131, %broadcast_in_dim3A_858 : vector<16xi32>
        tpu.vector_store_idx %arg7[%add3A_859], %add3A_856 : memref<6144xf32, #tpu.memory_space<vmem>>[vector<16xi32>], vector<16xf32>,
        %broadcast_in_dim3A_860 = arith.constant 7 : i32
        %broadcast_in_dim3A_861 = vector.broadcast %broadcast_in_dim3A_860 : i32 to vector<16xi32>
        %gather3A_862 = tpu.vector_load_idx %arg16[%add3A_702, %broadcast_in_dim3A_861] : memref<1536x16xf32, #tpu.memory_space<vmem>>[vector<16xi32>, vector<16xi32>], vector<16xf32>,
        %broadcast_in_dim3A_863 = arith.constant 15 : i32
        %broadcast_in_dim3A_864 = vector.broadcast %broadcast_in_dim3A_863 : i32 to vector<16xi32>
        %gather3A_865 = tpu.vector_load_idx %arg16[%add3A_702, %broadcast_in_dim3A_864] : memref<1536x16xf32, #tpu.memory_space<vmem>>[vector<16xi32>, vector<16xi32>], vector<16xf32>,
        %broadcast_in_dim3A_866 = arith.constant 7 : i32
        %broadcast_in_dim3A_867 = vector.broadcast %broadcast_in_dim3A_866 : i32 to vector<16xi32>
        %gather3A_868 = tpu.vector_load_idx %arg16[%add3A_705, %broadcast_in_dim3A_867] : memref<1536x16xf32, #tpu.memory_space<vmem>>[vector<16xi32>, vector<16xi32>], vector<16xf32>,
        %broadcast_in_dim3A_869 = arith.constant 15 : i32
        %broadcast_in_dim3A_870 = vector.broadcast %broadcast_in_dim3A_869 : i32 to vector<16xi32>
        %gather3A_871 = tpu.vector_load_idx %arg16[%add3A_705, %broadcast_in_dim3A_870] : memref<1536x16xf32, #tpu.memory_space<vmem>>[vector<16xi32>, vector<16xi32>], vector<16xf32>,
        %mul3A_872 = arith.mulf %mul3A_696, %gather3A_862 : vector<16xf32>
        %mul3A_873 = arith.mulf %mul3A_697, %gather3A_865 : vector<16xf32>
        %add3A_874 = arith.addf %mul3A_872, %mul3A_873 : vector<16xf32>
        %mul3A_875 = arith.mulf %mul3A_698, %gather3A_868 : vector<16xf32>
        %add3A_876 = arith.addf %add3A_874, %mul3A_875 : vector<16xf32>
        %mul3A_877 = arith.mulf %mul3A_699, %gather3A_871 : vector<16xf32>
        %add3A_878 = arith.addf %add3A_876, %mul3A_877 : vector<16xf32>
        %broadcast_in_dim3A_879 = arith.constant 31 : i32
        %broadcast_in_dim3A_880 = vector.broadcast %broadcast_in_dim3A_879 : i32 to vector<16xi32>
        %add3A_881 = arith.addi %mul3A_131, %broadcast_in_dim3A_880 : vector<16xi32>
        tpu.vector_store_idx %arg7[%add3A_881], %add3A_878 : memref<6144xf32, #tpu.memory_space<vmem>>[vector<16xi32>], vector<16xf32>,
        %sub3A_882 = arith.subf %broadcast_in_dim3A_128, %get3A_114 : vector<16xf32>
        %sub3A_883 = arith.subf %broadcast_in_dim3A_128, %get3A_120 : vector<16xf32>
        %mul3A_884 = arith.mulf %sub3A_882, %sub3A_883 : vector<16xf32>
        %mul3A_885 = arith.mulf %sub3A_882, %get3A_120 : vector<16xf32>
        %mul3A_886 = arith.mulf %get3A_114, %sub3A_883 : vector<16xf32>
        %mul3A_887 = arith.mulf %get3A_114, %get3A_120 : vector<16xf32>
        %broadcast_in_dim3A_888 = arith.constant 1024 : i32
        %broadcast_in_dim3A_889 = vector.broadcast %broadcast_in_dim3A_888 : i32 to vector<16xi32>
        %add3A_890 = arith.addi %add3A_102, %broadcast_in_dim3A_889 : vector<16xi32>
        %broadcast_in_dim3A_891 = arith.constant 128 : i32
        %broadcast_in_dim3A_892 = vector.broadcast %broadcast_in_dim3A_891 : i32 to vector<16xi32>
        %add3A_893 = arith.addi %add3A_890, %broadcast_in_dim3A_892 : vector<16xi32>
        %broadcast_in_dim3A_894 = arith.constant 0 : i32
        %broadcast_in_dim3A_895 = vector.broadcast %broadcast_in_dim3A_894 : i32 to vector<16xi32>
        %gather3A_896 = tpu.vector_load_idx %arg16[%add3A_890, %broadcast_in_dim3A_895] : memref<1536x16xf32, #tpu.memory_space<vmem>>[vector<16xi32>, vector<16xi32>], vector<16xf32>,
        %broadcast_in_dim3A_897 = arith.constant 8 : i32
        %broadcast_in_dim3A_898 = vector.broadcast %broadcast_in_dim3A_897 : i32 to vector<16xi32>
        %gather3A_899 = tpu.vector_load_idx %arg16[%add3A_890, %broadcast_in_dim3A_898] : memref<1536x16xf32, #tpu.memory_space<vmem>>[vector<16xi32>, vector<16xi32>], vector<16xf32>,
        %broadcast_in_dim3A_900 = arith.constant 0 : i32
        %broadcast_in_dim3A_901 = vector.broadcast %broadcast_in_dim3A_900 : i32 to vector<16xi32>
        %gather3A_902 = tpu.vector_load_idx %arg16[%add3A_893, %broadcast_in_dim3A_901] : memref<1536x16xf32, #tpu.memory_space<vmem>>[vector<16xi32>, vector<16xi32>], vector<16xf32>,
        %broadcast_in_dim3A_903 = arith.constant 8 : i32
        %broadcast_in_dim3A_904 = vector.broadcast %broadcast_in_dim3A_903 : i32 to vector<16xi32>
        %gather3A_905 = tpu.vector_load_idx %arg16[%add3A_893, %broadcast_in_dim3A_904] : memref<1536x16xf32, #tpu.memory_space<vmem>>[vector<16xi32>, vector<16xi32>], vector<16xf32>,
        %mul3A_906 = arith.mulf %mul3A_884, %gather3A_896 : vector<16xf32>
        %mul3A_907 = arith.mulf %mul3A_885, %gather3A_899 : vector<16xf32>
        %add3A_908 = arith.addf %mul3A_906, %mul3A_907 : vector<16xf32>
        %mul3A_909 = arith.mulf %mul3A_886, %gather3A_902 : vector<16xf32>
        %add3A_910 = arith.addf %add3A_908, %mul3A_909 : vector<16xf32>
        %mul3A_911 = arith.mulf %mul3A_887, %gather3A_905 : vector<16xf32>
        %add3A_912 = arith.addf %add3A_910, %mul3A_911 : vector<16xf32>
        %broadcast_in_dim3A_913 = arith.constant 32 : i32
        %broadcast_in_dim3A_914 = vector.broadcast %broadcast_in_dim3A_913 : i32 to vector<16xi32>
        %add3A_915 = arith.addi %mul3A_131, %broadcast_in_dim3A_914 : vector<16xi32>
        tpu.vector_store_idx %arg7[%add3A_915], %add3A_912 : memref<6144xf32, #tpu.memory_space<vmem>>[vector<16xi32>], vector<16xf32>,
        %broadcast_in_dim3A_916 = arith.constant 1 : i32
        %broadcast_in_dim3A_917 = vector.broadcast %broadcast_in_dim3A_916 : i32 to vector<16xi32>
        %gather3A_918 = tpu.vector_load_idx %arg16[%add3A_890, %broadcast_in_dim3A_917] : memref<1536x16xf32, #tpu.memory_space<vmem>>[vector<16xi32>, vector<16xi32>], vector<16xf32>,
        %broadcast_in_dim3A_919 = arith.constant 9 : i32
        %broadcast_in_dim3A_920 = vector.broadcast %broadcast_in_dim3A_919 : i32 to vector<16xi32>
        %gather3A_921 = tpu.vector_load_idx %arg16[%add3A_890, %broadcast_in_dim3A_920] : memref<1536x16xf32, #tpu.memory_space<vmem>>[vector<16xi32>, vector<16xi32>], vector<16xf32>,
        %broadcast_in_dim3A_922 = arith.constant 1 : i32
        %broadcast_in_dim3A_923 = vector.broadcast %broadcast_in_dim3A_922 : i32 to vector<16xi32>
        %gather3A_924 = tpu.vector_load_idx %arg16[%add3A_893, %broadcast_in_dim3A_923] : memref<1536x16xf32, #tpu.memory_space<vmem>>[vector<16xi32>, vector<16xi32>], vector<16xf32>,
        %broadcast_in_dim3A_925 = arith.constant 9 : i32
        %broadcast_in_dim3A_926 = vector.broadcast %broadcast_in_dim3A_925 : i32 to vector<16xi32>
        %gather3A_927 = tpu.vector_load_idx %arg16[%add3A_893, %broadcast_in_dim3A_926] : memref<1536x16xf32, #tpu.memory_space<vmem>>[vector<16xi32>, vector<16xi32>], vector<16xf32>,
        %mul3A_928 = arith.mulf %mul3A_884, %gather3A_918 : vector<16xf32>
        %mul3A_929 = arith.mulf %mul3A_885, %gather3A_921 : vector<16xf32>
        %add3A_930 = arith.addf %mul3A_928, %mul3A_929 : vector<16xf32>
        %mul3A_931 = arith.mulf %mul3A_886, %gather3A_924 : vector<16xf32>
        %add3A_932 = arith.addf %add3A_930, %mul3A_931 : vector<16xf32>
        %mul3A_933 = arith.mulf %mul3A_887, %gather3A_927 : vector<16xf32>
        %add3A_934 = arith.addf %add3A_932, %mul3A_933 : vector<16xf32>
        %broadcast_in_dim3A_935 = arith.constant 33 : i32
        %broadcast_in_dim3A_936 = vector.broadcast %broadcast_in_dim3A_935 : i32 to vector<16xi32>
        %add3A_937 = arith.addi %mul3A_131, %broadcast_in_dim3A_936 : vector<16xi32>
        tpu.vector_store_idx %arg7[%add3A_937], %add3A_934 : memref<6144xf32, #tpu.memory_space<vmem>>[vector<16xi32>], vector<16xf32>,
        %broadcast_in_dim3A_938 = arith.constant 2 : i32
        %broadcast_in_dim3A_939 = vector.broadcast %broadcast_in_dim3A_938 : i32 to vector<16xi32>
        %gather3A_940 = tpu.vector_load_idx %arg16[%add3A_890, %broadcast_in_dim3A_939] : memref<1536x16xf32, #tpu.memory_space<vmem>>[vector<16xi32>, vector<16xi32>], vector<16xf32>,
        %broadcast_in_dim3A_941 = arith.constant 10 : i32
        %broadcast_in_dim3A_942 = vector.broadcast %broadcast_in_dim3A_941 : i32 to vector<16xi32>
        %gather3A_943 = tpu.vector_load_idx %arg16[%add3A_890, %broadcast_in_dim3A_942] : memref<1536x16xf32, #tpu.memory_space<vmem>>[vector<16xi32>, vector<16xi32>], vector<16xf32>,
        %broadcast_in_dim3A_944 = arith.constant 2 : i32
        %broadcast_in_dim3A_945 = vector.broadcast %broadcast_in_dim3A_944 : i32 to vector<16xi32>
        %gather3A_946 = tpu.vector_load_idx %arg16[%add3A_893, %broadcast_in_dim3A_945] : memref<1536x16xf32, #tpu.memory_space<vmem>>[vector<16xi32>, vector<16xi32>], vector<16xf32>,
        %broadcast_in_dim3A_947 = arith.constant 10 : i32
        %broadcast_in_dim3A_948 = vector.broadcast %broadcast_in_dim3A_947 : i32 to vector<16xi32>
        %gather3A_949 = tpu.vector_load_idx %arg16[%add3A_893, %broadcast_in_dim3A_948] : memref<1536x16xf32, #tpu.memory_space<vmem>>[vector<16xi32>, vector<16xi32>], vector<16xf32>,
        %mul3A_950 = arith.mulf %mul3A_884, %gather3A_940 : vector<16xf32>
        %mul3A_951 = arith.mulf %mul3A_885, %gather3A_943 : vector<16xf32>
        %add3A_952 = arith.addf %mul3A_950, %mul3A_951 : vector<16xf32>
        %mul3A_953 = arith.mulf %mul3A_886, %gather3A_946 : vector<16xf32>
        %add3A_954 = arith.addf %add3A_952, %mul3A_953 : vector<16xf32>
        %mul3A_955 = arith.mulf %mul3A_887, %gather3A_949 : vector<16xf32>
        %add3A_956 = arith.addf %add3A_954, %mul3A_955 : vector<16xf32>
        %broadcast_in_dim3A_957 = arith.constant 34 : i32
        %broadcast_in_dim3A_958 = vector.broadcast %broadcast_in_dim3A_957 : i32 to vector<16xi32>
        %add3A_959 = arith.addi %mul3A_131, %broadcast_in_dim3A_958 : vector<16xi32>
        tpu.vector_store_idx %arg7[%add3A_959], %add3A_956 : memref<6144xf32, #tpu.memory_space<vmem>>[vector<16xi32>], vector<16xf32>,
        %broadcast_in_dim3A_960 = arith.constant 3 : i32
        %broadcast_in_dim3A_961 = vector.broadcast %broadcast_in_dim3A_960 : i32 to vector<16xi32>
        %gather3A_962 = tpu.vector_load_idx %arg16[%add3A_890, %broadcast_in_dim3A_961] : memref<1536x16xf32, #tpu.memory_space<vmem>>[vector<16xi32>, vector<16xi32>], vector<16xf32>,
        %broadcast_in_dim3A_963 = arith.constant 11 : i32
        %broadcast_in_dim3A_964 = vector.broadcast %broadcast_in_dim3A_963 : i32 to vector<16xi32>
        %gather3A_965 = tpu.vector_load_idx %arg16[%add3A_890, %broadcast_in_dim3A_964] : memref<1536x16xf32, #tpu.memory_space<vmem>>[vector<16xi32>, vector<16xi32>], vector<16xf32>,
        %broadcast_in_dim3A_966 = arith.constant 3 : i32
        %broadcast_in_dim3A_967 = vector.broadcast %broadcast_in_dim3A_966 : i32 to vector<16xi32>
        %gather3A_968 = tpu.vector_load_idx %arg16[%add3A_893, %broadcast_in_dim3A_967] : memref<1536x16xf32, #tpu.memory_space<vmem>>[vector<16xi32>, vector<16xi32>], vector<16xf32>,
        %broadcast_in_dim3A_969 = arith.constant 11 : i32
        %broadcast_in_dim3A_970 = vector.broadcast %broadcast_in_dim3A_969 : i32 to vector<16xi32>
        %gather3A_971 = tpu.vector_load_idx %arg16[%add3A_893, %broadcast_in_dim3A_970] : memref<1536x16xf32, #tpu.memory_space<vmem>>[vector<16xi32>, vector<16xi32>], vector<16xf32>,
        %mul3A_972 = arith.mulf %mul3A_884, %gather3A_962 : vector<16xf32>
        %mul3A_973 = arith.mulf %mul3A_885, %gather3A_965 : vector<16xf32>
        %add3A_974 = arith.addf %mul3A_972, %mul3A_973 : vector<16xf32>
        %mul3A_975 = arith.mulf %mul3A_886, %gather3A_968 : vector<16xf32>
        %add3A_976 = arith.addf %add3A_974, %mul3A_975 : vector<16xf32>
        %mul3A_977 = arith.mulf %mul3A_887, %gather3A_971 : vector<16xf32>
        %add3A_978 = arith.addf %add3A_976, %mul3A_977 : vector<16xf32>
        %broadcast_in_dim3A_979 = arith.constant 35 : i32
        %broadcast_in_dim3A_980 = vector.broadcast %broadcast_in_dim3A_979 : i32 to vector<16xi32>
        %add3A_981 = arith.addi %mul3A_131, %broadcast_in_dim3A_980 : vector<16xi32>
        tpu.vector_store_idx %arg7[%add3A_981], %add3A_978 : memref<6144xf32, #tpu.memory_space<vmem>>[vector<16xi32>], vector<16xf32>,
        %broadcast_in_dim3A_982 = arith.constant 4 : i32
        %broadcast_in_dim3A_983 = vector.broadcast %broadcast_in_dim3A_982 : i32 to vector<16xi32>
        %gather3A_984 = tpu.vector_load_idx %arg16[%add3A_890, %broadcast_in_dim3A_983] : memref<1536x16xf32, #tpu.memory_space<vmem>>[vector<16xi32>, vector<16xi32>], vector<16xf32>,
        %broadcast_in_dim3A_985 = arith.constant 12 : i32
        %broadcast_in_dim3A_986 = vector.broadcast %broadcast_in_dim3A_985 : i32 to vector<16xi32>
        %gather3A_987 = tpu.vector_load_idx %arg16[%add3A_890, %broadcast_in_dim3A_986] : memref<1536x16xf32, #tpu.memory_space<vmem>>[vector<16xi32>, vector<16xi32>], vector<16xf32>,
        %broadcast_in_dim3A_988 = arith.constant 4 : i32
        %broadcast_in_dim3A_989 = vector.broadcast %broadcast_in_dim3A_988 : i32 to vector<16xi32>
        %gather3A_990 = tpu.vector_load_idx %arg16[%add3A_893, %broadcast_in_dim3A_989] : memref<1536x16xf32, #tpu.memory_space<vmem>>[vector<16xi32>, vector<16xi32>], vector<16xf32>,
        %broadcast_in_dim3A_991 = arith.constant 12 : i32
        %broadcast_in_dim3A_992 = vector.broadcast %broadcast_in_dim3A_991 : i32 to vector<16xi32>
        %gather3A_993 = tpu.vector_load_idx %arg16[%add3A_893, %broadcast_in_dim3A_992] : memref<1536x16xf32, #tpu.memory_space<vmem>>[vector<16xi32>, vector<16xi32>], vector<16xf32>,
        %mul3A_994 = arith.mulf %mul3A_884, %gather3A_984 : vector<16xf32>
        %mul3A_995 = arith.mulf %mul3A_885, %gather3A_987 : vector<16xf32>
        %add3A_996 = arith.addf %mul3A_994, %mul3A_995 : vector<16xf32>
        %mul3A_997 = arith.mulf %mul3A_886, %gather3A_990 : vector<16xf32>
        %add3A_998 = arith.addf %add3A_996, %mul3A_997 : vector<16xf32>
        %mul3A_999 = arith.mulf %mul3A_887, %gather3A_993 : vector<16xf32>
        %add3A_1000 = arith.addf %add3A_998, %mul3A_999 : vector<16xf32>
        %broadcast_in_dim3A_1001 = arith.constant 36 : i32
        %broadcast_in_dim3A_1002 = vector.broadcast %broadcast_in_dim3A_1001 : i32 to vector<16xi32>
        %add3A_1003 = arith.addi %mul3A_131, %broadcast_in_dim3A_1002 : vector<16xi32>
        tpu.vector_store_idx %arg7[%add3A_1003], %add3A_1000 : memref<6144xf32, #tpu.memory_space<vmem>>[vector<16xi32>], vector<16xf32>,
        %broadcast_in_dim3A_1004 = arith.constant 5 : i32
        %broadcast_in_dim3A_1005 = vector.broadcast %broadcast_in_dim3A_1004 : i32 to vector<16xi32>
        %gather3A_1006 = tpu.vector_load_idx %arg16[%add3A_890, %broadcast_in_dim3A_1005] : memref<1536x16xf32, #tpu.memory_space<vmem>>[vector<16xi32>, vector<16xi32>], vector<16xf32>,
        %broadcast_in_dim3A_1007 = arith.constant 13 : i32
        %broadcast_in_dim3A_1008 = vector.broadcast %broadcast_in_dim3A_1007 : i32 to vector<16xi32>
        %gather3A_1009 = tpu.vector_load_idx %arg16[%add3A_890, %broadcast_in_dim3A_1008] : memref<1536x16xf32, #tpu.memory_space<vmem>>[vector<16xi32>, vector<16xi32>], vector<16xf32>,
        %broadcast_in_dim3A_1010 = arith.constant 5 : i32
        %broadcast_in_dim3A_1011 = vector.broadcast %broadcast_in_dim3A_1010 : i32 to vector<16xi32>
        %gather3A_1012 = tpu.vector_load_idx %arg16[%add3A_893, %broadcast_in_dim3A_1011] : memref<1536x16xf32, #tpu.memory_space<vmem>>[vector<16xi32>, vector<16xi32>], vector<16xf32>,
        %broadcast_in_dim3A_1013 = arith.constant 13 : i32
        %broadcast_in_dim3A_1014 = vector.broadcast %broadcast_in_dim3A_1013 : i32 to vector<16xi32>
        %gather3A_1015 = tpu.vector_load_idx %arg16[%add3A_893, %broadcast_in_dim3A_1014] : memref<1536x16xf32, #tpu.memory_space<vmem>>[vector<16xi32>, vector<16xi32>], vector<16xf32>,
        %mul3A_1016 = arith.mulf %mul3A_884, %gather3A_1006 : vector<16xf32>
        %mul3A_1017 = arith.mulf %mul3A_885, %gather3A_1009 : vector<16xf32>
        %add3A_1018 = arith.addf %mul3A_1016, %mul3A_1017 : vector<16xf32>
        %mul3A_1019 = arith.mulf %mul3A_886, %gather3A_1012 : vector<16xf32>
        %add3A_1020 = arith.addf %add3A_1018, %mul3A_1019 : vector<16xf32>
        %mul3A_1021 = arith.mulf %mul3A_887, %gather3A_1015 : vector<16xf32>
        %add3A_1022 = arith.addf %add3A_1020, %mul3A_1021 : vector<16xf32>
        %broadcast_in_dim3A_1023 = arith.constant 37 : i32
        %broadcast_in_dim3A_1024 = vector.broadcast %broadcast_in_dim3A_1023 : i32 to vector<16xi32>
        %add3A_1025 = arith.addi %mul3A_131, %broadcast_in_dim3A_1024 : vector<16xi32>
        tpu.vector_store_idx %arg7[%add3A_1025], %add3A_1022 : memref<6144xf32, #tpu.memory_space<vmem>>[vector<16xi32>], vector<16xf32>,
        %broadcast_in_dim3A_1026 = arith.constant 6 : i32
        %broadcast_in_dim3A_1027 = vector.broadcast %broadcast_in_dim3A_1026 : i32 to vector<16xi32>
        %gather3A_1028 = tpu.vector_load_idx %arg16[%add3A_890, %broadcast_in_dim3A_1027] : memref<1536x16xf32, #tpu.memory_space<vmem>>[vector<16xi32>, vector<16xi32>], vector<16xf32>,
        %broadcast_in_dim3A_1029 = arith.constant 14 : i32
        %broadcast_in_dim3A_1030 = vector.broadcast %broadcast_in_dim3A_1029 : i32 to vector<16xi32>
        %gather3A_1031 = tpu.vector_load_idx %arg16[%add3A_890, %broadcast_in_dim3A_1030] : memref<1536x16xf32, #tpu.memory_space<vmem>>[vector<16xi32>, vector<16xi32>], vector<16xf32>,
        %broadcast_in_dim3A_1032 = arith.constant 6 : i32
        %broadcast_in_dim3A_1033 = vector.broadcast %broadcast_in_dim3A_1032 : i32 to vector<16xi32>
        %gather3A_1034 = tpu.vector_load_idx %arg16[%add3A_893, %broadcast_in_dim3A_1033] : memref<1536x16xf32, #tpu.memory_space<vmem>>[vector<16xi32>, vector<16xi32>], vector<16xf32>,
        %broadcast_in_dim3A_1035 = arith.constant 14 : i32
        %broadcast_in_dim3A_1036 = vector.broadcast %broadcast_in_dim3A_1035 : i32 to vector<16xi32>
        %gather3A_1037 = tpu.vector_load_idx %arg16[%add3A_893, %broadcast_in_dim3A_1036] : memref<1536x16xf32, #tpu.memory_space<vmem>>[vector<16xi32>, vector<16xi32>], vector<16xf32>,
        %mul3A_1038 = arith.mulf %mul3A_884, %gather3A_1028 : vector<16xf32>
        %mul3A_1039 = arith.mulf %mul3A_885, %gather3A_1031 : vector<16xf32>
        %add3A_1040 = arith.addf %mul3A_1038, %mul3A_1039 : vector<16xf32>
        %mul3A_1041 = arith.mulf %mul3A_886, %gather3A_1034 : vector<16xf32>
        %add3A_1042 = arith.addf %add3A_1040, %mul3A_1041 : vector<16xf32>
        %mul3A_1043 = arith.mulf %mul3A_887, %gather3A_1037 : vector<16xf32>
        %add3A_1044 = arith.addf %add3A_1042, %mul3A_1043 : vector<16xf32>
        %broadcast_in_dim3A_1045 = arith.constant 38 : i32
        %broadcast_in_dim3A_1046 = vector.broadcast %broadcast_in_dim3A_1045 : i32 to vector<16xi32>
        %add3A_1047 = arith.addi %mul3A_131, %broadcast_in_dim3A_1046 : vector<16xi32>
        tpu.vector_store_idx %arg7[%add3A_1047], %add3A_1044 : memref<6144xf32, #tpu.memory_space<vmem>>[vector<16xi32>], vector<16xf32>,
        %broadcast_in_dim3A_1048 = arith.constant 7 : i32
        %broadcast_in_dim3A_1049 = vector.broadcast %broadcast_in_dim3A_1048 : i32 to vector<16xi32>
        %gather3A_1050 = tpu.vector_load_idx %arg16[%add3A_890, %broadcast_in_dim3A_1049] : memref<1536x16xf32, #tpu.memory_space<vmem>>[vector<16xi32>, vector<16xi32>], vector<16xf32>,
        %broadcast_in_dim3A_1051 = arith.constant 15 : i32
        %broadcast_in_dim3A_1052 = vector.broadcast %broadcast_in_dim3A_1051 : i32 to vector<16xi32>
        %gather3A_1053 = tpu.vector_load_idx %arg16[%add3A_890, %broadcast_in_dim3A_1052] : memref<1536x16xf32, #tpu.memory_space<vmem>>[vector<16xi32>, vector<16xi32>], vector<16xf32>,
        %broadcast_in_dim3A_1054 = arith.constant 7 : i32
        %broadcast_in_dim3A_1055 = vector.broadcast %broadcast_in_dim3A_1054 : i32 to vector<16xi32>
        %gather3A_1056 = tpu.vector_load_idx %arg16[%add3A_893, %broadcast_in_dim3A_1055] : memref<1536x16xf32, #tpu.memory_space<vmem>>[vector<16xi32>, vector<16xi32>], vector<16xf32>,
        %broadcast_in_dim3A_1057 = arith.constant 15 : i32
        %broadcast_in_dim3A_1058 = vector.broadcast %broadcast_in_dim3A_1057 : i32 to vector<16xi32>
        %gather3A_1059 = tpu.vector_load_idx %arg16[%add3A_893, %broadcast_in_dim3A_1058] : memref<1536x16xf32, #tpu.memory_space<vmem>>[vector<16xi32>, vector<16xi32>], vector<16xf32>,
        %mul3A_1060 = arith.mulf %mul3A_884, %gather3A_1050 : vector<16xf32>
        %mul3A_1061 = arith.mulf %mul3A_885, %gather3A_1053 : vector<16xf32>
        %add3A_1062 = arith.addf %mul3A_1060, %mul3A_1061 : vector<16xf32>
        %mul3A_1063 = arith.mulf %mul3A_886, %gather3A_1056 : vector<16xf32>
        %add3A_1064 = arith.addf %add3A_1062, %mul3A_1063 : vector<16xf32>
        %mul3A_1065 = arith.mulf %mul3A_887, %gather3A_1059 : vector<16xf32>
        %add3A_1066 = arith.addf %add3A_1064, %mul3A_1065 : vector<16xf32>
        %broadcast_in_dim3A_1067 = arith.constant 39 : i32
        %broadcast_in_dim3A_1068 = vector.broadcast %broadcast_in_dim3A_1067 : i32 to vector<16xi32>
        %add3A_1069 = arith.addi %mul3A_131, %broadcast_in_dim3A_1068 : vector<16xi32>
        tpu.vector_store_idx %arg7[%add3A_1069], %add3A_1066 : memref<6144xf32, #tpu.memory_space<vmem>>[vector<16xi32>], vector<16xf32>,
        %sub3A_1070 = arith.subf %broadcast_in_dim3A_128, %get3A_114 : vector<16xf32>
        %sub3A_1071 = arith.subf %broadcast_in_dim3A_128, %get3A_126 : vector<16xf32>
        %mul3A_1072 = arith.mulf %sub3A_1070, %sub3A_1071 : vector<16xf32>
        %mul3A_1073 = arith.mulf %sub3A_1070, %get3A_126 : vector<16xf32>
        %mul3A_1074 = arith.mulf %get3A_114, %sub3A_1071 : vector<16xf32>
        %mul3A_1075 = arith.mulf %get3A_114, %get3A_126 : vector<16xf32>
        %broadcast_in_dim3A_1076 = arith.constant 1280 : i32
        %broadcast_in_dim3A_1077 = vector.broadcast %broadcast_in_dim3A_1076 : i32 to vector<16xi32>
        %add3A_1078 = arith.addi %add3A_102, %broadcast_in_dim3A_1077 : vector<16xi32>
        %broadcast_in_dim3A_1079 = arith.constant 128 : i32
        %broadcast_in_dim3A_1080 = vector.broadcast %broadcast_in_dim3A_1079 : i32 to vector<16xi32>
        %add3A_1081 = arith.addi %add3A_1078, %broadcast_in_dim3A_1080 : vector<16xi32>
        %broadcast_in_dim3A_1082 = arith.constant 0 : i32
        %broadcast_in_dim3A_1083 = vector.broadcast %broadcast_in_dim3A_1082 : i32 to vector<16xi32>
        %gather3A_1084 = tpu.vector_load_idx %arg16[%add3A_1078, %broadcast_in_dim3A_1083] : memref<1536x16xf32, #tpu.memory_space<vmem>>[vector<16xi32>, vector<16xi32>], vector<16xf32>,
        %broadcast_in_dim3A_1085 = arith.constant 8 : i32
        %broadcast_in_dim3A_1086 = vector.broadcast %broadcast_in_dim3A_1085 : i32 to vector<16xi32>
        %gather3A_1087 = tpu.vector_load_idx %arg16[%add3A_1078, %broadcast_in_dim3A_1086] : memref<1536x16xf32, #tpu.memory_space<vmem>>[vector<16xi32>, vector<16xi32>], vector<16xf32>,
        %broadcast_in_dim3A_1088 = arith.constant 0 : i32
        %broadcast_in_dim3A_1089 = vector.broadcast %broadcast_in_dim3A_1088 : i32 to vector<16xi32>
        %gather3A_1090 = tpu.vector_load_idx %arg16[%add3A_1081, %broadcast_in_dim3A_1089] : memref<1536x16xf32, #tpu.memory_space<vmem>>[vector<16xi32>, vector<16xi32>], vector<16xf32>,
        %broadcast_in_dim3A_1091 = arith.constant 8 : i32
        %broadcast_in_dim3A_1092 = vector.broadcast %broadcast_in_dim3A_1091 : i32 to vector<16xi32>
        %gather3A_1093 = tpu.vector_load_idx %arg16[%add3A_1081, %broadcast_in_dim3A_1092] : memref<1536x16xf32, #tpu.memory_space<vmem>>[vector<16xi32>, vector<16xi32>], vector<16xf32>,
        %mul3A_1094 = arith.mulf %mul3A_1072, %gather3A_1084 : vector<16xf32>
        %mul3A_1095 = arith.mulf %mul3A_1073, %gather3A_1087 : vector<16xf32>
        %add3A_1096 = arith.addf %mul3A_1094, %mul3A_1095 : vector<16xf32>
        %mul3A_1097 = arith.mulf %mul3A_1074, %gather3A_1090 : vector<16xf32>
        %add3A_1098 = arith.addf %add3A_1096, %mul3A_1097 : vector<16xf32>
        %mul3A_1099 = arith.mulf %mul3A_1075, %gather3A_1093 : vector<16xf32>
        %add3A_1100 = arith.addf %add3A_1098, %mul3A_1099 : vector<16xf32>
        %broadcast_in_dim3A_1101 = arith.constant 40 : i32
        %broadcast_in_dim3A_1102 = vector.broadcast %broadcast_in_dim3A_1101 : i32 to vector<16xi32>
        %add3A_1103 = arith.addi %mul3A_131, %broadcast_in_dim3A_1102 : vector<16xi32>
        tpu.vector_store_idx %arg7[%add3A_1103], %add3A_1100 : memref<6144xf32, #tpu.memory_space<vmem>>[vector<16xi32>], vector<16xf32>,
        %broadcast_in_dim3A_1104 = arith.constant 1 : i32
        %broadcast_in_dim3A_1105 = vector.broadcast %broadcast_in_dim3A_1104 : i32 to vector<16xi32>
        %gather3A_1106 = tpu.vector_load_idx %arg16[%add3A_1078, %broadcast_in_dim3A_1105] : memref<1536x16xf32, #tpu.memory_space<vmem>>[vector<16xi32>, vector<16xi32>], vector<16xf32>,
        %broadcast_in_dim3A_1107 = arith.constant 9 : i32
        %broadcast_in_dim3A_1108 = vector.broadcast %broadcast_in_dim3A_1107 : i32 to vector<16xi32>
        %gather3A_1109 = tpu.vector_load_idx %arg16[%add3A_1078, %broadcast_in_dim3A_1108] : memref<1536x16xf32, #tpu.memory_space<vmem>>[vector<16xi32>, vector<16xi32>], vector<16xf32>,
        %broadcast_in_dim3A_1110 = arith.constant 1 : i32
        %broadcast_in_dim3A_1111 = vector.broadcast %broadcast_in_dim3A_1110 : i32 to vector<16xi32>
        %gather3A_1112 = tpu.vector_load_idx %arg16[%add3A_1081, %broadcast_in_dim3A_1111] : memref<1536x16xf32, #tpu.memory_space<vmem>>[vector<16xi32>, vector<16xi32>], vector<16xf32>,
        %broadcast_in_dim3A_1113 = arith.constant 9 : i32
        %broadcast_in_dim3A_1114 = vector.broadcast %broadcast_in_dim3A_1113 : i32 to vector<16xi32>
        %gather3A_1115 = tpu.vector_load_idx %arg16[%add3A_1081, %broadcast_in_dim3A_1114] : memref<1536x16xf32, #tpu.memory_space<vmem>>[vector<16xi32>, vector<16xi32>], vector<16xf32>,
        %mul3A_1116 = arith.mulf %mul3A_1072, %gather3A_1106 : vector<16xf32>
        %mul3A_1117 = arith.mulf %mul3A_1073, %gather3A_1109 : vector<16xf32>
        %add3A_1118 = arith.addf %mul3A_1116, %mul3A_1117 : vector<16xf32>
        %mul3A_1119 = arith.mulf %mul3A_1074, %gather3A_1112 : vector<16xf32>
        %add3A_1120 = arith.addf %add3A_1118, %mul3A_1119 : vector<16xf32>
        %mul3A_1121 = arith.mulf %mul3A_1075, %gather3A_1115 : vector<16xf32>
        %add3A_1122 = arith.addf %add3A_1120, %mul3A_1121 : vector<16xf32>
        %broadcast_in_dim3A_1123 = arith.constant 41 : i32
        %broadcast_in_dim3A_1124 = vector.broadcast %broadcast_in_dim3A_1123 : i32 to vector<16xi32>
        %add3A_1125 = arith.addi %mul3A_131, %broadcast_in_dim3A_1124 : vector<16xi32>
        tpu.vector_store_idx %arg7[%add3A_1125], %add3A_1122 : memref<6144xf32, #tpu.memory_space<vmem>>[vector<16xi32>], vector<16xf32>,
        %broadcast_in_dim3A_1126 = arith.constant 2 : i32
        %broadcast_in_dim3A_1127 = vector.broadcast %broadcast_in_dim3A_1126 : i32 to vector<16xi32>
        %gather3A_1128 = tpu.vector_load_idx %arg16[%add3A_1078, %broadcast_in_dim3A_1127] : memref<1536x16xf32, #tpu.memory_space<vmem>>[vector<16xi32>, vector<16xi32>], vector<16xf32>,
        %broadcast_in_dim3A_1129 = arith.constant 10 : i32
        %broadcast_in_dim3A_1130 = vector.broadcast %broadcast_in_dim3A_1129 : i32 to vector<16xi32>
        %gather3A_1131 = tpu.vector_load_idx %arg16[%add3A_1078, %broadcast_in_dim3A_1130] : memref<1536x16xf32, #tpu.memory_space<vmem>>[vector<16xi32>, vector<16xi32>], vector<16xf32>,
        %broadcast_in_dim3A_1132 = arith.constant 2 : i32
        %broadcast_in_dim3A_1133 = vector.broadcast %broadcast_in_dim3A_1132 : i32 to vector<16xi32>
        %gather3A_1134 = tpu.vector_load_idx %arg16[%add3A_1081, %broadcast_in_dim3A_1133] : memref<1536x16xf32, #tpu.memory_space<vmem>>[vector<16xi32>, vector<16xi32>], vector<16xf32>,
        %broadcast_in_dim3A_1135 = arith.constant 10 : i32
        %broadcast_in_dim3A_1136 = vector.broadcast %broadcast_in_dim3A_1135 : i32 to vector<16xi32>
        %gather3A_1137 = tpu.vector_load_idx %arg16[%add3A_1081, %broadcast_in_dim3A_1136] : memref<1536x16xf32, #tpu.memory_space<vmem>>[vector<16xi32>, vector<16xi32>], vector<16xf32>,
        %mul3A_1138 = arith.mulf %mul3A_1072, %gather3A_1128 : vector<16xf32>
        %mul3A_1139 = arith.mulf %mul3A_1073, %gather3A_1131 : vector<16xf32>
        %add3A_1140 = arith.addf %mul3A_1138, %mul3A_1139 : vector<16xf32>
        %mul3A_1141 = arith.mulf %mul3A_1074, %gather3A_1134 : vector<16xf32>
        %add3A_1142 = arith.addf %add3A_1140, %mul3A_1141 : vector<16xf32>
        %mul3A_1143 = arith.mulf %mul3A_1075, %gather3A_1137 : vector<16xf32>
        %add3A_1144 = arith.addf %add3A_1142, %mul3A_1143 : vector<16xf32>
        %broadcast_in_dim3A_1145 = arith.constant 42 : i32
        %broadcast_in_dim3A_1146 = vector.broadcast %broadcast_in_dim3A_1145 : i32 to vector<16xi32>
        %add3A_1147 = arith.addi %mul3A_131, %broadcast_in_dim3A_1146 : vector<16xi32>
        tpu.vector_store_idx %arg7[%add3A_1147], %add3A_1144 : memref<6144xf32, #tpu.memory_space<vmem>>[vector<16xi32>], vector<16xf32>,
        %broadcast_in_dim3A_1148 = arith.constant 3 : i32
        %broadcast_in_dim3A_1149 = vector.broadcast %broadcast_in_dim3A_1148 : i32 to vector<16xi32>
        %gather3A_1150 = tpu.vector_load_idx %arg16[%add3A_1078, %broadcast_in_dim3A_1149] : memref<1536x16xf32, #tpu.memory_space<vmem>>[vector<16xi32>, vector<16xi32>], vector<16xf32>,
        %broadcast_in_dim3A_1151 = arith.constant 11 : i32
        %broadcast_in_dim3A_1152 = vector.broadcast %broadcast_in_dim3A_1151 : i32 to vector<16xi32>
        %gather3A_1153 = tpu.vector_load_idx %arg16[%add3A_1078, %broadcast_in_dim3A_1152] : memref<1536x16xf32, #tpu.memory_space<vmem>>[vector<16xi32>, vector<16xi32>], vector<16xf32>,
        %broadcast_in_dim3A_1154 = arith.constant 3 : i32
        %broadcast_in_dim3A_1155 = vector.broadcast %broadcast_in_dim3A_1154 : i32 to vector<16xi32>
        %gather3A_1156 = tpu.vector_load_idx %arg16[%add3A_1081, %broadcast_in_dim3A_1155] : memref<1536x16xf32, #tpu.memory_space<vmem>>[vector<16xi32>, vector<16xi32>], vector<16xf32>,
        %broadcast_in_dim3A_1157 = arith.constant 11 : i32
        %broadcast_in_dim3A_1158 = vector.broadcast %broadcast_in_dim3A_1157 : i32 to vector<16xi32>
        %gather3A_1159 = tpu.vector_load_idx %arg16[%add3A_1081, %broadcast_in_dim3A_1158] : memref<1536x16xf32, #tpu.memory_space<vmem>>[vector<16xi32>, vector<16xi32>], vector<16xf32>,
        %mul3A_1160 = arith.mulf %mul3A_1072, %gather3A_1150 : vector<16xf32>
        %mul3A_1161 = arith.mulf %mul3A_1073, %gather3A_1153 : vector<16xf32>
        %add3A_1162 = arith.addf %mul3A_1160, %mul3A_1161 : vector<16xf32>
        %mul3A_1163 = arith.mulf %mul3A_1074, %gather3A_1156 : vector<16xf32>
        %add3A_1164 = arith.addf %add3A_1162, %mul3A_1163 : vector<16xf32>
        %mul3A_1165 = arith.mulf %mul3A_1075, %gather3A_1159 : vector<16xf32>
        %add3A_1166 = arith.addf %add3A_1164, %mul3A_1165 : vector<16xf32>
        %broadcast_in_dim3A_1167 = arith.constant 43 : i32
        %broadcast_in_dim3A_1168 = vector.broadcast %broadcast_in_dim3A_1167 : i32 to vector<16xi32>
        %add3A_1169 = arith.addi %mul3A_131, %broadcast_in_dim3A_1168 : vector<16xi32>
        tpu.vector_store_idx %arg7[%add3A_1169], %add3A_1166 : memref<6144xf32, #tpu.memory_space<vmem>>[vector<16xi32>], vector<16xf32>,
        %broadcast_in_dim3A_1170 = arith.constant 4 : i32
        %broadcast_in_dim3A_1171 = vector.broadcast %broadcast_in_dim3A_1170 : i32 to vector<16xi32>
        %gather3A_1172 = tpu.vector_load_idx %arg16[%add3A_1078, %broadcast_in_dim3A_1171] : memref<1536x16xf32, #tpu.memory_space<vmem>>[vector<16xi32>, vector<16xi32>], vector<16xf32>,
        %broadcast_in_dim3A_1173 = arith.constant 12 : i32
        %broadcast_in_dim3A_1174 = vector.broadcast %broadcast_in_dim3A_1173 : i32 to vector<16xi32>
        %gather3A_1175 = tpu.vector_load_idx %arg16[%add3A_1078, %broadcast_in_dim3A_1174] : memref<1536x16xf32, #tpu.memory_space<vmem>>[vector<16xi32>, vector<16xi32>], vector<16xf32>,
        %broadcast_in_dim3A_1176 = arith.constant 4 : i32
        %broadcast_in_dim3A_1177 = vector.broadcast %broadcast_in_dim3A_1176 : i32 to vector<16xi32>
        %gather3A_1178 = tpu.vector_load_idx %arg16[%add3A_1081, %broadcast_in_dim3A_1177] : memref<1536x16xf32, #tpu.memory_space<vmem>>[vector<16xi32>, vector<16xi32>], vector<16xf32>,
        %broadcast_in_dim3A_1179 = arith.constant 12 : i32
        %broadcast_in_dim3A_1180 = vector.broadcast %broadcast_in_dim3A_1179 : i32 to vector<16xi32>
        %gather3A_1181 = tpu.vector_load_idx %arg16[%add3A_1081, %broadcast_in_dim3A_1180] : memref<1536x16xf32, #tpu.memory_space<vmem>>[vector<16xi32>, vector<16xi32>], vector<16xf32>,
        %mul3A_1182 = arith.mulf %mul3A_1072, %gather3A_1172 : vector<16xf32>
        %mul3A_1183 = arith.mulf %mul3A_1073, %gather3A_1175 : vector<16xf32>
        %add3A_1184 = arith.addf %mul3A_1182, %mul3A_1183 : vector<16xf32>
        %mul3A_1185 = arith.mulf %mul3A_1074, %gather3A_1178 : vector<16xf32>
        %add3A_1186 = arith.addf %add3A_1184, %mul3A_1185 : vector<16xf32>
        %mul3A_1187 = arith.mulf %mul3A_1075, %gather3A_1181 : vector<16xf32>
        %add3A_1188 = arith.addf %add3A_1186, %mul3A_1187 : vector<16xf32>
        %broadcast_in_dim3A_1189 = arith.constant 44 : i32
        %broadcast_in_dim3A_1190 = vector.broadcast %broadcast_in_dim3A_1189 : i32 to vector<16xi32>
        %add3A_1191 = arith.addi %mul3A_131, %broadcast_in_dim3A_1190 : vector<16xi32>
        tpu.vector_store_idx %arg7[%add3A_1191], %add3A_1188 : memref<6144xf32, #tpu.memory_space<vmem>>[vector<16xi32>], vector<16xf32>,
        %broadcast_in_dim3A_1192 = arith.constant 5 : i32
        %broadcast_in_dim3A_1193 = vector.broadcast %broadcast_in_dim3A_1192 : i32 to vector<16xi32>
        %gather3A_1194 = tpu.vector_load_idx %arg16[%add3A_1078, %broadcast_in_dim3A_1193] : memref<1536x16xf32, #tpu.memory_space<vmem>>[vector<16xi32>, vector<16xi32>], vector<16xf32>,
        %broadcast_in_dim3A_1195 = arith.constant 13 : i32
        %broadcast_in_dim3A_1196 = vector.broadcast %broadcast_in_dim3A_1195 : i32 to vector<16xi32>
        %gather3A_1197 = tpu.vector_load_idx %arg16[%add3A_1078, %broadcast_in_dim3A_1196] : memref<1536x16xf32, #tpu.memory_space<vmem>>[vector<16xi32>, vector<16xi32>], vector<16xf32>,
        %broadcast_in_dim3A_1198 = arith.constant 5 : i32
        %broadcast_in_dim3A_1199 = vector.broadcast %broadcast_in_dim3A_1198 : i32 to vector<16xi32>
        %gather3A_1200 = tpu.vector_load_idx %arg16[%add3A_1081, %broadcast_in_dim3A_1199] : memref<1536x16xf32, #tpu.memory_space<vmem>>[vector<16xi32>, vector<16xi32>], vector<16xf32>,
        %broadcast_in_dim3A_1201 = arith.constant 13 : i32
        %broadcast_in_dim3A_1202 = vector.broadcast %broadcast_in_dim3A_1201 : i32 to vector<16xi32>
        %gather3A_1203 = tpu.vector_load_idx %arg16[%add3A_1081, %broadcast_in_dim3A_1202] : memref<1536x16xf32, #tpu.memory_space<vmem>>[vector<16xi32>, vector<16xi32>], vector<16xf32>,
        %mul3A_1204 = arith.mulf %mul3A_1072, %gather3A_1194 : vector<16xf32>
        %mul3A_1205 = arith.mulf %mul3A_1073, %gather3A_1197 : vector<16xf32>
        %add3A_1206 = arith.addf %mul3A_1204, %mul3A_1205 : vector<16xf32>
        %mul3A_1207 = arith.mulf %mul3A_1074, %gather3A_1200 : vector<16xf32>
        %add3A_1208 = arith.addf %add3A_1206, %mul3A_1207 : vector<16xf32>
        %mul3A_1209 = arith.mulf %mul3A_1075, %gather3A_1203 : vector<16xf32>
        %add3A_1210 = arith.addf %add3A_1208, %mul3A_1209 : vector<16xf32>
        %broadcast_in_dim3A_1211 = arith.constant 45 : i32
        %broadcast_in_dim3A_1212 = vector.broadcast %broadcast_in_dim3A_1211 : i32 to vector<16xi32>
        %add3A_1213 = arith.addi %mul3A_131, %broadcast_in_dim3A_1212 : vector<16xi32>
        tpu.vector_store_idx %arg7[%add3A_1213], %add3A_1210 : memref<6144xf32, #tpu.memory_space<vmem>>[vector<16xi32>], vector<16xf32>,
        %broadcast_in_dim3A_1214 = arith.constant 6 : i32
        %broadcast_in_dim3A_1215 = vector.broadcast %broadcast_in_dim3A_1214 : i32 to vector<16xi32>
        %gather3A_1216 = tpu.vector_load_idx %arg16[%add3A_1078, %broadcast_in_dim3A_1215] : memref<1536x16xf32, #tpu.memory_space<vmem>>[vector<16xi32>, vector<16xi32>], vector<16xf32>,
        %broadcast_in_dim3A_1217 = arith.constant 14 : i32
        %broadcast_in_dim3A_1218 = vector.broadcast %broadcast_in_dim3A_1217 : i32 to vector<16xi32>
        %gather3A_1219 = tpu.vector_load_idx %arg16[%add3A_1078, %broadcast_in_dim3A_1218] : memref<1536x16xf32, #tpu.memory_space<vmem>>[vector<16xi32>, vector<16xi32>], vector<16xf32>,
        %broadcast_in_dim3A_1220 = arith.constant 6 : i32
        %broadcast_in_dim3A_1221 = vector.broadcast %broadcast_in_dim3A_1220 : i32 to vector<16xi32>
        %gather3A_1222 = tpu.vector_load_idx %arg16[%add3A_1081, %broadcast_in_dim3A_1221] : memref<1536x16xf32, #tpu.memory_space<vmem>>[vector<16xi32>, vector<16xi32>], vector<16xf32>,
        %broadcast_in_dim3A_1223 = arith.constant 14 : i32
        %broadcast_in_dim3A_1224 = vector.broadcast %broadcast_in_dim3A_1223 : i32 to vector<16xi32>
        %gather3A_1225 = tpu.vector_load_idx %arg16[%add3A_1081, %broadcast_in_dim3A_1224] : memref<1536x16xf32, #tpu.memory_space<vmem>>[vector<16xi32>, vector<16xi32>], vector<16xf32>,
        %mul3A_1226 = arith.mulf %mul3A_1072, %gather3A_1216 : vector<16xf32>
        %mul3A_1227 = arith.mulf %mul3A_1073, %gather3A_1219 : vector<16xf32>
        %add3A_1228 = arith.addf %mul3A_1226, %mul3A_1227 : vector<16xf32>
        %mul3A_1229 = arith.mulf %mul3A_1074, %gather3A_1222 : vector<16xf32>
        %add3A_1230 = arith.addf %add3A_1228, %mul3A_1229 : vector<16xf32>
        %mul3A_1231 = arith.mulf %mul3A_1075, %gather3A_1225 : vector<16xf32>
        %add3A_1232 = arith.addf %add3A_1230, %mul3A_1231 : vector<16xf32>
        %broadcast_in_dim3A_1233 = arith.constant 46 : i32
        %broadcast_in_dim3A_1234 = vector.broadcast %broadcast_in_dim3A_1233 : i32 to vector<16xi32>
        %add3A_1235 = arith.addi %mul3A_131, %broadcast_in_dim3A_1234 : vector<16xi32>
        tpu.vector_store_idx %arg7[%add3A_1235], %add3A_1232 : memref<6144xf32, #tpu.memory_space<vmem>>[vector<16xi32>], vector<16xf32>,
        %broadcast_in_dim3A_1236 = arith.constant 7 : i32
        %broadcast_in_dim3A_1237 = vector.broadcast %broadcast_in_dim3A_1236 : i32 to vector<16xi32>
        %gather3A_1238 = tpu.vector_load_idx %arg16[%add3A_1078, %broadcast_in_dim3A_1237] : memref<1536x16xf32, #tpu.memory_space<vmem>>[vector<16xi32>, vector<16xi32>], vector<16xf32>,
        %broadcast_in_dim3A_1239 = arith.constant 15 : i32
        %broadcast_in_dim3A_1240 = vector.broadcast %broadcast_in_dim3A_1239 : i32 to vector<16xi32>
        %gather3A_1241 = tpu.vector_load_idx %arg16[%add3A_1078, %broadcast_in_dim3A_1240] : memref<1536x16xf32, #tpu.memory_space<vmem>>[vector<16xi32>, vector<16xi32>], vector<16xf32>,
        %broadcast_in_dim3A_1242 = arith.constant 7 : i32
        %broadcast_in_dim3A_1243 = vector.broadcast %broadcast_in_dim3A_1242 : i32 to vector<16xi32>
        %gather3A_1244 = tpu.vector_load_idx %arg16[%add3A_1081, %broadcast_in_dim3A_1243] : memref<1536x16xf32, #tpu.memory_space<vmem>>[vector<16xi32>, vector<16xi32>], vector<16xf32>,
        %broadcast_in_dim3A_1245 = arith.constant 15 : i32
        %broadcast_in_dim3A_1246 = vector.broadcast %broadcast_in_dim3A_1245 : i32 to vector<16xi32>
        %gather3A_1247 = tpu.vector_load_idx %arg16[%add3A_1081, %broadcast_in_dim3A_1246] : memref<1536x16xf32, #tpu.memory_space<vmem>>[vector<16xi32>, vector<16xi32>], vector<16xf32>,
        %mul3A_1248 = arith.mulf %mul3A_1072, %gather3A_1238 : vector<16xf32>
        %mul3A_1249 = arith.mulf %mul3A_1073, %gather3A_1241 : vector<16xf32>
        %add3A_1250 = arith.addf %mul3A_1248, %mul3A_1249 : vector<16xf32>
        %mul3A_1251 = arith.mulf %mul3A_1074, %gather3A_1244 : vector<16xf32>
        %add3A_1252 = arith.addf %add3A_1250, %mul3A_1251 : vector<16xf32>
        %mul3A_1253 = arith.mulf %mul3A_1075, %gather3A_1247 : vector<16xf32>
        %add3A_1254 = arith.addf %add3A_1252, %mul3A_1253 : vector<16xf32>
        %broadcast_in_dim3A_1255 = arith.constant 47 : i32
        %broadcast_in_dim3A_1256 = vector.broadcast %broadcast_in_dim3A_1255 : i32 to vector<16xi32>
        %add3A_1257 = arith.addi %mul3A_131, %broadcast_in_dim3A_1256 : vector<16xi32>
        tpu.vector_store_idx %arg7[%add3A_1257], %add3A_1254 : memref<6144xf32, #tpu.memory_space<vmem>>[vector<16xi32>], vector<16xf32>,
      }
      %scan3A_85 = arith.constant 8 : i32
      %mul3A_86 = arith.constant 128 : i32
      %mul3A_87 = arith.muli %add3A_76, %mul3A_86 : i32
      %add3A_88 = arith.addi %mul3A_2, %mul3A_87 : i32
      %mul3A_89 = arith.constant 48 : i32
      %mul3A_90 = arith.muli %add3A_88, %mul3A_89 : i32
      "tpu.region"() ({
        %run_scoped3A = tpu.sem_alloc : memref<!tpu.dma_semaphore, #tpu.memory_space<semaphore_mem>>
        %dma_start3A_98 = tpu.memref_slice %arg5[%mul3A_90] : memref<25165824xf32, #tpu.memory_space<hbm>> -> memref<6144xf32, #tpu.memory_space<hbm>>
        %dma_start3A_99 = tpu.memref_slice %arg5[%mul3A_90] : memref<25165824xf32, #tpu.memory_space<hbm>> -> memref<6144xf32, #tpu.memory_space<hbm>>
        tpu.enqueue_dma source(%arg7 : memref<6144xf32, #tpu.memory_space<vmem>>) target(%dma_start3A_99 : memref<6144xf32, #tpu.memory_space<hbm>>) target_semaphore(%run_scoped3A : memref<!tpu.dma_semaphore, #tpu.memory_space<semaphore_mem>>)
        %dma_wait3A_100 = tpu.memref_slice %arg5[%mul3A_90] : memref<25165824xf32, #tpu.memory_space<hbm>> -> memref<6144xf32, #tpu.memory_space<hbm>>
        %dma_wait3A_101 = tpu.memref_slice %arg5[%mul3A_90] : memref<25165824xf32, #tpu.memory_space<hbm>> -> memref<6144xf32, #tpu.memory_space<hbm>>
        tpu.wait_dma2 semaphore(%run_scoped3A : memref<!tpu.dma_semaphore, #tpu.memory_space<semaphore_mem>>) src(%arg7 : memref<6144xf32, #tpu.memory_space<vmem>>) dst(%dma_wait3A_101 : memref<6144xf32, #tpu.memory_space<hbm>>)
        tpu.yield
      }) : () -> ()
      %add3A_91 = arith.constant 3 : i32
      %add3A_92 = arith.addi %mul3A_57, %add3A_91 : i32
      %lt3A_93 = arith.constant 128 : i32
      %lt3A_94 = arith.cmpi slt, %add3A_92, %lt3A_93 : i32
      %convert_element_type3A_95 = arith.extui %lt3A_94 : i1 to i32
      %cond3A_96 = arith.constant 0 : i32
      %cond3A_97 = arith.cmpi ne, %convert_element_type3A_95, %cond3A_96 : i32
      scf.if %cond3A_97 {
        %add3A_98 = arith.constant 3 : i32
        %add3A_99 = arith.addi %mul3A_57, %add3A_98 : i32
        %mul3A_100 = arith.constant 128 : i32
        %mul3A_101 = arith.muli %add3A_99, %mul3A_100 : i32
        %add3A_102 = arith.addi %mul3A_2, %mul3A_101 : i32
        %mul3A_103 = arith.constant 4 : i32
        %mul3A_104 = arith.muli %add3A_102, %mul3A_103 : i32
        "tpu.region"() ({
          %run_scoped3A = tpu.sem_alloc : memref<!tpu.dma_semaphore, #tpu.memory_space<semaphore_mem>>
          %dma_start3A_114 = tpu.memref_slice %arg2[%mul3A_104] : memref<2097152xf32, #tpu.memory_space<hbm>> -> memref<512xf32, #tpu.memory_space<hbm>>
          %dma_start3A_115 = tpu.memref_slice %arg2[%mul3A_104] : memref<2097152xf32, #tpu.memory_space<hbm>> -> memref<512xf32, #tpu.memory_space<hbm>>
          tpu.enqueue_dma source(%dma_start3A_115 : memref<512xf32, #tpu.memory_space<hbm>>) target(%arg13 : memref<512xf32, #tpu.memory_space<vmem>>) target_semaphore(%run_scoped3A : memref<!tpu.dma_semaphore, #tpu.memory_space<semaphore_mem>>)
          %dma_wait3A_116 = tpu.memref_slice %arg2[%mul3A_104] : memref<2097152xf32, #tpu.memory_space<hbm>> -> memref<512xf32, #tpu.memory_space<hbm>>
          %dma_wait3A_117 = tpu.memref_slice %arg2[%mul3A_104] : memref<2097152xf32, #tpu.memory_space<hbm>> -> memref<512xf32, #tpu.memory_space<hbm>>
          tpu.wait_dma2 semaphore(%run_scoped3A : memref<!tpu.dma_semaphore, #tpu.memory_space<semaphore_mem>>) src(%dma_wait3A_117 : memref<512xf32, #tpu.memory_space<hbm>>) dst(%arg13 : memref<512xf32, #tpu.memory_space<vmem>>)
          tpu.yield
        }) : () -> ()
        %scan3A_105 = arith.constant 0 : i32
        %scan3A_106 = arith.constant 0 : i32
        %scan3A_107 = arith.constant 8 : i32
        %scan3A_108 = arith.addi %scan3A_106, %scan3A_107 : i32
        %scan3A_109 = arith.constant 1 : i32
        scf.for %scan3A_114 = %scan3A_106 to %scan3A_108 step %scan3A_109  : i32 {
          %mul3A_115 = arith.constant 16 : i32
          %mul3A_116 = arith.muli %scan3A_114, %mul3A_115 : i32
          %broadcast_in_dim3A_117 = vector.broadcast %mul3A_116 : i32 to vector<16xi32>
          %add3A_118 = arith.addi %broadcast_in_dim3A_117, %iota3A : vector<16xi32>
          %mul3A_119 = arith.constant 4 : i32
          %mul3A_120 = vector.broadcast %mul3A_119 : i32 to vector<16xi32>
          %mul3A_121 = arith.muli %add3A_118, %mul3A_120 : vector<16xi32>
          %broadcast_in_dim3A_122 = arith.constant 0 : i32
          %broadcast_in_dim3A_123 = vector.broadcast %broadcast_in_dim3A_122 : i32 to vector<16xi32>
          %add3A_124 = arith.addi %mul3A_121, %broadcast_in_dim3A_123 : vector<16xi32>
          %gather3A = tpu.vector_load_idx %arg13[%add3A_124] : memref<512xf32, #tpu.memory_space<vmem>>[vector<16xi32>], vector<16xf32>,
          %sub3A = arith.subf %gather3A, %broadcast_in_dim3A : vector<16xf32>
          %mul3A_125 = arith.mulf %sub3A, %broadcast_in_dim3A_15 : vector<16xf32>
          %convert_element_type3A_126 = arith.fptosi %mul3A_125 : vector<16xf32> to vector<16xi32>
          %max3A = arith.constant 0 : i32
          %max3A_127 = vector.broadcast %max3A : i32 to vector<16xi32>
          %max3A_128 = arith.maxsi %convert_element_type3A_126, %max3A_127 : vector<16xi32>
          %min3A = arith.constant 510 : i32
          %min3A_129 = vector.broadcast %min3A : i32 to vector<16xi32>
          %min3A_130 = arith.minsi %max3A_128, %min3A_129 : vector<16xi32>
          %convert_element_type3A_131 = arith.sitofp %min3A_130 : vector<16xi32> to vector<16xf32>
          %sub3A_132 = arith.subf %mul3A_125, %convert_element_type3A_131 : vector<16xf32>
          %mul3A_133 = arith.constant 16 : i32
          %mul3A_134 = arith.muli %scan3A_114, %mul3A_133 : i32
          %swap3A = arith.constant 0 : i32
          %swap3A_135 = arith.index_cast %swap3A : i32 to index
          %swap3A_136 = arith.index_cast %mul3A_134 : i32 to index
          %swap3A_137 = tpu.vector_load %arg14[%swap3A_135, %swap3A_136] {strides = array<i32>} : memref<4x128xf32, #tpu.memory_space<vmem>>, vector<16xf32>,
          tpu.vector_store %arg14[%swap3A_135, %swap3A_136], %sub3A_132 {strides = array<i32>} : memref<4x128xf32, #tpu.memory_space<vmem>>, vector<16xf32>,
          %mul3A_138 = arith.constant 4 : i32
          %mul3A_139 = vector.broadcast %mul3A_138 : i32 to vector<16xi32>
          %mul3A_140 = arith.muli %add3A_118, %mul3A_139 : vector<16xi32>
          %broadcast_in_dim3A_141 = arith.constant 1 : i32
          %broadcast_in_dim3A_142 = vector.broadcast %broadcast_in_dim3A_141 : i32 to vector<16xi32>
          %add3A_143 = arith.addi %mul3A_140, %broadcast_in_dim3A_142 : vector<16xi32>
          %gather3A_144 = tpu.vector_load_idx %arg13[%add3A_143] : memref<512xf32, #tpu.memory_space<vmem>>[vector<16xi32>], vector<16xf32>,
          %sub3A_145 = arith.subf %gather3A_144, %broadcast_in_dim3A_6 : vector<16xf32>
          %mul3A_146 = arith.mulf %sub3A_145, %broadcast_in_dim3A_18 : vector<16xf32>
          %convert_element_type3A_147 = arith.fptosi %mul3A_146 : vector<16xf32> to vector<16xi32>
          %max3A_148 = arith.constant 0 : i32
          %max3A_149 = vector.broadcast %max3A_148 : i32 to vector<16xi32>
          %max3A_150 = arith.maxsi %convert_element_type3A_147, %max3A_149 : vector<16xi32>
          %min3A_151 = arith.constant 510 : i32
          %min3A_152 = vector.broadcast %min3A_151 : i32 to vector<16xi32>
          %min3A_153 = arith.minsi %max3A_150, %min3A_152 : vector<16xi32>
          %convert_element_type3A_154 = arith.sitofp %min3A_153 : vector<16xi32> to vector<16xf32>
          %sub3A_155 = arith.subf %mul3A_146, %convert_element_type3A_154 : vector<16xf32>
          %mul3A_156 = arith.constant 16 : i32
          %mul3A_157 = arith.muli %scan3A_114, %mul3A_156 : i32
          %swap3A_158 = arith.constant 1 : i32
          %swap3A_159 = arith.index_cast %swap3A_158 : i32 to index
          %swap3A_160 = arith.index_cast %mul3A_157 : i32 to index
          %swap3A_161 = tpu.vector_load %arg14[%swap3A_159, %swap3A_160] {strides = array<i32>} : memref<4x128xf32, #tpu.memory_space<vmem>>, vector<16xf32>,
          tpu.vector_store %arg14[%swap3A_159, %swap3A_160], %sub3A_155 {strides = array<i32>} : memref<4x128xf32, #tpu.memory_space<vmem>>, vector<16xf32>,
          %mul3A_162 = arith.constant 4 : i32
          %mul3A_163 = vector.broadcast %mul3A_162 : i32 to vector<16xi32>
          %mul3A_164 = arith.muli %add3A_118, %mul3A_163 : vector<16xi32>
          %broadcast_in_dim3A_165 = arith.constant 2 : i32
          %broadcast_in_dim3A_166 = vector.broadcast %broadcast_in_dim3A_165 : i32 to vector<16xi32>
          %add3A_167 = arith.addi %mul3A_164, %broadcast_in_dim3A_166 : vector<16xi32>
          %gather3A_168 = tpu.vector_load_idx %arg13[%add3A_167] : memref<512xf32, #tpu.memory_space<vmem>>[vector<16xi32>], vector<16xf32>,
          %sub3A_169 = arith.subf %gather3A_168, %broadcast_in_dim3A_9 : vector<16xf32>
          %mul3A_170 = arith.mulf %sub3A_169, %broadcast_in_dim3A_21 : vector<16xf32>
          %convert_element_type3A_171 = arith.fptosi %mul3A_170 : vector<16xf32> to vector<16xi32>
          %max3A_172 = arith.constant 0 : i32
          %max3A_173 = vector.broadcast %max3A_172 : i32 to vector<16xi32>
          %max3A_174 = arith.maxsi %convert_element_type3A_171, %max3A_173 : vector<16xi32>
          %min3A_175 = arith.constant 510 : i32
          %min3A_176 = vector.broadcast %min3A_175 : i32 to vector<16xi32>
          %min3A_177 = arith.minsi %max3A_174, %min3A_176 : vector<16xi32>
          %convert_element_type3A_178 = arith.sitofp %min3A_177 : vector<16xi32> to vector<16xf32>
          %sub3A_179 = arith.subf %mul3A_170, %convert_element_type3A_178 : vector<16xf32>
          %mul3A_180 = arith.constant 16 : i32
          %mul3A_181 = arith.muli %scan3A_114, %mul3A_180 : i32
          %swap3A_182 = arith.constant 2 : i32
          %swap3A_183 = arith.index_cast %swap3A_182 : i32 to index
          %swap3A_184 = arith.index_cast %mul3A_181 : i32 to index
          %swap3A_185 = tpu.vector_load %arg14[%swap3A_183, %swap3A_184] {strides = array<i32>} : memref<4x128xf32, #tpu.memory_space<vmem>>, vector<16xf32>,
          tpu.vector_store %arg14[%swap3A_183, %swap3A_184], %sub3A_179 {strides = array<i32>} : memref<4x128xf32, #tpu.memory_space<vmem>>, vector<16xf32>,
          %mul3A_186 = arith.constant 4 : i32
          %mul3A_187 = vector.broadcast %mul3A_186 : i32 to vector<16xi32>
          %mul3A_188 = arith.muli %add3A_118, %mul3A_187 : vector<16xi32>
          %broadcast_in_dim3A_189 = arith.constant 3 : i32
          %broadcast_in_dim3A_190 = vector.broadcast %broadcast_in_dim3A_189 : i32 to vector<16xi32>
          %add3A_191 = arith.addi %mul3A_188, %broadcast_in_dim3A_190 : vector<16xi32>
          %gather3A_192 = tpu.vector_load_idx %arg13[%add3A_191] : memref<512xf32, #tpu.memory_space<vmem>>[vector<16xi32>], vector<16xf32>,
          %sub3A_193 = arith.subf %gather3A_192, %broadcast_in_dim3A_12 : vector<16xf32>
          %mul3A_194 = arith.mulf %sub3A_193, %broadcast_in_dim3A_24 : vector<16xf32>
          %convert_element_type3A_195 = arith.fptosi %mul3A_194 : vector<16xf32> to vector<16xi32>
          %max3A_196 = arith.constant 0 : i32
          %max3A_197 = vector.broadcast %max3A_196 : i32 to vector<16xi32>
          %max3A_198 = arith.maxsi %convert_element_type3A_195, %max3A_197 : vector<16xi32>
          %min3A_199 = arith.constant 510 : i32
          %min3A_200 = vector.broadcast %min3A_199 : i32 to vector<16xi32>
          %min3A_201 = arith.minsi %max3A_198, %min3A_200 : vector<16xi32>
          %convert_element_type3A_202 = arith.sitofp %min3A_201 : vector<16xi32> to vector<16xf32>
          %sub3A_203 = arith.subf %mul3A_194, %convert_element_type3A_202 : vector<16xf32>
          %mul3A_204 = arith.constant 16 : i32
          %mul3A_205 = arith.muli %scan3A_114, %mul3A_204 : i32
          %swap3A_206 = arith.constant 3 : i32
          %swap3A_207 = arith.index_cast %swap3A_206 : i32 to index
          %swap3A_208 = arith.index_cast %mul3A_205 : i32 to index
          %swap3A_209 = tpu.vector_load %arg14[%swap3A_207, %swap3A_208] {strides = array<i32>} : memref<4x128xf32, #tpu.memory_space<vmem>>, vector<16xf32>,
          tpu.vector_store %arg14[%swap3A_207, %swap3A_208], %sub3A_203 {strides = array<i32>} : memref<4x128xf32, #tpu.memory_space<vmem>>, vector<16xf32>,
          %mul3A_210 = arith.constant 512 : i32
          %mul3A_211 = vector.broadcast %mul3A_210 : i32 to vector<16xi32>
          %mul3A_212 = arith.muli %min3A_130, %mul3A_211 : vector<16xi32>
          %add3A_213 = arith.addi %mul3A_212, %min3A_153 : vector<16xi32>
          %broadcast_in_dim3A_214 = arith.constant 0 : i32
          %broadcast_in_dim3A_215 = vector.broadcast %broadcast_in_dim3A_214 : i32 to vector<16xi32>
          %add3A_216 = arith.addi %add3A_213, %broadcast_in_dim3A_215 : vector<16xi32>
          %shift_right_arithmetic3A = arith.constant 1 : i32
          %shift_right_arithmetic3A_217 = vector.broadcast %shift_right_arithmetic3A : i32 to vector<16xi32>
          %shift_right_arithmetic3A_218 = arith.shrsi %add3A_216, %shift_right_arithmetic3A_217 : vector<16xi32>
          %and3A = arith.constant 1 : i32
          %and3A_219 = vector.broadcast %and3A : i32 to vector<16xi32>
          %and3A_220 = arith.andi %add3A_216, %and3A_219 : vector<16xi32>
          %mul3A_221 = arith.constant 786432 : i32
          %mul3A_222 = vector.broadcast %mul3A_221 : i32 to vector<16xi32>
          %mul3A_223 = arith.muli %and3A_220, %mul3A_222 : vector<16xi32>
          %add3A_224 = arith.addi %shift_right_arithmetic3A_218, %mul3A_223 : vector<16xi32>
          %mul3A_225 = arith.constant 16 : i32
          %mul3A_226 = arith.muli %scan3A_114, %mul3A_225 : i32
          %add3A_227 = arith.constant 0 : i32
          %add3A_228 = arith.addi %add3A_227, %mul3A_226 : i32
          %swap3A_229 = arith.index_cast %add3A_228 : i32 to index
          %swap3A_230 = tpu.vector_load %arg15[%swap3A_229] {strides = array<i32>} : memref<1536xi32, #tpu.memory_space<vmem>>, vector<16xi32>,
          tpu.vector_store %arg15[%swap3A_229], %add3A_224 {strides = array<i32>} : memref<1536xi32, #tpu.memory_space<vmem>>, vector<16xi32>,
          %add3A_231 = arith.constant 256 : i32
          %add3A_232 = vector.broadcast %add3A_231 : i32 to vector<16xi32>
          %add3A_233 = arith.addi %add3A_224, %add3A_232 : vector<16xi32>
          %mul3A_234 = arith.constant 16 : i32
          %mul3A_235 = arith.muli %scan3A_114, %mul3A_234 : i32
          %add3A_236 = arith.constant 128 : i32
          %add3A_237 = arith.addi %add3A_236, %mul3A_235 : i32
          %swap3A_238 = arith.index_cast %add3A_237 : i32 to index
          %swap3A_239 = tpu.vector_load %arg15[%swap3A_238] {strides = array<i32>} : memref<1536xi32, #tpu.memory_space<vmem>>, vector<16xi32>,
          tpu.vector_store %arg15[%swap3A_238], %add3A_233 {strides = array<i32>} : memref<1536xi32, #tpu.memory_space<vmem>>, vector<16xi32>,
          %mul3A_240 = arith.constant 512 : i32
          %mul3A_241 = vector.broadcast %mul3A_240 : i32 to vector<16xi32>
          %mul3A_242 = arith.muli %min3A_177, %mul3A_241 : vector<16xi32>
          %add3A_243 = arith.addi %mul3A_242, %min3A_201 : vector<16xi32>
          %broadcast_in_dim3A_244 = arith.constant 262144 : i32
          %broadcast_in_dim3A_245 = vector.broadcast %broadcast_in_dim3A_244 : i32 to vector<16xi32>
          %add3A_246 = arith.addi %add3A_243, %broadcast_in_dim3A_245 : vector<16xi32>
          %shift_right_arithmetic3A_247 = arith.constant 1 : i32
          %shift_right_arithmetic3A_248 = vector.broadcast %shift_right_arithmetic3A_247 : i32 to vector<16xi32>
          %shift_right_arithmetic3A_249 = arith.shrsi %add3A_246, %shift_right_arithmetic3A_248 : vector<16xi32>
          %and3A_250 = arith.constant 1 : i32
          %and3A_251 = vector.broadcast %and3A_250 : i32 to vector<16xi32>
          %and3A_252 = arith.andi %add3A_246, %and3A_251 : vector<16xi32>
          %mul3A_253 = arith.constant 786432 : i32
          %mul3A_254 = vector.broadcast %mul3A_253 : i32 to vector<16xi32>
          %mul3A_255 = arith.muli %and3A_252, %mul3A_254 : vector<16xi32>
          %add3A_256 = arith.addi %shift_right_arithmetic3A_249, %mul3A_255 : vector<16xi32>
          %mul3A_257 = arith.constant 16 : i32
          %mul3A_258 = arith.muli %scan3A_114, %mul3A_257 : i32
          %add3A_259 = arith.constant 256 : i32
          %add3A_260 = arith.addi %add3A_259, %mul3A_258 : i32
          %swap3A_261 = arith.index_cast %add3A_260 : i32 to index
          %swap3A_262 = tpu.vector_load %arg15[%swap3A_261] {strides = array<i32>} : memref<1536xi32, #tpu.memory_space<vmem>>, vector<16xi32>,
          tpu.vector_store %arg15[%swap3A_261], %add3A_256 {strides = array<i32>} : memref<1536xi32, #tpu.memory_space<vmem>>, vector<16xi32>,
          %add3A_263 = arith.constant 256 : i32
          %add3A_264 = vector.broadcast %add3A_263 : i32 to vector<16xi32>
          %add3A_265 = arith.addi %add3A_256, %add3A_264 : vector<16xi32>
          %mul3A_266 = arith.constant 16 : i32
          %mul3A_267 = arith.muli %scan3A_114, %mul3A_266 : i32
          %add3A_268 = arith.constant 384 : i32
          %add3A_269 = arith.addi %add3A_268, %mul3A_267 : i32
          %swap3A_270 = arith.index_cast %add3A_269 : i32 to index
          %swap3A_271 = tpu.vector_load %arg15[%swap3A_270] {strides = array<i32>} : memref<1536xi32, #tpu.memory_space<vmem>>, vector<16xi32>,
          tpu.vector_store %arg15[%swap3A_270], %add3A_265 {strides = array<i32>} : memref<1536xi32, #tpu.memory_space<vmem>>, vector<16xi32>,
          %mul3A_272 = arith.constant 512 : i32
          %mul3A_273 = vector.broadcast %mul3A_272 : i32 to vector<16xi32>
          %mul3A_274 = arith.muli %min3A_130, %mul3A_273 : vector<16xi32>
          %add3A_275 = arith.addi %mul3A_274, %min3A_177 : vector<16xi32>
          %broadcast_in_dim3A_276 = arith.constant 524288 : i32
          %broadcast_in_dim3A_277 = vector.broadcast %broadcast_in_dim3A_276 : i32 to vector<16xi32>
          %add3A_278 = arith.addi %add3A_275, %broadcast_in_dim3A_277 : vector<16xi32>
          %shift_right_arithmetic3A_279 = arith.constant 1 : i32
          %shift_right_arithmetic3A_280 = vector.broadcast %shift_right_arithmetic3A_279 : i32 to vector<16xi32>
          %shift_right_arithmetic3A_281 = arith.shrsi %add3A_278, %shift_right_arithmetic3A_280 : vector<16xi32>
          %and3A_282 = arith.constant 1 : i32
          %and3A_283 = vector.broadcast %and3A_282 : i32 to vector<16xi32>
          %and3A_284 = arith.andi %add3A_278, %and3A_283 : vector<16xi32>
          %mul3A_285 = arith.constant 786432 : i32
          %mul3A_286 = vector.broadcast %mul3A_285 : i32 to vector<16xi32>
          %mul3A_287 = arith.muli %and3A_284, %mul3A_286 : vector<16xi32>
          %add3A_288 = arith.addi %shift_right_arithmetic3A_281, %mul3A_287 : vector<16xi32>
          %mul3A_289 = arith.constant 16 : i32
          %mul3A_290 = arith.muli %scan3A_114, %mul3A_289 : i32
          %add3A_291 = arith.constant 512 : i32
          %add3A_292 = arith.addi %add3A_291, %mul3A_290 : i32
          %swap3A_293 = arith.index_cast %add3A_292 : i32 to index
          %swap3A_294 = tpu.vector_load %arg15[%swap3A_293] {strides = array<i32>} : memref<1536xi32, #tpu.memory_space<vmem>>, vector<16xi32>,
          tpu.vector_store %arg15[%swap3A_293], %add3A_288 {strides = array<i32>} : memref<1536xi32, #tpu.memory_space<vmem>>, vector<16xi32>,
          %add3A_295 = arith.constant 256 : i32
          %add3A_296 = vector.broadcast %add3A_295 : i32 to vector<16xi32>
          %add3A_297 = arith.addi %add3A_288, %add3A_296 : vector<16xi32>
          %mul3A_298 = arith.constant 16 : i32
          %mul3A_299 = arith.muli %scan3A_114, %mul3A_298 : i32
          %add3A_300 = arith.constant 640 : i32
          %add3A_301 = arith.addi %add3A_300, %mul3A_299 : i32
          %swap3A_302 = arith.index_cast %add3A_301 : i32 to index
          %swap3A_303 = tpu.vector_load %arg15[%swap3A_302] {strides = array<i32>} : memref<1536xi32, #tpu.memory_space<vmem>>, vector<16xi32>,
          tpu.vector_store %arg15[%swap3A_302], %add3A_297 {strides = array<i32>} : memref<1536xi32, #tpu.memory_space<vmem>>, vector<16xi32>,
          %mul3A_304 = arith.constant 512 : i32
          %mul3A_305 = vector.broadcast %mul3A_304 : i32 to vector<16xi32>
          %mul3A_306 = arith.muli %min3A_130, %mul3A_305 : vector<16xi32>
          %add3A_307 = arith.addi %mul3A_306, %min3A_201 : vector<16xi32>
          %broadcast_in_dim3A_308 = arith.constant 786432 : i32
          %broadcast_in_dim3A_309 = vector.broadcast %broadcast_in_dim3A_308 : i32 to vector<16xi32>
          %add3A_310 = arith.addi %add3A_307, %broadcast_in_dim3A_309 : vector<16xi32>
          %shift_right_arithmetic3A_311 = arith.constant 1 : i32
          %shift_right_arithmetic3A_312 = vector.broadcast %shift_right_arithmetic3A_311 : i32 to vector<16xi32>
          %shift_right_arithmetic3A_313 = arith.shrsi %add3A_310, %shift_right_arithmetic3A_312 : vector<16xi32>
          %and3A_314 = arith.constant 1 : i32
          %and3A_315 = vector.broadcast %and3A_314 : i32 to vector<16xi32>
          %and3A_316 = arith.andi %add3A_310, %and3A_315 : vector<16xi32>
          %mul3A_317 = arith.constant 786432 : i32
          %mul3A_318 = vector.broadcast %mul3A_317 : i32 to vector<16xi32>
          %mul3A_319 = arith.muli %and3A_316, %mul3A_318 : vector<16xi32>
          %add3A_320 = arith.addi %shift_right_arithmetic3A_313, %mul3A_319 : vector<16xi32>
          %mul3A_321 = arith.constant 16 : i32
          %mul3A_322 = arith.muli %scan3A_114, %mul3A_321 : i32
          %add3A_323 = arith.constant 768 : i32
          %add3A_324 = arith.addi %add3A_323, %mul3A_322 : i32
          %swap3A_325 = arith.index_cast %add3A_324 : i32 to index
          %swap3A_326 = tpu.vector_load %arg15[%swap3A_325] {strides = array<i32>} : memref<1536xi32, #tpu.memory_space<vmem>>, vector<16xi32>,
          tpu.vector_store %arg15[%swap3A_325], %add3A_320 {strides = array<i32>} : memref<1536xi32, #tpu.memory_space<vmem>>, vector<16xi32>,
          %add3A_327 = arith.constant 256 : i32
          %add3A_328 = vector.broadcast %add3A_327 : i32 to vector<16xi32>
          %add3A_329 = arith.addi %add3A_320, %add3A_328 : vector<16xi32>
          %mul3A_330 = arith.constant 16 : i32
          %mul3A_331 = arith.muli %scan3A_114, %mul3A_330 : i32
          %add3A_332 = arith.constant 896 : i32
          %add3A_333 = arith.addi %add3A_332, %mul3A_331 : i32
          %swap3A_334 = arith.index_cast %add3A_333 : i32 to index
          %swap3A_335 = tpu.vector_load %arg15[%swap3A_334] {strides = array<i32>} : memref<1536xi32, #tpu.memory_space<vmem>>, vector<16xi32>,
          tpu.vector_store %arg15[%swap3A_334], %add3A_329 {strides = array<i32>} : memref<1536xi32, #tpu.memory_space<vmem>>, vector<16xi32>,
          %mul3A_336 = arith.constant 512 : i32
          %mul3A_337 = vector.broadcast %mul3A_336 : i32 to vector<16xi32>
          %mul3A_338 = arith.muli %min3A_153, %mul3A_337 : vector<16xi32>
          %add3A_339 = arith.addi %mul3A_338, %min3A_177 : vector<16xi32>
          %broadcast_in_dim3A_340 = arith.constant 1048576 : i32
          %broadcast_in_dim3A_341 = vector.broadcast %broadcast_in_dim3A_340 : i32 to vector<16xi32>
          %add3A_342 = arith.addi %add3A_339, %broadcast_in_dim3A_341 : vector<16xi32>
          %shift_right_arithmetic3A_343 = arith.constant 1 : i32
          %shift_right_arithmetic3A_344 = vector.broadcast %shift_right_arithmetic3A_343 : i32 to vector<16xi32>
          %shift_right_arithmetic3A_345 = arith.shrsi %add3A_342, %shift_right_arithmetic3A_344 : vector<16xi32>
          %and3A_346 = arith.constant 1 : i32
          %and3A_347 = vector.broadcast %and3A_346 : i32 to vector<16xi32>
          %and3A_348 = arith.andi %add3A_342, %and3A_347 : vector<16xi32>
          %mul3A_349 = arith.constant 786432 : i32
          %mul3A_350 = vector.broadcast %mul3A_349 : i32 to vector<16xi32>
          %mul3A_351 = arith.muli %and3A_348, %mul3A_350 : vector<16xi32>
          %add3A_352 = arith.addi %shift_right_arithmetic3A_345, %mul3A_351 : vector<16xi32>
          %mul3A_353 = arith.constant 16 : i32
          %mul3A_354 = arith.muli %scan3A_114, %mul3A_353 : i32
          %add3A_355 = arith.constant 1024 : i32
          %add3A_356 = arith.addi %add3A_355, %mul3A_354 : i32
          %swap3A_357 = arith.index_cast %add3A_356 : i32 to index
          %swap3A_358 = tpu.vector_load %arg15[%swap3A_357] {strides = array<i32>} : memref<1536xi32, #tpu.memory_space<vmem>>, vector<16xi32>,
          tpu.vector_store %arg15[%swap3A_357], %add3A_352 {strides = array<i32>} : memref<1536xi32, #tpu.memory_space<vmem>>, vector<16xi32>,
          %add3A_359 = arith.constant 256 : i32
          %add3A_360 = vector.broadcast %add3A_359 : i32 to vector<16xi32>
          %add3A_361 = arith.addi %add3A_352, %add3A_360 : vector<16xi32>
          %mul3A_362 = arith.constant 16 : i32
          %mul3A_363 = arith.muli %scan3A_114, %mul3A_362 : i32
          %add3A_364 = arith.constant 1152 : i32
          %add3A_365 = arith.addi %add3A_364, %mul3A_363 : i32
          %swap3A_366 = arith.index_cast %add3A_365 : i32 to index
          %swap3A_367 = tpu.vector_load %arg15[%swap3A_366] {strides = array<i32>} : memref<1536xi32, #tpu.memory_space<vmem>>, vector<16xi32>,
          tpu.vector_store %arg15[%swap3A_366], %add3A_361 {strides = array<i32>} : memref<1536xi32, #tpu.memory_space<vmem>>, vector<16xi32>,
          %mul3A_368 = arith.constant 512 : i32
          %mul3A_369 = vector.broadcast %mul3A_368 : i32 to vector<16xi32>
          %mul3A_370 = arith.muli %min3A_153, %mul3A_369 : vector<16xi32>
          %add3A_371 = arith.addi %mul3A_370, %min3A_201 : vector<16xi32>
          %broadcast_in_dim3A_372 = arith.constant 1310720 : i32
          %broadcast_in_dim3A_373 = vector.broadcast %broadcast_in_dim3A_372 : i32 to vector<16xi32>
          %add3A_374 = arith.addi %add3A_371, %broadcast_in_dim3A_373 : vector<16xi32>
          %shift_right_arithmetic3A_375 = arith.constant 1 : i32
          %shift_right_arithmetic3A_376 = vector.broadcast %shift_right_arithmetic3A_375 : i32 to vector<16xi32>
          %shift_right_arithmetic3A_377 = arith.shrsi %add3A_374, %shift_right_arithmetic3A_376 : vector<16xi32>
          %and3A_378 = arith.constant 1 : i32
          %and3A_379 = vector.broadcast %and3A_378 : i32 to vector<16xi32>
          %and3A_380 = arith.andi %add3A_374, %and3A_379 : vector<16xi32>
          %mul3A_381 = arith.constant 786432 : i32
          %mul3A_382 = vector.broadcast %mul3A_381 : i32 to vector<16xi32>
          %mul3A_383 = arith.muli %and3A_380, %mul3A_382 : vector<16xi32>
          %add3A_384 = arith.addi %shift_right_arithmetic3A_377, %mul3A_383 : vector<16xi32>
          %mul3A_385 = arith.constant 16 : i32
          %mul3A_386 = arith.muli %scan3A_114, %mul3A_385 : i32
          %add3A_387 = arith.constant 1280 : i32
          %add3A_388 = arith.addi %add3A_387, %mul3A_386 : i32
          %swap3A_389 = arith.index_cast %add3A_388 : i32 to index
          %swap3A_390 = tpu.vector_load %arg15[%swap3A_389] {strides = array<i32>} : memref<1536xi32, #tpu.memory_space<vmem>>, vector<16xi32>,
          tpu.vector_store %arg15[%swap3A_389], %add3A_384 {strides = array<i32>} : memref<1536xi32, #tpu.memory_space<vmem>>, vector<16xi32>,
          %add3A_391 = arith.constant 256 : i32
          %add3A_392 = vector.broadcast %add3A_391 : i32 to vector<16xi32>
          %add3A_393 = arith.addi %add3A_384, %add3A_392 : vector<16xi32>
          %mul3A_394 = arith.constant 16 : i32
          %mul3A_395 = arith.muli %scan3A_114, %mul3A_394 : i32
          %add3A_396 = arith.constant 1408 : i32
          %add3A_397 = arith.addi %add3A_396, %mul3A_395 : i32
          %swap3A_398 = arith.index_cast %add3A_397 : i32 to index
          %swap3A_399 = tpu.vector_load %arg15[%swap3A_398] {strides = array<i32>} : memref<1536xi32, #tpu.memory_space<vmem>>, vector<16xi32>,
          tpu.vector_store %arg15[%swap3A_398], %add3A_393 {strides = array<i32>} : memref<1536xi32, #tpu.memory_space<vmem>>, vector<16xi32>,
        }
        %scan3A_110 = arith.constant 8 : i32
        %dma_start3A_111 = arith.constant 0 : i32
        %dma_start3A_112 = arith.constant 0 : i32
        %dma_start3A_113 = tpu.memref_slice %arg3[%dma_start3A_111, %dma_start3A_112] : memref<1572864x16xf32, #tpu.memory_space<hbm>> -> memref<1572864x16xf32, #tpu.memory_space<hbm>>
        tpu.enqueue_indirect_dma source(%dma_start3A_113 : memref<1572864x16xf32, #tpu.memory_space<hbm>>) target(%arg16 : memref<1536x16xf32, #tpu.memory_space<vmem>>) offsets(%arg15 : memref<1536xi32, #tpu.memory_space<vmem>>) semaphore(%arg17 : memref<!tpu.dma_semaphore, #tpu.memory_space<semaphore_mem>>)
      } else {
      }
    }
    %scan3A_54 = arith.constant 64 : i32
    return
  }
}

</mosaic_0001>

<sc_bundles>
// kernel: kernel.3.cloned.1.call-start
scs
__scs_entry_jumppad:
0x0: {  	(pc) =	sbr.rel $0x88, $3  }
0x1: {  	(tag) =	ssettag $0x0;
	lr =	simm.s32 $0x1  }
0x2: {  	[smem:$0x3F98] =	sst lr;
	_ =	strace $0xD0000000  }
0x3: {  	_ = 	snop  }
0x4: {  	_ = 	snop  }
0x5: {  	_ = 	snop  }
0x6: {  	_ = 	snop  }
0x7: {  	_ = 	snop  }
__scs_overlays_trampoline_lowered:
0x8: {  	[smem:$0x3FA7] =	sst s0  }
0x9: {  	[smem:$0x3FA8] =	sst s1  }
0xa: {  	[smem:$0x3FA9] =	sst s2  }
0xb: {  	[smem:$0x3FAA] =	sst s3  }
0xc: {  	[smem:$0x3FAB] =	sst s4  }
0xd: {  	[smem:$0x3FAC] =	sst s5  }
0xe: {  	[smem:$0x3FAD] =	sst s6  }
0xf: {  	[smem:$0x3FAE] =	sst s7  }
0x10: {  	[smem:$0x3FAF] =	sst s8  }
0x11: {  	[smem:$0x3FB0] =	sst s9;
	s0 =	simm.s32 @!p0 $0x0  }
0x12: {  	s1 =	sld [smem:$0x3F96];
	s0 =	simm.s32 @p0 $0x1  }
0x13: {  	[smem:$0x3FB1] =	sst s0;
	s0 =	simm.s32 @!p1 $0x0  }
0x14: {  	s2 =	sld [smem:$0x3F95];
	s0 =	simm.s32 @p1 $0x1  }
0x15: {  	[smem:$0x3FB2] =	sst s0;
	s0 =	simm.s32 @!p2 $0x0  }
0x16: {  	s3 =	sld [smem:$0x3FDB];
	s0 =	simm.s32 @p2 $0x1  }
0x17: {  	s4 =	simm.s32 $0x1BF5;
	[smem:$0x3FB4] =	sst s0  }
0x18: {  	s0 =	sld [smem:$0x3F97];
	_ =	swait.ge [sflag:s4], $0x0  }
0x19: {  	s7 =	sld [smem:$0x3F98]  }
0x1a: {  	s8 =	sadd.s32 $0xFFFFE003, lr  }
0x1b: {  	s9 =	sadd.s32 $0xFFFFFEF7, lr;
	s5 =	simm.s32 $0xFFFFFFFF;
	p2 =	slt.u32 s8, $0xFFFFF086  }
0x1c: {  	p1 =	slt.u32 s9, $0xF7A;
	s5 =	simm.s32 @!p2 $0x0  }
0x1d: {  	s5 =	simm.s32 @p1 $0x1;
	p0 =	seq.s32 s7, s2  }
0x1e: {  	s7 =	smul.u32 @!p0 $0xF7A, s2;
	p2 =	seq.s32 @!p0 s5, $0x0  }
0x1f: {  	s9 =	smul.u32 $0xF7A, s1;
	s8 =	simm.s32 @!p0 $0x1BF5;
	p2 =	por !p2, p0  }
0x20: {  	[sflag:s8] =	ssyncset.s32 @!p0 $0xFFFFF086;
	s6 =	sadd.s32 @!p0 s3, s7;
	s7 =	simm.s32 @!p0 $0x108  }
0x21: {  	s3 =	sadd.s32 s3, s9;
	s6 =	sadd.s32 @!p0 $0x88, s6;
	s7 =	simm.s32 @p2 $0x1082  }
0x22: {  	[simem:s7], [sflag:s8] =	dma.local @!p0 [hbm:s6], $0xF7A  }
0x23: {  	s9 =	sor.u32 $0xD0000000, s2;
	s6 =	simm.s32 $0x108;
	_ =	swait.ge @!p0 [sflag:s8], $0x0  }
0x24: {  	s3 =	sadd.s32 $0x88, s3;
	s6 =	simm.s32 @!p1 $0x1082;
	[sflag:s4] =	ssyncset.s32 $0xFFFFF086  }
0x25: {  	[simem:s6], [sflag:s4] =	dma.local [hbm:s3], $0xF7A  }
0x26: {  	[smem:$0x3F98] =	sst s1;
	(tag) =	ssettag s2;
	_ =	strace s9  }
0x27: {  	s1 =	sld [smem:$0x3FA8]  }
0x28: {  	s2 =	sld [smem:$0x3FA9]  }
0x29: {  	s4 =	sld [smem:$0x3FAB]  }
0x2a: {  	p0 =	seq.s32 s5, $0x0;
	s5 =	sld [smem:$0x3FAC]  }
0x2b: {  	s6 =	sld [smem:$0x3FAD]  }
0x2c: {  	s7 =	sld [smem:$0x3FAE]  }
0x2d: {  	s3 =	simm.s32 $0x108;
	s8 =	sld [smem:$0x3FAF]  }
0x2e: {  	s3 =	simm.s32 @!p0 $0x1082;
	s9 =	sld [smem:$0x3FB0]  }
0x2f: {  	lr =	sadd.s32 s0, s3;
	s0 =	sld [smem:$0x3FA7]  }
0x30: {  	s3 =	sld [smem:$0x3FAA]  }
0x31: {  	[smem:$0x3FB3] =	sst s10  }
0x32: {  	s10 =	sld [smem:$0x3FB1];
	_ =	sdelay $0x3  }
0x33: {  	p0 =	seq.s32 s10, $0x1;
	s10 =	sld [smem:$0x3FB3];
	_ =	sdelay $0x3  }
0x34: {  	[smem:$0x3FB3] =	sst s10  }
0x35: {  	s10 =	sld [smem:$0x3FB2];
	_ =	sdelay $0x3  }
0x36: {  	p1 =	seq.s32 s10, $0x1;
	s10 =	sld [smem:$0x3FB3];
	_ =	sdelay $0x3  }
0x37: {  	[smem:$0x3FB3] =	sst s10  }
0x38: {  	s10 =	sld [smem:$0x3FB4]  }
0x39: {  	_ = 	snop;
	(pc) =	sbr.ind lr, $3  }
0x3a: {  	_ = 	snop  }
0x3b: {  	_ = 	snop  }
0x3c: {  	p2 =	seq.s32 s10, $0x1;
	s10 =	sld [smem:$0x3FB3]  }
0x3d: {  	_ =	shalt  }
0x3e: {  	_ =	shalt  }
0x3f: {  	_ =	shalt  }
0x40: {  	_ =	shalt  }
0x41: {  	_ =	shalt  }
0x42: {  	_ =	shalt  }
0x43: {  	_ =	shalt  }
0x44: {  	_ =	shalt  }
0x45: {  	_ =	shalt  }
0x46: {  	_ =	shalt  }
0x47: {  	_ =	shalt  }
0x48: {  	_ =	shalt  }
0x49: {  	_ =	shalt  }
0x4a: {  	_ =	shalt  }
0x4b: {  	_ =	shalt  }
0x4c: {  	_ =	shalt  }
0x4d: {  	_ =	shalt  }
0x4e: {  	_ =	shalt  }
0x4f: {  	_ =	shalt  }
0x50: {  	_ =	shalt  }
0x51: {  	_ =	shalt  }
0x52: {  	_ =	shalt  }
0x53: {  	_ =	shalt  }
0x54: {  	_ =	shalt  }
0x55: {  	_ =	shalt  }
0x56: {  	_ =	shalt  }
0x57: {  	_ =	shalt  }
0x58: {  	_ =	shalt  }
0x59: {  	_ =	shalt  }
0x5a: {  	_ =	shalt  }
0x5b: {  	_ =	shalt  }
0x5c: {  	_ =	shalt  }
0x5d: {  	_ =	shalt  }
0x5e: {  	_ =	shalt  }
0x5f: {  	_ =	shalt  }
0x60: {  	_ =	shalt  }
0x61: {  	_ =	shalt  }
0x62: {  	_ =	shalt  }
0x63: {  	_ =	shalt  }
0x64: {  	_ =	shalt  }
0x65: {  	_ =	shalt  }
0x66: {  	_ =	shalt  }
0x67: {  	_ =	shalt  }
0x68: {  	_ =	shalt  }
0x69: {  	_ =	shalt  }
0x6a: {  	_ =	shalt  }
0x6b: {  	_ =	shalt  }
0x6c: {  	_ =	shalt  }
0x6d: {  	_ =	shalt  }
0x6e: {  	_ =	shalt  }
0x6f: {  	_ =	shalt  }
0x70: {  	_ =	shalt  }
0x71: {  	_ =	shalt  }
0x72: {  	_ =	shalt  }
0x73: {  	_ =	shalt  }
0x74: {  	_ =	shalt  }
0x75: {  	_ =	shalt  }
0x76: {  	_ =	shalt  }
0x77: {  	_ =	shalt  }
0x78: {  	_ =	shalt  }
0x79: {  	_ =	shalt  }
0x7a: {  	_ =	shalt  }
0x7b: {  	_ =	shalt  }
0x7c: {  	_ =	shalt  }
0x7d: {  	_ =	shalt  }
0x7e: {  	_ =	shalt  }
0x7f: {  	_ =	shalt  }
0x80: {  	_ =	shalt  }
0x81: {  	_ =	shalt  }
0x82: {  	_ =	shalt  }
0x83: {  	_ =	shalt  }
0x84: {  	_ =	shalt  }
0x85: {  	_ =	shalt  }
0x86: {  	_ =	shalt  }
0x87: {  	_ =	shalt  }
.Lfunc_end0:
.L_simem_size_0:
called_computation.1_lowered:
.L_overlay_start_0:
0x88: {  	s2 =	sld [smem:$0x3FD9]  }
0x89: {  	s3 =	sld [smem:$0x3FFE];
	_ =	sdelay $0x1  }
0x8a: {  	s1 =	srdreg.scid  }
0x8b: {  	s0 =	sand.u32 $0x1, s1  }
0x8c: {  	s17 =	sshll.u32 s0, $0xA;
	s2 =	sadd.s32 s3, s2  }
0x8d: {  	s2 =	sadd.s32 s2, s17  }
0x8e: {  	[smem:$0x3FBF] =	sst s2  }
0x8f: {  	_ = 	snop  }
0x90: {  	s2 =	sld [smem:$0x3FD0];
	(tm) =	ssettm $0x1  }
0x91: {  	s18 =	sld [smem:$0x3FFB];
	_ =	sdelay $0x3  }
0x92: {  	_ =	strace s18  }
0x93: {  	s3 =	sld [smem:$0x3FFC];
	_ =	sdelay $0x3  }
0x94: {  	_ =	strace s3  }
0x95: {  	s3 =	sld [smem:$0x3FFD];
	_ =	sdelay $0x3  }
0x96: {  	_ =	strace s3  }
0x97: {  	_ =	strace $0x8FFFFFFF  }
0x98: {  	s19 =	sld [smem:$0x3FDB];
	_ =	sdelay $0x1  }
0x99: {  	s4 =	simm.s32 $_scs_section_size  }
0x9a: {  	s5 =	simm.s32 $_size__tile_overlayer_lowered;
	s6 =	simm.s32 $_tile_overlayer_lowered  }
0x9b: {  	s22 =	simm.s32 $0x1BFF;
	s21 =	sshll.u32 s6, $0x1;
	s3 =	sadd.s32 s4, s19  }
0x9c: {  	s7 =	simm.s32 $0x0;
	s20 =	sshll.u32 s5, $0x1;
	s5 =	sadd.s32 s21, s3  }
0x9d: {  	[timem:s7], [sflag:s22] =	dma.local [hbm:s5], s20  }
0x9e: {  	_ =	swait.ge [sflag:s22], s20  }
0x9f: {  	s4 =	ssub.s32 $0x0, s20;
	[sflag:s22] =	ssyncset.done $0x0  }
0xa0: {  	[sflag:s22] =	ssyncadd.s32 s4;
	_ =	sdelay $0x1  }
0xa1: {  	s23 =	simm.s32 $0x1B8B  }
0xa2: {  	_ =	swait.ge [sflag:s23], $0x1  }
0xa3: {  	[sflag:s23] =	ssyncset.done $0x0  }
0xa4: {  	s25 =	simm.s32 $0x1B8E;
	s24 =	sld [smem:$0x3FFE];
	[sflag:s23] =	ssyncadd.s32 $0xFFFFFFFF  }
0xa5: {  	s26 =	simm.s32 $execute0_lowered;
	[smem:$0x3FD2] =	sst s25  }
0xa6: {  	s5 =	sshll.u32 s26, $0x1;
	_ =	strace $0x80000046;
	[dreg:$0x1] =	wrdreg $0xFFFFFFFF  }
0xa7: {  	s28 =	simm.s32 $_size_execute0_lowered;
	s3 =	sadd.s32 s3, s5;
	[dreg:$0x0] =	wrdreg $0x0  }
0xa8: {  	s5 =	sshll.u32 s28, $0x1;
	[dreg:$0x2] =	wrdreg s3  }
0xa9: {  	[dreg:$0x3] =	wrdreg s5  }
0xaa: {  	[dreg:$0x4] =	wrdreg $0xC0  }
0xab: {  	_ =	task [dreg:s7], $0x5FFFF  }
0xac: {  	[dreg:$0x1] =	wrdreg $0xFFFFFFFF  }
0xad: {  	[dreg:$0x0] =	wrdreg $0x60  }
0xae: {  	[dreg:$0x2] =	wrdreg s24  }
0xaf: {  	[dreg:$0x3] =	wrdreg s2  }
0xb0: {  	[dreg:$0x4] =	wrdreg $0x9  }
0xb1: {  	_ =	task.clear_ibuf [dreg:s7], $0x5FFFF;
	_ =	strace $0x90000046  }
0xb2: {  	s29 =	simm.s32 $0x9;
	_ =	strace $0x80000048  }
0xb3: {  	_ =	swait.ge [sflag:s29], $0x1  }
0xb4: {  	[sflag:s29] =	ssyncadd.s32 $0xFFFFFFFF  }
0xb5: {  	_ =	strace $0x90000048  }
0xb6: {  	_ =	sfence  }
0xb7: {  	s30 =	sld [smem:$0x0];
	_ =	sdelay $0x2  }
0xb8: {  	s31 =	sshll.u32 s1, $0xD;
	s1 =	sshrl.u32 s1, $0x2  }
0xb9: {  	s3 =	sand.u32 $0x4000, s31;
	s1 =	sadd.s32 s1, s30  }
0xba: {  	s0 =	sor.u32 s3, s0;
	s1 =	sshll.u32 s1, $0x11  }
0xbb: {  	s0 =	sor.u32 s1, s0  }
0xbc: {  	s0 =	sadd.s32 $0x8F2B, s0  }
0xbd: {  	[sflag:s0] =	ssyncadd.remote.s32 $0x1  }
0xbe: {  	_ =	sfence.sel $0xFFFF  }
0xbf: {  	[dreg:$0x0] =	wrdreg $0xFFFFFFFF;
	(pc) =	sbr.abs _section_cstart, $3  }
0xc0: {  	[dreg:$0x1] =	wrdreg $0xFFFFFFFF  }
0xc1: {  	_ =	task.clear_ibuf [dreg:s7], $0x2FFFF;
	_ =	strace $0x9FFFFFFF  }
0xc2: {  	(tm) =	ssettm $0x7FFFFFFF  }
0xc3: {  	_ =	shalt  }
tec
execute0_lowered:
.L_overlay_start_1:
0x0: {  	(tag) =	ssettag $0x1  }
0x1: {  	s5 =	rddreg [dreg:$0x0]  }
0x2: {  	s2 =	rddreg [dreg:$0x1];
	s4 =	srdreg.scid  }
0x3: {  	s1 =	stileid.u32;
	s3 =	simm.s32 $0x0;
	s12 =	simm.s32 $0x3  }
0x4: {  	s13 =	simm.s32 $0x1810;
	s14 =	simm.s32 $0x600;
	s15 =	simm.s32 $0x1C10  }
0x5: {  	s16 =	simm.s32 $0x2210;
	s17 =	simm.s32 $0x8210;
	s18 =	simm.s32 $0x8610  }
0x6: {  	s19 =	simm.s32 $0x8C10;
	s20 =	simm.s32 $0x1;
	s21 =	simm.s32 $0x10  }
0x7: {  	s22 =	simm.s32 $0x2;
	s6 =	sand.u32 $0x1, s4;
	s31 =	sshll.u32 s1, $0x1  }
0x8: {  	v0 =	vlaneseq.u32;
	s23 =	simm.s32 $0x0;
	[smem:$0x7FF] =	sst s3;
	s7 =	sor.u32 s6, s31  }
.Ltmp0:
0x9: {  	v1 =	vmul.u32 $0x10, v0;
	_ =	strace $0x80000047;
	s8 =	ssub.s32 $0x2, s6;
	(pc) =	sbr.rel .LBB2_1-.Ltmp0, $4  }
0xa: {  	s4 =	sshll.u32 s7, $0xD;
	s9 =	sshrl.u32 s8, $0x1;
	s6 =	sshll.u32 s7, $0xE  }
0xb: {  	v4 =	vor.u32 $0x5800, v1;
	v5 =	vor.u32 $0x5000, v1;
	v6 =	vor.u32 $0x4800, v1;
	s10 =	sadd.s32 s4, s5;
	s4 =	sadd.s32 $0x6400, s5;
	s5 =	sadd.s32 $0x6600, s5  }
0xc: {  	v3 =	vimm.s32 $0x0;
	v7 =	vor.u32 $0x4000, v1;
	v8 =	vor.u32 $0x3800, v1;
	s11 =	ssub.s32 s8, s9;
	s7 =	sadd.s32 $0x686400, s10;
	s8 =	sadd.s32 $0x686440, s10  }
0xd: {  	v2 =	vmul.u32 $0x4, v0;
	v9 =	vor.u32 $0x3000, v1;
	v10 =	vor.u32 $0x2800, v1;
	s9 =	sadd.s32 $0x686480, s10;
	s10 =	sadd.s32 $0x6864C0, s10;
	s11 =	smax.u32 s11, $0x1  }
.LBB2_18:
0xe: {  	s23 =	sadd.s32 $0x1, s23  }
0xf: {  	p0 =	sne.s32 s23, s11  }
.Ltmp1:
0x10: {  	_ = 	snop;
	(pc) =	sbr.rel @!p0 .LBB2_19-.Ltmp1, $1  }
0x11: {  	_ =	sdelay $0x3  }
.LBB2_1:
0x12: {  	[tilespmem:s3], [sflag:$0x3] =	stream.linear.gather [hbm4b:s4+s3], $0x10, $0x38;
	[tilespmem:$0xEC10] =	vst v63  }
0x13: {  	v11 =	vmov s3;
	_ =	swait.ge [sflag:s12], $0x10  }
0x14: {  	v11 =	vshll.u32 v11, $0x2;
	[sflag:s12] =	ssyncset.done $0x0  }
0x15: {  	v17 =	vor.u32 v2, v11;
	[sflag:s12] =	ssyncadd.s32 $0xFFFFFFF0  }
0x16: {  	v18 =	vld [tilespmem:$0x0];
	[tilespmem:s13], [sflag:$0x3] =	stream.linear.gather [hbm4b:s7+s3], $0x200, $0x38  }
0x17: {  	_ =	swait.ge [sflag:s12], $0x200  }
0x18: {  	[sflag:s12] =	ssyncset.done $0x0  }
0x19: {  	[sflag:s12] =	ssyncadd.s32 $0xFFFFFE00  }
0x1a: {  	v13 =	vld.idx.msk [tilespmem:v17+s13+$0x0], $0xffff;
	_ =	sdelay $0x2  }
0x1b: {  	v11 =	vbroadcast v18, $0x0;
	_ =	sdelay $0x1  }
0x1c: {  	v12 =	vbroadcast v18, $0x4;
	v13 =	vsub.f32 v13, v11;
	_ =	sdelay $0x1  }
0x1d: {  	v13 =	vmul.f32 v13, v12;
	_ =	sdelay $0x1  }
0x1e: {  	v14 =	vtrunc.f32 v13  }
0x1f: {  	v14 =	vcvt.f32.s32 v14;
	_ =	sdelay $0x1  }
0x20: {  	vm0 =	vgt.s32 v14, $0x0  }
0x21: {  	v14 =	vnsel vm0, $0x0, v14  }
0x22: {  	v19 =	vmin.u32 v14, $0x1FE  }
0x23: {  	v15 =	vor.u32 $0x1, v17;
	v14 =	vcvt.s32.f32 v19;
	_ =	sdelay $0x1  }
0x24: {  	v13 =	vsub.f32 v13, v14  }
0x25: {  	s24 =	simm.s32 $0x1B10  }
0x26: {  	[tilespmem:s24+$0xFFFFFF00] =	vst v13  }
0x27: {  	v15 =	vld.idx.msk [tilespmem:v15+s13+$0x0], $0xffff;
	_ =	sdelay $0x2  }
0x28: {  	v13 =	vbroadcast v18, $0x1;
	_ =	sdelay $0x1  }
0x29: {  	v14 =	vbroadcast v18, $0x5;
	v15 =	vsub.f32 v15, v13;
	_ =	sdelay $0x1  }
0x2a: {  	v15 =	vmul.f32 v15, v14;
	_ =	sdelay $0x1  }
0x2b: {  	v16 =	vtrunc.f32 v15  }
0x2c: {  	v16 =	vcvt.f32.s32 v16;
	_ =	sdelay $0x1  }
0x2d: {  	vm10 =	vgt.s32 v16, $0x0  }
0x2e: {  	v16 =	vnsel vm10, $0x0, v16  }
0x2f: {  	v20 =	vmin.u32 v16, $0x1FE  }
0x30: {  	v21 =	vor.u32 $0x2, v17;
	v16 =	vcvt.s32.f32 v20;
	_ =	sdelay $0x1  }
0x31: {  	v15 =	vsub.f32 v15, v16;
	_ =	sdelay $0x1  }
0x32: {  	[tilespmem:s24+$0xFFFFFF80] =	vst v15  }
0x33: {  	v21 =	vld.idx.msk [tilespmem:v21+s13+$0x0], $0xffff;
	_ =	sdelay $0x2  }
0x34: {  	v15 =	vbroadcast v18, $0x2;
	_ =	sdelay $0x1  }
0x35: {  	v16 =	vbroadcast v18, $0x6;
	v21 =	vsub.f32 v21, v15;
	_ =	sdelay $0x1  }
0x36: {  	v21 =	vmul.f32 v21, v16;
	_ =	sdelay $0x1  }
0x37: {  	v22 =	vtrunc.f32 v21  }
0x38: {  	v22 =	vcvt.f32.s32 v22;
	_ =	sdelay $0x1  }
0x39: {  	vm11 =	vgt.s32 v22, $0x0  }
0x3a: {  	v22 =	vnsel vm11, $0x0, v22  }
0x3b: {  	v23 =	vmin.u32 v22, $0x1FE  }
0x3c: {  	v17 =	vor.u32 $0x3, v17;
	v22 =	vcvt.s32.f32 v23;
	_ =	sdelay $0x1  }
0x3d: {  	v21 =	vsub.f32 v21, v22;
	_ =	sdelay $0x1  }
0x3e: {  	[tilespmem:s24+$0x0] =	vst v21  }
0x3f: {  	v21 =	vld.idx.msk [tilespmem:v17+s13+$0x0], $0xffff;
	_ =	sdelay $0x2  }
0x40: {  	v17 =	vbroadcast v18, $0x3;
	_ =	sdelay $0x1  }
0x41: {  	v18 =	vbroadcast v18, $0x7;
	v21 =	vsub.f32 v21, v17  }
0x42: {  	v25 =	vshll.u32 v19, $0x9  }
0x43: {  	v26 =	vshll.u32 v20, $0x9;
	v19 =	vand.u32 $0x1, v23;
	v24 =	vmul.f32 v21, v18  }
0x44: {  	v27 =	vor.u32 v25, v23;
	vm13 =	veq.s32 v19, $0x1;
	v22 =	vand.u32 $0x1, v20  }
0x45: {  	v19 =	vor.u32 v25, v20;
	vm12 =	veq.s32 v22, $0x1;
	v28 =	vtrunc.f32 v24  }
0x46: {  	v19 =	vshrl.u32 v19, $0x1;
	v22 =	vsel vm12, $0xC0000, v3;
	v28 =	vcvt.f32.s32 v28  }
0x47: {  	v27 =	vshrl.u32 v27, $0x1;
	v22 =	vor.u32 v22, v19;
	v21 =	vor.u32 v26, v23  }
0x48: {  	v20 =	vshrl.u32 v21, $0x1;
	v21 =	vsel vm13, $0xC0000, v3;
	vm14 =	vgt.s32 v28, $0x0  }
0x49: {  	v20 =	vor.u32 v20, v21;
	v19 =	vor.u32 v27, v21;
	v27 =	vnsel vm14, $0x0, v28  }
0x4a: {  	v23 =	vshll.u32 v23, $0x9;
	v21 =	vadd.s32 $0x80000, v20;
	v27 =	vmin.u32 v27, $0x1FE  }
0x4b: {  	v28 =	vcvt.s32.f32 v27;
	v23 =	vor.u32 v23, v27;
	v29 =	vand.u32 $0x1, v27  }
0x4c: {  	v26 =	vor.u32 v26, v27;
	vm15 =	veq.s32 v29, $0x1;
	v29 =	vor.u32 v25, v27  }
0x4d: {  	v23 =	vshrl.u32 v23, $0x1;
	v24 =	vsub.f32 v24, v28;
	v25 =	vsel vm15, $0xC0000, v3  }
0x4e: {  	v27 =	vshrl.u32 v26, $0x1;
	v29 =	vshrl.u32 v29, $0x1;
	v28 =	vor.u32 v25, v23  }
0x4f: {  	s25 =	simm.s32 $0x1F10;
	s26 =	simm.s32 $0x10;
	s28 =	simm.s32 $0x1F10;
	v26 =	vor.u32 v29, v25;
	[tilespmem:s24+$0x80] =	vst v24;
	v23 =	vor.u32 $0x20000, v28;
	v24 =	vadd.s32 $0x20100, v28  }
.LBB2_2:
0x50: {  	p0 =	sne.s32 s26, $0x70;
	[tilespmem:s25+$0xFFFFFD00] =	vst v22;
	v22 =	vadd.s32 $0x100, v22;
	v25 =	vor.u32 v27, v25;
	s28 =	sadd.s32 $0x10, s28;
	s24 =	sadd.s32 $0x10, s24  }
0x51: {  	v27 =	vadd.s32 $0x60000, v26;
	v26 =	vadd.s32 $0x60100, v26;
	s29 =	smov.u32 s26;
	s26 =	sadd.s32 $0x10, s26;
	[tilespmem:s25+$0x100] =	vst v21;
	v21 =	vadd.s32 $0xA0000, v25  }
0x52: {  	v20 =	vadd.s32 $0x80100, v20;
	[tilespmem:s25+$0xFFFFFD80] =	vst v22;
	v22 =	vadd.s32 $0xA0100, v25  }
0x53: {  	v25 =	vadd.s32 $0x40100, v19;
	[tilespmem:s25+$0x180] =	vst v20  }
0x54: {  	v19 =	vadd.s32 $0x40000, v19;
	[tilespmem:s25+$0xFFFFFF80] =	vst v25  }
0x55: {  	v20 =	vmov s29;
	[tilespmem:s25+$0xFFFFFF00] =	vst v19  }
0x56: {  	v19 =	vshll.u32 v20, $0x2;
	[tilespmem:s25+$0xFFFFFE80] =	vst v24  }
0x57: {  	v19 =	vor.u32 v2, v19;
	[tilespmem:s25+$0xFFFFFE00] =	vst v23  }
0x58: {  	[tilespmem:s25+$0x0] =	vst v27  }
0x59: {  	[tilespmem:s25+$0x200] =	vst v21  }
0x5a: {  	[tilespmem:s25+$0x280] =	vst v22  }
0x5b: {  	[tilespmem:s25+$0x80] =	vst v26;
	s25 =	smov.u32 s28  }
0x5c: {  	v20 =	vld.idx.msk [tilespmem:v19+s13+$0x0], $0xffff;
	_ =	sdelay $0x5  }
0x5d: {  	v20 =	vsub.f32 v20, v11;
	_ =	sdelay $0x1  }
0x5e: {  	v20 =	vmul.f32 v20, v12;
	_ =	sdelay $0x1  }
0x5f: {  	v21 =	vtrunc.f32 v20  }
0x60: {  	v21 =	vcvt.f32.s32 v21;
	_ =	sdelay $0x1  }
0x61: {  	vm0 =	vgt.s32 v21, $0x0  }
0x62: {  	v21 =	vnsel vm0, $0x0, v21  }
0x63: {  	v21 =	vmin.u32 v21, $0x1FE  }
0x64: {  	v23 =	vor.u32 $0x1, v19;
	v22 =	vcvt.s32.f32 v21;
	_ =	sdelay $0x1  }
0x65: {  	v20 =	vsub.f32 v20, v22;
	_ =	sdelay $0x1  }
0x66: {  	[tilespmem:s24+$0xFFFFFF00] =	vst v20  }
0x67: {  	v20 =	vld.idx.msk [tilespmem:v23+s13+$0x0], $0xffff;
	_ =	sdelay $0x5  }
0x68: {  	v20 =	vsub.f32 v20, v13;
	_ =	sdelay $0x1  }
0x69: {  	v20 =	vmul.f32 v20, v14;
	_ =	sdelay $0x1  }
0x6a: {  	v22 =	vtrunc.f32 v20  }
0x6b: {  	v22 =	vcvt.f32.s32 v22;
	_ =	sdelay $0x1  }
0x6c: {  	vm0 =	vgt.s32 v22, $0x0  }
0x6d: {  	v22 =	vnsel vm0, $0x0, v22  }
0x6e: {  	v22 =	vmin.u32 v22, $0x1FE  }
0x6f: {  	v24 =	vor.u32 $0x2, v19;
	v23 =	vcvt.s32.f32 v22;
	v25 =	vand.u32 $0x1, v22  }
0x70: {  	vm0 =	veq.s32 v25, $0x1  }
0x71: {  	v20 =	vsub.f32 v20, v23;
	v23 =	vsel vm0, $0xC0000, v3;
	_ =	sdelay $0x1  }
0x72: {  	[tilespmem:s24+$0xFFFFFF80] =	vst v20  }
0x73: {  	v20 =	vld.idx.msk [tilespmem:v24+s13+$0x0], $0xffff;
	_ =	sdelay $0x5  }
0x74: {  	v20 =	vsub.f32 v20, v15;
	_ =	sdelay $0x1  }
0x75: {  	v20 =	vmul.f32 v20, v16;
	_ =	sdelay $0x1  }
0x76: {  	v24 =	vtrunc.f32 v20  }
0x77: {  	v24 =	vcvt.f32.s32 v24;
	_ =	sdelay $0x1  }
0x78: {  	vm0 =	vgt.s32 v24, $0x0  }
0x79: {  	v25 =	vor.u32 $0x3, v19;
	v24 =	vnsel vm0, $0x0, v24  }
0x7a: {  	v26 =	vshll.u32 v21, $0x9;
	v27 =	vshll.u32 v22, $0x9;
	v24 =	vmin.u32 v24, $0x1FE  }
0x7b: {  	v19 =	vcvt.s32.f32 v24;
	v21 =	vand.u32 $0x1, v24;
	v28 =	vor.u32 v27, v24  }
0x7c: {  	v29 =	vor.u32 v26, v24;
	vm0 =	veq.s32 v21, $0x1;
	v21 =	vshrl.u32 v28, $0x1  }
0x7d: {  	v19 =	vsub.f32 v20, v19;
	v20 =	vor.u32 v26, v22;
	v28 =	vsel vm0, $0xC0000, v3  }
0x7e: {  	v29 =	vshrl.u32 v29, $0x1;
	v22 =	vshrl.u32 v20, $0x1;
	v20 =	vor.u32 v21, v28  }
0x7f: {  	v22 =	vor.u32 v23, v22;
	v21 =	vadd.s32 $0x80000, v20;
	[tilespmem:s24+$0x0] =	vst v19;
	v19 =	vor.u32 v29, v28  }
0x80: {  	v23 =	vld.idx.msk [tilespmem:v25+s13+$0x0], $0xffff;
	_ =	sdelay $0x5  }
0x81: {  	v23 =	vsub.f32 v23, v17;
	_ =	sdelay $0x1  }
0x82: {  	v23 =	vmul.f32 v23, v18;
	_ =	sdelay $0x1  }
0x83: {  	v25 =	vtrunc.f32 v23  }
0x84: {  	v25 =	vcvt.f32.s32 v25;
	_ =	sdelay $0x1  }
0x85: {  	vm0 =	vgt.s32 v25, $0x0  }
0x86: {  	v25 =	vnsel vm0, $0x0, v25  }
0x87: {  	v24 =	vshll.u32 v24, $0x9;
	v25 =	vmin.u32 v25, $0x1FE  }
.Ltmp2:
0x88: {  	v28 =	vcvt.s32.f32 v25;
	v24 =	vor.u32 v24, v25;
	v29 =	vand.u32 $0x1, v25;
	(pc) =	sbr.rel @p0 .LBB2_2-.Ltmp2, $4  }
0x89: {  	v26 =	vor.u32 v26, v25;
	v27 =	vor.u32 v27, v25;
	vm0 =	veq.s32 v29, $0x1  }
0x8a: {  	v24 =	vshrl.u32 v24, $0x1;
	v23 =	vsub.f32 v23, v28;
	v25 =	vsel vm0, $0xC0000, v3  }
0x8b: {  	v26 =	vshrl.u32 v26, $0x1;
	v27 =	vshrl.u32 v27, $0x1;
	v24 =	vor.u32 v25, v24  }
0x8c: {  	v26 =	vor.u32 v26, v25;
	[tilespmem:s24+$0x80] =	vst v23;
	v23 =	vor.u32 $0x20000, v24;
	v24 =	vadd.s32 $0x20100, v24  }
0x8d: {  	[tilespmem:s25+$0xFFFFFD00] =	vst v22  }
0x8e: {  	[tilespmem:s25+$0x100] =	vst v21  }
0x8f: {  	[tilespmem:s25+$0xFFFFFE80] =	vst v24  }
0x90: {  	v22 =	vadd.s32 $0x100, v22;
	[tilespmem:s25+$0xFFFFFE00] =	vst v23  }
0x91: {  	v20 =	vadd.s32 $0x80100, v20;
	[tilespmem:s25+$0xFFFFFD80] =	vst v22  }
0x92: {  	v21 =	vadd.s32 $0x40100, v19;
	[tilespmem:s25+$0x180] =	vst v20  }
0x93: {  	v19 =	vadd.s32 $0x40000, v19;
	[tilespmem:s25+$0xFFFFFF80] =	vst v21  }
0x94: {  	[tilespmem:s25+$0xFFFFFF00] =	vst v19;
	v19 =	vor.u32 v27, v25;
	v20 =	vadd.s32 $0x60000, v26  }
0x95: {  	v21 =	vadd.s32 $0xA0000, v19;
	[tilespmem:s25+$0x0] =	vst v20  }
0x96: {  	v19 =	vadd.s32 $0xA0100, v19;
	[tilespmem:s25+$0x200] =	vst v21  }
0x97: {  	s24 =	simm.s32 $0x0;
	v20 =	vadd.s32 $0x60100, v26;
	[tilespmem:s25+$0x280] =	vst v19  }
0x98: {  	[tilespmem:s25+$0x80] =	vst v20;
	v19 =	vmov s24  }
0x99: {  	[tilespmem:s16], [sflag:$0x1] =	stream.indirect.gather [hbm4b:s2+s14], $0x10, s15, s14, $0xb8;
	v19 =	vshll.u32 v19, $0x2;
	[tilespmem:$0xEC10] =	vst v63  }
0x9a: {  	v19 =	vor.u32 v2, v19  }
0x9b: {  	[tilespmem:s17], [sflag:$0x3] =	stream.linear.gather [hbm4b:s8+s24], $0x200, $0x38;
	[tilespmem:$0xEC10] =	vst v63  }
0x9c: {  	_ =	swait.ge [sflag:s12], $0x200  }
0x9d: {  	[sflag:s12] =	ssyncset.done $0x0  }
0x9e: {  	[sflag:s12] =	ssyncadd.s32 $0xFFFFFE00  }
0x9f: {  	v20 =	vld.idx.msk [tilespmem:v19+s17+$0x0], $0xffff;
	_ =	sdelay $0x4  }
0xa0: {  	v20 =	vsub.f32 v20, v11;
	_ =	sdelay $0x1  }
0xa1: {  	v20 =	vmul.f32 v20, v12;
	_ =	sdelay $0x1  }
0xa2: {  	v21 =	vtrunc.f32 v20  }
0xa3: {  	v21 =	vcvt.f32.s32 v21;
	_ =	sdelay $0x1  }
0xa4: {  	vm0 =	vgt.s32 v21, $0x0  }
0xa5: {  	v21 =	vnsel vm0, $0x0, v21  }
0xa6: {  	v21 =	vmin.u32 v21, $0x1FE  }
0xa7: {  	v23 =	vor.u32 $0x1, v19;
	v22 =	vcvt.s32.f32 v21;
	_ =	sdelay $0x1  }
0xa8: {  	v20 =	vsub.f32 v20, v22  }
0xa9: {  	s24 =	simm.s32 $0x8510  }
0xaa: {  	[tilespmem:s24+$0xFFFFFF00] =	vst v20  }
0xab: {  	v20 =	vld.idx.msk [tilespmem:v23+s17+$0x0], $0xffff;
	_ =	sdelay $0x4  }
0xac: {  	v20 =	vsub.f32 v20, v13;
	_ =	sdelay $0x1  }
0xad: {  	v20 =	vmul.f32 v20, v14;
	_ =	sdelay $0x1  }
0xae: {  	v22 =	vtrunc.f32 v20  }
0xaf: {  	v22 =	vcvt.f32.s32 v22;
	_ =	sdelay $0x1  }
0xb0: {  	vm10 =	vgt.s32 v22, $0x0  }
0xb1: {  	v22 =	vnsel vm10, $0x0, v22  }
0xb2: {  	v22 =	vmin.u32 v22, $0x1FE  }
0xb3: {  	v24 =	vor.u32 $0x2, v19;
	v23 =	vcvt.s32.f32 v22;
	_ =	sdelay $0x1  }
0xb4: {  	v20 =	vsub.f32 v20, v23;
	_ =	sdelay $0x1  }
0xb5: {  	[tilespmem:s24+$0xFFFFFF80] =	vst v20  }
0xb6: {  	v20 =	vld.idx.msk [tilespmem:v24+s17+$0x0], $0xffff;
	_ =	sdelay $0x4  }
0xb7: {  	v20 =	vsub.f32 v20, v15;
	_ =	sdelay $0x1  }
0xb8: {  	v20 =	vmul.f32 v20, v16;
	_ =	sdelay $0x1  }
0xb9: {  	v23 =	vtrunc.f32 v20  }
0xba: {  	v23 =	vcvt.f32.s32 v23;
	_ =	sdelay $0x1  }
0xbb: {  	vm11 =	vgt.s32 v23, $0x0  }
0xbc: {  	v23 =	vnsel vm11, $0x0, v23  }
0xbd: {  	v23 =	vmin.u32 v23, $0x1FE  }
0xbe: {  	v19 =	vor.u32 $0x3, v19;
	v24 =	vcvt.s32.f32 v23;
	_ =	sdelay $0x1  }
0xbf: {  	v20 =	vsub.f32 v20, v24;
	_ =	sdelay $0x1  }
0xc0: {  	[tilespmem:s24+$0x0] =	vst v20  }
0xc1: {  	v19 =	vld.idx.msk [tilespmem:v19+s17+$0x0], $0xffff;
	_ =	sdelay $0x4  }
0xc2: {  	v19 =	vsub.f32 v19, v17  }
0xc3: {  	v26 =	vshll.u32 v21, $0x9  }
0xc4: {  	v21 =	vor.u32 v26, v23;
	v20 =	vand.u32 $0x1, v22;
	v25 =	vmul.f32 v19, v18  }
0xc5: {  	v27 =	vshll.u32 v22, $0x9;
	v21 =	vshrl.u32 v21, $0x1;
	vm12 =	veq.s32 v20, $0x1  }
0xc6: {  	v20 =	vor.u32 v27, v23;
	v24 =	vsel vm12, $0xC0000, v3;
	v28 =	vtrunc.f32 v25  }
0xc7: {  	v20 =	vshrl.u32 v20, $0x1;
	v19 =	vand.u32 $0x1, v23;
	v28 =	vcvt.f32.s32 v28  }
0xc8: {  	v23 =	vshll.u32 v23, $0x9;
	vm13 =	veq.s32 v19, $0x1;
	v19 =	vor.u32 v26, v22  }
0xc9: {  	v29 =	vsel vm13, $0xC0000, v3;
	v19 =	vshrl.u32 v19, $0x1;
	vm14 =	vgt.s32 v28, $0x0  }
0xca: {  	v20 =	vor.u32 v20, v29;
	v22 =	vor.u32 v24, v19;
	v24 =	vnsel vm14, $0x0, v28  }
0xcb: {  	v19 =	vor.u32 v21, v29;
	v21 =	vadd.s32 $0x80000, v20;
	v24 =	vmin.u32 v24, $0x1FE  }
0xcc: {  	v28 =	vcvt.s32.f32 v24;
	v23 =	vor.u32 v23, v24;
	v29 =	vand.u32 $0x1, v24  }
0xcd: {  	v26 =	vor.u32 v26, v24;
	v24 =	vor.u32 v27, v24;
	vm15 =	veq.s32 v29, $0x1  }
0xce: {  	v23 =	vshrl.u32 v23, $0x1;
	v28 =	vsub.f32 v25, v28;
	v25 =	vsel vm15, $0xC0000, v3  }
0xcf: {  	v26 =	vshrl.u32 v26, $0x1;
	v27 =	vshrl.u32 v24, $0x1;
	v29 =	vor.u32 v25, v23  }
0xd0: {  	s26 =	simm.s32 $0x10;
	s28 =	simm.s32 $0x8910;
	s25 =	simm.s32 $0x8910;
	v26 =	vor.u32 v26, v25;
	[tilespmem:s24+$0x80] =	vst v28;
	v23 =	vor.u32 $0x20000, v29;
	v24 =	vadd.s32 $0x20100, v29  }
.LBB2_4:
0xd1: {  	p0 =	sne.s32 s26, $0x70;
	[tilespmem:s25+$0xFFFFFD00] =	vst v22;
	v22 =	vadd.s32 $0x100, v22;
	v25 =	vor.u32 v27, v25;
	s28 =	sadd.s32 $0x10, s28;
	s24 =	sadd.s32 $0x10, s24  }
0xd2: {  	v27 =	vadd.s32 $0x60000, v26;
	v26 =	vadd.s32 $0x60100, v26;
	s29 =	smov.u32 s26;
	s26 =	sadd.s32 $0x10, s26;
	[tilespmem:s25+$0x100] =	vst v21;
	v21 =	vadd.s32 $0xA0000, v25  }
0xd3: {  	v20 =	vadd.s32 $0x80100, v20;
	[tilespmem:s25+$0xFFFFFD80] =	vst v22;
	v22 =	vadd.s32 $0xA0100, v25  }
0xd4: {  	v25 =	vadd.s32 $0x40100, v19;
	[tilespmem:s25+$0x180] =	vst v20  }
0xd5: {  	v19 =	vadd.s32 $0x40000, v19;
	[tilespmem:s25+$0xFFFFFF80] =	vst v25  }
0xd6: {  	v20 =	vmov s29;
	[tilespmem:s25+$0xFFFFFF00] =	vst v19  }
0xd7: {  	v19 =	vshll.u32 v20, $0x2;
	[tilespmem:s25+$0xFFFFFE80] =	vst v24  }
0xd8: {  	v19 =	vor.u32 v2, v19;
	[tilespmem:s25+$0xFFFFFE00] =	vst v23  }
0xd9: {  	[tilespmem:s25+$0x0] =	vst v27  }
0xda: {  	[tilespmem:s25+$0x200] =	vst v21  }
0xdb: {  	[tilespmem:s25+$0x280] =	vst v22  }
0xdc: {  	[tilespmem:s25+$0x80] =	vst v26;
	s25 =	smov.u32 s28  }
0xdd: {  	v20 =	vld.idx.msk [tilespmem:v19+s17+$0x0], $0xffff;
	_ =	sdelay $0x5  }
0xde: {  	v20 =	vsub.f32 v20, v11;
	_ =	sdelay $0x1  }
0xdf: {  	v20 =	vmul.f32 v20, v12;
	_ =	sdelay $0x1  }
0xe0: {  	v21 =	vtrunc.f32 v20  }
0xe1: {  	v21 =	vcvt.f32.s32 v21;
	_ =	sdelay $0x1  }
0xe2: {  	vm0 =	vgt.s32 v21, $0x0  }
0xe3: {  	v21 =	vnsel vm0, $0x0, v21  }
0xe4: {  	v21 =	vmin.u32 v21, $0x1FE  }
0xe5: {  	v23 =	vor.u32 $0x1, v19;
	v22 =	vcvt.s32.f32 v21;
	_ =	sdelay $0x1  }
0xe6: {  	v20 =	vsub.f32 v20, v22;
	_ =	sdelay $0x1  }
0xe7: {  	[tilespmem:s24+$0xFFFFFF00] =	vst v20  }
0xe8: {  	v20 =	vld.idx.msk [tilespmem:v23+s17+$0x0], $0xffff;
	_ =	sdelay $0x5  }
0xe9: {  	v20 =	vsub.f32 v20, v13;
	_ =	sdelay $0x1  }
0xea: {  	v20 =	vmul.f32 v20, v14;
	_ =	sdelay $0x1  }
0xeb: {  	v22 =	vtrunc.f32 v20  }
0xec: {  	v22 =	vcvt.f32.s32 v22;
	_ =	sdelay $0x1  }
0xed: {  	vm0 =	vgt.s32 v22, $0x0  }
0xee: {  	v22 =	vnsel vm0, $0x0, v22  }
0xef: {  	v22 =	vmin.u32 v22, $0x1FE  }
0xf0: {  	v24 =	vor.u32 $0x2, v19;
	v23 =	vcvt.s32.f32 v22;
	v25 =	vand.u32 $0x1, v22  }
0xf1: {  	vm0 =	veq.s32 v25, $0x1  }
0xf2: {  	v20 =	vsub.f32 v20, v23;
	v23 =	vsel vm0, $0xC0000, v3;
	_ =	sdelay $0x1  }
0xf3: {  	[tilespmem:s24+$0xFFFFFF80] =	vst v20  }
0xf4: {  	v20 =	vld.idx.msk [tilespmem:v24+s17+$0x0], $0xffff;
	_ =	sdelay $0x5  }
0xf5: {  	v20 =	vsub.f32 v20, v15;
	_ =	sdelay $0x1  }
0xf6: {  	v20 =	vmul.f32 v20, v16;
	_ =	sdelay $0x1  }
0xf7: {  	v24 =	vtrunc.f32 v20  }
0xf8: {  	v24 =	vcvt.f32.s32 v24;
	_ =	sdelay $0x1  }
0xf9: {  	vm0 =	vgt.s32 v24, $0x0  }
0xfa: {  	v25 =	vor.u32 $0x3, v19;
	v24 =	vnsel vm0, $0x0, v24  }
0xfb: {  	v26 =	vshll.u32 v21, $0x9;
	v27 =	vshll.u32 v22, $0x9;
	v24 =	vmin.u32 v24, $0x1FE  }
0xfc: {  	v19 =	vcvt.s32.f32 v24;
	v21 =	vand.u32 $0x1, v24;
	v28 =	vor.u32 v27, v24  }
0xfd: {  	v29 =	vor.u32 v26, v24;
	vm0 =	veq.s32 v21, $0x1;
	v21 =	vshrl.u32 v28, $0x1  }
0xfe: {  	v19 =	vsub.f32 v20, v19;
	v20 =	vor.u32 v26, v22;
	v28 =	vsel vm0, $0xC0000, v3  }
0xff: {  	v29 =	vshrl.u32 v29, $0x1;
	v22 =	vshrl.u32 v20, $0x1;
	v20 =	vor.u32 v21, v28  }
0x100: {  	v22 =	vor.u32 v23, v22;
	v21 =	vadd.s32 $0x80000, v20;
	[tilespmem:s24+$0x0] =	vst v19;
	v19 =	vor.u32 v29, v28  }
0x101: {  	v23 =	vld.idx.msk [tilespmem:v25+s17+$0x0], $0xffff;
	_ =	sdelay $0x5  }
0x102: {  	v23 =	vsub.f32 v23, v17;
	_ =	sdelay $0x1  }
0x103: {  	v23 =	vmul.f32 v23, v18;
	_ =	sdelay $0x1  }
0x104: {  	v25 =	vtrunc.f32 v23  }
0x105: {  	v25 =	vcvt.f32.s32 v25;
	_ =	sdelay $0x1  }
0x106: {  	vm0 =	vgt.s32 v25, $0x0  }
0x107: {  	v25 =	vnsel vm0, $0x0, v25  }
0x108: {  	v24 =	vshll.u32 v24, $0x9;
	v25 =	vmin.u32 v25, $0x1FE  }
.Ltmp3:
0x109: {  	v28 =	vcvt.s32.f32 v25;
	v24 =	vor.u32 v24, v25;
	v29 =	vand.u32 $0x1, v25;
	(pc) =	sbr.rel @p0 .LBB2_4-.Ltmp3, $4  }
0x10a: {  	v26 =	vor.u32 v26, v25;
	v27 =	vor.u32 v27, v25;
	vm0 =	veq.s32 v29, $0x1  }
0x10b: {  	v24 =	vshrl.u32 v24, $0x1;
	v23 =	vsub.f32 v23, v28;
	v25 =	vsel vm0, $0xC0000, v3  }
0x10c: {  	v26 =	vshrl.u32 v26, $0x1;
	v27 =	vshrl.u32 v27, $0x1;
	v24 =	vor.u32 v25, v24  }
0x10d: {  	v26 =	vor.u32 v26, v25;
	[tilespmem:s24+$0x80] =	vst v23;
	v23 =	vor.u32 $0x20000, v24;
	v24 =	vadd.s32 $0x20100, v24  }
0x10e: {  	[tilespmem:s25+$0xFFFFFD00] =	vst v22  }
0x10f: {  	[tilespmem:s25+$0x100] =	vst v21  }
0x110: {  	[tilespmem:s25+$0xFFFFFE80] =	vst v24  }
0x111: {  	v61 =	vadd.s32 $0x100, v22;
	[tilespmem:s25+$0xFFFFFE00] =	vst v23  }
0x112: {  	v20 =	vadd.s32 $0x80100, v20;
	[tilespmem:s25+$0xFFFFFD80] =	vst v61  }
0x113: {  	v62 =	vadd.s32 $0x40100, v19;
	[tilespmem:s25+$0x180] =	vst v20  }
0x114: {  	v19 =	vadd.s32 $0x40000, v19;
	[tilespmem:s25+$0xFFFFFF80] =	vst v62  }
0x115: {  	[tilespmem:s25+$0xFFFFFF00] =	vst v19;
	v19 =	vor.u32 v27, v25;
	v20 =	vadd.s32 $0x60000, v26  }
0x116: {  	v63 =	vadd.s32 $0xA0000, v19;
	[tilespmem:s25+$0x0] =	vst v20  }
0x117: {  	v19 =	vadd.s32 $0xA0100, v19;
	[tilespmem:s25+$0x200] =	vst v63  }
0x118: {  	v20 =	vadd.s32 $0x60100, v26;
	[tilespmem:s25+$0x280] =	vst v19  }
0x119: {  	s24 =	simm.s32 $0x0;
	[tilespmem:s25+$0x80] =	vst v20  }
0x11a: {  	[tilespmem:s19], [sflag:$0x2] =	stream.indirect.gather [hbm4b:s2+s14], $0x10, s18, s14, $0xb8;
	[tilespmem:$0xEC10] =	vst v63  }
.LBB2_6:
0x11b: {  	_ =	swait.ge [sflag:s20], $0x6000  }
0x11c: {  	[sflag:s20] =	ssyncset.done $0x0  }
0x11d: {  	s25 =	simm.s32 $0x1B10;
	s26 =	simm.s32 $0x0;
	[sflag:s20] =	ssyncadd.s32 $0xFFFFA000  }
.LBB2_7:
0x11e: {  	v22 =	vor.u32 s26, v0  }
0x11f: {  	v20 =	vshll.u32 v22, $0x4  }
0x120: {  	v21 =	vmov s26;
	v30 =	vld [tilespmem:s25+$0xFFFFFF00];
	v23 =	vor.u32 $0x8, v20  }
0x121: {  	v24 =	vld [tilespmem:s25+$0xFFFFFF80];
	v19 =	vor.u32 $0x800, v1;
	v26 =	vshll.u32 v21, $0x4  }
0x122: {  	v21 =	vor.u32 v19, v26;
	_ =	sdelay $0x1  }
0x123: {  	v28 =	vor.u32 $0x8, v21;
	v27 =	vld.idx.msk [tilespmem:v20+s16+$0x0], $0xffff  }
0x124: {  	v23 =	vld.idx.msk [tilespmem:v23+s16+$0x0], $0xffff  }
0x125: {  	v31 =	vsub.f32 $1.000000000e+00, v30;
	v25 =	vsub.f32 $1.000000000e+00, v24  }
0x126: {  	v29 =	vld.idx.msk [tilespmem:v21+s16+$0x0], $0xffff  }
0x127: {  	v32 =	vmul.f32 v25, v31;
	v33 =	vmul.f32 v24, v31  }
0x128: {  	v34 =	vmul.f32 v25, v30;
	v28 =	vld.idx.msk [tilespmem:v28+s16+$0x0], $0xffff  }
0x129: {  	v27 =	vmul.f32 v27, v32;
	v35 =	vmul.f32 v23, v33  }
0x12a: {  	v23 =	vmul.u32 $0x30, v22  }
0x12b: {  	v22 =	vmul.f32 v24, v30;
	v29 =	vmul.f32 v29, v34;
	v27 =	vadd.f32 v35, v27;
	_ =	sdelay $0x1  }
0x12c: {  	v42 =	vor.u32 $0x1, v20;
	v28 =	vmul.f32 v28, v22;
	v27 =	vadd.f32 v29, v27  }
0x12d: {  	v36 =	vor.u32 $0x9, v20  }
0x12e: {  	v28 =	vadd.f32 v28, v27  }
0x12f: {  	v37 =	vor.u32 $0x1, v21;
	v29 =	vld [tilespmem:s25+$0x0]  }
0x130: {  	v27 =	vld [tilespmem:s25+$0x80];
	[tilespmem:v23+s21+$0x0] =	vst.idx.msk $0xffff, v28  }
0x131: {  	v43 =	vor.u32 $0x9, v21;
	v28 =	vld.idx.msk [tilespmem:v42+s16+$0x0], $0xffff  }
0x132: {  	v36 =	vld.idx.msk [tilespmem:v36+s16+$0x0], $0xffff;
	_ =	sdelay $0x1  }
0x133: {  	v37 =	vld.idx.msk [tilespmem:v37+s16+$0x0], $0xffff;
	_ =	sdelay $0x1  }
0x134: {  	v35 =	vld.idx.msk [tilespmem:v43+s16+$0x0], $0xffff  }
0x135: {  	v28 =	vmul.f32 v28, v32;
	v36 =	vmul.f32 v36, v33;
	_ =	sdelay $0x1  }
0x136: {  	v44 =	vmul.f32 v37, v34;
	v28 =	vadd.f32 v36, v28  }
0x137: {  	v45 =	vor.u32 $0x1, v23  }
0x138: {  	v46 =	vor.u32 $0x2, v20;
	v35 =	vmul.f32 v35, v22;
	v28 =	vadd.f32 v44, v28  }
0x139: {  	v38 =	vor.u32 $0xA, v20  }
0x13a: {  	v28 =	vadd.f32 v35, v28  }
0x13b: {  	v47 =	vor.u32 $0x2, v21  }
0x13c: {  	[tilespmem:v45+s21+$0x0] =	vst.idx.msk $0xffff, v28  }
0x13d: {  	v48 =	vor.u32 $0xA, v21;
	v28 =	vld.idx.msk [tilespmem:v46+s16+$0x0], $0xffff  }
0x13e: {  	v37 =	vld.idx.msk [tilespmem:v38+s16+$0x0], $0xffff;
	_ =	sdelay $0x1  }
0x13f: {  	v35 =	vld.idx.msk [tilespmem:v47+s16+$0x0], $0xffff;
	_ =	sdelay $0x1  }
0x140: {  	v36 =	vld.idx.msk [tilespmem:v48+s16+$0x0], $0xffff  }
0x141: {  	v28 =	vmul.f32 v28, v32;
	v37 =	vmul.f32 v37, v33;
	_ =	sdelay $0x1  }
0x142: {  	v35 =	vmul.f32 v35, v34;
	v28 =	vadd.f32 v37, v28  }
0x143: {  	v49 =	vor.u32 $0x2, v23  }
0x144: {  	v51 =	vor.u32 $0x3, v20;
	v50 =	vmul.f32 v36, v22;
	v28 =	vadd.f32 v35, v28  }
0x145: {  	v52 =	vor.u32 $0xB, v20  }
0x146: {  	v28 =	vadd.f32 v50, v28  }
0x147: {  	v53 =	vor.u32 $0x3, v21  }
0x148: {  	[tilespmem:v49+s21+$0x0] =	vst.idx.msk $0xffff, v28  }
0x149: {  	v54 =	vor.u32 $0xB, v21;
	v28 =	vld.idx.msk [tilespmem:v51+s16+$0x0], $0xffff  }
0x14a: {  	v37 =	vld.idx.msk [tilespmem:v52+s16+$0x0], $0xffff;
	_ =	sdelay $0x1  }
0x14b: {  	v35 =	vld.idx.msk [tilespmem:v53+s16+$0x0], $0xffff;
	_ =	sdelay $0x1  }
0x14c: {  	v36 =	vld.idx.msk [tilespmem:v54+s16+$0x0], $0xffff  }
0x14d: {  	v28 =	vmul.f32 v28, v32;
	v37 =	vmul.f32 v37, v33;
	_ =	sdelay $0x1  }
0x14e: {  	v35 =	vmul.f32 v35, v34;
	v28 =	vadd.f32 v37, v28  }
0x14f: {  	v55 =	vor.u32 $0x3, v23  }
0x150: {  	v57 =	vor.u32 $0x4, v20;
	v56 =	vmul.f32 v36, v22;
	v28 =	vadd.f32 v35, v28  }
0x151: {  	v58 =	vor.u32 $0xC, v20  }
0x152: {  	v28 =	vadd.f32 v56, v28  }
0x153: {  	v59 =	vor.u32 $0x4, v21  }
0x154: {  	[tilespmem:v55+s21+$0x0] =	vst.idx.msk $0xffff, v28  }
0x155: {  	v60 =	vor.u32 $0xC, v21;
	v28 =	vld.idx.msk [tilespmem:v57+s16+$0x0], $0xffff  }
0x156: {  	v37 =	vld.idx.msk [tilespmem:v58+s16+$0x0], $0xffff;
	_ =	sdelay $0x1  }
0x157: {  	v35 =	vld.idx.msk [tilespmem:v59+s16+$0x0], $0xffff;
	_ =	sdelay $0x1  }
0x158: {  	v36 =	vld.idx.msk [tilespmem:v60+s16+$0x0], $0xffff  }
0x159: {  	v28 =	vmul.f32 v28, v32;
	v37 =	vmul.f32 v37, v33;
	_ =	sdelay $0x1  }
0x15a: {  	v35 =	vmul.f32 v35, v34;
	v28 =	vadd.f32 v37, v28  }
0x15b: {  	v61 =	vor.u32 $0x4, v23  }
0x15c: {  	v63 =	vor.u32 $0x5, v20;
	v62 =	vmul.f32 v36, v22;
	v28 =	vadd.f32 v35, v28  }
0x15d: {  	v40 =	vor.u32 $0xD, v20  }
0x15e: {  	v28 =	vadd.f32 v62, v28  }
0x15f: {  	v41 =	vor.u32 $0x5, v21  }
0x160: {  	[tilespmem:v61+s21+$0x0] =	vst.idx.msk $0xffff, v28  }
0x161: {  	v42 =	vor.u32 $0xD, v21;
	v28 =	vld.idx.msk [tilespmem:v63+s16+$0x0], $0xffff  }
0x162: {  	v37 =	vld.idx.msk [tilespmem:v40+s16+$0x0], $0xffff;
	_ =	sdelay $0x1  }
0x163: {  	v35 =	vld.idx.msk [tilespmem:v41+s16+$0x0], $0xffff;
	_ =	sdelay $0x1  }
0x164: {  	v36 =	vld.idx.msk [tilespmem:v42+s16+$0x0], $0xffff  }
0x165: {  	v28 =	vmul.f32 v28, v32;
	v37 =	vmul.f32 v37, v33;
	_ =	sdelay $0x1  }
0x166: {  	v35 =	vmul.f32 v35, v34;
	v28 =	vadd.f32 v37, v28  }
0x167: {  	v43 =	vor.u32 $0x5, v23  }
0x168: {  	v45 =	vor.u32 $0x6, v20;
	v44 =	vmul.f32 v36, v22;
	v28 =	vadd.f32 v35, v28  }
0x169: {  	v46 =	vor.u32 $0xE, v20  }
0x16a: {  	v28 =	vadd.f32 v44, v28  }
0x16b: {  	v47 =	vor.u32 $0x6, v21  }
0x16c: {  	[tilespmem:v43+s21+$0x0] =	vst.idx.msk $0xffff, v28  }
0x16d: {  	v48 =	vor.u32 $0xE, v21;
	v28 =	vld.idx.msk [tilespmem:v45+s16+$0x0], $0xffff  }
0x16e: {  	v37 =	vld.idx.msk [tilespmem:v46+s16+$0x0], $0xffff;
	_ =	sdelay $0x1  }
0x16f: {  	v35 =	vld.idx.msk [tilespmem:v47+s16+$0x0], $0xffff;
	_ =	sdelay $0x1  }
0x170: {  	v36 =	vld.idx.msk [tilespmem:v48+s16+$0x0], $0xffff  }
0x171: {  	v28 =	vmul.f32 v28, v32;
	v37 =	vmul.f32 v37, v33;
	_ =	sdelay $0x1  }
0x172: {  	v35 =	vmul.f32 v35, v34;
	v28 =	vadd.f32 v37, v28  }
0x173: {  	v49 =	vor.u32 $0x6, v23  }
0x174: {  	v51 =	vor.u32 $0x7, v20;
	v50 =	vmul.f32 v36, v22;
	v28 =	vadd.f32 v35, v28  }
0x175: {  	v20 =	vor.u32 $0xF, v20  }
0x176: {  	v28 =	vadd.f32 v50, v28  }
0x177: {  	v52 =	vor.u32 $0x7, v21  }
0x178: {  	[tilespmem:v49+s21+$0x0] =	vst.idx.msk $0xffff, v28  }
0x179: {  	v21 =	vor.u32 $0xF, v21;
	v28 =	vld.idx.msk [tilespmem:v51+s16+$0x0], $0xffff  }
0x17a: {  	v20 =	vld.idx.msk [tilespmem:v20+s16+$0x0], $0xffff;
	_ =	sdelay $0x1  }
0x17b: {  	v35 =	vld.idx.msk [tilespmem:v52+s16+$0x0], $0xffff;
	_ =	sdelay $0x1  }
0x17c: {  	v21 =	vld.idx.msk [tilespmem:v21+s16+$0x0], $0xffff  }
0x17d: {  	v28 =	vmul.f32 v28, v32;
	v20 =	vmul.f32 v20, v33;
	_ =	sdelay $0x1  }
0x17e: {  	v53 =	vmul.f32 v35, v34;
	v28 =	vadd.f32 v20, v28  }
0x17f: {  	v54 =	vor.u32 $0x7, v23;
	v20 =	vor.u32 $0x1000, v1  }
0x180: {  	v22 =	vmul.f32 v21, v22;
	v34 =	vor.u32 v20, v26;
	v28 =	vadd.f32 v53, v28  }
0x181: {  	v55 =	vor.u32 $0x8, v34  }
0x182: {  	v21 =	vor.u32 $0x1800, v1;
	v22 =	vadd.f32 v22, v28  }
0x183: {  	v35 =	vor.u32 v21, v26  }
0x184: {  	[tilespmem:v54+s21+$0x0] =	vst.idx.msk $0xffff, v22  }
0x185: {  	v56 =	vor.u32 $0x8, v35;
	v22 =	vld.idx.msk [tilespmem:v34+s16+$0x0], $0xffff  }
0x186: {  	v57 =	vld.idx.msk [tilespmem:v55+s16+$0x0], $0xffff  }
0x187: {  	v32 =	vsub.f32 $1.000000000e+00, v29;
	v28 =	vsub.f32 $1.000000000e+00, v27  }
0x188: {  	v37 =	vld.idx.msk [tilespmem:v35+s16+$0x0], $0xffff  }
0x189: {  	v39 =	vmul.f32 v27, v32;
	v38 =	vmul.f32 v28, v32  }
0x18a: {  	v40 =	vmul.f32 v28, v29;
	v33 =	vld.idx.msk [tilespmem:v56+s16+$0x0], $0xffff  }
0x18b: {  	v22 =	vmul.f32 v22, v38;
	v36 =	vmul.f32 v57, v39;
	_ =	sdelay $0x1  }
0x18c: {  	v41 =	vmul.f32 v27, v29;
	v58 =	vmul.f32 v37, v40;
	v22 =	vadd.f32 v36, v22  }
0x18d: {  	v59 =	vor.u32 $0x8, v23  }
0x18e: {  	v60 =	vor.u32 $0x1, v34;
	v33 =	vmul.f32 v33, v41;
	v22 =	vadd.f32 v58, v22  }
0x18f: {  	v42 =	vor.u32 $0x9, v34  }
0x190: {  	v22 =	vadd.f32 v33, v22  }
0x191: {  	v61 =	vor.u32 $0x1, v35  }
0x192: {  	[tilespmem:v59+s21+$0x0] =	vst.idx.msk $0xffff, v22  }
0x193: {  	v62 =	vor.u32 $0x9, v35;
	v22 =	vld.idx.msk [tilespmem:v60+s16+$0x0], $0xffff  }
0x194: {  	v37 =	vld.idx.msk [tilespmem:v42+s16+$0x0], $0xffff;
	_ =	sdelay $0x1  }
0x195: {  	v33 =	vld.idx.msk [tilespmem:v61+s16+$0x0], $0xffff;
	_ =	sdelay $0x1  }
0x196: {  	v36 =	vld.idx.msk [tilespmem:v62+s16+$0x0], $0xffff  }
0x197: {  	v22 =	vmul.f32 v22, v38;
	v37 =	vmul.f32 v37, v39;
	_ =	sdelay $0x1  }
0x198: {  	v33 =	vmul.f32 v33, v40;
	v22 =	vadd.f32 v37, v22  }
0x199: {  	v63 =	vor.u32 $0x9, v23  }
0x19a: {  	v46 =	vor.u32 $0x2, v34;
	v45 =	vmul.f32 v36, v41;
	v22 =	vadd.f32 v33, v22  }
0x19b: {  	v47 =	vor.u32 $0xA, v34  }
0x19c: {  	v22 =	vadd.f32 v45, v22  }
0x19d: {  	v48 =	vor.u32 $0x2, v35  }
0x19e: {  	[tilespmem:v63+s21+$0x0] =	vst.idx.msk $0xffff, v22  }
0x19f: {  	v49 =	vor.u32 $0xA, v35;
	v22 =	vld.idx.msk [tilespmem:v46+s16+$0x0], $0xffff  }
0x1a0: {  	v37 =	vld.idx.msk [tilespmem:v47+s16+$0x0], $0xffff;
	_ =	sdelay $0x1  }
0x1a1: {  	v33 =	vld.idx.msk [tilespmem:v48+s16+$0x0], $0xffff;
	_ =	sdelay $0x1  }
0x1a2: {  	v36 =	vld.idx.msk [tilespmem:v49+s16+$0x0], $0xffff  }
0x1a3: {  	v22 =	vmul.f32 v22, v38;
	v37 =	vmul.f32 v37, v39;
	_ =	sdelay $0x1  }
0x1a4: {  	v33 =	vmul.f32 v33, v40;
	v22 =	vadd.f32 v37, v22  }
0x1a5: {  	v50 =	vor.u32 $0xA, v23  }
0x1a6: {  	v52 =	vor.u32 $0x3, v34;
	v51 =	vmul.f32 v36, v41;
	v22 =	vadd.f32 v33, v22  }
0x1a7: {  	v53 =	vor.u32 $0xB, v34  }
0x1a8: {  	v22 =	vadd.f32 v51, v22  }
0x1a9: {  	v54 =	vor.u32 $0x3, v35  }
0x1aa: {  	[tilespmem:v50+s21+$0x0] =	vst.idx.msk $0xffff, v22  }
0x1ab: {  	v55 =	vor.u32 $0xB, v35;
	v22 =	vld.idx.msk [tilespmem:v52+s16+$0x0], $0xffff  }
0x1ac: {  	v37 =	vld.idx.msk [tilespmem:v53+s16+$0x0], $0xffff;
	_ =	sdelay $0x1  }
0x1ad: {  	v33 =	vld.idx.msk [tilespmem:v54+s16+$0x0], $0xffff;
	_ =	sdelay $0x1  }
0x1ae: {  	v36 =	vld.idx.msk [tilespmem:v55+s16+$0x0], $0xffff  }
0x1af: {  	v22 =	vmul.f32 v22, v38;
	v37 =	vmul.f32 v37, v39;
	_ =	sdelay $0x1  }
0x1b0: {  	v33 =	vmul.f32 v33, v40;
	v22 =	vadd.f32 v37, v22  }
0x1b1: {  	v56 =	vor.u32 $0xB, v23  }
0x1b2: {  	v58 =	vor.u32 $0x4, v34;
	v57 =	vmul.f32 v36, v41;
	v22 =	vadd.f32 v33, v22  }
0x1b3: {  	v59 =	vor.u32 $0xC, v34  }
0x1b4: {  	v22 =	vadd.f32 v57, v22  }
0x1b5: {  	v60 =	vor.u32 $0x4, v35  }
0x1b6: {  	[tilespmem:v56+s21+$0x0] =	vst.idx.msk $0xffff, v22  }
0x1b7: {  	v61 =	vor.u32 $0xC, v35;
	v22 =	vld.idx.msk [tilespmem:v58+s16+$0x0], $0xffff  }
0x1b8: {  	v37 =	vld.idx.msk [tilespmem:v59+s16+$0x0], $0xffff;
	_ =	sdelay $0x1  }
0x1b9: {  	v33 =	vld.idx.msk [tilespmem:v60+s16+$0x0], $0xffff;
	_ =	sdelay $0x1  }
0x1ba: {  	v36 =	vld.idx.msk [tilespmem:v61+s16+$0x0], $0xffff  }
0x1bb: {  	v22 =	vmul.f32 v22, v38;
	v37 =	vmul.f32 v37, v39;
	_ =	sdelay $0x1  }
0x1bc: {  	v33 =	vmul.f32 v33, v40;
	v22 =	vadd.f32 v37, v22  }
0x1bd: {  	v62 =	vor.u32 $0xC, v23  }
0x1be: {  	v45 =	vor.u32 $0x5, v34;
	v63 =	vmul.f32 v36, v41;
	v22 =	vadd.f32 v33, v22  }
0x1bf: {  	v46 =	vor.u32 $0xD, v34  }
0x1c0: {  	v22 =	vadd.f32 v63, v22  }
0x1c1: {  	v47 =	vor.u32 $0x5, v35  }
0x1c2: {  	[tilespmem:v62+s21+$0x0] =	vst.idx.msk $0xffff, v22  }
0x1c3: {  	v48 =	vor.u32 $0xD, v35;
	v22 =	vld.idx.msk [tilespmem:v45+s16+$0x0], $0xffff  }
0x1c4: {  	v37 =	vld.idx.msk [tilespmem:v46+s16+$0x0], $0xffff;
	_ =	sdelay $0x1  }
0x1c5: {  	v33 =	vld.idx.msk [tilespmem:v47+s16+$0x0], $0xffff;
	_ =	sdelay $0x1  }
0x1c6: {  	v36 =	vld.idx.msk [tilespmem:v48+s16+$0x0], $0xffff  }
0x1c7: {  	v22 =	vmul.f32 v22, v38;
	v37 =	vmul.f32 v37, v39;
	_ =	sdelay $0x1  }
0x1c8: {  	v33 =	vmul.f32 v33, v40;
	v22 =	vadd.f32 v37, v22  }
0x1c9: {  	v49 =	vor.u32 $0xD, v23  }
0x1ca: {  	v51 =	vor.u32 $0x6, v34;
	v50 =	vmul.f32 v36, v41;
	v22 =	vadd.f32 v33, v22  }
0x1cb: {  	v52 =	vor.u32 $0xE, v34  }
0x1cc: {  	v22 =	vadd.f32 v50, v22  }
0x1cd: {  	v53 =	vor.u32 $0x6, v35  }
0x1ce: {  	[tilespmem:v49+s21+$0x0] =	vst.idx.msk $0xffff, v22  }
0x1cf: {  	v54 =	vor.u32 $0xE, v35;
	v22 =	vld.idx.msk [tilespmem:v51+s16+$0x0], $0xffff  }
0x1d0: {  	v37 =	vld.idx.msk [tilespmem:v52+s16+$0x0], $0xffff;
	_ =	sdelay $0x1  }
0x1d1: {  	v33 =	vld.idx.msk [tilespmem:v53+s16+$0x0], $0xffff;
	_ =	sdelay $0x1  }
0x1d2: {  	v36 =	vld.idx.msk [tilespmem:v54+s16+$0x0], $0xffff  }
0x1d3: {  	v22 =	vmul.f32 v22, v38;
	v37 =	vmul.f32 v37, v39;
	_ =	sdelay $0x1  }
0x1d4: {  	v33 =	vmul.f32 v33, v40;
	v22 =	vadd.f32 v37, v22  }
0x1d5: {  	v55 =	vor.u32 $0xE, v23  }
0x1d6: {  	v57 =	vor.u32 $0x7, v34;
	v56 =	vmul.f32 v36, v41;
	v22 =	vadd.f32 v33, v22  }
0x1d7: {  	v34 =	vor.u32 $0xF, v34  }
0x1d8: {  	v22 =	vadd.f32 v56, v22  }
0x1d9: {  	v58 =	vor.u32 $0x7, v35  }
0x1da: {  	[tilespmem:v55+s21+$0x0] =	vst.idx.msk $0xffff, v22  }
0x1db: {  	v35 =	vor.u32 $0xF, v35;
	v22 =	vld.idx.msk [tilespmem:v57+s16+$0x0], $0xffff  }
0x1dc: {  	v34 =	vld.idx.msk [tilespmem:v34+s16+$0x0], $0xffff;
	_ =	sdelay $0x1  }
0x1dd: {  	v33 =	vld.idx.msk [tilespmem:v58+s16+$0x0], $0xffff;
	_ =	sdelay $0x1  }
0x1de: {  	v35 =	vld.idx.msk [tilespmem:v35+s16+$0x0], $0xffff  }
0x1df: {  	v22 =	vmul.f32 v22, v38;
	v34 =	vmul.f32 v34, v39;
	_ =	sdelay $0x1  }
0x1e0: {  	v33 =	vmul.f32 v33, v40;
	v34 =	vadd.f32 v34, v22  }
0x1e1: {  	v59 =	vor.u32 $0xF, v23;
	v22 =	vor.u32 $0x2000, v1  }
0x1e2: {  	v60 =	vmul.f32 v35, v41;
	v35 =	vor.u32 v22, v26;
	v33 =	vadd.f32 v33, v34  }
0x1e3: {  	v61 =	vor.u32 $0x8, v35  }
0x1e4: {  	v33 =	vadd.f32 v60, v33  }
0x1e5: {  	v34 =	vor.u32 v10, v26  }
0x1e6: {  	[tilespmem:v59+s21+$0x0] =	vst.idx.msk $0xffff, v33  }
0x1e7: {  	v62 =	vor.u32 $0x8, v34;
	v33 =	vld.idx.msk [tilespmem:v35+s16+$0x0], $0xffff  }
0x1e8: {  	v37 =	vld.idx.msk [tilespmem:v61+s16+$0x0], $0xffff;
	_ =	sdelay $0x1  }
0x1e9: {  	v63 =	vld.idx.msk [tilespmem:v34+s16+$0x0], $0xffff  }
0x1ea: {  	v39 =	vmul.f32 v32, v31;
	v40 =	vmul.f32 v29, v31  }
0x1eb: {  	v41 =	vmul.f32 v32, v30;
	v36 =	vld.idx.msk [tilespmem:v62+s16+$0x0], $0xffff  }
0x1ec: {  	v33 =	vmul.f32 v33, v39;
	v37 =	vmul.f32 v37, v40;
	_ =	sdelay $0x1  }
0x1ed: {  	v42 =	vmul.f32 v29, v30;
	v45 =	vmul.f32 v63, v41;
	v33 =	vadd.f32 v37, v33  }
0x1ee: {  	v46 =	vadd.s32 $0x10, v23  }
0x1ef: {  	v47 =	vor.u32 $0x1, v35;
	v36 =	vmul.f32 v36, v42;
	v33 =	vadd.f32 v45, v33  }
0x1f0: {  	v43 =	vor.u32 $0x9, v35  }
0x1f1: {  	v33 =	vadd.f32 v36, v33  }
0x1f2: {  	v48 =	vor.u32 $0x1, v34  }
0x1f3: {  	[tilespmem:v46+s21+$0x0] =	vst.idx.msk $0xffff, v33  }
0x1f4: {  	v49 =	vor.u32 $0x9, v34;
	v33 =	vld.idx.msk [tilespmem:v47+s16+$0x0], $0xffff  }
0x1f5: {  	v38 =	vld.idx.msk [tilespmem:v43+s16+$0x0], $0xffff;
	_ =	sdelay $0x1  }
0x1f6: {  	v36 =	vld.idx.msk [tilespmem:v48+s16+$0x0], $0xffff;
	_ =	sdelay $0x1  }
0x1f7: {  	v37 =	vld.idx.msk [tilespmem:v49+s16+$0x0], $0xffff  }
0x1f8: {  	v33 =	vmul.f32 v33, v39;
	v38 =	vmul.f32 v38, v40;
	_ =	sdelay $0x1  }
0x1f9: {  	v36 =	vmul.f32 v36, v41;
	v33 =	vadd.f32 v38, v33  }
0x1fa: {  	v50 =	vadd.s32 $0x11, v23  }
0x1fb: {  	v52 =	vor.u32 $0x2, v35;
	v51 =	vmul.f32 v37, v42;
	v33 =	vadd.f32 v36, v33  }
0x1fc: {  	v53 =	vor.u32 $0xA, v35  }
0x1fd: {  	v33 =	vadd.f32 v51, v33  }
0x1fe: {  	v54 =	vor.u32 $0x2, v34  }
0x1ff: {  	[tilespmem:v50+s21+$0x0] =	vst.idx.msk $0xffff, v33  }
0x200: {  	v55 =	vor.u32 $0xA, v34;
	v33 =	vld.idx.msk [tilespmem:v52+s16+$0x0], $0xffff  }
0x201: {  	v38 =	vld.idx.msk [tilespmem:v53+s16+$0x0], $0xffff;
	_ =	sdelay $0x1  }
0x202: {  	v36 =	vld.idx.msk [tilespmem:v54+s16+$0x0], $0xffff;
	_ =	sdelay $0x1  }
0x203: {  	v37 =	vld.idx.msk [tilespmem:v55+s16+$0x0], $0xffff  }
0x204: {  	v33 =	vmul.f32 v33, v39;
	v38 =	vmul.f32 v38, v40;
	_ =	sdelay $0x1  }
0x205: {  	v36 =	vmul.f32 v36, v41;
	v33 =	vadd.f32 v38, v33  }
0x206: {  	v56 =	vadd.s32 $0x12, v23  }
0x207: {  	v58 =	vor.u32 $0x3, v35;
	v57 =	vmul.f32 v37, v42;
	v33 =	vadd.f32 v36, v33  }
0x208: {  	v59 =	vor.u32 $0xB, v35  }
0x209: {  	v33 =	vadd.f32 v57, v33  }
0x20a: {  	v60 =	vor.u32 $0x3, v34  }
0x20b: {  	[tilespmem:v56+s21+$0x0] =	vst.idx.msk $0xffff, v33  }
0x20c: {  	v61 =	vor.u32 $0xB, v34;
	v33 =	vld.idx.msk [tilespmem:v58+s16+$0x0], $0xffff  }
0x20d: {  	v38 =	vld.idx.msk [tilespmem:v59+s16+$0x0], $0xffff;
	_ =	sdelay $0x1  }
0x20e: {  	v36 =	vld.idx.msk [tilespmem:v60+s16+$0x0], $0xffff;
	_ =	sdelay $0x1  }
0x20f: {  	v37 =	vld.idx.msk [tilespmem:v61+s16+$0x0], $0xffff  }
0x210: {  	v33 =	vmul.f32 v33, v39;
	v38 =	vmul.f32 v38, v40;
	_ =	sdelay $0x1  }
0x211: {  	v36 =	vmul.f32 v36, v41;
	v33 =	vadd.f32 v38, v33  }
0x212: {  	v62 =	vadd.s32 $0x13, v23  }
0x213: {  	v45 =	vor.u32 $0x4, v35;
	v63 =	vmul.f32 v37, v42;
	v33 =	vadd.f32 v36, v33  }
0x214: {  	v46 =	vor.u32 $0xC, v35  }
0x215: {  	v33 =	vadd.f32 v63, v33  }
0x216: {  	v47 =	vor.u32 $0x4, v34  }
0x217: {  	[tilespmem:v62+s21+$0x0] =	vst.idx.msk $0xffff, v33  }
0x218: {  	v48 =	vor.u32 $0xC, v34;
	v33 =	vld.idx.msk [tilespmem:v45+s16+$0x0], $0xffff  }
0x219: {  	v38 =	vld.idx.msk [tilespmem:v46+s16+$0x0], $0xffff;
	_ =	sdelay $0x1  }
0x21a: {  	v36 =	vld.idx.msk [tilespmem:v47+s16+$0x0], $0xffff;
	_ =	sdelay $0x1  }
0x21b: {  	v37 =	vld.idx.msk [tilespmem:v48+s16+$0x0], $0xffff  }
0x21c: {  	v33 =	vmul.f32 v33, v39;
	v38 =	vmul.f32 v38, v40;
	_ =	sdelay $0x1  }
0x21d: {  	v36 =	vmul.f32 v36, v41;
	v33 =	vadd.f32 v38, v33  }
0x21e: {  	v49 =	vadd.s32 $0x14, v23  }
0x21f: {  	v51 =	vor.u32 $0x5, v35;
	v50 =	vmul.f32 v37, v42;
	v33 =	vadd.f32 v36, v33  }
0x220: {  	v52 =	vor.u32 $0xD, v35  }
0x221: {  	v33 =	vadd.f32 v50, v33  }
0x222: {  	v53 =	vor.u32 $0x5, v34  }
0x223: {  	[tilespmem:v49+s21+$0x0] =	vst.idx.msk $0xffff, v33  }
0x224: {  	v54 =	vor.u32 $0xD, v34;
	v33 =	vld.idx.msk [tilespmem:v51+s16+$0x0], $0xffff  }
0x225: {  	v38 =	vld.idx.msk [tilespmem:v52+s16+$0x0], $0xffff;
	_ =	sdelay $0x1  }
0x226: {  	v36 =	vld.idx.msk [tilespmem:v53+s16+$0x0], $0xffff;
	_ =	sdelay $0x1  }
0x227: {  	v37 =	vld.idx.msk [tilespmem:v54+s16+$0x0], $0xffff  }
0x228: {  	v33 =	vmul.f32 v33, v39;
	v38 =	vmul.f32 v38, v40;
	_ =	sdelay $0x1  }
0x229: {  	v36 =	vmul.f32 v36, v41;
	v33 =	vadd.f32 v38, v33  }
0x22a: {  	v55 =	vadd.s32 $0x15, v23  }
0x22b: {  	v57 =	vor.u32 $0x6, v35;
	v56 =	vmul.f32 v37, v42;
	v33 =	vadd.f32 v36, v33  }
0x22c: {  	v58 =	vor.u32 $0xE, v35  }
0x22d: {  	v33 =	vadd.f32 v56, v33  }
0x22e: {  	v59 =	vor.u32 $0x6, v34  }
0x22f: {  	[tilespmem:v55+s21+$0x0] =	vst.idx.msk $0xffff, v33  }
0x230: {  	v60 =	vor.u32 $0xE, v34;
	v33 =	vld.idx.msk [tilespmem:v57+s16+$0x0], $0xffff  }
0x231: {  	v38 =	vld.idx.msk [tilespmem:v58+s16+$0x0], $0xffff;
	_ =	sdelay $0x1  }
0x232: {  	v36 =	vld.idx.msk [tilespmem:v59+s16+$0x0], $0xffff;
	_ =	sdelay $0x1  }
0x233: {  	v37 =	vld.idx.msk [tilespmem:v60+s16+$0x0], $0xffff  }
0x234: {  	v33 =	vmul.f32 v33, v39;
	v38 =	vmul.f32 v38, v40;
	_ =	sdelay $0x1  }
0x235: {  	v36 =	vmul.f32 v36, v41;
	v33 =	vadd.f32 v38, v33  }
0x236: {  	v61 =	vadd.s32 $0x16, v23  }
0x237: {  	v63 =	vor.u32 $0x7, v35;
	v62 =	vmul.f32 v37, v42;
	v33 =	vadd.f32 v36, v33  }
0x238: {  	v35 =	vor.u32 $0xF, v35  }
0x239: {  	v33 =	vadd.f32 v62, v33  }
0x23a: {  	v43 =	vor.u32 $0x7, v34  }
0x23b: {  	[tilespmem:v61+s21+$0x0] =	vst.idx.msk $0xffff, v33  }
0x23c: {  	v34 =	vor.u32 $0xF, v34;
	v33 =	vld.idx.msk [tilespmem:v63+s16+$0x0], $0xffff  }
0x23d: {  	v35 =	vld.idx.msk [tilespmem:v35+s16+$0x0], $0xffff;
	_ =	sdelay $0x1  }
0x23e: {  	v36 =	vld.idx.msk [tilespmem:v43+s16+$0x0], $0xffff;
	_ =	sdelay $0x1  }
0x23f: {  	v34 =	vld.idx.msk [tilespmem:v34+s16+$0x0], $0xffff  }
0x240: {  	v33 =	vmul.f32 v33, v39;
	v35 =	vmul.f32 v35, v40;
	_ =	sdelay $0x1  }
0x241: {  	v44 =	vmul.f32 v36, v41;
	v33 =	vadd.f32 v35, v33  }
0x242: {  	v45 =	vadd.s32 $0x17, v23  }
0x243: {  	v34 =	vmul.f32 v34, v42;
	v35 =	vor.u32 v9, v26;
	v33 =	vadd.f32 v44, v33  }
0x244: {  	v46 =	vor.u32 $0x8, v35  }
0x245: {  	v33 =	vadd.f32 v34, v33  }
0x246: {  	v34 =	vor.u32 v8, v26  }
0x247: {  	[tilespmem:v45+s21+$0x0] =	vst.idx.msk $0xffff, v33  }
0x248: {  	v47 =	vor.u32 $0x8, v34;
	v33 =	vld.idx.msk [tilespmem:v35+s16+$0x0], $0xffff  }
0x249: {  	v37 =	vld.idx.msk [tilespmem:v46+s16+$0x0], $0xffff;
	_ =	sdelay $0x1  }
0x24a: {  	v38 =	vld.idx.msk [tilespmem:v34+s16+$0x0], $0xffff  }
0x24b: {  	v39 =	vmul.f32 v28, v31;
	v31 =	vmul.f32 v27, v31  }
0x24c: {  	v40 =	vmul.f32 v28, v30;
	v36 =	vld.idx.msk [tilespmem:v47+s16+$0x0], $0xffff  }
0x24d: {  	v33 =	vmul.f32 v33, v39;
	v37 =	vmul.f32 v37, v31;
	_ =	sdelay $0x1  }
0x24e: {  	v30 =	vmul.f32 v27, v30;
	v33 =	vadd.f32 v37, v33;
	v48 =	vmul.f32 v38, v40  }
0x24f: {  	v49 =	vadd.s32 $0x18, v23  }
0x250: {  	v50 =	vor.u32 $0x1, v35;
	v36 =	vmul.f32 v36, v30;
	v33 =	vadd.f32 v48, v33  }
0x251: {  	v51 =	vor.u32 $0x9, v35  }
0x252: {  	v33 =	vadd.f32 v36, v33  }
0x253: {  	v52 =	vor.u32 $0x1, v34  }
0x254: {  	[tilespmem:v49+s21+$0x0] =	vst.idx.msk $0xffff, v33  }
0x255: {  	v53 =	vor.u32 $0x9, v34;
	v33 =	vld.idx.msk [tilespmem:v50+s16+$0x0], $0xffff  }
0x256: {  	v38 =	vld.idx.msk [tilespmem:v51+s16+$0x0], $0xffff;
	_ =	sdelay $0x1  }
0x257: {  	v36 =	vld.idx.msk [tilespmem:v52+s16+$0x0], $0xffff;
	_ =	sdelay $0x1  }
0x258: {  	v37 =	vld.idx.msk [tilespmem:v53+s16+$0x0], $0xffff  }
0x259: {  	v33 =	vmul.f32 v33, v39;
	v38 =	vmul.f32 v38, v31;
	_ =	sdelay $0x1  }
0x25a: {  	v36 =	vmul.f32 v36, v40;
	v33 =	vadd.f32 v38, v33  }
0x25b: {  	v54 =	vadd.s32 $0x19, v23  }
0x25c: {  	v56 =	vor.u32 $0x2, v35;
	v55 =	vmul.f32 v37, v30;
	v33 =	vadd.f32 v36, v33  }
0x25d: {  	v57 =	vor.u32 $0xA, v35  }
0x25e: {  	v33 =	vadd.f32 v55, v33  }
0x25f: {  	v58 =	vor.u32 $0x2, v34  }
0x260: {  	[tilespmem:v54+s21+$0x0] =	vst.idx.msk $0xffff, v33  }
0x261: {  	v59 =	vor.u32 $0xA, v34;
	v33 =	vld.idx.msk [tilespmem:v56+s16+$0x0], $0xffff  }
0x262: {  	v38 =	vld.idx.msk [tilespmem:v57+s16+$0x0], $0xffff;
	_ =	sdelay $0x1  }
0x263: {  	v36 =	vld.idx.msk [tilespmem:v58+s16+$0x0], $0xffff;
	_ =	sdelay $0x1  }
0x264: {  	v37 =	vld.idx.msk [tilespmem:v59+s16+$0x0], $0xffff  }
0x265: {  	v33 =	vmul.f32 v33, v39;
	v38 =	vmul.f32 v38, v31;
	_ =	sdelay $0x1  }
0x266: {  	v36 =	vmul.f32 v36, v40;
	v33 =	vadd.f32 v38, v33  }
0x267: {  	v60 =	vadd.s32 $0x1A, v23  }
0x268: {  	v62 =	vor.u32 $0x3, v35;
	v61 =	vmul.f32 v37, v30;
	v33 =	vadd.f32 v36, v33  }
0x269: {  	v63 =	vor.u32 $0xB, v35  }
0x26a: {  	v33 =	vadd.f32 v61, v33  }
0x26b: {  	v44 =	vor.u32 $0x3, v34  }
0x26c: {  	[tilespmem:v60+s21+$0x0] =	vst.idx.msk $0xffff, v33  }
0x26d: {  	v45 =	vor.u32 $0xB, v34;
	v33 =	vld.idx.msk [tilespmem:v62+s16+$0x0], $0xffff  }
0x26e: {  	v38 =	vld.idx.msk [tilespmem:v63+s16+$0x0], $0xffff;
	_ =	sdelay $0x1  }
0x26f: {  	v36 =	vld.idx.msk [tilespmem:v44+s16+$0x0], $0xffff;
	_ =	sdelay $0x1  }
0x270: {  	v37 =	vld.idx.msk [tilespmem:v45+s16+$0x0], $0xffff  }
0x271: {  	v33 =	vmul.f32 v33, v39;
	v38 =	vmul.f32 v38, v31;
	_ =	sdelay $0x1  }
0x272: {  	v36 =	vmul.f32 v36, v40;
	v33 =	vadd.f32 v38, v33  }
0x273: {  	v46 =	vadd.s32 $0x1B, v23  }
0x274: {  	v48 =	vor.u32 $0x4, v35;
	v47 =	vmul.f32 v37, v30;
	v33 =	vadd.f32 v36, v33  }
0x275: {  	v49 =	vor.u32 $0xC, v35  }
0x276: {  	v33 =	vadd.f32 v47, v33  }
0x277: {  	v50 =	vor.u32 $0x4, v34  }
0x278: {  	[tilespmem:v46+s21+$0x0] =	vst.idx.msk $0xffff, v33  }
0x279: {  	v51 =	vor.u32 $0xC, v34;
	v33 =	vld.idx.msk [tilespmem:v48+s16+$0x0], $0xffff  }
0x27a: {  	v38 =	vld.idx.msk [tilespmem:v49+s16+$0x0], $0xffff;
	_ =	sdelay $0x1  }
0x27b: {  	v36 =	vld.idx.msk [tilespmem:v50+s16+$0x0], $0xffff;
	_ =	sdelay $0x1  }
0x27c: {  	v37 =	vld.idx.msk [tilespmem:v51+s16+$0x0], $0xffff  }
0x27d: {  	v33 =	vmul.f32 v33, v39;
	v38 =	vmul.f32 v38, v31;
	_ =	sdelay $0x1  }
0x27e: {  	v36 =	vmul.f32 v36, v40;
	v33 =	vadd.f32 v38, v33  }
0x27f: {  	v52 =	vadd.s32 $0x1C, v23  }
0x280: {  	v54 =	vor.u32 $0x5, v35;
	v53 =	vmul.f32 v37, v30;
	v33 =	vadd.f32 v36, v33  }
0x281: {  	v55 =	vor.u32 $0xD, v35  }
0x282: {  	v33 =	vadd.f32 v53, v33  }
0x283: {  	v56 =	vor.u32 $0x5, v34  }
0x284: {  	[tilespmem:v52+s21+$0x0] =	vst.idx.msk $0xffff, v33  }
0x285: {  	v57 =	vor.u32 $0xD, v34;
	v33 =	vld.idx.msk [tilespmem:v54+s16+$0x0], $0xffff  }
0x286: {  	v38 =	vld.idx.msk [tilespmem:v55+s16+$0x0], $0xffff;
	_ =	sdelay $0x1  }
0x287: {  	v36 =	vld.idx.msk [tilespmem:v56+s16+$0x0], $0xffff;
	_ =	sdelay $0x1  }
0x288: {  	v37 =	vld.idx.msk [tilespmem:v57+s16+$0x0], $0xffff  }
0x289: {  	v33 =	vmul.f32 v33, v39;
	v38 =	vmul.f32 v38, v31;
	_ =	sdelay $0x1  }
0x28a: {  	v36 =	vmul.f32 v36, v40;
	v33 =	vadd.f32 v38, v33  }
0x28b: {  	v58 =	vadd.s32 $0x1D, v23  }
0x28c: {  	v60 =	vor.u32 $0x6, v35;
	v59 =	vmul.f32 v37, v30;
	v33 =	vadd.f32 v36, v33  }
0x28d: {  	v61 =	vor.u32 $0xE, v35  }
0x28e: {  	v33 =	vadd.f32 v59, v33  }
0x28f: {  	v62 =	vor.u32 $0x6, v34  }
0x290: {  	[tilespmem:v58+s21+$0x0] =	vst.idx.msk $0xffff, v33  }
0x291: {  	v63 =	vor.u32 $0xE, v34;
	v33 =	vld.idx.msk [tilespmem:v60+s16+$0x0], $0xffff  }
0x292: {  	v38 =	vld.idx.msk [tilespmem:v61+s16+$0x0], $0xffff;
	_ =	sdelay $0x1  }
0x293: {  	v36 =	vld.idx.msk [tilespmem:v62+s16+$0x0], $0xffff;
	_ =	sdelay $0x1  }
0x294: {  	v37 =	vld.idx.msk [tilespmem:v63+s16+$0x0], $0xffff  }
0x295: {  	v33 =	vmul.f32 v33, v39;
	v38 =	vmul.f32 v38, v31;
	_ =	sdelay $0x1  }
0x296: {  	v36 =	vmul.f32 v36, v40;
	v33 =	vadd.f32 v38, v33  }
0x297: {  	v41 =	vadd.s32 $0x1E, v23  }
0x298: {  	v43 =	vor.u32 $0x7, v35;
	v42 =	vmul.f32 v37, v30;
	v33 =	vadd.f32 v36, v33  }
0x299: {  	v35 =	vor.u32 $0xF, v35  }
0x29a: {  	v33 =	vadd.f32 v42, v33  }
0x29b: {  	v44 =	vor.u32 $0x7, v34  }
0x29c: {  	[tilespmem:v41+s21+$0x0] =	vst.idx.msk $0xffff, v33  }
0x29d: {  	v34 =	vor.u32 $0xF, v34;
	v33 =	vld.idx.msk [tilespmem:v43+s16+$0x0], $0xffff  }
0x29e: {  	v35 =	vld.idx.msk [tilespmem:v35+s16+$0x0], $0xffff;
	_ =	sdelay $0x1  }
0x29f: {  	v36 =	vld.idx.msk [tilespmem:v44+s16+$0x0], $0xffff;
	_ =	sdelay $0x1  }
0x2a0: {  	v34 =	vld.idx.msk [tilespmem:v34+s16+$0x0], $0xffff  }
0x2a1: {  	v33 =	vmul.f32 v33, v39;
	v31 =	vmul.f32 v35, v31;
	_ =	sdelay $0x1  }
0x2a2: {  	v45 =	vmul.f32 v36, v40;
	v31 =	vadd.f32 v31, v33  }
0x2a3: {  	v46 =	vadd.s32 $0x1F, v23  }
0x2a4: {  	v30 =	vmul.f32 v34, v30;
	v33 =	vor.u32 v7, v26;
	v31 =	vadd.f32 v45, v31  }
0x2a5: {  	v47 =	vor.u32 $0x8, v33  }
0x2a6: {  	v30 =	vadd.f32 v30, v31  }
0x2a7: {  	v31 =	vor.u32 v6, v26  }
0x2a8: {  	[tilespmem:v46+s21+$0x0] =	vst.idx.msk $0xffff, v30  }
0x2a9: {  	v48 =	vor.u32 $0x8, v31;
	v30 =	vld.idx.msk [tilespmem:v33+s16+$0x0], $0xffff  }
0x2aa: {  	v34 =	vld.idx.msk [tilespmem:v47+s16+$0x0], $0xffff;
	_ =	sdelay $0x1  }
0x2ab: {  	v49 =	vld.idx.msk [tilespmem:v31+s16+$0x0], $0xffff  }
0x2ac: {  	v37 =	vmul.f32 v32, v25;
	v38 =	vmul.f32 v29, v25  }
0x2ad: {  	v32 =	vmul.f32 v32, v24;
	v35 =	vld.idx.msk [tilespmem:v48+s16+$0x0], $0xffff  }
0x2ae: {  	v30 =	vmul.f32 v30, v37;
	v34 =	vmul.f32 v34, v38;
	_ =	sdelay $0x1  }
0x2af: {  	v29 =	vmul.f32 v29, v24;
	v30 =	vadd.f32 v34, v30;
	v50 =	vmul.f32 v49, v32  }
0x2b0: {  	v51 =	vadd.s32 $0x20, v23  }
0x2b1: {  	v53 =	vor.u32 $0x1, v33;
	v52 =	vmul.f32 v35, v29;
	v30 =	vadd.f32 v50, v30  }
0x2b2: {  	v54 =	vor.u32 $0x9, v33  }
0x2b3: {  	v30 =	vadd.f32 v52, v30  }
0x2b4: {  	v55 =	vor.u32 $0x1, v31  }
0x2b5: {  	[tilespmem:v51+s21+$0x0] =	vst.idx.msk $0xffff, v30  }
0x2b6: {  	v56 =	vor.u32 $0x9, v31;
	v30 =	vld.idx.msk [tilespmem:v53+s16+$0x0], $0xffff  }
0x2b7: {  	v36 =	vld.idx.msk [tilespmem:v54+s16+$0x0], $0xffff;
	_ =	sdelay $0x1  }
0x2b8: {  	v34 =	vld.idx.msk [tilespmem:v55+s16+$0x0], $0xffff;
	_ =	sdelay $0x1  }
0x2b9: {  	v35 =	vld.idx.msk [tilespmem:v56+s16+$0x0], $0xffff  }
0x2ba: {  	v30 =	vmul.f32 v30, v37;
	v36 =	vmul.f32 v36, v38;
	_ =	sdelay $0x1  }
0x2bb: {  	v34 =	vmul.f32 v34, v32;
	v30 =	vadd.f32 v36, v30  }
0x2bc: {  	v57 =	vadd.s32 $0x21, v23  }
0x2bd: {  	v59 =	vor.u32 $0x2, v33;
	v58 =	vmul.f32 v35, v29;
	v30 =	vadd.f32 v34, v30  }
0x2be: {  	v60 =	vor.u32 $0xA, v33  }
0x2bf: {  	v30 =	vadd.f32 v58, v30  }
0x2c0: {  	v61 =	vor.u32 $0x2, v31  }
0x2c1: {  	[tilespmem:v57+s21+$0x0] =	vst.idx.msk $0xffff, v30  }
0x2c2: {  	v62 =	vor.u32 $0xA, v31;
	v30 =	vld.idx.msk [tilespmem:v59+s16+$0x0], $0xffff  }
0x2c3: {  	v36 =	vld.idx.msk [tilespmem:v60+s16+$0x0], $0xffff;
	_ =	sdelay $0x1  }
0x2c4: {  	v34 =	vld.idx.msk [tilespmem:v61+s16+$0x0], $0xffff;
	_ =	sdelay $0x1  }
0x2c5: {  	v35 =	vld.idx.msk [tilespmem:v62+s16+$0x0], $0xffff  }
0x2c6: {  	v30 =	vmul.f32 v30, v37;
	v36 =	vmul.f32 v36, v38;
	_ =	sdelay $0x1  }
0x2c7: {  	v34 =	vmul.f32 v34, v32;
	v30 =	vadd.f32 v36, v30  }
0x2c8: {  	v63 =	vadd.s32 $0x22, v23  }
0x2c9: {  	v43 =	vor.u32 $0x3, v33;
	v42 =	vmul.f32 v35, v29;
	v30 =	vadd.f32 v34, v30  }
0x2ca: {  	v44 =	vor.u32 $0xB, v33  }
0x2cb: {  	v30 =	vadd.f32 v42, v30  }
0x2cc: {  	v45 =	vor.u32 $0x3, v31  }
0x2cd: {  	[tilespmem:v63+s21+$0x0] =	vst.idx.msk $0xffff, v30  }
0x2ce: {  	v46 =	vor.u32 $0xB, v31;
	v30 =	vld.idx.msk [tilespmem:v43+s16+$0x0], $0xffff  }
0x2cf: {  	v36 =	vld.idx.msk [tilespmem:v44+s16+$0x0], $0xffff;
	_ =	sdelay $0x1  }
0x2d0: {  	v34 =	vld.idx.msk [tilespmem:v45+s16+$0x0], $0xffff;
	_ =	sdelay $0x1  }
0x2d1: {  	v35 =	vld.idx.msk [tilespmem:v46+s16+$0x0], $0xffff  }
0x2d2: {  	v30 =	vmul.f32 v30, v37;
	v36 =	vmul.f32 v36, v38;
	_ =	sdelay $0x1  }
0x2d3: {  	v34 =	vmul.f32 v34, v32;
	v30 =	vadd.f32 v36, v30  }
0x2d4: {  	v47 =	vadd.s32 $0x23, v23  }
0x2d5: {  	v49 =	vor.u32 $0x4, v33;
	v48 =	vmul.f32 v35, v29;
	v30 =	vadd.f32 v34, v30  }
0x2d6: {  	v50 =	vor.u32 $0xC, v33  }
0x2d7: {  	v30 =	vadd.f32 v48, v30  }
0x2d8: {  	v51 =	vor.u32 $0x4, v31  }
0x2d9: {  	[tilespmem:v47+s21+$0x0] =	vst.idx.msk $0xffff, v30  }
0x2da: {  	v52 =	vor.u32 $0xC, v31;
	v30 =	vld.idx.msk [tilespmem:v49+s16+$0x0], $0xffff  }
0x2db: {  	v36 =	vld.idx.msk [tilespmem:v50+s16+$0x0], $0xffff;
	_ =	sdelay $0x1  }
0x2dc: {  	v34 =	vld.idx.msk [tilespmem:v51+s16+$0x0], $0xffff;
	_ =	sdelay $0x1  }
0x2dd: {  	v35 =	vld.idx.msk [tilespmem:v52+s16+$0x0], $0xffff  }
0x2de: {  	v30 =	vmul.f32 v30, v37;
	v36 =	vmul.f32 v36, v38;
	_ =	sdelay $0x1  }
0x2df: {  	v34 =	vmul.f32 v34, v32;
	v30 =	vadd.f32 v36, v30  }
0x2e0: {  	v53 =	vadd.s32 $0x24, v23  }
0x2e1: {  	v55 =	vor.u32 $0x5, v33;
	v54 =	vmul.f32 v35, v29;
	v30 =	vadd.f32 v34, v30  }
0x2e2: {  	v56 =	vor.u32 $0xD, v33  }
0x2e3: {  	v30 =	vadd.f32 v54, v30  }
0x2e4: {  	v57 =	vor.u32 $0x5, v31  }
0x2e5: {  	[tilespmem:v53+s21+$0x0] =	vst.idx.msk $0xffff, v30  }
0x2e6: {  	v58 =	vor.u32 $0xD, v31;
	v30 =	vld.idx.msk [tilespmem:v55+s16+$0x0], $0xffff  }
0x2e7: {  	v36 =	vld.idx.msk [tilespmem:v56+s16+$0x0], $0xffff;
	_ =	sdelay $0x1  }
0x2e8: {  	v34 =	vld.idx.msk [tilespmem:v57+s16+$0x0], $0xffff;
	_ =	sdelay $0x1  }
0x2e9: {  	v35 =	vld.idx.msk [tilespmem:v58+s16+$0x0], $0xffff  }
0x2ea: {  	v30 =	vmul.f32 v30, v37;
	v36 =	vmul.f32 v36, v38;
	_ =	sdelay $0x1  }
0x2eb: {  	v34 =	vmul.f32 v34, v32;
	v30 =	vadd.f32 v36, v30  }
0x2ec: {  	v59 =	vadd.s32 $0x25, v23  }
0x2ed: {  	v61 =	vor.u32 $0x6, v33;
	v60 =	vmul.f32 v35, v29;
	v30 =	vadd.f32 v34, v30  }
0x2ee: {  	v62 =	vor.u32 $0xE, v33  }
0x2ef: {  	v30 =	vadd.f32 v60, v30  }
0x2f0: {  	v63 =	vor.u32 $0x6, v31  }
0x2f1: {  	[tilespmem:v59+s21+$0x0] =	vst.idx.msk $0xffff, v30  }
0x2f2: {  	v40 =	vor.u32 $0xE, v31;
	v30 =	vld.idx.msk [tilespmem:v61+s16+$0x0], $0xffff  }
0x2f3: {  	v36 =	vld.idx.msk [tilespmem:v62+s16+$0x0], $0xffff;
	_ =	sdelay $0x1  }
0x2f4: {  	v34 =	vld.idx.msk [tilespmem:v63+s16+$0x0], $0xffff;
	_ =	sdelay $0x1  }
0x2f5: {  	v35 =	vld.idx.msk [tilespmem:v40+s16+$0x0], $0xffff  }
0x2f6: {  	v30 =	vmul.f32 v30, v37;
	v36 =	vmul.f32 v36, v38;
	_ =	sdelay $0x1  }
0x2f7: {  	v34 =	vmul.f32 v34, v32;
	v30 =	vadd.f32 v36, v30  }
0x2f8: {  	v41 =	vadd.s32 $0x26, v23  }
0x2f9: {  	v43 =	vor.u32 $0x7, v33;
	v42 =	vmul.f32 v35, v29;
	v30 =	vadd.f32 v34, v30  }
0x2fa: {  	v33 =	vor.u32 $0xF, v33  }
0x2fb: {  	v30 =	vadd.f32 v42, v30  }
0x2fc: {  	v44 =	vor.u32 $0x7, v31  }
0x2fd: {  	[tilespmem:v41+s21+$0x0] =	vst.idx.msk $0xffff, v30  }
0x2fe: {  	v31 =	vor.u32 $0xF, v31;
	v30 =	vld.idx.msk [tilespmem:v43+s16+$0x0], $0xffff  }
0x2ff: {  	v33 =	vld.idx.msk [tilespmem:v33+s16+$0x0], $0xffff;
	_ =	sdelay $0x1  }
0x300: {  	v34 =	vld.idx.msk [tilespmem:v44+s16+$0x0], $0xffff;
	_ =	sdelay $0x1  }
0x301: {  	v31 =	vld.idx.msk [tilespmem:v31+s16+$0x0], $0xffff  }
0x302: {  	v30 =	vmul.f32 v30, v37;
	v33 =	vmul.f32 v33, v38;
	_ =	sdelay $0x1  }
0x303: {  	v32 =	vmul.f32 v34, v32;
	v30 =	vadd.f32 v33, v30  }
0x304: {  	v45 =	vadd.s32 $0x27, v23  }
0x305: {  	v29 =	vmul.f32 v31, v29;
	v31 =	vor.u32 v5, v26;
	v30 =	vadd.f32 v32, v30  }
0x306: {  	v46 =	vor.u32 $0x8, v31  }
0x307: {  	v29 =	vadd.f32 v29, v30  }
0x308: {  	v26 =	vor.u32 v4, v26  }
0x309: {  	[tilespmem:v45+s21+$0x0] =	vst.idx.msk $0xffff, v29  }
0x30a: {  	v47 =	vor.u32 $0x8, v26;
	v29 =	vld.idx.msk [tilespmem:v31+s16+$0x0], $0xffff  }
0x30b: {  	v32 =	vld.idx.msk [tilespmem:v46+s16+$0x0], $0xffff;
	_ =	sdelay $0x1  }
0x30c: {  	v33 =	vld.idx.msk [tilespmem:v26+s16+$0x0], $0xffff  }
0x30d: {  	v34 =	vmul.f32 v28, v25;
	v25 =	vmul.f32 v27, v25  }
0x30e: {  	v28 =	vmul.f32 v28, v24;
	v30 =	vld.idx.msk [tilespmem:v47+s16+$0x0], $0xffff  }
0x30f: {  	v29 =	vmul.f32 v29, v34;
	v32 =	vmul.f32 v32, v25;
	_ =	sdelay $0x1  }
0x310: {  	v24 =	vmul.f32 v27, v24;
	v49 =	vmul.f32 v33, v28;
	v48 =	vadd.f32 v32, v29  }
0x311: {  	v50 =	vadd.s32 $0x28, v23  }
0x312: {  	v52 =	vor.u32 $0x1, v31;
	v51 =	vmul.f32 v30, v24;
	v27 =	vadd.f32 v49, v48  }
0x313: {  	v53 =	vor.u32 $0x9, v31  }
0x314: {  	v27 =	vadd.f32 v51, v27  }
0x315: {  	v54 =	vor.u32 $0x1, v26  }
0x316: {  	[tilespmem:v50+s21+$0x0] =	vst.idx.msk $0xffff, v27  }
0x317: {  	v55 =	vor.u32 $0x9, v26;
	v27 =	vld.idx.msk [tilespmem:v52+s16+$0x0], $0xffff  }
0x318: {  	v32 =	vld.idx.msk [tilespmem:v53+s16+$0x0], $0xffff;
	_ =	sdelay $0x1  }
0x319: {  	v29 =	vld.idx.msk [tilespmem:v54+s16+$0x0], $0xffff;
	_ =	sdelay $0x1  }
0x31a: {  	v30 =	vld.idx.msk [tilespmem:v55+s16+$0x0], $0xffff  }
0x31b: {  	v27 =	vmul.f32 v27, v34;
	v32 =	vmul.f32 v32, v25;
	_ =	sdelay $0x1  }
0x31c: {  	v29 =	vmul.f32 v29, v28;
	v27 =	vadd.f32 v32, v27  }
0x31d: {  	v56 =	vadd.s32 $0x29, v23  }
0x31e: {  	v58 =	vor.u32 $0x2, v31;
	v57 =	vmul.f32 v30, v24;
	v27 =	vadd.f32 v29, v27  }
0x31f: {  	v59 =	vor.u32 $0xA, v31  }
0x320: {  	v27 =	vadd.f32 v57, v27  }
0x321: {  	v60 =	vor.u32 $0x2, v26  }
0x322: {  	[tilespmem:v56+s21+$0x0] =	vst.idx.msk $0xffff, v27  }
0x323: {  	v61 =	vor.u32 $0xA, v26;
	v27 =	vld.idx.msk [tilespmem:v58+s16+$0x0], $0xffff  }
0x324: {  	v32 =	vld.idx.msk [tilespmem:v59+s16+$0x0], $0xffff;
	_ =	sdelay $0x1  }
0x325: {  	v29 =	vld.idx.msk [tilespmem:v60+s16+$0x0], $0xffff;
	_ =	sdelay $0x1  }
0x326: {  	v30 =	vld.idx.msk [tilespmem:v61+s16+$0x0], $0xffff  }
0x327: {  	v27 =	vmul.f32 v27, v34;
	v32 =	vmul.f32 v32, v25;
	_ =	sdelay $0x1  }
0x328: {  	v29 =	vmul.f32 v29, v28;
	v27 =	vadd.f32 v32, v27  }
0x329: {  	v62 =	vadd.s32 $0x2A, v23  }
0x32a: {  	v36 =	vor.u32 $0x3, v31;
	v63 =	vmul.f32 v30, v24;
	v27 =	vadd.f32 v29, v27  }
0x32b: {  	v37 =	vor.u32 $0xB, v31  }
0x32c: {  	v27 =	vadd.f32 v63, v27  }
0x32d: {  	v38 =	vor.u32 $0x3, v26  }
0x32e: {  	[tilespmem:v62+s21+$0x0] =	vst.idx.msk $0xffff, v27  }
0x32f: {  	v39 =	vor.u32 $0xB, v26;
	v27 =	vld.idx.msk [tilespmem:v36+s16+$0x0], $0xffff  }
0x330: {  	v32 =	vld.idx.msk [tilespmem:v37+s16+$0x0], $0xffff;
	_ =	sdelay $0x1  }
0x331: {  	v29 =	vld.idx.msk [tilespmem:v38+s16+$0x0], $0xffff;
	_ =	sdelay $0x1  }
0x332: {  	v30 =	vld.idx.msk [tilespmem:v39+s16+$0x0], $0xffff  }
0x333: {  	v27 =	vmul.f32 v27, v34;
	v32 =	vmul.f32 v32, v25;
	_ =	sdelay $0x1  }
0x334: {  	v29 =	vmul.f32 v29, v28;
	v27 =	vadd.f32 v32, v27  }
0x335: {  	v40 =	vadd.s32 $0x2B, v23  }
0x336: {  	v42 =	vor.u32 $0x4, v31;
	v41 =	vmul.f32 v30, v24;
	v27 =	vadd.f32 v29, v27  }
0x337: {  	v43 =	vor.u32 $0xC, v31  }
0x338: {  	v27 =	vadd.f32 v41, v27  }
0x339: {  	v44 =	vor.u32 $0x4, v26  }
0x33a: {  	[tilespmem:v40+s21+$0x0] =	vst.idx.msk $0xffff, v27  }
0x33b: {  	v45 =	vor.u32 $0xC, v26;
	v27 =	vld.idx.msk [tilespmem:v42+s16+$0x0], $0xffff  }
0x33c: {  	v32 =	vld.idx.msk [tilespmem:v43+s16+$0x0], $0xffff;
	_ =	sdelay $0x1  }
0x33d: {  	v29 =	vld.idx.msk [tilespmem:v44+s16+$0x0], $0xffff;
	_ =	sdelay $0x1  }
0x33e: {  	v30 =	vld.idx.msk [tilespmem:v45+s16+$0x0], $0xffff  }
0x33f: {  	v27 =	vmul.f32 v27, v34;
	v32 =	vmul.f32 v32, v25;
	_ =	sdelay $0x1  }
0x340: {  	v29 =	vmul.f32 v29, v28;
	v27 =	vadd.f32 v32, v27  }
0x341: {  	v46 =	vadd.s32 $0x2C, v23  }
0x342: {  	v48 =	vor.u32 $0x5, v31;
	v47 =	vmul.f32 v30, v24;
	v27 =	vadd.f32 v29, v27  }
0x343: {  	v49 =	vor.u32 $0xD, v31  }
0x344: {  	v27 =	vadd.f32 v47, v27  }
0x345: {  	v50 =	vor.u32 $0x5, v26  }
0x346: {  	[tilespmem:v46+s21+$0x0] =	vst.idx.msk $0xffff, v27  }
0x347: {  	v51 =	vor.u32 $0xD, v26;
	v27 =	vld.idx.msk [tilespmem:v48+s16+$0x0], $0xffff  }
0x348: {  	v32 =	vld.idx.msk [tilespmem:v49+s16+$0x0], $0xffff;
	_ =	sdelay $0x1  }
0x349: {  	v29 =	vld.idx.msk [tilespmem:v50+s16+$0x0], $0xffff;
	_ =	sdelay $0x1  }
0x34a: {  	v30 =	vld.idx.msk [tilespmem:v51+s16+$0x0], $0xffff  }
0x34b: {  	v27 =	vmul.f32 v27, v34;
	v32 =	vmul.f32 v32, v25;
	_ =	sdelay $0x1  }
0x34c: {  	v29 =	vmul.f32 v29, v28;
	v27 =	vadd.f32 v32, v27  }
0x34d: {  	v52 =	vadd.s32 $0x2D, v23  }
0x34e: {  	v54 =	vor.u32 $0x6, v31;
	v53 =	vmul.f32 v30, v24;
	v27 =	vadd.f32 v29, v27  }
0x34f: {  	v55 =	vor.u32 $0xE, v31  }
0x350: {  	v27 =	vadd.f32 v53, v27  }
0x351: {  	v56 =	vor.u32 $0x6, v26  }
0x352: {  	[tilespmem:v52+s21+$0x0] =	vst.idx.msk $0xffff, v27  }
0x353: {  	v57 =	vor.u32 $0xE, v26;
	v27 =	vld.idx.msk [tilespmem:v54+s16+$0x0], $0xffff  }
0x354: {  	v32 =	vld.idx.msk [tilespmem:v55+s16+$0x0], $0xffff;
	_ =	sdelay $0x1  }
0x355: {  	v29 =	vld.idx.msk [tilespmem:v56+s16+$0x0], $0xffff;
	_ =	sdelay $0x1  }
0x356: {  	v30 =	vld.idx.msk [tilespmem:v57+s16+$0x0], $0xffff  }
0x357: {  	v27 =	vmul.f32 v27, v34;
	v32 =	vmul.f32 v32, v25;
	_ =	sdelay $0x1  }
0x358: {  	v29 =	vmul.f32 v29, v28;
	v27 =	vadd.f32 v32, v27  }
0x359: {  	v58 =	vadd.s32 $0x2E, v23  }
0x35a: {  	v60 =	vor.u32 $0x7, v31;
	v59 =	vmul.f32 v30, v24;
	v27 =	vadd.f32 v29, v27  }
0x35b: {  	v31 =	vor.u32 $0xF, v31  }
0x35c: {  	v27 =	vadd.f32 v59, v27  }
0x35d: {  	v61 =	vor.u32 $0x7, v26  }
0x35e: {  	[tilespmem:v58+s21+$0x0] =	vst.idx.msk $0xffff, v27  }
0x35f: {  	v26 =	vor.u32 $0xF, v26;
	v27 =	vld.idx.msk [tilespmem:v60+s16+$0x0], $0xffff  }
0x360: {  	v62 =	vld.idx.msk [tilespmem:v31+s16+$0x0], $0xffff;
	_ =	sdelay $0x1  }
0x361: {  	v29 =	vld.idx.msk [tilespmem:v61+s16+$0x0], $0xffff;
	_ =	sdelay $0x1  }
0x362: {  	v26 =	vld.idx.msk [tilespmem:v26+s16+$0x0], $0xffff  }
0x363: {  	v27 =	vmul.f32 v27, v34;
	v25 =	vmul.f32 v62, v25;
	_ =	sdelay $0x1  }
0x364: {  	v63 =	vmul.f32 v29, v28;
	v25 =	vadd.f32 v25, v27  }
0x365: {  	p0 =	sne.s32 s26, $0x70;
	v23 =	vadd.s32 $0x2F, v23  }
.Ltmp4:
0x366: {  	v24 =	vmul.f32 v26, v24;
	v25 =	vadd.f32 v63, v25;
	(pc) =	sbr.rel @p0 .LBB2_7-.Ltmp4, $3  }
0x367: {  	_ = 	snop  }
0x368: {  	v24 =	vadd.f32 v24, v25;
	_ =	sdelay $0x1  }
0x369: {  	s26 =	sadd.s32 $0x10, s26;
	s25 =	sadd.s32 $0x10, s25;
	[tilespmem:v23+s21+$0x0] =	vst.idx.msk $0xffff, v24  }
0x36a: {  	s26 =	sshll.u32 s24, $0x8  }
0x36b: {  	s25 =	sadd.s32 s6, s26  }
0x36c: {  	s25 =	smul.u32 $0x6, s25  }
0x36d: {  	p0 =	seq.s32 s24, $0x3F  }
.Ltmp5:
0x36e: {  	s25 =	sadd.s32 s5, s25;
	(pc) =	sbr.rel @p0 .LBB2_12-.Ltmp5, $4  }
0x36f: {  	[hbm4b:s25+s3] =	stream.linear.scatter [tilespmem:s21], [sflag:$0x3], $0x1800, $0x38;
	[tilespmem:$0xEC10] =	vst v63  }
0x370: {  	_ =	swait.ge [sflag:s12], $0x1800  }
0x371: {  	[sflag:s12] =	ssyncset.done $0x0  }
0x372: {  	s25 =	sshll.u32 s24, $0x7;
	[sflag:s12] =	ssyncadd.s32 $0xFFFFE800  }
0x373: {  	s28 =	simm.s32 $0x0  }
0x374: {  	v23 =	vmov s28  }
0x375: {  	v23 =	vshll.u32 v23, $0x2  }
0x376: {  	s29 =	sadd.s32 s25, s9;
	v23 =	vor.u32 v2, v23  }
0x377: {  	[tilespmem:s13], [sflag:$0x3] =	stream.linear.gather [hbm4b:s29+s28], $0x200, $0x38;
	[tilespmem:$0xEC10] =	vst v63  }
0x378: {  	_ =	swait.ge [sflag:s12], $0x200  }
0x379: {  	[sflag:s12] =	ssyncset.done $0x0  }
0x37a: {  	[sflag:s12] =	ssyncadd.s32 $0xFFFFFE00  }
0x37b: {  	v24 =	vld.idx.msk [tilespmem:v23+s13+$0x0], $0xffff;
	_ =	sdelay $0x4  }
0x37c: {  	v24 =	vsub.f32 v24, v11;
	_ =	sdelay $0x1  }
0x37d: {  	v24 =	vmul.f32 v24, v12;
	_ =	sdelay $0x1  }
0x37e: {  	v25 =	vtrunc.f32 v24  }
0x37f: {  	v25 =	vcvt.f32.s32 v25;
	_ =	sdelay $0x1  }
0x380: {  	vm0 =	vgt.s32 v25, $0x0  }
0x381: {  	v25 =	vnsel vm0, $0x0, v25  }
0x382: {  	v25 =	vmin.u32 v25, $0x1FE  }
0x383: {  	v27 =	vor.u32 $0x1, v23;
	v26 =	vcvt.s32.f32 v25;
	_ =	sdelay $0x1  }
0x384: {  	v24 =	vsub.f32 v24, v26  }
0x385: {  	s28 =	simm.s32 $0x1B10  }
0x386: {  	[tilespmem:s28+$0xFFFFFF00] =	vst v24  }
0x387: {  	v24 =	vld.idx.msk [tilespmem:v27+s13+$0x0], $0xffff;
	_ =	sdelay $0x4  }
0x388: {  	v24 =	vsub.f32 v24, v13;
	_ =	sdelay $0x1  }
0x389: {  	v24 =	vmul.f32 v24, v14;
	_ =	sdelay $0x1  }
0x38a: {  	v26 =	vtrunc.f32 v24  }
0x38b: {  	v26 =	vcvt.f32.s32 v26;
	_ =	sdelay $0x1  }
0x38c: {  	vm10 =	vgt.s32 v26, $0x0  }
0x38d: {  	v26 =	vnsel vm10, $0x0, v26  }
0x38e: {  	v26 =	vmin.u32 v26, $0x1FE  }
0x38f: {  	v28 =	vor.u32 $0x2, v23;
	v27 =	vcvt.s32.f32 v26;
	_ =	sdelay $0x1  }
0x390: {  	v24 =	vsub.f32 v24, v27;
	_ =	sdelay $0x1  }
0x391: {  	[tilespmem:s28+$0xFFFFFF80] =	vst v24  }
0x392: {  	v24 =	vld.idx.msk [tilespmem:v28+s13+$0x0], $0xffff;
	_ =	sdelay $0x4  }
0x393: {  	v24 =	vsub.f32 v24, v15;
	_ =	sdelay $0x1  }
0x394: {  	v24 =	vmul.f32 v24, v16;
	_ =	sdelay $0x1  }
0x395: {  	v27 =	vtrunc.f32 v24  }
0x396: {  	v27 =	vcvt.f32.s32 v27;
	_ =	sdelay $0x1  }
0x397: {  	vm11 =	vgt.s32 v27, $0x0  }
0x398: {  	v27 =	vnsel vm11, $0x0, v27  }
0x399: {  	v27 =	vmin.u32 v27, $0x1FE  }
0x39a: {  	v23 =	vor.u32 $0x3, v23;
	v28 =	vcvt.s32.f32 v27;
	_ =	sdelay $0x1  }
0x39b: {  	v24 =	vsub.f32 v24, v28;
	_ =	sdelay $0x1  }
0x39c: {  	[tilespmem:s28+$0x0] =	vst v24  }
0x39d: {  	v23 =	vld.idx.msk [tilespmem:v23+s13+$0x0], $0xffff;
	_ =	sdelay $0x4  }
0x39e: {  	v23 =	vsub.f32 v23, v17  }
0x39f: {  	v30 =	vshll.u32 v25, $0x9  }
0x3a0: {  	v25 =	vor.u32 v30, v27;
	v24 =	vand.u32 $0x1, v26;
	v29 =	vmul.f32 v23, v18  }
0x3a1: {  	v31 =	vshll.u32 v26, $0x9;
	v25 =	vshrl.u32 v25, $0x1;
	vm12 =	veq.s32 v24, $0x1  }
0x3a2: {  	v24 =	vor.u32 v31, v27;
	v28 =	vsel vm12, $0xC0000, v3;
	v32 =	vtrunc.f32 v29  }
0x3a3: {  	v24 =	vshrl.u32 v24, $0x1;
	v23 =	vand.u32 $0x1, v27;
	v32 =	vcvt.f32.s32 v32  }
0x3a4: {  	v27 =	vshll.u32 v27, $0x9;
	vm13 =	veq.s32 v23, $0x1;
	v23 =	vor.u32 v30, v26  }
0x3a5: {  	v33 =	vsel vm13, $0xC0000, v3;
	v23 =	vshrl.u32 v23, $0x1;
	vm14 =	vgt.s32 v32, $0x0  }
0x3a6: {  	v24 =	vor.u32 v24, v33;
	v26 =	vor.u32 v28, v23;
	v28 =	vnsel vm14, $0x0, v32  }
0x3a7: {  	v23 =	vor.u32 v25, v33;
	v25 =	vadd.s32 $0x80000, v24;
	v28 =	vmin.u32 v28, $0x1FE  }
0x3a8: {  	v61 =	vcvt.s32.f32 v28;
	v27 =	vor.u32 v27, v28;
	v62 =	vand.u32 $0x1, v28  }
0x3a9: {  	v30 =	vor.u32 v30, v28;
	v28 =	vor.u32 v31, v28;
	vm15 =	veq.s32 v62, $0x1  }
0x3aa: {  	v27 =	vshrl.u32 v27, $0x1;
	v32 =	vsub.f32 v29, v61;
	v29 =	vsel vm15, $0xC0000, v3  }
0x3ab: {  	v30 =	vshrl.u32 v30, $0x1;
	v31 =	vshrl.u32 v28, $0x1;
	v63 =	vor.u32 v29, v27  }
0x3ac: {  	s30 =	simm.s32 $0x10;
	s31 =	simm.s32 $0x1F10;
	s29 =	simm.s32 $0x1F10;
	v30 =	vor.u32 v30, v29;
	[tilespmem:s28+$0x80] =	vst v32;
	v27 =	vor.u32 $0x20000, v63;
	v28 =	vadd.s32 $0x20100, v63  }
.LBB2_10:
0x3ad: {  	p1 =	sne.s32 s30, $0x70;
	[tilespmem:s29+$0xFFFFFD00] =	vst v26;
	v26 =	vadd.s32 $0x100, v26;
	v29 =	vor.u32 v31, v29;
	s31 =	sadd.s32 $0x10, s31;
	s28 =	sadd.s32 $0x10, s28  }
0x3ae: {  	v31 =	vadd.s32 $0x60000, v30;
	v30 =	vadd.s32 $0x60100, v30;
	s0 =	smov.u32 s30;
	s30 =	sadd.s32 $0x10, s30;
	[tilespmem:s29+$0x100] =	vst v25;
	v25 =	vadd.s32 $0xA0000, v29  }
0x3af: {  	v24 =	vadd.s32 $0x80100, v24;
	[tilespmem:s29+$0xFFFFFD80] =	vst v26;
	v26 =	vadd.s32 $0xA0100, v29  }
0x3b0: {  	v29 =	vadd.s32 $0x40100, v23;
	[tilespmem:s29+$0x180] =	vst v24  }
0x3b1: {  	v23 =	vadd.s32 $0x40000, v23;
	[tilespmem:s29+$0xFFFFFF80] =	vst v29  }
0x3b2: {  	v24 =	vmov s0;
	[tilespmem:s29+$0xFFFFFF00] =	vst v23  }
0x3b3: {  	v23 =	vshll.u32 v24, $0x2;
	[tilespmem:s29+$0xFFFFFE80] =	vst v28  }
0x3b4: {  	v23 =	vor.u32 v2, v23;
	[tilespmem:s29+$0xFFFFFE00] =	vst v27  }
0x3b5: {  	[tilespmem:s29+$0x0] =	vst v31  }
0x3b6: {  	[tilespmem:s29+$0x200] =	vst v25  }
0x3b7: {  	[tilespmem:s29+$0x280] =	vst v26  }
0x3b8: {  	[tilespmem:s29+$0x80] =	vst v30;
	s29 =	smov.u32 s31  }
0x3b9: {  	v24 =	vld.idx.msk [tilespmem:v23+s13+$0x0], $0xffff;
	_ =	sdelay $0x5  }
0x3ba: {  	v24 =	vsub.f32 v24, v11;
	_ =	sdelay $0x1  }
0x3bb: {  	v24 =	vmul.f32 v24, v12;
	_ =	sdelay $0x1  }
0x3bc: {  	v25 =	vtrunc.f32 v24  }
0x3bd: {  	v25 =	vcvt.f32.s32 v25;
	_ =	sdelay $0x1  }
0x3be: {  	vm0 =	vgt.s32 v25, $0x0  }
0x3bf: {  	v25 =	vnsel vm0, $0x0, v25  }
0x3c0: {  	v25 =	vmin.u32 v25, $0x1FE  }
0x3c1: {  	v27 =	vor.u32 $0x1, v23;
	v26 =	vcvt.s32.f32 v25;
	_ =	sdelay $0x1  }
0x3c2: {  	v24 =	vsub.f32 v24, v26;
	_ =	sdelay $0x1  }
0x3c3: {  	[tilespmem:s28+$0xFFFFFF00] =	vst v24  }
0x3c4: {  	v24 =	vld.idx.msk [tilespmem:v27+s13+$0x0], $0xffff;
	_ =	sdelay $0x5  }
0x3c5: {  	v24 =	vsub.f32 v24, v13;
	_ =	sdelay $0x1  }
0x3c6: {  	v24 =	vmul.f32 v24, v14;
	_ =	sdelay $0x1  }
0x3c7: {  	v26 =	vtrunc.f32 v24  }
0x3c8: {  	v26 =	vcvt.f32.s32 v26;
	_ =	sdelay $0x1  }
0x3c9: {  	vm0 =	vgt.s32 v26, $0x0  }
0x3ca: {  	v26 =	vnsel vm0, $0x0, v26  }
0x3cb: {  	v26 =	vmin.u32 v26, $0x1FE  }
0x3cc: {  	v28 =	vor.u32 $0x2, v23;
	v27 =	vcvt.s32.f32 v26;
	v29 =	vand.u32 $0x1, v26  }
0x3cd: {  	vm0 =	veq.s32 v29, $0x1  }
0x3ce: {  	v24 =	vsub.f32 v24, v27;
	v27 =	vsel vm0, $0xC0000, v3;
	_ =	sdelay $0x1  }
0x3cf: {  	[tilespmem:s28+$0xFFFFFF80] =	vst v24  }
0x3d0: {  	v24 =	vld.idx.msk [tilespmem:v28+s13+$0x0], $0xffff;
	_ =	sdelay $0x5  }
0x3d1: {  	v24 =	vsub.f32 v24, v15;
	_ =	sdelay $0x1  }
0x3d2: {  	v24 =	vmul.f32 v24, v16;
	_ =	sdelay $0x1  }
0x3d3: {  	v28 =	vtrunc.f32 v24  }
0x3d4: {  	v28 =	vcvt.f32.s32 v28;
	_ =	sdelay $0x1  }
0x3d5: {  	vm0 =	vgt.s32 v28, $0x0  }
0x3d6: {  	v29 =	vor.u32 $0x3, v23;
	v28 =	vnsel vm0, $0x0, v28  }
0x3d7: {  	v30 =	vshll.u32 v25, $0x9;
	v31 =	vshll.u32 v26, $0x9;
	v28 =	vmin.u32 v28, $0x1FE  }
0x3d8: {  	v23 =	vcvt.s32.f32 v28;
	v25 =	vand.u32 $0x1, v28;
	v32 =	vor.u32 v31, v28  }
0x3d9: {  	v33 =	vor.u32 v30, v28;
	vm0 =	veq.s32 v25, $0x1;
	v25 =	vshrl.u32 v32, $0x1  }
0x3da: {  	v23 =	vsub.f32 v24, v23;
	v24 =	vor.u32 v30, v26;
	v32 =	vsel vm0, $0xC0000, v3  }
0x3db: {  	v33 =	vshrl.u32 v33, $0x1;
	v26 =	vshrl.u32 v24, $0x1;
	v24 =	vor.u32 v25, v32  }
0x3dc: {  	v26 =	vor.u32 v27, v26;
	v25 =	vadd.s32 $0x80000, v24;
	[tilespmem:s28+$0x0] =	vst v23;
	v23 =	vor.u32 v33, v32  }
0x3dd: {  	v27 =	vld.idx.msk [tilespmem:v29+s13+$0x0], $0xffff;
	_ =	sdelay $0x5  }
0x3de: {  	v27 =	vsub.f32 v27, v17;
	_ =	sdelay $0x1  }
0x3df: {  	v27 =	vmul.f32 v27, v18;
	_ =	sdelay $0x1  }
0x3e0: {  	v29 =	vtrunc.f32 v27  }
0x3e1: {  	v29 =	vcvt.f32.s32 v29;
	_ =	sdelay $0x1  }
0x3e2: {  	vm0 =	vgt.s32 v29, $0x0  }
0x3e3: {  	v29 =	vnsel vm0, $0x0, v29  }
0x3e4: {  	v28 =	vshll.u32 v28, $0x9;
	v29 =	vmin.u32 v29, $0x1FE  }
.Ltmp6:
0x3e5: {  	v32 =	vcvt.s32.f32 v29;
	v28 =	vor.u32 v28, v29;
	v33 =	vand.u32 $0x1, v29;
	(pc) =	sbr.rel @p1 .LBB2_10-.Ltmp6, $4  }
0x3e6: {  	v30 =	vor.u32 v30, v29;
	v31 =	vor.u32 v31, v29;
	vm0 =	veq.s32 v33, $0x1  }
0x3e7: {  	v28 =	vshrl.u32 v28, $0x1;
	v27 =	vsub.f32 v27, v32;
	v29 =	vsel vm0, $0xC0000, v3  }
0x3e8: {  	v30 =	vshrl.u32 v30, $0x1;
	v31 =	vshrl.u32 v31, $0x1;
	v28 =	vor.u32 v29, v28  }
0x3e9: {  	v30 =	vor.u32 v30, v29;
	[tilespmem:s28+$0x80] =	vst v27;
	v27 =	vor.u32 $0x20000, v28;
	v28 =	vadd.s32 $0x20100, v28  }
0x3ea: {  	[tilespmem:s29+$0xFFFFFD00] =	vst v26  }
0x3eb: {  	[tilespmem:s29+$0x100] =	vst v25  }
0x3ec: {  	[tilespmem:s29+$0xFFFFFE80] =	vst v28  }
0x3ed: {  	v59 =	vadd.s32 $0x100, v26;
	[tilespmem:s29+$0xFFFFFE00] =	vst v27  }
0x3ee: {  	v24 =	vadd.s32 $0x80100, v24;
	[tilespmem:s29+$0xFFFFFD80] =	vst v59  }
0x3ef: {  	v60 =	vadd.s32 $0x40100, v23;
	[tilespmem:s29+$0x180] =	vst v24  }
0x3f0: {  	v23 =	vadd.s32 $0x40000, v23;
	[tilespmem:s29+$0xFFFFFF80] =	vst v60  }
0x3f1: {  	v61 =	vadd.s32 $0x60000, v30;
	[tilespmem:s29+$0xFFFFFF00] =	vst v23  }
0x3f2: {  	v63 =	vadd.s32 $0x60100, v30;
	v23 =	vor.u32 v31, v29;
	[tilespmem:s29+$0x0] =	vst v61  }
0x3f3: {  	[tilespmem:s29+$0x80] =	vst v63;
	v62 =	vadd.s32 $0xA0000, v23  }
0x3f4: {  	v23 =	vadd.s32 $0xA0100, v23;
	[tilespmem:s29+$0x200] =	vst v62  }
0x3f5: {  	[tilespmem:s29+$0x280] =	vst v23  }
0x3f6: {  	[tilespmem:s16], [sflag:$0x1] =	stream.indirect.gather [hbm4b:s2+s14], $0x10, s15, s14, $0xb8;
	[tilespmem:$0xEC10] =	vst v63  }
.LBB2_12:
0x3f7: {  	_ =	swait.ge [sflag:s22], $0x6000  }
0x3f8: {  	[sflag:s22] =	ssyncset.done $0x0  }
0x3f9: {  	s28 =	simm.s32 $0x0;
	s29 =	simm.s32 $0x8510;
	[sflag:s22] =	ssyncadd.s32 $0xFFFFA000  }
.LBB2_13:
0x3fa: {  	v23 =	vor.u32 s28, v0  }
0x3fb: {  	v28 =	vshll.u32 v23, $0x4  }
0x3fc: {  	v25 =	vmov s28;
	v30 =	vld [tilespmem:s29+$0xFFFFFF00];
	v27 =	vor.u32 $0x8, v28  }
0x3fd: {  	v24 =	vld [tilespmem:s29+$0xFFFFFF80];
	v26 =	vshll.u32 v25, $0x4  }
0x3fe: {  	v32 =	vor.u32 v19, v26;
	_ =	sdelay $0x1  }
0x3ff: {  	v33 =	vor.u32 $0x8, v32;
	v29 =	vld.idx.msk [tilespmem:v28+s19+$0x0], $0xffff  }
0x400: {  	v27 =	vld.idx.msk [tilespmem:v27+s19+$0x0], $0xffff  }
0x401: {  	v31 =	vsub.f32 $1.000000000e+00, v30;
	v25 =	vsub.f32 $1.000000000e+00, v24  }
0x402: {  	v34 =	vld.idx.msk [tilespmem:v32+s19+$0x0], $0xffff  }
0x403: {  	v35 =	vmul.f32 v25, v31;
	v36 =	vmul.f32 v24, v31  }
0x404: {  	v37 =	vmul.f32 v25, v30;
	v33 =	vld.idx.msk [tilespmem:v33+s19+$0x0], $0xffff  }
0x405: {  	v29 =	vmul.f32 v29, v35;
	v27 =	vmul.f32 v27, v36  }
0x406: {  	v23 =	vmul.u32 $0x30, v23  }
0x407: {  	v38 =	vmul.f32 v24, v30;
	v61 =	vmul.f32 v34, v37;
	v27 =	vadd.f32 v27, v29;
	_ =	sdelay $0x1  }
0x408: {  	v62 =	vor.u32 $0x1, v28;
	v33 =	vmul.f32 v33, v38;
	v27 =	vadd.f32 v61, v27  }
0x409: {  	v39 =	vor.u32 $0x9, v28  }
0x40a: {  	v33 =	vadd.f32 v33, v27  }
0x40b: {  	v40 =	vor.u32 $0x1, v32;
	v29 =	vld [tilespmem:s29+$0x0]  }
0x40c: {  	v27 =	vld [tilespmem:s29+$0x80];
	[tilespmem:v23+s21+$0x0] =	vst.idx.msk $0xffff, v33  }
0x40d: {  	v63 =	vor.u32 $0x9, v32;
	v33 =	vld.idx.msk [tilespmem:v62+s19+$0x0], $0xffff  }
0x40e: {  	v39 =	vld.idx.msk [tilespmem:v39+s19+$0x0], $0xffff;
	_ =	sdelay $0x1  }
0x40f: {  	v40 =	vld.idx.msk [tilespmem:v40+s19+$0x0], $0xffff;
	_ =	sdelay $0x1  }
0x410: {  	v34 =	vld.idx.msk [tilespmem:v63+s19+$0x0], $0xffff  }
0x411: {  	v33 =	vmul.f32 v33, v35;
	v39 =	vmul.f32 v39, v36;
	_ =	sdelay $0x1  }
0x412: {  	v44 =	vmul.f32 v40, v37;
	v33 =	vadd.f32 v39, v33  }
0x413: {  	v45 =	vor.u32 $0x1, v23  }
0x414: {  	v46 =	vor.u32 $0x2, v28;
	v34 =	vmul.f32 v34, v38;
	v33 =	vadd.f32 v44, v33  }
0x415: {  	v41 =	vor.u32 $0xA, v28  }
0x416: {  	v33 =	vadd.f32 v34, v33  }
0x417: {  	v47 =	vor.u32 $0x2, v32  }
0x418: {  	[tilespmem:v45+s21+$0x0] =	vst.idx.msk $0xffff, v33  }
0x419: {  	v48 =	vor.u32 $0xA, v32;
	v33 =	vld.idx.msk [tilespmem:v46+s19+$0x0], $0xffff  }
0x41a: {  	v40 =	vld.idx.msk [tilespmem:v41+s19+$0x0], $0xffff;
	_ =	sdelay $0x1  }
0x41b: {  	v34 =	vld.idx.msk [tilespmem:v47+s19+$0x0], $0xffff;
	_ =	sdelay $0x1  }
0x41c: {  	v39 =	vld.idx.msk [tilespmem:v48+s19+$0x0], $0xffff  }
0x41d: {  	v33 =	vmul.f32 v33, v35;
	v40 =	vmul.f32 v40, v36;
	_ =	sdelay $0x1  }
0x41e: {  	v34 =	vmul.f32 v34, v37;
	v33 =	vadd.f32 v40, v33  }
0x41f: {  	v49 =	vor.u32 $0x2, v23  }
0x420: {  	v51 =	vor.u32 $0x3, v28;
	v50 =	vmul.f32 v39, v38;
	v33 =	vadd.f32 v34, v33  }
0x421: {  	v52 =	vor.u32 $0xB, v28  }
0x422: {  	v33 =	vadd.f32 v50, v33  }
0x423: {  	v53 =	vor.u32 $0x3, v32  }
0x424: {  	[tilespmem:v49+s21+$0x0] =	vst.idx.msk $0xffff, v33  }
0x425: {  	v54 =	vor.u32 $0xB, v32;
	v33 =	vld.idx.msk [tilespmem:v51+s19+$0x0], $0xffff  }
0x426: {  	v40 =	vld.idx.msk [tilespmem:v52+s19+$0x0], $0xffff;
	_ =	sdelay $0x1  }
0x427: {  	v34 =	vld.idx.msk [tilespmem:v53+s19+$0x0], $0xffff;
	_ =	sdelay $0x1  }
0x428: {  	v39 =	vld.idx.msk [tilespmem:v54+s19+$0x0], $0xffff  }
0x429: {  	v33 =	vmul.f32 v33, v35;
	v40 =	vmul.f32 v40, v36;
	_ =	sdelay $0x1  }
0x42a: {  	v34 =	vmul.f32 v34, v37;
	v33 =	vadd.f32 v40, v33  }
0x42b: {  	v55 =	vor.u32 $0x3, v23  }
0x42c: {  	v57 =	vor.u32 $0x4, v28;
	v56 =	vmul.f32 v39, v38;
	v33 =	vadd.f32 v34, v33  }
0x42d: {  	v58 =	vor.u32 $0xC, v28  }
0x42e: {  	v33 =	vadd.f32 v56, v33  }
0x42f: {  	v59 =	vor.u32 $0x4, v32  }
0x430: {  	[tilespmem:v55+s21+$0x0] =	vst.idx.msk $0xffff, v33  }
0x431: {  	v60 =	vor.u32 $0xC, v32;
	v33 =	vld.idx.msk [tilespmem:v57+s19+$0x0], $0xffff  }
0x432: {  	v40 =	vld.idx.msk [tilespmem:v58+s19+$0x0], $0xffff;
	_ =	sdelay $0x1  }
0x433: {  	v34 =	vld.idx.msk [tilespmem:v59+s19+$0x0], $0xffff;
	_ =	sdelay $0x1  }
0x434: {  	v39 =	vld.idx.msk [tilespmem:v60+s19+$0x0], $0xffff  }
0x435: {  	v33 =	vmul.f32 v33, v35;
	v40 =	vmul.f32 v40, v36;
	_ =	sdelay $0x1  }
0x436: {  	v34 =	vmul.f32 v34, v37;
	v33 =	vadd.f32 v40, v33  }
0x437: {  	v61 =	vor.u32 $0x4, v23  }
0x438: {  	v63 =	vor.u32 $0x5, v28;
	v62 =	vmul.f32 v39, v38;
	v33 =	vadd.f32 v34, v33  }
0x439: {  	v44 =	vor.u32 $0xD, v28  }
0x43a: {  	v33 =	vadd.f32 v62, v33  }
0x43b: {  	v45 =	vor.u32 $0x5, v32  }
0x43c: {  	[tilespmem:v61+s21+$0x0] =	vst.idx.msk $0xffff, v33  }
0x43d: {  	v46 =	vor.u32 $0xD, v32;
	v33 =	vld.idx.msk [tilespmem:v63+s19+$0x0], $0xffff  }
0x43e: {  	v40 =	vld.idx.msk [tilespmem:v44+s19+$0x0], $0xffff;
	_ =	sdelay $0x1  }
0x43f: {  	v34 =	vld.idx.msk [tilespmem:v45+s19+$0x0], $0xffff;
	_ =	sdelay $0x1  }
0x440: {  	v39 =	vld.idx.msk [tilespmem:v46+s19+$0x0], $0xffff  }
0x441: {  	v33 =	vmul.f32 v33, v35;
	v40 =	vmul.f32 v40, v36;
	_ =	sdelay $0x1  }
0x442: {  	v34 =	vmul.f32 v34, v37;
	v33 =	vadd.f32 v40, v33  }
0x443: {  	v47 =	vor.u32 $0x5, v23  }
0x444: {  	v49 =	vor.u32 $0x6, v28;
	v48 =	vmul.f32 v39, v38;
	v33 =	vadd.f32 v34, v33  }
0x445: {  	v50 =	vor.u32 $0xE, v28  }
0x446: {  	v33 =	vadd.f32 v48, v33  }
0x447: {  	v51 =	vor.u32 $0x6, v32  }
0x448: {  	[tilespmem:v47+s21+$0x0] =	vst.idx.msk $0xffff, v33  }
0x449: {  	v52 =	vor.u32 $0xE, v32;
	v33 =	vld.idx.msk [tilespmem:v49+s19+$0x0], $0xffff  }
0x44a: {  	v40 =	vld.idx.msk [tilespmem:v50+s19+$0x0], $0xffff;
	_ =	sdelay $0x1  }
0x44b: {  	v34 =	vld.idx.msk [tilespmem:v51+s19+$0x0], $0xffff;
	_ =	sdelay $0x1  }
0x44c: {  	v39 =	vld.idx.msk [tilespmem:v52+s19+$0x0], $0xffff  }
0x44d: {  	v33 =	vmul.f32 v33, v35;
	v40 =	vmul.f32 v40, v36;
	_ =	sdelay $0x1  }
0x44e: {  	v34 =	vmul.f32 v34, v37;
	v33 =	vadd.f32 v40, v33  }
0x44f: {  	v53 =	vor.u32 $0x6, v23  }
0x450: {  	v55 =	vor.u32 $0x7, v28;
	v54 =	vmul.f32 v39, v38;
	v33 =	vadd.f32 v34, v33  }
0x451: {  	v28 =	vor.u32 $0xF, v28  }
0x452: {  	v33 =	vadd.f32 v54, v33  }
0x453: {  	v56 =	vor.u32 $0x7, v32  }
0x454: {  	[tilespmem:v53+s21+$0x0] =	vst.idx.msk $0xffff, v33  }
0x455: {  	v32 =	vor.u32 $0xF, v32;
	v33 =	vld.idx.msk [tilespmem:v55+s19+$0x0], $0xffff  }
0x456: {  	v28 =	vld.idx.msk [tilespmem:v28+s19+$0x0], $0xffff;
	_ =	sdelay $0x1  }
0x457: {  	v34 =	vld.idx.msk [tilespmem:v56+s19+$0x0], $0xffff;
	_ =	sdelay $0x1  }
0x458: {  	v32 =	vld.idx.msk [tilespmem:v32+s19+$0x0], $0xffff  }
0x459: {  	v33 =	vmul.f32 v33, v35;
	v28 =	vmul.f32 v28, v36;
	_ =	sdelay $0x1  }
0x45a: {  	v57 =	vmul.f32 v34, v37;
	v28 =	vadd.f32 v28, v33  }
0x45b: {  	v58 =	vor.u32 $0x7, v23  }
0x45c: {  	v32 =	vmul.f32 v32, v38;
	v33 =	vor.u32 v20, v26;
	v28 =	vadd.f32 v57, v28  }
0x45d: {  	v59 =	vor.u32 $0x8, v33  }
0x45e: {  	v28 =	vadd.f32 v32, v28  }
0x45f: {  	v36 =	vor.u32 v21, v26  }
0x460: {  	[tilespmem:v58+s21+$0x0] =	vst.idx.msk $0xffff, v28  }
0x461: {  	v60 =	vor.u32 $0x8, v36;
	v34 =	vld.idx.msk [tilespmem:v33+s19+$0x0], $0xffff  }
0x462: {  	v35 =	vld.idx.msk [tilespmem:v59+s19+$0x0], $0xffff  }
0x463: {  	v32 =	vsub.f32 $1.000000000e+00, v29;
	v28 =	vsub.f32 $1.000000000e+00, v27  }
0x464: {  	v61 =	vld.idx.msk [tilespmem:v36+s19+$0x0], $0xffff  }
0x465: {  	v40 =	vmul.f32 v27, v32;
	v39 =	vmul.f32 v28, v32  }
0x466: {  	v37 =	vld.idx.msk [tilespmem:v60+s19+$0x0], $0xffff;
	v41 =	vmul.f32 v28, v29  }
0x467: {  	v34 =	vmul.f32 v34, v39;
	v35 =	vmul.f32 v35, v40;
	_ =	sdelay $0x1  }
0x468: {  	v42 =	vmul.f32 v27, v29;
	v62 =	vmul.f32 v61, v41;
	v34 =	vadd.f32 v35, v34  }
0x469: {  	v63 =	vor.u32 $0x8, v23  }
0x46a: {  	v46 =	vor.u32 $0x1, v33;
	v45 =	vmul.f32 v37, v42;
	v34 =	vadd.f32 v62, v34  }
0x46b: {  	v43 =	vor.u32 $0x9, v33  }
0x46c: {  	v34 =	vadd.f32 v45, v34  }
0x46d: {  	v47 =	vor.u32 $0x1, v36  }
0x46e: {  	[tilespmem:v63+s21+$0x0] =	vst.idx.msk $0xffff, v34  }
0x46f: {  	v48 =	vor.u32 $0x9, v36;
	v34 =	vld.idx.msk [tilespmem:v46+s19+$0x0], $0xffff  }
0x470: {  	v38 =	vld.idx.msk [tilespmem:v43+s19+$0x0], $0xffff;
	_ =	sdelay $0x1  }
0x471: {  	v35 =	vld.idx.msk [tilespmem:v47+s19+$0x0], $0xffff;
	_ =	sdelay $0x1  }
0x472: {  	v37 =	vld.idx.msk [tilespmem:v48+s19+$0x0], $0xffff  }
0x473: {  	v34 =	vmul.f32 v34, v39;
	v38 =	vmul.f32 v38, v40;
	_ =	sdelay $0x1  }
0x474: {  	v35 =	vmul.f32 v35, v41;
	v34 =	vadd.f32 v38, v34  }
0x475: {  	v49 =	vor.u32 $0x9, v23  }
0x476: {  	v51 =	vor.u32 $0x2, v33;
	v50 =	vmul.f32 v37, v42;
	v34 =	vadd.f32 v35, v34  }
0x477: {  	v52 =	vor.u32 $0xA, v33  }
0x478: {  	v34 =	vadd.f32 v50, v34  }
0x479: {  	v53 =	vor.u32 $0x2, v36  }
0x47a: {  	[tilespmem:v49+s21+$0x0] =	vst.idx.msk $0xffff, v34  }
0x47b: {  	v54 =	vor.u32 $0xA, v36;
	v34 =	vld.idx.msk [tilespmem:v51+s19+$0x0], $0xffff  }
0x47c: {  	v38 =	vld.idx.msk [tilespmem:v52+s19+$0x0], $0xffff;
	_ =	sdelay $0x1  }
0x47d: {  	v35 =	vld.idx.msk [tilespmem:v53+s19+$0x0], $0xffff;
	_ =	sdelay $0x1  }
0x47e: {  	v37 =	vld.idx.msk [tilespmem:v54+s19+$0x0], $0xffff  }
0x47f: {  	v34 =	vmul.f32 v34, v39;
	v38 =	vmul.f32 v38, v40;
	_ =	sdelay $0x1  }
0x480: {  	v35 =	vmul.f32 v35, v41;
	v34 =	vadd.f32 v38, v34  }
0x481: {  	v55 =	vor.u32 $0xA, v23  }
0x482: {  	v57 =	vor.u32 $0x3, v33;
	v56 =	vmul.f32 v37, v42;
	v34 =	vadd.f32 v35, v34  }
0x483: {  	v58 =	vor.u32 $0xB, v33  }
0x484: {  	v34 =	vadd.f32 v56, v34  }
0x485: {  	v59 =	vor.u32 $0x3, v36  }
0x486: {  	[tilespmem:v55+s21+$0x0] =	vst.idx.msk $0xffff, v34  }
0x487: {  	v60 =	vor.u32 $0xB, v36;
	v34 =	vld.idx.msk [tilespmem:v57+s19+$0x0], $0xffff  }
0x488: {  	v38 =	vld.idx.msk [tilespmem:v58+s19+$0x0], $0xffff;
	_ =	sdelay $0x1  }
0x489: {  	v35 =	vld.idx.msk [tilespmem:v59+s19+$0x0], $0xffff;
	_ =	sdelay $0x1  }
0x48a: {  	v37 =	vld.idx.msk [tilespmem:v60+s19+$0x0], $0xffff  }
0x48b: {  	v34 =	vmul.f32 v34, v39;
	v38 =	vmul.f32 v38, v40;
	_ =	sdelay $0x1  }
0x48c: {  	v35 =	vmul.f32 v35, v41;
	v34 =	vadd.f32 v38, v34  }
0x48d: {  	v61 =	vor.u32 $0xB, v23  }
0x48e: {  	v63 =	vor.u32 $0x4, v33;
	v62 =	vmul.f32 v37, v42;
	v34 =	vadd.f32 v35, v34  }
0x48f: {  	v45 =	vor.u32 $0xC, v33  }
0x490: {  	v34 =	vadd.f32 v62, v34  }
0x491: {  	v46 =	vor.u32 $0x4, v36  }
0x492: {  	[tilespmem:v61+s21+$0x0] =	vst.idx.msk $0xffff, v34  }
0x493: {  	v47 =	vor.u32 $0xC, v36;
	v34 =	vld.idx.msk [tilespmem:v63+s19+$0x0], $0xffff  }
0x494: {  	v38 =	vld.idx.msk [tilespmem:v45+s19+$0x0], $0xffff;
	_ =	sdelay $0x1  }
0x495: {  	v35 =	vld.idx.msk [tilespmem:v46+s19+$0x0], $0xffff;
	_ =	sdelay $0x1  }
0x496: {  	v37 =	vld.idx.msk [tilespmem:v47+s19+$0x0], $0xffff  }
0x497: {  	v34 =	vmul.f32 v34, v39;
	v38 =	vmul.f32 v38, v40;
	_ =	sdelay $0x1  }
0x498: {  	v35 =	vmul.f32 v35, v41;
	v34 =	vadd.f32 v38, v34  }
0x499: {  	v48 =	vor.u32 $0xC, v23  }
0x49a: {  	v50 =	vor.u32 $0x5, v33;
	v49 =	vmul.f32 v37, v42;
	v34 =	vadd.f32 v35, v34  }
0x49b: {  	v51 =	vor.u32 $0xD, v33  }
0x49c: {  	v34 =	vadd.f32 v49, v34  }
0x49d: {  	v52 =	vor.u32 $0x5, v36  }
0x49e: {  	[tilespmem:v48+s21+$0x0] =	vst.idx.msk $0xffff, v34  }
0x49f: {  	v53 =	vor.u32 $0xD, v36;
	v34 =	vld.idx.msk [tilespmem:v50+s19+$0x0], $0xffff  }
0x4a0: {  	v38 =	vld.idx.msk [tilespmem:v51+s19+$0x0], $0xffff;
	_ =	sdelay $0x1  }
0x4a1: {  	v35 =	vld.idx.msk [tilespmem:v52+s19+$0x0], $0xffff;
	_ =	sdelay $0x1  }
0x4a2: {  	v37 =	vld.idx.msk [tilespmem:v53+s19+$0x0], $0xffff  }
0x4a3: {  	v34 =	vmul.f32 v34, v39;
	v38 =	vmul.f32 v38, v40;
	_ =	sdelay $0x1  }
0x4a4: {  	v35 =	vmul.f32 v35, v41;
	v34 =	vadd.f32 v38, v34  }
0x4a5: {  	v54 =	vor.u32 $0xD, v23  }
0x4a6: {  	v56 =	vor.u32 $0x6, v33;
	v55 =	vmul.f32 v37, v42;
	v34 =	vadd.f32 v35, v34  }
0x4a7: {  	v57 =	vor.u32 $0xE, v33  }
0x4a8: {  	v34 =	vadd.f32 v55, v34  }
0x4a9: {  	v58 =	vor.u32 $0x6, v36  }
0x4aa: {  	[tilespmem:v54+s21+$0x0] =	vst.idx.msk $0xffff, v34  }
0x4ab: {  	v59 =	vor.u32 $0xE, v36;
	v34 =	vld.idx.msk [tilespmem:v56+s19+$0x0], $0xffff  }
0x4ac: {  	v38 =	vld.idx.msk [tilespmem:v57+s19+$0x0], $0xffff;
	_ =	sdelay $0x1  }
0x4ad: {  	v35 =	vld.idx.msk [tilespmem:v58+s19+$0x0], $0xffff;
	_ =	sdelay $0x1  }
0x4ae: {  	v37 =	vld.idx.msk [tilespmem:v59+s19+$0x0], $0xffff  }
0x4af: {  	v34 =	vmul.f32 v34, v39;
	v38 =	vmul.f32 v38, v40;
	_ =	sdelay $0x1  }
0x4b0: {  	v35 =	vmul.f32 v35, v41;
	v34 =	vadd.f32 v38, v34  }
0x4b1: {  	v60 =	vor.u32 $0xE, v23  }
0x4b2: {  	v62 =	vor.u32 $0x7, v33;
	v61 =	vmul.f32 v37, v42;
	v34 =	vadd.f32 v35, v34  }
0x4b3: {  	v33 =	vor.u32 $0xF, v33  }
0x4b4: {  	v34 =	vadd.f32 v61, v34  }
0x4b5: {  	v63 =	vor.u32 $0x7, v36  }
0x4b6: {  	[tilespmem:v60+s21+$0x0] =	vst.idx.msk $0xffff, v34  }
0x4b7: {  	v36 =	vor.u32 $0xF, v36;
	v34 =	vld.idx.msk [tilespmem:v62+s19+$0x0], $0xffff  }
0x4b8: {  	v33 =	vld.idx.msk [tilespmem:v33+s19+$0x0], $0xffff;
	_ =	sdelay $0x1  }
0x4b9: {  	v35 =	vld.idx.msk [tilespmem:v63+s19+$0x0], $0xffff;
	_ =	sdelay $0x1  }
0x4ba: {  	v36 =	vld.idx.msk [tilespmem:v36+s19+$0x0], $0xffff  }
0x4bb: {  	v34 =	vmul.f32 v34, v39;
	v33 =	vmul.f32 v33, v40;
	_ =	sdelay $0x1  }
0x4bc: {  	v40 =	vmul.f32 v35, v41;
	v33 =	vadd.f32 v33, v34  }
0x4bd: {  	v41 =	vor.u32 $0xF, v23  }
0x4be: {  	v42 =	vmul.f32 v36, v42;
	v36 =	vor.u32 v22, v26;
	v33 =	vadd.f32 v40, v33  }
0x4bf: {  	v43 =	vor.u32 $0x8, v36  }
0x4c0: {  	v33 =	vadd.f32 v42, v33  }
0x4c1: {  	v34 =	vor.u32 v10, v26  }
0x4c2: {  	[tilespmem:v41+s21+$0x0] =	vst.idx.msk $0xffff, v33  }
0x4c3: {  	v44 =	vor.u32 $0x8, v34;
	v33 =	vld.idx.msk [tilespmem:v36+s19+$0x0], $0xffff  }
0x4c4: {  	v37 =	vld.idx.msk [tilespmem:v43+s19+$0x0], $0xffff;
	_ =	sdelay $0x1  }
0x4c5: {  	v38 =	vld.idx.msk [tilespmem:v34+s19+$0x0], $0xffff  }
0x4c6: {  	v39 =	vmul.f32 v32, v31;
	v40 =	vmul.f32 v29, v31  }
0x4c7: {  	v41 =	vmul.f32 v32, v30;
	v35 =	vld.idx.msk [tilespmem:v44+s19+$0x0], $0xffff  }
0x4c8: {  	v33 =	vmul.f32 v33, v39;
	v37 =	vmul.f32 v37, v40;
	_ =	sdelay $0x1  }
0x4c9: {  	v42 =	vmul.f32 v29, v30;
	v45 =	vmul.f32 v38, v41;
	v33 =	vadd.f32 v37, v33  }
0x4ca: {  	v46 =	vadd.s32 $0x10, v23  }
0x4cb: {  	v47 =	vor.u32 $0x1, v36;
	v35 =	vmul.f32 v35, v42;
	v33 =	vadd.f32 v45, v33  }
0x4cc: {  	v48 =	vor.u32 $0x9, v36  }
0x4cd: {  	v33 =	vadd.f32 v35, v33  }
0x4ce: {  	v49 =	vor.u32 $0x1, v34  }
0x4cf: {  	[tilespmem:v46+s21+$0x0] =	vst.idx.msk $0xffff, v33  }
0x4d0: {  	v50 =	vor.u32 $0x9, v34;
	v33 =	vld.idx.msk [tilespmem:v47+s19+$0x0], $0xffff  }
0x4d1: {  	v38 =	vld.idx.msk [tilespmem:v48+s19+$0x0], $0xffff;
	_ =	sdelay $0x1  }
0x4d2: {  	v35 =	vld.idx.msk [tilespmem:v49+s19+$0x0], $0xffff;
	_ =	sdelay $0x1  }
0x4d3: {  	v37 =	vld.idx.msk [tilespmem:v50+s19+$0x0], $0xffff  }
0x4d4: {  	v33 =	vmul.f32 v33, v39;
	v38 =	vmul.f32 v38, v40;
	_ =	sdelay $0x1  }
0x4d5: {  	v35 =	vmul.f32 v35, v41;
	v33 =	vadd.f32 v38, v33  }
0x4d6: {  	v51 =	vadd.s32 $0x11, v23  }
0x4d7: {  	v53 =	vor.u32 $0x2, v36;
	v52 =	vmul.f32 v37, v42;
	v33 =	vadd.f32 v35, v33  }
0x4d8: {  	v54 =	vor.u32 $0xA, v36  }
0x4d9: {  	v33 =	vadd.f32 v52, v33  }
0x4da: {  	v55 =	vor.u32 $0x2, v34  }
0x4db: {  	[tilespmem:v51+s21+$0x0] =	vst.idx.msk $0xffff, v33  }
0x4dc: {  	v56 =	vor.u32 $0xA, v34;
	v33 =	vld.idx.msk [tilespmem:v53+s19+$0x0], $0xffff  }
0x4dd: {  	v38 =	vld.idx.msk [tilespmem:v54+s19+$0x0], $0xffff;
	_ =	sdelay $0x1  }
0x4de: {  	v35 =	vld.idx.msk [tilespmem:v55+s19+$0x0], $0xffff;
	_ =	sdelay $0x1  }
0x4df: {  	v37 =	vld.idx.msk [tilespmem:v56+s19+$0x0], $0xffff  }
0x4e0: {  	v33 =	vmul.f32 v33, v39;
	v38 =	vmul.f32 v38, v40;
	_ =	sdelay $0x1  }
0x4e1: {  	v35 =	vmul.f32 v35, v41;
	v33 =	vadd.f32 v38, v33  }
0x4e2: {  	v57 =	vadd.s32 $0x12, v23  }
0x4e3: {  	v59 =	vor.u32 $0x3, v36;
	v58 =	vmul.f32 v37, v42;
	v33 =	vadd.f32 v35, v33  }
0x4e4: {  	v60 =	vor.u32 $0xB, v36  }
0x4e5: {  	v33 =	vadd.f32 v58, v33  }
0x4e6: {  	v61 =	vor.u32 $0x3, v34  }
0x4e7: {  	[tilespmem:v57+s21+$0x0] =	vst.idx.msk $0xffff, v33  }
0x4e8: {  	v62 =	vor.u32 $0xB, v34;
	v33 =	vld.idx.msk [tilespmem:v59+s19+$0x0], $0xffff  }
0x4e9: {  	v38 =	vld.idx.msk [tilespmem:v60+s19+$0x0], $0xffff;
	_ =	sdelay $0x1  }
0x4ea: {  	v35 =	vld.idx.msk [tilespmem:v61+s19+$0x0], $0xffff;
	_ =	sdelay $0x1  }
0x4eb: {  	v37 =	vld.idx.msk [tilespmem:v62+s19+$0x0], $0xffff  }
0x4ec: {  	v33 =	vmul.f32 v33, v39;
	v38 =	vmul.f32 v38, v40;
	_ =	sdelay $0x1  }
0x4ed: {  	v35 =	vmul.f32 v35, v41;
	v33 =	vadd.f32 v38, v33  }
0x4ee: {  	v63 =	vadd.s32 $0x13, v23  }
0x4ef: {  	v46 =	vor.u32 $0x4, v36;
	v45 =	vmul.f32 v37, v42;
	v33 =	vadd.f32 v35, v33  }
0x4f0: {  	v47 =	vor.u32 $0xC, v36  }
0x4f1: {  	v33 =	vadd.f32 v45, v33  }
0x4f2: {  	v48 =	vor.u32 $0x4, v34  }
0x4f3: {  	[tilespmem:v63+s21+$0x0] =	vst.idx.msk $0xffff, v33  }
0x4f4: {  	v49 =	vor.u32 $0xC, v34;
	v33 =	vld.idx.msk [tilespmem:v46+s19+$0x0], $0xffff  }
0x4f5: {  	v38 =	vld.idx.msk [tilespmem:v47+s19+$0x0], $0xffff;
	_ =	sdelay $0x1  }
0x4f6: {  	v35 =	vld.idx.msk [tilespmem:v48+s19+$0x0], $0xffff;
	_ =	sdelay $0x1  }
0x4f7: {  	v37 =	vld.idx.msk [tilespmem:v49+s19+$0x0], $0xffff  }
0x4f8: {  	v33 =	vmul.f32 v33, v39;
	v38 =	vmul.f32 v38, v40;
	_ =	sdelay $0x1  }
0x4f9: {  	v35 =	vmul.f32 v35, v41;
	v33 =	vadd.f32 v38, v33  }
0x4fa: {  	v50 =	vadd.s32 $0x14, v23  }
0x4fb: {  	v52 =	vor.u32 $0x5, v36;
	v51 =	vmul.f32 v37, v42;
	v33 =	vadd.f32 v35, v33  }
0x4fc: {  	v53 =	vor.u32 $0xD, v36  }
0x4fd: {  	v33 =	vadd.f32 v51, v33  }
0x4fe: {  	v54 =	vor.u32 $0x5, v34  }
0x4ff: {  	[tilespmem:v50+s21+$0x0] =	vst.idx.msk $0xffff, v33  }
0x500: {  	v55 =	vor.u32 $0xD, v34;
	v33 =	vld.idx.msk [tilespmem:v52+s19+$0x0], $0xffff  }
0x501: {  	v38 =	vld.idx.msk [tilespmem:v53+s19+$0x0], $0xffff;
	_ =	sdelay $0x1  }
0x502: {  	v35 =	vld.idx.msk [tilespmem:v54+s19+$0x0], $0xffff;
	_ =	sdelay $0x1  }
0x503: {  	v37 =	vld.idx.msk [tilespmem:v55+s19+$0x0], $0xffff  }
0x504: {  	v33 =	vmul.f32 v33, v39;
	v38 =	vmul.f32 v38, v40;
	_ =	sdelay $0x1  }
0x505: {  	v35 =	vmul.f32 v35, v41;
	v33 =	vadd.f32 v38, v33  }
0x506: {  	v56 =	vadd.s32 $0x15, v23  }
0x507: {  	v58 =	vor.u32 $0x6, v36;
	v57 =	vmul.f32 v37, v42;
	v33 =	vadd.f32 v35, v33  }
0x508: {  	v59 =	vor.u32 $0xE, v36  }
0x509: {  	v33 =	vadd.f32 v57, v33  }
0x50a: {  	v60 =	vor.u32 $0x6, v34  }
0x50b: {  	[tilespmem:v56+s21+$0x0] =	vst.idx.msk $0xffff, v33  }
0x50c: {  	v61 =	vor.u32 $0xE, v34;
	v33 =	vld.idx.msk [tilespmem:v58+s19+$0x0], $0xffff  }
0x50d: {  	v38 =	vld.idx.msk [tilespmem:v59+s19+$0x0], $0xffff;
	_ =	sdelay $0x1  }
0x50e: {  	v35 =	vld.idx.msk [tilespmem:v60+s19+$0x0], $0xffff;
	_ =	sdelay $0x1  }
0x50f: {  	v37 =	vld.idx.msk [tilespmem:v61+s19+$0x0], $0xffff  }
0x510: {  	v33 =	vmul.f32 v33, v39;
	v38 =	vmul.f32 v38, v40;
	_ =	sdelay $0x1  }
0x511: {  	v35 =	vmul.f32 v35, v41;
	v33 =	vadd.f32 v38, v33  }
0x512: {  	v62 =	vadd.s32 $0x16, v23  }
0x513: {  	v43 =	vor.u32 $0x7, v36;
	v63 =	vmul.f32 v37, v42;
	v33 =	vadd.f32 v35, v33  }
0x514: {  	v36 =	vor.u32 $0xF, v36  }
0x515: {  	v33 =	vadd.f32 v63, v33  }
0x516: {  	v44 =	vor.u32 $0x7, v34  }
0x517: {  	[tilespmem:v62+s21+$0x0] =	vst.idx.msk $0xffff, v33  }
0x518: {  	v34 =	vor.u32 $0xF, v34;
	v33 =	vld.idx.msk [tilespmem:v43+s19+$0x0], $0xffff  }
0x519: {  	v36 =	vld.idx.msk [tilespmem:v36+s19+$0x0], $0xffff;
	_ =	sdelay $0x1  }
0x51a: {  	v35 =	vld.idx.msk [tilespmem:v44+s19+$0x0], $0xffff;
	_ =	sdelay $0x1  }
0x51b: {  	v34 =	vld.idx.msk [tilespmem:v34+s19+$0x0], $0xffff  }
0x51c: {  	v33 =	vmul.f32 v33, v39;
	v36 =	vmul.f32 v36, v40;
	_ =	sdelay $0x1  }
0x51d: {  	v35 =	vmul.f32 v35, v41;
	v33 =	vadd.f32 v36, v33  }
0x51e: {  	v45 =	vadd.s32 $0x17, v23  }
0x51f: {  	v34 =	vmul.f32 v34, v42;
	v33 =	vadd.f32 v35, v33;
	v35 =	vor.u32 v9, v26  }
0x520: {  	v46 =	vor.u32 $0x8, v35  }
0x521: {  	v33 =	vadd.f32 v34, v33  }
0x522: {  	v34 =	vor.u32 v8, v26  }
0x523: {  	[tilespmem:v45+s21+$0x0] =	vst.idx.msk $0xffff, v33  }
0x524: {  	v47 =	vor.u32 $0x8, v34;
	v33 =	vld.idx.msk [tilespmem:v35+s19+$0x0], $0xffff  }
0x525: {  	v37 =	vld.idx.msk [tilespmem:v46+s19+$0x0], $0xffff;
	_ =	sdelay $0x1  }
0x526: {  	v38 =	vld.idx.msk [tilespmem:v34+s19+$0x0], $0xffff  }
0x527: {  	v39 =	vmul.f32 v28, v31;
	v31 =	vmul.f32 v27, v31  }
0x528: {  	v40 =	vmul.f32 v28, v30;
	v36 =	vld.idx.msk [tilespmem:v47+s19+$0x0], $0xffff  }
0x529: {  	v33 =	vmul.f32 v33, v39;
	v37 =	vmul.f32 v37, v31;
	_ =	sdelay $0x1  }
0x52a: {  	v30 =	vmul.f32 v27, v30;
	v48 =	vmul.f32 v38, v40;
	v33 =	vadd.f32 v37, v33  }
0x52b: {  	v49 =	vadd.s32 $0x18, v23  }
0x52c: {  	v50 =	vor.u32 $0x1, v35;
	v36 =	vmul.f32 v36, v30;
	v33 =	vadd.f32 v48, v33  }
0x52d: {  	v51 =	vor.u32 $0x9, v35  }
0x52e: {  	v33 =	vadd.f32 v36, v33  }
0x52f: {  	v52 =	vor.u32 $0x1, v34  }
0x530: {  	[tilespmem:v49+s21+$0x0] =	vst.idx.msk $0xffff, v33  }
0x531: {  	v53 =	vor.u32 $0x9, v34;
	v33 =	vld.idx.msk [tilespmem:v50+s19+$0x0], $0xffff  }
0x532: {  	v38 =	vld.idx.msk [tilespmem:v51+s19+$0x0], $0xffff;
	_ =	sdelay $0x1  }
0x533: {  	v36 =	vld.idx.msk [tilespmem:v52+s19+$0x0], $0xffff;
	_ =	sdelay $0x1  }
0x534: {  	v37 =	vld.idx.msk [tilespmem:v53+s19+$0x0], $0xffff  }
0x535: {  	v33 =	vmul.f32 v33, v39;
	v38 =	vmul.f32 v38, v31;
	_ =	sdelay $0x1  }
0x536: {  	v36 =	vmul.f32 v36, v40;
	v33 =	vadd.f32 v38, v33  }
0x537: {  	v54 =	vadd.s32 $0x19, v23  }
0x538: {  	v56 =	vor.u32 $0x2, v35;
	v55 =	vmul.f32 v37, v30;
	v33 =	vadd.f32 v36, v33  }
0x539: {  	v57 =	vor.u32 $0xA, v35  }
0x53a: {  	v33 =	vadd.f32 v55, v33  }
0x53b: {  	v58 =	vor.u32 $0x2, v34  }
0x53c: {  	[tilespmem:v54+s21+$0x0] =	vst.idx.msk $0xffff, v33  }
0x53d: {  	v59 =	vor.u32 $0xA, v34;
	v33 =	vld.idx.msk [tilespmem:v56+s19+$0x0], $0xffff  }
0x53e: {  	v38 =	vld.idx.msk [tilespmem:v57+s19+$0x0], $0xffff;
	_ =	sdelay $0x1  }
0x53f: {  	v36 =	vld.idx.msk [tilespmem:v58+s19+$0x0], $0xffff;
	_ =	sdelay $0x1  }
0x540: {  	v37 =	vld.idx.msk [tilespmem:v59+s19+$0x0], $0xffff  }
0x541: {  	v33 =	vmul.f32 v33, v39;
	v38 =	vmul.f32 v38, v31;
	_ =	sdelay $0x1  }
0x542: {  	v36 =	vmul.f32 v36, v40;
	v33 =	vadd.f32 v38, v33  }
0x543: {  	v60 =	vadd.s32 $0x1A, v23  }
0x544: {  	v62 =	vor.u32 $0x3, v35;
	v61 =	vmul.f32 v37, v30;
	v33 =	vadd.f32 v36, v33  }
0x545: {  	v63 =	vor.u32 $0xB, v35  }
0x546: {  	v33 =	vadd.f32 v61, v33  }
0x547: {  	v44 =	vor.u32 $0x3, v34  }
0x548: {  	[tilespmem:v60+s21+$0x0] =	vst.idx.msk $0xffff, v33  }
0x549: {  	v45 =	vor.u32 $0xB, v34;
	v33 =	vld.idx.msk [tilespmem:v62+s19+$0x0], $0xffff  }
0x54a: {  	v38 =	vld.idx.msk [tilespmem:v63+s19+$0x0], $0xffff;
	_ =	sdelay $0x1  }
0x54b: {  	v36 =	vld.idx.msk [tilespmem:v44+s19+$0x0], $0xffff;
	_ =	sdelay $0x1  }
0x54c: {  	v37 =	vld.idx.msk [tilespmem:v45+s19+$0x0], $0xffff  }
0x54d: {  	v33 =	vmul.f32 v33, v39;
	v38 =	vmul.f32 v38, v31;
	_ =	sdelay $0x1  }
0x54e: {  	v36 =	vmul.f32 v36, v40;
	v33 =	vadd.f32 v38, v33  }
0x54f: {  	v46 =	vadd.s32 $0x1B, v23  }
0x550: {  	v48 =	vor.u32 $0x4, v35;
	v47 =	vmul.f32 v37, v30;
	v33 =	vadd.f32 v36, v33  }
0x551: {  	v49 =	vor.u32 $0xC, v35  }
0x552: {  	v33 =	vadd.f32 v47, v33  }
0x553: {  	v50 =	vor.u32 $0x4, v34  }
0x554: {  	[tilespmem:v46+s21+$0x0] =	vst.idx.msk $0xffff, v33  }
0x555: {  	v51 =	vor.u32 $0xC, v34;
	v33 =	vld.idx.msk [tilespmem:v48+s19+$0x0], $0xffff  }
0x556: {  	v38 =	vld.idx.msk [tilespmem:v49+s19+$0x0], $0xffff;
	_ =	sdelay $0x1  }
0x557: {  	v36 =	vld.idx.msk [tilespmem:v50+s19+$0x0], $0xffff;
	_ =	sdelay $0x1  }
0x558: {  	v37 =	vld.idx.msk [tilespmem:v51+s19+$0x0], $0xffff  }
0x559: {  	v33 =	vmul.f32 v33, v39;
	v38 =	vmul.f32 v38, v31;
	_ =	sdelay $0x1  }
0x55a: {  	v36 =	vmul.f32 v36, v40;
	v33 =	vadd.f32 v38, v33  }
0x55b: {  	v52 =	vadd.s32 $0x1C, v23  }
0x55c: {  	v54 =	vor.u32 $0x5, v35;
	v53 =	vmul.f32 v37, v30;
	v33 =	vadd.f32 v36, v33  }
0x55d: {  	v55 =	vor.u32 $0xD, v35  }
0x55e: {  	v33 =	vadd.f32 v53, v33  }
0x55f: {  	v56 =	vor.u32 $0x5, v34  }
0x560: {  	[tilespmem:v52+s21+$0x0] =	vst.idx.msk $0xffff, v33  }
0x561: {  	v57 =	vor.u32 $0xD, v34;
	v33 =	vld.idx.msk [tilespmem:v54+s19+$0x0], $0xffff  }
0x562: {  	v38 =	vld.idx.msk [tilespmem:v55+s19+$0x0], $0xffff;
	_ =	sdelay $0x1  }
0x563: {  	v36 =	vld.idx.msk [tilespmem:v56+s19+$0x0], $0xffff;
	_ =	sdelay $0x1  }
0x564: {  	v37 =	vld.idx.msk [tilespmem:v57+s19+$0x0], $0xffff  }
0x565: {  	v33 =	vmul.f32 v33, v39;
	v38 =	vmul.f32 v38, v31;
	_ =	sdelay $0x1  }
0x566: {  	v36 =	vmul.f32 v36, v40;
	v33 =	vadd.f32 v38, v33  }
0x567: {  	v58 =	vadd.s32 $0x1D, v23  }
0x568: {  	v60 =	vor.u32 $0x6, v35;
	v59 =	vmul.f32 v37, v30;
	v33 =	vadd.f32 v36, v33  }
0x569: {  	v61 =	vor.u32 $0xE, v35  }
0x56a: {  	v33 =	vadd.f32 v59, v33  }
0x56b: {  	v62 =	vor.u32 $0x6, v34  }
0x56c: {  	[tilespmem:v58+s21+$0x0] =	vst.idx.msk $0xffff, v33  }
0x56d: {  	v63 =	vor.u32 $0xE, v34;
	v33 =	vld.idx.msk [tilespmem:v60+s19+$0x0], $0xffff  }
0x56e: {  	v38 =	vld.idx.msk [tilespmem:v61+s19+$0x0], $0xffff;
	_ =	sdelay $0x1  }
0x56f: {  	v36 =	vld.idx.msk [tilespmem:v62+s19+$0x0], $0xffff;
	_ =	sdelay $0x1  }
0x570: {  	v37 =	vld.idx.msk [tilespmem:v63+s19+$0x0], $0xffff  }
0x571: {  	v33 =	vmul.f32 v33, v39;
	v38 =	vmul.f32 v38, v31;
	_ =	sdelay $0x1  }
0x572: {  	v36 =	vmul.f32 v36, v40;
	v33 =	vadd.f32 v38, v33  }
0x573: {  	v41 =	vadd.s32 $0x1E, v23  }
0x574: {  	v43 =	vor.u32 $0x7, v35;
	v42 =	vmul.f32 v37, v30;
	v33 =	vadd.f32 v36, v33  }
0x575: {  	v35 =	vor.u32 $0xF, v35  }
0x576: {  	v33 =	vadd.f32 v42, v33  }
0x577: {  	v44 =	vor.u32 $0x7, v34  }
0x578: {  	[tilespmem:v41+s21+$0x0] =	vst.idx.msk $0xffff, v33  }
0x579: {  	v34 =	vor.u32 $0xF, v34;
	v33 =	vld.idx.msk [tilespmem:v43+s19+$0x0], $0xffff  }
0x57a: {  	v35 =	vld.idx.msk [tilespmem:v35+s19+$0x0], $0xffff;
	_ =	sdelay $0x1  }
0x57b: {  	v36 =	vld.idx.msk [tilespmem:v44+s19+$0x0], $0xffff;
	_ =	sdelay $0x1  }
0x57c: {  	v34 =	vld.idx.msk [tilespmem:v34+s19+$0x0], $0xffff  }
0x57d: {  	v33 =	vmul.f32 v33, v39;
	v31 =	vmul.f32 v35, v31;
	_ =	sdelay $0x1  }
0x57e: {  	v45 =	vmul.f32 v36, v40;
	v31 =	vadd.f32 v31, v33  }
0x57f: {  	v46 =	vadd.s32 $0x1F, v23  }
0x580: {  	v30 =	vmul.f32 v34, v30;
	v33 =	vor.u32 v7, v26;
	v31 =	vadd.f32 v45, v31  }
0x581: {  	v47 =	vor.u32 $0x8, v33  }
0x582: {  	v30 =	vadd.f32 v30, v31  }
0x583: {  	v31 =	vor.u32 v6, v26  }
0x584: {  	[tilespmem:v46+s21+$0x0] =	vst.idx.msk $0xffff, v30  }
0x585: {  	v48 =	vor.u32 $0x8, v31;
	v30 =	vld.idx.msk [tilespmem:v33+s19+$0x0], $0xffff  }
0x586: {  	v34 =	vld.idx.msk [tilespmem:v47+s19+$0x0], $0xffff;
	_ =	sdelay $0x1  }
0x587: {  	v49 =	vld.idx.msk [tilespmem:v31+s19+$0x0], $0xffff  }
0x588: {  	v37 =	vmul.f32 v32, v25;
	v38 =	vmul.f32 v29, v25  }
0x589: {  	v32 =	vmul.f32 v32, v24;
	v35 =	vld.idx.msk [tilespmem:v48+s19+$0x0], $0xffff  }
0x58a: {  	v30 =	vmul.f32 v30, v37;
	v34 =	vmul.f32 v34, v38;
	_ =	sdelay $0x1  }
0x58b: {  	v29 =	vmul.f32 v29, v24;
	v30 =	vadd.f32 v34, v30;
	v50 =	vmul.f32 v49, v32  }
0x58c: {  	v51 =	vadd.s32 $0x20, v23  }
0x58d: {  	v53 =	vor.u32 $0x1, v33;
	v52 =	vmul.f32 v35, v29;
	v30 =	vadd.f32 v50, v30  }
0x58e: {  	v54 =	vor.u32 $0x9, v33  }
0x58f: {  	v30 =	vadd.f32 v52, v30  }
0x590: {  	v55 =	vor.u32 $0x1, v31  }
0x591: {  	[tilespmem:v51+s21+$0x0] =	vst.idx.msk $0xffff, v30  }
0x592: {  	v56 =	vor.u32 $0x9, v31;
	v30 =	vld.idx.msk [tilespmem:v53+s19+$0x0], $0xffff  }
0x593: {  	v36 =	vld.idx.msk [tilespmem:v54+s19+$0x0], $0xffff;
	_ =	sdelay $0x1  }
0x594: {  	v34 =	vld.idx.msk [tilespmem:v55+s19+$0x0], $0xffff;
	_ =	sdelay $0x1  }
0x595: {  	v35 =	vld.idx.msk [tilespmem:v56+s19+$0x0], $0xffff  }
0x596: {  	v30 =	vmul.f32 v30, v37;
	v36 =	vmul.f32 v36, v38;
	_ =	sdelay $0x1  }
0x597: {  	v34 =	vmul.f32 v34, v32;
	v30 =	vadd.f32 v36, v30  }
0x598: {  	v57 =	vadd.s32 $0x21, v23  }
0x599: {  	v59 =	vor.u32 $0x2, v33;
	v58 =	vmul.f32 v35, v29;
	v30 =	vadd.f32 v34, v30  }
0x59a: {  	v60 =	vor.u32 $0xA, v33  }
0x59b: {  	v30 =	vadd.f32 v58, v30  }
0x59c: {  	v61 =	vor.u32 $0x2, v31  }
0x59d: {  	[tilespmem:v57+s21+$0x0] =	vst.idx.msk $0xffff, v30  }
0x59e: {  	v62 =	vor.u32 $0xA, v31;
	v30 =	vld.idx.msk [tilespmem:v59+s19+$0x0], $0xffff  }
0x59f: {  	v36 =	vld.idx.msk [tilespmem:v60+s19+$0x0], $0xffff;
	_ =	sdelay $0x1  }
0x5a0: {  	v34 =	vld.idx.msk [tilespmem:v61+s19+$0x0], $0xffff;
	_ =	sdelay $0x1  }
0x5a1: {  	v35 =	vld.idx.msk [tilespmem:v62+s19+$0x0], $0xffff  }
0x5a2: {  	v30 =	vmul.f32 v30, v37;
	v36 =	vmul.f32 v36, v38;
	_ =	sdelay $0x1  }
0x5a3: {  	v34 =	vmul.f32 v34, v32;
	v30 =	vadd.f32 v36, v30  }
0x5a4: {  	v63 =	vadd.s32 $0x22, v23  }
0x5a5: {  	v43 =	vor.u32 $0x3, v33;
	v42 =	vmul.f32 v35, v29;
	v30 =	vadd.f32 v34, v30  }
0x5a6: {  	v44 =	vor.u32 $0xB, v33  }
0x5a7: {  	v30 =	vadd.f32 v42, v30  }
0x5a8: {  	v45 =	vor.u32 $0x3, v31  }
0x5a9: {  	[tilespmem:v63+s21+$0x0] =	vst.idx.msk $0xffff, v30  }
0x5aa: {  	v46 =	vor.u32 $0xB, v31;
	v30 =	vld.idx.msk [tilespmem:v43+s19+$0x0], $0xffff  }
0x5ab: {  	v36 =	vld.idx.msk [tilespmem:v44+s19+$0x0], $0xffff;
	_ =	sdelay $0x1  }
0x5ac: {  	v34 =	vld.idx.msk [tilespmem:v45+s19+$0x0], $0xffff;
	_ =	sdelay $0x1  }
0x5ad: {  	v35 =	vld.idx.msk [tilespmem:v46+s19+$0x0], $0xffff  }
0x5ae: {  	v30 =	vmul.f32 v30, v37;
	v36 =	vmul.f32 v36, v38;
	_ =	sdelay $0x1  }
0x5af: {  	v34 =	vmul.f32 v34, v32;
	v30 =	vadd.f32 v36, v30  }
0x5b0: {  	v47 =	vadd.s32 $0x23, v23  }
0x5b1: {  	v49 =	vor.u32 $0x4, v33;
	v48 =	vmul.f32 v35, v29;
	v30 =	vadd.f32 v34, v30  }
0x5b2: {  	v50 =	vor.u32 $0xC, v33  }
0x5b3: {  	v30 =	vadd.f32 v48, v30  }
0x5b4: {  	v51 =	vor.u32 $0x4, v31  }
0x5b5: {  	[tilespmem:v47+s21+$0x0] =	vst.idx.msk $0xffff, v30  }
0x5b6: {  	v52 =	vor.u32 $0xC, v31;
	v30 =	vld.idx.msk [tilespmem:v49+s19+$0x0], $0xffff  }
0x5b7: {  	v36 =	vld.idx.msk [tilespmem:v50+s19+$0x0], $0xffff;
	_ =	sdelay $0x1  }
0x5b8: {  	v34 =	vld.idx.msk [tilespmem:v51+s19+$0x0], $0xffff;
	_ =	sdelay $0x1  }
0x5b9: {  	v35 =	vld.idx.msk [tilespmem:v52+s19+$0x0], $0xffff  }
0x5ba: {  	v30 =	vmul.f32 v30, v37;
	v36 =	vmul.f32 v36, v38;
	_ =	sdelay $0x1  }
0x5bb: {  	v34 =	vmul.f32 v34, v32;
	v30 =	vadd.f32 v36, v30  }
0x5bc: {  	v53 =	vadd.s32 $0x24, v23  }
0x5bd: {  	v55 =	vor.u32 $0x5, v33;
	v54 =	vmul.f32 v35, v29;
	v30 =	vadd.f32 v34, v30  }
0x5be: {  	v56 =	vor.u32 $0xD, v33  }
0x5bf: {  	v30 =	vadd.f32 v54, v30  }
0x5c0: {  	v57 =	vor.u32 $0x5, v31  }
0x5c1: {  	[tilespmem:v53+s21+$0x0] =	vst.idx.msk $0xffff, v30  }
0x5c2: {  	v58 =	vor.u32 $0xD, v31;
	v30 =	vld.idx.msk [tilespmem:v55+s19+$0x0], $0xffff  }
0x5c3: {  	v36 =	vld.idx.msk [tilespmem:v56+s19+$0x0], $0xffff;
	_ =	sdelay $0x1  }
0x5c4: {  	v34 =	vld.idx.msk [tilespmem:v57+s19+$0x0], $0xffff;
	_ =	sdelay $0x1  }
0x5c5: {  	v35 =	vld.idx.msk [tilespmem:v58+s19+$0x0], $0xffff  }
0x5c6: {  	v30 =	vmul.f32 v30, v37;
	v36 =	vmul.f32 v36, v38;
	_ =	sdelay $0x1  }
0x5c7: {  	v34 =	vmul.f32 v34, v32;
	v30 =	vadd.f32 v36, v30  }
0x5c8: {  	v59 =	vadd.s32 $0x25, v23  }
0x5c9: {  	v61 =	vor.u32 $0x6, v33;
	v60 =	vmul.f32 v35, v29;
	v30 =	vadd.f32 v34, v30  }
0x5ca: {  	v62 =	vor.u32 $0xE, v33  }
0x5cb: {  	v30 =	vadd.f32 v60, v30  }
0x5cc: {  	v63 =	vor.u32 $0x6, v31  }
0x5cd: {  	[tilespmem:v59+s21+$0x0] =	vst.idx.msk $0xffff, v30  }
0x5ce: {  	v40 =	vor.u32 $0xE, v31;
	v30 =	vld.idx.msk [tilespmem:v61+s19+$0x0], $0xffff  }
0x5cf: {  	v36 =	vld.idx.msk [tilespmem:v62+s19+$0x0], $0xffff;
	_ =	sdelay $0x1  }
0x5d0: {  	v34 =	vld.idx.msk [tilespmem:v63+s19+$0x0], $0xffff;
	_ =	sdelay $0x1  }
0x5d1: {  	v35 =	vld.idx.msk [tilespmem:v40+s19+$0x0], $0xffff  }
0x5d2: {  	v30 =	vmul.f32 v30, v37;
	v36 =	vmul.f32 v36, v38;
	_ =	sdelay $0x1  }
0x5d3: {  	v34 =	vmul.f32 v34, v32;
	v30 =	vadd.f32 v36, v30  }
0x5d4: {  	v41 =	vadd.s32 $0x26, v23  }
0x5d5: {  	v43 =	vor.u32 $0x7, v33;
	v42 =	vmul.f32 v35, v29;
	v30 =	vadd.f32 v34, v30  }
0x5d6: {  	v33 =	vor.u32 $0xF, v33  }
0x5d7: {  	v30 =	vadd.f32 v42, v30  }
0x5d8: {  	v44 =	vor.u32 $0x7, v31  }
0x5d9: {  	[tilespmem:v41+s21+$0x0] =	vst.idx.msk $0xffff, v30  }
0x5da: {  	v31 =	vor.u32 $0xF, v31;
	v30 =	vld.idx.msk [tilespmem:v43+s19+$0x0], $0xffff  }
0x5db: {  	v33 =	vld.idx.msk [tilespmem:v33+s19+$0x0], $0xffff;
	_ =	sdelay $0x1  }
0x5dc: {  	v34 =	vld.idx.msk [tilespmem:v44+s19+$0x0], $0xffff;
	_ =	sdelay $0x1  }
0x5dd: {  	v31 =	vld.idx.msk [tilespmem:v31+s19+$0x0], $0xffff  }
0x5de: {  	v30 =	vmul.f32 v30, v37;
	v33 =	vmul.f32 v33, v38;
	_ =	sdelay $0x1  }
0x5df: {  	v32 =	vmul.f32 v34, v32;
	v30 =	vadd.f32 v33, v30  }
0x5e0: {  	v45 =	vadd.s32 $0x27, v23  }
0x5e1: {  	v29 =	vmul.f32 v31, v29;
	v31 =	vor.u32 v5, v26;
	v30 =	vadd.f32 v32, v30  }
0x5e2: {  	v46 =	vor.u32 $0x8, v31  }
0x5e3: {  	v29 =	vadd.f32 v29, v30  }
0x5e4: {  	v26 =	vor.u32 v4, v26  }
0x5e5: {  	[tilespmem:v45+s21+$0x0] =	vst.idx.msk $0xffff, v29  }
0x5e6: {  	v47 =	vor.u32 $0x8, v26;
	v29 =	vld.idx.msk [tilespmem:v31+s19+$0x0], $0xffff  }
0x5e7: {  	v32 =	vld.idx.msk [tilespmem:v46+s19+$0x0], $0xffff;
	_ =	sdelay $0x1  }
0x5e8: {  	v33 =	vld.idx.msk [tilespmem:v26+s19+$0x0], $0xffff  }
0x5e9: {  	v34 =	vmul.f32 v28, v25;
	v25 =	vmul.f32 v27, v25  }
0x5ea: {  	v28 =	vmul.f32 v28, v24;
	v30 =	vld.idx.msk [tilespmem:v47+s19+$0x0], $0xffff  }
0x5eb: {  	v29 =	vmul.f32 v29, v34;
	v32 =	vmul.f32 v32, v25;
	_ =	sdelay $0x1  }
0x5ec: {  	v24 =	vmul.f32 v27, v24;
	v49 =	vmul.f32 v33, v28;
	v48 =	vadd.f32 v32, v29  }
0x5ed: {  	v50 =	vadd.s32 $0x28, v23  }
0x5ee: {  	v52 =	vor.u32 $0x1, v31;
	v51 =	vmul.f32 v30, v24;
	v27 =	vadd.f32 v49, v48  }
0x5ef: {  	v53 =	vor.u32 $0x9, v31  }
0x5f0: {  	v27 =	vadd.f32 v51, v27  }
0x5f1: {  	v54 =	vor.u32 $0x1, v26  }
0x5f2: {  	[tilespmem:v50+s21+$0x0] =	vst.idx.msk $0xffff, v27  }
0x5f3: {  	v55 =	vor.u32 $0x9, v26;
	v27 =	vld.idx.msk [tilespmem:v52+s19+$0x0], $0xffff  }
0x5f4: {  	v32 =	vld.idx.msk [tilespmem:v53+s19+$0x0], $0xffff;
	_ =	sdelay $0x1  }
0x5f5: {  	v29 =	vld.idx.msk [tilespmem:v54+s19+$0x0], $0xffff;
	_ =	sdelay $0x1  }
0x5f6: {  	v30 =	vld.idx.msk [tilespmem:v55+s19+$0x0], $0xffff  }
0x5f7: {  	v27 =	vmul.f32 v27, v34;
	v32 =	vmul.f32 v32, v25;
	_ =	sdelay $0x1  }
0x5f8: {  	v29 =	vmul.f32 v29, v28;
	v27 =	vadd.f32 v32, v27  }
0x5f9: {  	v56 =	vadd.s32 $0x29, v23  }
0x5fa: {  	v58 =	vor.u32 $0x2, v31;
	v57 =	vmul.f32 v30, v24;
	v27 =	vadd.f32 v29, v27  }
0x5fb: {  	v59 =	vor.u32 $0xA, v31  }
0x5fc: {  	v27 =	vadd.f32 v57, v27  }
0x5fd: {  	v60 =	vor.u32 $0x2, v26  }
0x5fe: {  	[tilespmem:v56+s21+$0x0] =	vst.idx.msk $0xffff, v27  }
0x5ff: {  	v61 =	vor.u32 $0xA, v26;
	v27 =	vld.idx.msk [tilespmem:v58+s19+$0x0], $0xffff  }
0x600: {  	v32 =	vld.idx.msk [tilespmem:v59+s19+$0x0], $0xffff;
	_ =	sdelay $0x1  }
0x601: {  	v29 =	vld.idx.msk [tilespmem:v60+s19+$0x0], $0xffff;
	_ =	sdelay $0x1  }
0x602: {  	v30 =	vld.idx.msk [tilespmem:v61+s19+$0x0], $0xffff  }
0x603: {  	v27 =	vmul.f32 v27, v34;
	v32 =	vmul.f32 v32, v25;
	_ =	sdelay $0x1  }
0x604: {  	v29 =	vmul.f32 v29, v28;
	v27 =	vadd.f32 v32, v27  }
0x605: {  	v62 =	vadd.s32 $0x2A, v23  }
0x606: {  	v36 =	vor.u32 $0x3, v31;
	v63 =	vmul.f32 v30, v24;
	v27 =	vadd.f32 v29, v27  }
0x607: {  	v37 =	vor.u32 $0xB, v31  }
0x608: {  	v27 =	vadd.f32 v63, v27  }
0x609: {  	v38 =	vor.u32 $0x3, v26  }
0x60a: {  	[tilespmem:v62+s21+$0x0] =	vst.idx.msk $0xffff, v27  }
0x60b: {  	v39 =	vor.u32 $0xB, v26;
	v27 =	vld.idx.msk [tilespmem:v36+s19+$0x0], $0xffff  }
0x60c: {  	v32 =	vld.idx.msk [tilespmem:v37+s19+$0x0], $0xffff;
	_ =	sdelay $0x1  }
0x60d: {  	v29 =	vld.idx.msk [tilespmem:v38+s19+$0x0], $0xffff;
	_ =	sdelay $0x1  }
0x60e: {  	v30 =	vld.idx.msk [tilespmem:v39+s19+$0x0], $0xffff  }
0x60f: {  	v27 =	vmul.f32 v27, v34;
	v32 =	vmul.f32 v32, v25;
	_ =	sdelay $0x1  }
0x610: {  	v29 =	vmul.f32 v29, v28;
	v27 =	vadd.f32 v32, v27  }
0x611: {  	v40 =	vadd.s32 $0x2B, v23  }
0x612: {  	v42 =	vor.u32 $0x4, v31;
	v41 =	vmul.f32 v30, v24;
	v27 =	vadd.f32 v29, v27  }
0x613: {  	v43 =	vor.u32 $0xC, v31  }
0x614: {  	v27 =	vadd.f32 v41, v27  }
0x615: {  	v44 =	vor.u32 $0x4, v26  }
0x616: {  	[tilespmem:v40+s21+$0x0] =	vst.idx.msk $0xffff, v27  }
0x617: {  	v45 =	vor.u32 $0xC, v26;
	v27 =	vld.idx.msk [tilespmem:v42+s19+$0x0], $0xffff  }
0x618: {  	v32 =	vld.idx.msk [tilespmem:v43+s19+$0x0], $0xffff;
	_ =	sdelay $0x1  }
0x619: {  	v29 =	vld.idx.msk [tilespmem:v44+s19+$0x0], $0xffff;
	_ =	sdelay $0x1  }
0x61a: {  	v30 =	vld.idx.msk [tilespmem:v45+s19+$0x0], $0xffff  }
0x61b: {  	v27 =	vmul.f32 v27, v34;
	v32 =	vmul.f32 v32, v25;
	_ =	sdelay $0x1  }
0x61c: {  	v29 =	vmul.f32 v29, v28;
	v27 =	vadd.f32 v32, v27  }
0x61d: {  	v46 =	vadd.s32 $0x2C, v23  }
0x61e: {  	v48 =	vor.u32 $0x5, v31;
	v47 =	vmul.f32 v30, v24;
	v27 =	vadd.f32 v29, v27  }
0x61f: {  	v49 =	vor.u32 $0xD, v31  }
0x620: {  	v27 =	vadd.f32 v47, v27  }
0x621: {  	v50 =	vor.u32 $0x5, v26  }
0x622: {  	[tilespmem:v46+s21+$0x0] =	vst.idx.msk $0xffff, v27  }
0x623: {  	v51 =	vor.u32 $0xD, v26;
	v27 =	vld.idx.msk [tilespmem:v48+s19+$0x0], $0xffff  }
0x624: {  	v32 =	vld.idx.msk [tilespmem:v49+s19+$0x0], $0xffff;
	_ =	sdelay $0x1  }
0x625: {  	v29 =	vld.idx.msk [tilespmem:v50+s19+$0x0], $0xffff;
	_ =	sdelay $0x1  }
0x626: {  	v30 =	vld.idx.msk [tilespmem:v51+s19+$0x0], $0xffff  }
0x627: {  	v27 =	vmul.f32 v27, v34;
	v32 =	vmul.f32 v32, v25;
	_ =	sdelay $0x1  }
0x628: {  	v29 =	vmul.f32 v29, v28;
	v27 =	vadd.f32 v32, v27  }
0x629: {  	v52 =	vadd.s32 $0x2D, v23  }
0x62a: {  	v54 =	vor.u32 $0x6, v31;
	v53 =	vmul.f32 v30, v24;
	v27 =	vadd.f32 v29, v27  }
0x62b: {  	v55 =	vor.u32 $0xE, v31  }
0x62c: {  	v27 =	vadd.f32 v53, v27  }
0x62d: {  	v56 =	vor.u32 $0x6, v26  }
0x62e: {  	[tilespmem:v52+s21+$0x0] =	vst.idx.msk $0xffff, v27  }
0x62f: {  	v57 =	vor.u32 $0xE, v26;
	v27 =	vld.idx.msk [tilespmem:v54+s19+$0x0], $0xffff  }
0x630: {  	v32 =	vld.idx.msk [tilespmem:v55+s19+$0x0], $0xffff;
	_ =	sdelay $0x1  }
0x631: {  	v29 =	vld.idx.msk [tilespmem:v56+s19+$0x0], $0xffff;
	_ =	sdelay $0x1  }
0x632: {  	v30 =	vld.idx.msk [tilespmem:v57+s19+$0x0], $0xffff  }
0x633: {  	v27 =	vmul.f32 v27, v34;
	v32 =	vmul.f32 v32, v25;
	_ =	sdelay $0x1  }
0x634: {  	v29 =	vmul.f32 v29, v28;
	v27 =	vadd.f32 v32, v27  }
0x635: {  	v58 =	vadd.s32 $0x2E, v23  }
0x636: {  	v60 =	vor.u32 $0x7, v31;
	v59 =	vmul.f32 v30, v24;
	v27 =	vadd.f32 v29, v27  }
0x637: {  	v31 =	vor.u32 $0xF, v31  }
0x638: {  	v27 =	vadd.f32 v59, v27  }
0x639: {  	v61 =	vor.u32 $0x7, v26  }
0x63a: {  	[tilespmem:v58+s21+$0x0] =	vst.idx.msk $0xffff, v27  }
0x63b: {  	v26 =	vor.u32 $0xF, v26;
	v27 =	vld.idx.msk [tilespmem:v60+s19+$0x0], $0xffff  }
0x63c: {  	v62 =	vld.idx.msk [tilespmem:v31+s19+$0x0], $0xffff;
	_ =	sdelay $0x1  }
0x63d: {  	v29 =	vld.idx.msk [tilespmem:v61+s19+$0x0], $0xffff;
	_ =	sdelay $0x1  }
0x63e: {  	v26 =	vld.idx.msk [tilespmem:v26+s19+$0x0], $0xffff  }
0x63f: {  	v27 =	vmul.f32 v27, v34;
	v25 =	vmul.f32 v62, v25;
	_ =	sdelay $0x1  }
0x640: {  	v63 =	vmul.f32 v29, v28;
	v25 =	vadd.f32 v25, v27  }
0x641: {  	p1 =	sne.s32 s28, $0x70;
	v23 =	vadd.s32 $0x2F, v23  }
.Ltmp7:
0x642: {  	v24 =	vmul.f32 v26, v24;
	v25 =	vadd.f32 v63, v25;
	(pc) =	sbr.rel @p1 .LBB2_13-.Ltmp7, $3  }
0x643: {  	_ = 	snop  }
0x644: {  	v24 =	vadd.f32 v24, v25;
	_ =	sdelay $0x1  }
0x645: {  	s28 =	sadd.s32 $0x10, s28;
	s29 =	sadd.s32 $0x10, s29;
	[tilespmem:v23+s21+$0x0] =	vst.idx.msk $0xffff, v24  }
0x646: {  	s0 =	sadd.s32 s26, s6  }
0x647: {  	s0 =	smul.u32 $0x6, s0;
	_ =	sdelay $0x1  }
0x648: {  	s0 =	sadd.s32 s5, s0  }
.Ltmp8:
0x649: {  	s0 =	sadd.s32 $0x300, s0;
	(pc) =	sbr.rel @p0 .LBB2_18-.Ltmp8, $4  }
0x64a: {  	[hbm4b:s0+s3] =	stream.linear.scatter [tilespmem:s21], [sflag:$0x3], $0x1800, $0x38;
	[tilespmem:$0xEC10] =	vst v63  }
0x64b: {  	_ =	swait.ge [sflag:s12], $0x1800  }
0x64c: {  	[sflag:s12] =	ssyncset.done $0x0  }
0x64d: {  	[sflag:s12] =	ssyncadd.s32 $0xFFFFE800  }
0x64e: {  	s0 =	simm.s32 $0x0  }
0x64f: {  	v19 =	vmov s0  }
0x650: {  	v19 =	vshll.u32 v19, $0x2  }
0x651: {  	s25 =	sadd.s32 s25, s10;
	v19 =	vor.u32 v2, v19  }
0x652: {  	[tilespmem:s17], [sflag:$0x3] =	stream.linear.gather [hbm4b:s25+s0], $0x200, $0x38;
	[tilespmem:$0xEC10] =	vst v63  }
0x653: {  	_ =	swait.ge [sflag:s12], $0x200  }
0x654: {  	[sflag:s12] =	ssyncset.done $0x0  }
0x655: {  	[sflag:s12] =	ssyncadd.s32 $0xFFFFFE00  }
0x656: {  	v20 =	vld.idx.msk [tilespmem:v19+s17+$0x0], $0xffff;
	_ =	sdelay $0x4  }
0x657: {  	v20 =	vsub.f32 v20, v11;
	_ =	sdelay $0x1  }
0x658: {  	v20 =	vmul.f32 v20, v12;
	_ =	sdelay $0x1  }
0x659: {  	v21 =	vtrunc.f32 v20  }
0x65a: {  	v21 =	vcvt.f32.s32 v21;
	_ =	sdelay $0x1  }
0x65b: {  	vm0 =	vgt.s32 v21, $0x0  }
0x65c: {  	v21 =	vnsel vm0, $0x0, v21  }
0x65d: {  	v21 =	vmin.u32 v21, $0x1FE  }
0x65e: {  	v23 =	vor.u32 $0x1, v19;
	v22 =	vcvt.s32.f32 v21;
	_ =	sdelay $0x1  }
0x65f: {  	v20 =	vsub.f32 v20, v22  }
0x660: {  	s25 =	simm.s32 $0x8510  }
0x661: {  	[tilespmem:s25+$0xFFFFFF00] =	vst v20  }
0x662: {  	v20 =	vld.idx.msk [tilespmem:v23+s17+$0x0], $0xffff;
	_ =	sdelay $0x4  }
0x663: {  	v20 =	vsub.f32 v20, v13;
	_ =	sdelay $0x1  }
0x664: {  	v20 =	vmul.f32 v20, v14;
	_ =	sdelay $0x1  }
0x665: {  	v22 =	vtrunc.f32 v20  }
0x666: {  	v22 =	vcvt.f32.s32 v22;
	_ =	sdelay $0x1  }
0x667: {  	vm10 =	vgt.s32 v22, $0x0  }
0x668: {  	v22 =	vnsel vm10, $0x0, v22  }
0x669: {  	v22 =	vmin.u32 v22, $0x1FE  }
0x66a: {  	v24 =	vor.u32 $0x2, v19;
	v23 =	vcvt.s32.f32 v22;
	_ =	sdelay $0x1  }
0x66b: {  	v20 =	vsub.f32 v20, v23;
	_ =	sdelay $0x1  }
0x66c: {  	[tilespmem:s25+$0xFFFFFF80] =	vst v20  }
0x66d: {  	v20 =	vld.idx.msk [tilespmem:v24+s17+$0x0], $0xffff;
	_ =	sdelay $0x4  }
0x66e: {  	v20 =	vsub.f32 v20, v15;
	_ =	sdelay $0x1  }
0x66f: {  	v20 =	vmul.f32 v20, v16;
	_ =	sdelay $0x1  }
0x670: {  	v23 =	vtrunc.f32 v20  }
0x671: {  	v23 =	vcvt.f32.s32 v23;
	_ =	sdelay $0x1  }
0x672: {  	vm11 =	vgt.s32 v23, $0x0  }
0x673: {  	v23 =	vnsel vm11, $0x0, v23  }
0x674: {  	v23 =	vmin.u32 v23, $0x1FE  }
0x675: {  	v19 =	vor.u32 $0x3, v19;
	v24 =	vcvt.s32.f32 v23;
	_ =	sdelay $0x1  }
0x676: {  	v20 =	vsub.f32 v20, v24;
	_ =	sdelay $0x1  }
0x677: {  	[tilespmem:s25+$0x0] =	vst v20  }
0x678: {  	v19 =	vld.idx.msk [tilespmem:v19+s17+$0x0], $0xffff;
	_ =	sdelay $0x4  }
0x679: {  	v19 =	vsub.f32 v19, v17  }
0x67a: {  	v26 =	vshll.u32 v21, $0x9  }
0x67b: {  	v21 =	vor.u32 v26, v23;
	v20 =	vand.u32 $0x1, v22;
	v25 =	vmul.f32 v19, v18  }
0x67c: {  	v27 =	vshll.u32 v22, $0x9;
	v21 =	vshrl.u32 v21, $0x1;
	vm12 =	veq.s32 v20, $0x1  }
0x67d: {  	v20 =	vor.u32 v27, v23;
	v24 =	vsel vm12, $0xC0000, v3;
	v28 =	vtrunc.f32 v25  }
0x67e: {  	v20 =	vshrl.u32 v20, $0x1;
	v19 =	vand.u32 $0x1, v23;
	v28 =	vcvt.f32.s32 v28  }
0x67f: {  	v23 =	vshll.u32 v23, $0x9;
	vm13 =	veq.s32 v19, $0x1;
	v19 =	vor.u32 v26, v22  }
0x680: {  	v29 =	vsel vm13, $0xC0000, v3;
	v19 =	vshrl.u32 v19, $0x1;
	vm14 =	vgt.s32 v28, $0x0  }
0x681: {  	v20 =	vor.u32 v20, v29;
	v22 =	vor.u32 v24, v19;
	v24 =	vnsel vm14, $0x0, v28  }
0x682: {  	v19 =	vor.u32 v21, v29;
	v21 =	vadd.s32 $0x80000, v20;
	v24 =	vmin.u32 v24, $0x1FE  }
0x683: {  	v28 =	vcvt.s32.f32 v24;
	v23 =	vor.u32 v23, v24;
	v29 =	vand.u32 $0x1, v24  }
0x684: {  	v26 =	vor.u32 v26, v24;
	v24 =	vor.u32 v27, v24;
	vm15 =	veq.s32 v29, $0x1  }
0x685: {  	v23 =	vshrl.u32 v23, $0x1;
	v28 =	vsub.f32 v25, v28;
	v25 =	vsel vm15, $0xC0000, v3  }
0x686: {  	v26 =	vshrl.u32 v26, $0x1;
	v27 =	vshrl.u32 v24, $0x1;
	v29 =	vor.u32 v25, v23  }
0x687: {  	s26 =	simm.s32 $0x8910;
	s28 =	simm.s32 $0x10;
	s29 =	simm.s32 $0x8910;
	v26 =	vor.u32 v26, v25;
	[tilespmem:s25+$0x80] =	vst v28;
	v23 =	vor.u32 $0x20000, v29;
	v24 =	vadd.s32 $0x20100, v29  }
.LBB2_16:
0x688: {  	p0 =	sne.s32 s28, $0x70;
	[tilespmem:s26+$0xFFFFFD00] =	vst v22;
	v22 =	vadd.s32 $0x100, v22;
	v25 =	vor.u32 v27, v25;
	s29 =	sadd.s32 $0x10, s29;
	s25 =	sadd.s32 $0x10, s25  }
0x689: {  	v27 =	vadd.s32 $0x60000, v26;
	v26 =	vadd.s32 $0x60100, v26;
	s0 =	smov.u32 s28;
	s28 =	sadd.s32 $0x10, s28;
	[tilespmem:s26+$0x100] =	vst v21;
	v21 =	vadd.s32 $0xA0000, v25  }
0x68a: {  	v20 =	vadd.s32 $0x80100, v20;
	[tilespmem:s26+$0xFFFFFD80] =	vst v22;
	v22 =	vadd.s32 $0xA0100, v25  }
0x68b: {  	v25 =	vadd.s32 $0x40100, v19;
	[tilespmem:s26+$0x180] =	vst v20  }
0x68c: {  	v19 =	vadd.s32 $0x40000, v19;
	[tilespmem:s26+$0xFFFFFF80] =	vst v25  }
0x68d: {  	v20 =	vmov s0;
	[tilespmem:s26+$0xFFFFFF00] =	vst v19  }
0x68e: {  	v19 =	vshll.u32 v20, $0x2;
	[tilespmem:s26+$0xFFFFFE80] =	vst v24  }
0x68f: {  	v19 =	vor.u32 v2, v19;
	[tilespmem:s26+$0xFFFFFE00] =	vst v23  }
0x690: {  	[tilespmem:s26+$0x0] =	vst v27  }
0x691: {  	[tilespmem:s26+$0x200] =	vst v21  }
0x692: {  	[tilespmem:s26+$0x280] =	vst v22  }
0x693: {  	[tilespmem:s26+$0x80] =	vst v26;
	s26 =	smov.u32 s29  }
0x694: {  	v20 =	vld.idx.msk [tilespmem:v19+s17+$0x0], $0xffff;
	_ =	sdelay $0x5  }
0x695: {  	v20 =	vsub.f32 v20, v11;
	_ =	sdelay $0x1  }
0x696: {  	v20 =	vmul.f32 v20, v12;
	_ =	sdelay $0x1  }
0x697: {  	v21 =	vtrunc.f32 v20  }
0x698: {  	v21 =	vcvt.f32.s32 v21;
	_ =	sdelay $0x1  }
0x699: {  	vm0 =	vgt.s32 v21, $0x0  }
0x69a: {  	v21 =	vnsel vm0, $0x0, v21  }
0x69b: {  	v21 =	vmin.u32 v21, $0x1FE  }
0x69c: {  	v23 =	vor.u32 $0x1, v19;
	v22 =	vcvt.s32.f32 v21;
	_ =	sdelay $0x1  }
0x69d: {  	v20 =	vsub.f32 v20, v22;
	_ =	sdelay $0x1  }
0x69e: {  	[tilespmem:s25+$0xFFFFFF00] =	vst v20  }
0x69f: {  	v20 =	vld.idx.msk [tilespmem:v23+s17+$0x0], $0xffff;
	_ =	sdelay $0x5  }
0x6a0: {  	v20 =	vsub.f32 v20, v13;
	_ =	sdelay $0x1  }
0x6a1: {  	v20 =	vmul.f32 v20, v14;
	_ =	sdelay $0x1  }
0x6a2: {  	v22 =	vtrunc.f32 v20  }
0x6a3: {  	v22 =	vcvt.f32.s32 v22;
	_ =	sdelay $0x1  }
0x6a4: {  	vm0 =	vgt.s32 v22, $0x0  }
0x6a5: {  	v22 =	vnsel vm0, $0x0, v22  }
0x6a6: {  	v22 =	vmin.u32 v22, $0x1FE  }
0x6a7: {  	v24 =	vor.u32 $0x2, v19;
	v23 =	vcvt.s32.f32 v22;
	v25 =	vand.u32 $0x1, v22  }
0x6a8: {  	vm0 =	veq.s32 v25, $0x1  }
0x6a9: {  	v20 =	vsub.f32 v20, v23;
	v23 =	vsel vm0, $0xC0000, v3;
	_ =	sdelay $0x1  }
0x6aa: {  	[tilespmem:s25+$0xFFFFFF80] =	vst v20  }
0x6ab: {  	v20 =	vld.idx.msk [tilespmem:v24+s17+$0x0], $0xffff;
	_ =	sdelay $0x5  }
0x6ac: {  	v20 =	vsub.f32 v20, v15;
	_ =	sdelay $0x1  }
0x6ad: {  	v20 =	vmul.f32 v20, v16;
	_ =	sdelay $0x1  }
0x6ae: {  	v24 =	vtrunc.f32 v20  }
0x6af: {  	v24 =	vcvt.f32.s32 v24;
	_ =	sdelay $0x1  }
0x6b0: {  	vm0 =	vgt.s32 v24, $0x0  }
0x6b1: {  	v25 =	vor.u32 $0x3, v19;
	v24 =	vnsel vm0, $0x0, v24  }
0x6b2: {  	v26 =	vshll.u32 v21, $0x9;
	v27 =	vshll.u32 v22, $0x9;
	v24 =	vmin.u32 v24, $0x1FE  }
0x6b3: {  	v19 =	vcvt.s32.f32 v24;
	v21 =	vand.u32 $0x1, v24;
	v28 =	vor.u32 v27, v24  }
0x6b4: {  	v29 =	vor.u32 v26, v24;
	vm0 =	veq.s32 v21, $0x1;
	v21 =	vshrl.u32 v28, $0x1  }
0x6b5: {  	v19 =	vsub.f32 v20, v19;
	v20 =	vor.u32 v26, v22;
	v28 =	vsel vm0, $0xC0000, v3  }
0x6b6: {  	v29 =	vshrl.u32 v29, $0x1;
	v22 =	vshrl.u32 v20, $0x1;
	v20 =	vor.u32 v21, v28  }
0x6b7: {  	v22 =	vor.u32 v23, v22;
	v21 =	vadd.s32 $0x80000, v20;
	[tilespmem:s25+$0x0] =	vst v19;
	v19 =	vor.u32 v29, v28  }
0x6b8: {  	v23 =	vld.idx.msk [tilespmem:v25+s17+$0x0], $0xffff;
	_ =	sdelay $0x5  }
0x6b9: {  	v23 =	vsub.f32 v23, v17;
	_ =	sdelay $0x1  }
0x6ba: {  	v23 =	vmul.f32 v23, v18;
	_ =	sdelay $0x1  }
0x6bb: {  	v25 =	vtrunc.f32 v23  }
0x6bc: {  	v25 =	vcvt.f32.s32 v25;
	_ =	sdelay $0x1  }
0x6bd: {  	vm0 =	vgt.s32 v25, $0x0  }
0x6be: {  	v25 =	vnsel vm0, $0x0, v25  }
0x6bf: {  	v24 =	vshll.u32 v24, $0x9;
	v25 =	vmin.u32 v25, $0x1FE  }
.Ltmp9:
0x6c0: {  	v28 =	vcvt.s32.f32 v25;
	v24 =	vor.u32 v24, v25;
	v29 =	vand.u32 $0x1, v25;
	(pc) =	sbr.rel @p0 .LBB2_16-.Ltmp9, $4  }
0x6c1: {  	v26 =	vor.u32 v26, v25;
	v27 =	vor.u32 v27, v25;
	vm0 =	veq.s32 v29, $0x1  }
0x6c2: {  	v24 =	vshrl.u32 v24, $0x1;
	v23 =	vsub.f32 v23, v28;
	v25 =	vsel vm0, $0xC0000, v3  }
0x6c3: {  	v26 =	vshrl.u32 v26, $0x1;
	v27 =	vshrl.u32 v27, $0x1;
	v24 =	vor.u32 v25, v24  }
0x6c4: {  	v26 =	vor.u32 v26, v25;
	[tilespmem:s25+$0x80] =	vst v23;
	v23 =	vor.u32 $0x20000, v24;
	v24 =	vadd.s32 $0x20100, v24  }
0x6c5: {  	[tilespmem:s26+$0xFFFFFD00] =	vst v22  }
0x6c6: {  	[tilespmem:s26+$0x100] =	vst v21  }
0x6c7: {  	[tilespmem:s26+$0xFFFFFE80] =	vst v24  }
0x6c8: {  	v61 =	vadd.s32 $0x100, v22;
	[tilespmem:s26+$0xFFFFFE00] =	vst v23  }
0x6c9: {  	v20 =	vadd.s32 $0x80100, v20;
	[tilespmem:s26+$0xFFFFFD80] =	vst v61  }
0x6ca: {  	v62 =	vadd.s32 $0x40100, v19;
	[tilespmem:s26+$0x180] =	vst v20  }
0x6cb: {  	v19 =	vadd.s32 $0x40000, v19;
	[tilespmem:s26+$0xFFFFFF80] =	vst v62  }
0x6cc: {  	[tilespmem:s26+$0xFFFFFF00] =	vst v19;
	v19 =	vor.u32 v27, v25;
	v20 =	vadd.s32 $0x60000, v26  }
.Ltmp10:
0x6cd: {  	v63 =	vadd.s32 $0xA0000, v19;
	[tilespmem:s26+$0x0] =	vst v20;
	(pc) =	sbr.rel .LBB2_6-.Ltmp10, $4  }
0x6ce: {  	v19 =	vadd.s32 $0xA0100, v19;
	[tilespmem:s26+$0x200] =	vst v63  }
0x6cf: {  	v20 =	vadd.s32 $0x60100, v26;
	[tilespmem:s26+$0x280] =	vst v19  }
0x6d0: {  	s24 =	sadd.s32 $0x1, s24;
	[tilespmem:s26+$0x80] =	vst v20  }
0x6d1: {  	[tilespmem:s19], [sflag:$0x2] =	stream.indirect.gather [hbm4b:s2+s14], $0x10, s18, s14, $0xb8;
	[tilespmem:$0xEC10] =	vst v63  }
.LBB2_19:
0x6d2: {  	_ =	sfence.sel $0x180000  }
0x6d3: {  	[bflag:$0x0] =	sbarrier.arrive $0xFFFF  }
0x6d4: {  	_ =	strace $0x90000047  }
0x6d5: {  	[bflag:$0x2] =	sbarrier.arrive $0xFFFF  }
0x6d6: {  	p0 =	sne.s32 s1, $0x0;
	s0 =	rddreg [dreg:$0x2]  }
0x6d7: {  	s0 =	sadd.s32 @!p0 $0x100000, s0  }
0x6d8: {  	[sflag:s0] =	ssyncadd.tile.s32 @!p0 $0x1;
	_ =	shalt  }
.Lfunc_end2:
_tile_overlayer_lowered:
.L_overlay_start_2:
0x6d9: {  	(tag) =	ssettag $0x2  }
0x6da: {  	s0 =	rddreg [dreg:$0x0];
	s2 =	stileid.u32  }
0x6db: {  	s1 =	rddreg [dreg:$0x1];
	p0 =	sne.s32 s2, $0x0  }
0x6dc: {  	s3 =	rddreg [dreg:$0x2];
	[bflag:$0x3] =	sbarrier.arrive $0xFFFF;
	s2 =	simm.s32 @!p0 $0x1C03  }
0x6dd: {  	[timem:s3], [sflag:s2] =	dma.local @!p0 [hbm:s0], s1  }
0x6de: {  	s0 =	simm.s32 @!p0 $0x3  }
0x6df: {  	_ =	swait.ge @!p0 [sflag:s0], s1  }
0x6e0: {  	s1 =	ssub.s32 @!p0 $0x0, s1;
	[sflag:s0] =	ssyncset.done @!p0 $0x0  }
0x6e1: {  	[sflag:s0] =	ssyncadd.s32 @!p0 s1  }
0x6e2: {  	[bflag:$0x3] =	sbarrier.arrive $0xFFFF  }
0x6e3: {  	_ =	shalt  }

// kernel: sparse-core-data-format-call.cloned.1.call-start
scs
called_computation_lowered:
.L_overlay_start_0:
0x0: {  	s2 =	sld [smem:$0x3FD9]  }
0x1: {  	s3 =	sld [smem:$0x3FFE];
	_ =	sdelay $0x1  }
0x2: {  	s1 =	srdreg.scid  }
0x3: {  	s0 =	sand.u32 $0x1, s1  }
0x4: {  	s18 =	sshll.u32 s0, $0xA;
	s2 =	sadd.s32 s3, s2  }
0x5: {  	s2 =	sadd.s32 s2, s18  }
0x6: {  	[smem:$0x3FBF] =	sst s2  }
0x7: {  	_ = 	snop  }
0x8: {  	s2 =	sld [smem:$0x3FD0];
	(tm) =	ssettm $0x1  }
0x9: {  	s19 =	sld [smem:$0x3FFB];
	_ =	sdelay $0x3  }
0xa: {  	_ =	strace s19  }
0xb: {  	s3 =	sld [smem:$0x3FFC];
	_ =	sdelay $0x3  }
0xc: {  	_ =	strace s3  }
0xd: {  	s3 =	sld [smem:$0x3FFD];
	_ =	sdelay $0x3  }
0xe: {  	_ =	strace s3  }
0xf: {  	_ =	strace $0x8FFFFFFF  }
0x10: {  	s20 =	sld [smem:$0x3FDB];
	_ =	sdelay $0x1  }
0x11: {  	s4 =	simm.s32 $_scs_section_size  }
0x12: {  	s5 =	simm.s32 $_size__tile_overlayer_lowered;
	s6 =	simm.s32 $_tile_overlayer_lowered  }
0x13: {  	s23 =	simm.s32 $0x1BFF;
	s22 =	sshll.u32 s6, $0x1;
	s3 =	sadd.s32 s4, s20  }
0x14: {  	s7 =	simm.s32 $0x0;
	s21 =	sshll.u32 s5, $0x1;
	s5 =	sadd.s32 s22, s3  }
0x15: {  	[timem:s7], [sflag:s23] =	dma.local [hbm:s5], s21  }
0x16: {  	_ =	swait.ge [sflag:s23], s21  }
0x17: {  	s4 =	ssub.s32 $0x0, s21;
	[sflag:s23] =	ssyncset.done $0x0  }
0x18: {  	[sflag:s23] =	ssyncadd.s32 s4;
	_ =	sdelay $0x1  }
0x19: {  	s24 =	simm.s32 $0x1B8B  }
0x1a: {  	_ =	swait.ge [sflag:s24], $0x1  }
0x1b: {  	[sflag:s24] =	ssyncset.done $0x0  }
0x1c: {  	s26 =	simm.s32 $0x1B8E;
	s25 =	sld [smem:$0x3FFE];
	[sflag:s24] =	ssyncadd.s32 $0xFFFFFFFF  }
0x1d: {  	s27 =	simm.s32 $execute0_lowered;
	[smem:$0x3FD2] =	sst s26  }
0x1e: {  	s5 =	sshll.u32 s27, $0x1;
	_ =	strace $0x80000049;
	[dreg:$0x1] =	wrdreg $0xFFFFFFFF  }
0x1f: {  	s28 =	simm.s32 $_size_execute0_lowered;
	s3 =	sadd.s32 s3, s5;
	[dreg:$0x0] =	wrdreg $0x0  }
0x20: {  	s5 =	sshll.u32 s28, $0x1;
	[dreg:$0x2] =	wrdreg s3  }
0x21: {  	[dreg:$0x3] =	wrdreg s5  }
0x22: {  	[dreg:$0x4] =	wrdreg $0xC0  }
0x23: {  	_ =	task [dreg:s7], $0x5FFFF  }
0x24: {  	[dreg:$0x1] =	wrdreg $0xFFFFFFFF  }
0x25: {  	[dreg:$0x0] =	wrdreg $0x60  }
0x26: {  	[dreg:$0x2] =	wrdreg s25  }
0x27: {  	[dreg:$0x3] =	wrdreg s2  }
0x28: {  	[dreg:$0x4] =	wrdreg $0x9  }
0x29: {  	_ =	task.clear_ibuf [dreg:s7], $0x5FFFF;
	_ =	strace $0x90000049  }
0x2a: {  	s29 =	simm.s32 $0x9;
	_ =	strace $0x8000004B  }
0x2b: {  	_ =	swait.ge [sflag:s29], $0x1  }
0x2c: {  	[sflag:s29] =	ssyncadd.s32 $0xFFFFFFFF  }
0x2d: {  	_ =	strace $0x9000004B  }
0x2e: {  	_ =	sfence  }
0x2f: {  	s30 =	sld [smem:$0x0];
	_ =	sdelay $0x2  }
0x30: {  	s31 =	sshll.u32 s1, $0xD;
	s1 =	sshrl.u32 s1, $0x2  }
0x31: {  	s3 =	sand.u32 $0x4000, s31;
	s1 =	sadd.s32 s1, s30  }
0x32: {  	s0 =	sor.u32 s3, s0;
	s1 =	sshll.u32 s1, $0x11  }
0x33: {  	s0 =	sor.u32 s1, s0  }
0x34: {  	s0 =	sadd.s32 $0x8F2B, s0  }
0x35: {  	[sflag:s0] =	ssyncadd.remote.s32 $0x1  }
0x36: {  	_ =	sfence.sel $0xFFFF  }
0x37: {  	[dreg:$0x0] =	wrdreg $0xFFFFFFFF;
	(pc) =	sbr.abs _section_cstart, $3  }
0x38: {  	[dreg:$0x1] =	wrdreg $0xFFFFFFFF  }
0x39: {  	_ =	task.clear_ibuf [dreg:s7], $0x2FFFF;
	_ =	strace $0x9FFFFFFF  }
0x3a: {  	(tm) =	ssettm $0x7FFFFFFF  }
0x3b: {  	_ =	shalt  }
tec
execute0_lowered:
.L_overlay_start_1:
0x0: {  	(tag) =	ssettag $0x1  }
0x1: {  	s0 =	srdreg.scid  }
0x2: {  	s5 =	rddreg [dreg:$0x0];
	s1 =	sshll.u32 s0, $0x4  }
0x3: {  	s2 =	rddreg [dreg:$0x1];
	s0 =	stileid.u32;
	s1 =	sand.u32 $0x10, s1  }
0x4: {  	s4 =	simm.s32 $0x1;
	s8 =	simm.s32 $0x2;
	s1 =	sor.u32 s0, s1  }
0x5: {  	s12 =	simm.s32 $0x0;
	s9 =	simm.s32 $0x0;
	s3 =	sshll.u32 s1, $0x7  }
0x6: {  	s11 =	simm.s32 $0x0;
	s5 =	sadd.s32 $0x306600, s5;
	s6 =	ssub.s32 $0x80000, s3  }
.Ltmp0:
0x7: {  	s1 =	rddreg [dreg:$0x2];
	s7 =	sand.u32 $0xF80, s6;
	(pc) =	sbr.rel .LBB1_1-.Ltmp0, $4  }
0x8: {  	_ =	strace $0x8000004A;
	p0 =	sne.s32 s7, $0x0;
	s7 =	simm.s32 $0x1  }
0x9: {  	[sflag:s4] =	ssyncpa.u1 $0x0;
	s6 =	sshrl.u32 s6, $0xC;
	s7 =	simm.s32 @!p0 $0x0  }
0xa: {  	s10 =	smov.u32 s3;
	[sflag:s8] =	ssyncpa.u1 $0x0;
	s6 =	sadd.s32 s7, s6  }
0xb: {  	s8 =	simm.s32 $0x400000;
	p0 =	por $0x0, $0x0;
	s7 =	sadd.s32 $0x1, s6  }
.LBB1_4:
0xc: {  	s15 =	sshll.u32 s9, $0x3  }
0xd: {  	p1 =	sgt.s32 s9, $0x7FF80;
	s18 =	smov.u32 s9;
	s16 =	sshrl.u32 s15, $0x13  }
0xe: {  	s19 =	sshra.s32 s9, $0x1F;
	s28 =	sand.u32 $0x78, s9;
	s17 =	smul.u32 $0xAAB, s16  }
0xf: {  	s29 =	sand.u32 $0x7, s9;
	s18 =	simm.s32 @!p1 $0x7FF80;
	s19 =	sand.u32 s19, s9  }
0x10: {  	s15 =	sand.u32 $0x7FC00, s15;
	s18 =	ssub.s32 s18, s19;
	s17 =	sshrl.u32 s17, $0x11  }
0x11: {  	s15 =	sor.u32 s28, s15;
	s20 =	ssub.s32 $0x80000, s18;
	s17 =	smul.u32 $0x30, s17  }
0x12: {  	s18 =	sadd.s32 $0xFFF80080, s18;
	s15 =	sshrl.u32 s15, $0x3;
	s20 =	smul.u32 $0xC0, s20  }
0x13: {  	[tilespmem:s14+$0x810 ss:$0x81] =	vst.msk $0xffff, v2;
	p1 =	sgt.s32 s18, $0x7F;
	s15 =	sadd.s32 s2, s15;
	s16 =	ssub.s32 s16, s17  }
0x14: {  	[tilespmem:s14+$0x1020 ss:$0x81] =	vst.msk $0xffff, v0;
	s18 =	sshll.u32 s29, $0x12;
	s17 =	sshrl.u32 s20, $0x2;
	s16 =	sshll.u32 s16, $0x10  }
0x15: {  	[tilespmem:s14+$0x0 ss:$0x81] =	vst.msk $0xffff, v1;
	s31 =	sor.u32 $0x400, s18;
	s17 =	simm.s32 @p1 $0x0;
	s30 =	sadd.s32 s16, s15  }
0x16: {  	[hbm4b:s30+s31] =	stream.strided.scatter [tilespmem:s13], [sflag:$0x2], s17, s8, s31, $0x20;
	[tilespmem:$0x8080] =	vst v63  }
.LBB1_5:
0x17: {  	p1 =	slt.u32 s11, $0x2  }
0x18: {  	p2 =	sgt.s32 @!p1 s12, $0x7FF80  }
0x19: {  	s13 =	smov.u32 s12;
	s14 =	sshra.s32 @!p1 s12, $0x1F;
	p2 =	por !p2, p1  }
0x1a: {  	s12 =	sand.u32 @!p1 s14, s12;
	s13 =	simm.s32 @p2 $0x7FF80  }
0x1b: {  	s12 =	ssub.s32 @!p1 s13, s12  }
0x1c: {  	s13 =	ssub.s32 @!p1 $0x80000, s12  }
0x1d: {  	s12 =	sadd.s32 @!p1 $0xFFF80080, s12;
	s13 =	smul.u32 @!p1 $0xC0, s13  }
0x1e: {  	p2 =	sgt.s32 @!p1 s12, $0x7F  }
0x1f: {  	s14 =	sadd.s32 $0x1000, s10;
	p2 =	por !p2, p1;
	s12 =	sshrl.u32 @!p1 s13, $0x2  }
0x20: {  	s12 =	simm.s32 @!p2 $0x0;
	p2 =	sgt.s32 s14, $0x7FFFF  }
0x21: {  	s14 =	smov.u32 @p2 s3;
	p2 =	sne.s32 s11, s7  }
.Ltmp1:
0x22: {  	_ = 	snop;
	(pc) =	sbr.rel @!p2 .LBB1_6-.Ltmp1, $4  }
0x23: {  	s13 =	simm.s32 @!p1 $0x2  }
0x24: {  	p0 =	por !p0, !p0;
	_ =	swait.ge @!p1 [sflag:s13], s12;
	s15 =	ssub.s32 @!p1 $0x0, s12  }
0x25: {  	s12 =	smov.u32 s9;
	s11 =	sadd.s32 $0x1, s11;
	[sflag:s13] =	ssyncset.done @!p1 $0x0  }
0x26: {  	s9 =	smov.u32 s10;
	s10 =	smov.u32 s14;
	[sflag:s13] =	ssyncadd.s32 @!p1 s15  }
.LBB1_1:
0x27: {  	p1 =	sge.u32 s11, s6  }
0x28: {  	s31 =	sadd.s32 $0xFFFFFFFF, s11;
	s13 =	sxor.u32 @!p1 $0xFFFFFFFF, s11;
	s14 =	sshll.u32 @!p1 s10, $0x4  }
0x29: {  	s15 =	simm.s32 @!p1 $0x40;
	s13 =	sshll.u32 @!p1 s13, $0xD;
	s14 =	sand.u32 @!p1 $0x7FFFF0, s14  }
0x2a: {  	s16 =	simm.s32 @!p1 $0x80;
	s13 =	sand.u32 @!p1 $0x2000, s13;
	s14 =	sadd.s32 @!p1 s5, s14  }
0x2b: {  	[tilespmem:s13], [sflag:$0x1] =	stream.strided.gather @!p1 [hbm4b:s14+s15], $0x2000, s16, s15, $0x38;
	[tilespmem:$0x8080] =	vst v63  }
0x2c: {  	p1 =	sge.u32 s31, s6  }
.Ltmp2:
0x2d: {  	_ = 	snop;
	(pc) =	sbr.rel @p1 .LBB1_5-.Ltmp2, $1  }
0x2e: {  	_ =	sdelay $0x3  }
0x2f: {  	s13 =	simm.s32 $0x1  }
0x30: {  	_ =	swait.ge [sflag:s4], $0x2000;
	s13 =	simm.s32 @!p0 $0x0  }
0x31: {  	[sflag:s4] =	ssyncset.done $0x0;
	s14 =	sshll.u32 s13, $0xD  }
0x32: {  	[sflag:s4] =	ssyncadd.s32 $0xFFFFE000;
	s17 =	sor.u32 $0x20, s14  }
0x33: {  	s13 =	smul.u32 $0x8100, s13;
	v3 =	vld [tilespmem:s17+$0x10]  }
0x34: {  	s30 =	sand.u32 $0x1, s11;
	v2 =	vld [tilespmem:s17+$0xFFFFFFF0]  }
0x35: {  	s14 =	smul.u32 $0x8100, s30;
	s13 =	sshrl.u32 s13, $0x2;
	v0 =	vld [tilespmem:s17+$0x0]  }
0x36: {  	v1 =	vld [tilespmem:s17+$0xFFFFFFE0];
	s15 =	sor.u32 $0x4000, s13  }
0x37: {  	s31 =	sshrl.u32 s14, $0x2;
	s14 =	sadd.s32 $0x0, s15  }
0x38: {  	s16 =	simm.s32 $0x4;
	s17 =	sadd.s32 $0x40, s17;
	s13 =	sor.u32 $0x4000, s31;
	[tilespmem:s14+$0x1830 ss:$0x81] =	vst.msk $0xffff, v3  }
.LBB1_3:
0x39: {  	v3 =	vld [tilespmem:s17+$0x10];
	p1 =	sne.s32 s16, $0x1FC;
	[tilespmem:s14+$0x810 ss:$0x81] =	vst.msk $0xffff, v2;
	s18 =	smov.u32 s16;
	s16 =	sadd.s32 $0x4, s16  }
.Ltmp3:
0x3a: {  	v2 =	vld [tilespmem:s17+$0xFFFFFFF0];
	[tilespmem:s14+$0x1020 ss:$0x81] =	vst.msk $0xffff, v0;
	(pc) =	sbr.rel @p1 .LBB1_3-.Ltmp3, $4  }
0x3b: {  	v0 =	vld [tilespmem:s17+$0x0];
	[tilespmem:s14+$0x0 ss:$0x81] =	vst.msk $0xffff, v1  }
0x3c: {  	s14 =	sshra.s32 s18, $0x2;
	v1 =	vld [tilespmem:s17+$0xFFFFFFE0]  }
0x3d: {  	s14 =	sadd.s32 s14, s15  }
0x3e: {  	s17 =	sadd.s32 $0x40, s17;
	[tilespmem:s14+$0x1830 ss:$0x81] =	vst.msk $0xffff, v3  }
.Ltmp4:
0x3f: {  	_ = 	snop;
	(pc) =	sbr.rel .LBB1_4-.Ltmp4, $1  }
0x40: {  	_ =	sdelay $0x3  }
.LBB1_6:
0x41: {  	_ =	sfence.sel $0x180000  }
0x42: {  	s2 =	simm.s32 $0x1;
	[bflag:$0x0] =	sbarrier.arrive $0xFFFF  }
0x43: {  	s31 =	simm.s32 $0x2;
	[sflag:s2] =	ssyncpa.u1 $0x1  }
0x44: {  	[sflag:s31] =	ssyncpa.u1 $0x1  }
0x45: {  	p0 =	sne.s32 s0, $0x0;
	_ =	strace $0x9000004A  }
0x46: {  	s0 =	sadd.s32 @!p0 $0x100000, s1;
	[bflag:$0x2] =	sbarrier.arrive $0xFFFF  }
0x47: {  	[sflag:s0] =	ssyncadd.tile.s32 @!p0 $0x1;
	_ =	shalt  }
.Lfunc_end1:
_tile_overlayer_lowered:
.L_overlay_start_2:
0x48: {  	(tag) =	ssettag $0x2  }
0x49: {  	s0 =	rddreg [dreg:$0x0];
	s2 =	stileid.u32  }
0x4a: {  	s1 =	rddreg [dreg:$0x1];
	p0 =	sne.s32 s2, $0x0  }
0x4b: {  	s3 =	rddreg [dreg:$0x2];
	[bflag:$0x3] =	sbarrier.arrive $0xFFFF;
	s2 =	simm.s32 @!p0 $0x1C01  }
0x4c: {  	[timem:s3], [sflag:s2] =	dma.local @!p0 [hbm:s0], s1  }
0x4d: {  	s0 =	simm.s32 @!p0 $0x1  }
0x4e: {  	_ =	swait.ge @!p0 [sflag:s0], s1  }
0x4f: {  	s1 =	ssub.s32 @!p0 $0x0, s1;
	[sflag:s0] =	ssyncset.done @!p0 $0x0  }
0x50: {  	[sflag:s0] =	ssyncadd.s32 @!p0 s1  }
0x51: {  	[bflag:$0x3] =	sbarrier.arrive $0xFFFF  }
0x52: {  	_ =	shalt  }

</sc_bundles>
